<compile_context>
chip_gen: v7x
topology: tpu7x:2x2x1
jax: 0.10.2.dev20260603
libtpu: 0.0.44.dev20260713+nightly
codegen_flags: <defaults>
</compile_context>

<pallas_src>
import functools

import jax
import jax.numpy as jnp
import numpy as np
from jax import lax
from jax.experimental import pallas as pl
from jax.experimental.pallas import tpu as pltpu
from jax.experimental.pallas import tpu_sc as plsc

B = 64
T = 20
S = 52
CH = 255
SS = S * S
NC, NS, L = 2, 16, 16
NW = NC * NS
JPW = (B // NW) * T
KP = 96
CELLS = B * T
CPC = 8
NCHUNK = JPW // CPC
RPC = CPC * KP

_AW = (10.0, 16.0, 33.0)
_AH = (13.0, 30.0, 23.0)
_IMG = 416.0
_AWN = tuple(float(np.float32(a) / np.float32(_IMG)) for a in _AW)
_AHN = tuple(float(np.float32(a) / np.float32(_IMG)) for a in _AH)
_AAH = tuple(float(np.float32(_AWN[i]) * np.float32(_AHN[i])) for i in range(3))

_LX, _LY, _LRW, _LRH, _LCLS, _LVAL = 85, 86, 87, 88, 89, 90


def _sc_body(preds_hbm, tgt_hbm, out_hbm,
             tgt_v, q_v, key_v, ext_v, idx_v, rows_v, out_v, sem):
    wid = lax.axis_index("s") * NC + lax.axis_index("c")
    iota = lax.iota(jnp.int32, L)
    f32 = jnp.float32

    pltpu.sync_copy(tgt_hbm.at[pl.ds(wid * 200, 200)], tgt_v)

    for j0 in (0, 16, 32):
        jv = iota + j0
        jc = jnp.where(jv < JPW, jv, 0)
        gx = plsc.load_gather(tgt_v, [jc * 5 + 0])
        gy = plsc.load_gather(tgt_v, [jc * 5 + 1])
        gw = plsc.load_gather(tgt_v, [jc * 5 + 2])
        gh = plsc.load_gather(tgt_v, [jc * 5 + 3])
        t4 = plsc.load_gather(tgt_v, [jc * 5 + 4])

        best = jnp.zeros((L,), jnp.int32)
        best_iou = jnp.full((L,), -1.0, f32)
        for a in range(3):
            inter = jnp.minimum(gw, f32(_AWN[a])) * jnp.minimum(gh, f32(_AHN[a]))
            union = gw * gh + f32(_AAH[a]) - inter
            iou = inter / (union + f32(1e-16))
            gt = iou > best_iou
            best = jnp.where(gt, jnp.full((L,), a, jnp.int32), best)
            best_iou = jnp.where(gt, iou, best_iou)

        gxc = gx * f32(S)
        gyc = gy * f32(S)
        cx = gxc.astype(jnp.int32)
        cy = gyc.astype(jnp.int32)
        p = cy * S + cx
        b_rel = (jv >= T).astype(jnp.int32)
        bimg = wid * 2 + b_rel
        q_v[pl.ds(j0, L)] = (bimg * CH + best * 85) * SS + p
        key_v[pl.ds(j0, L)] = best * SS + p

        aw = jnp.where(best == 0, f32(_AW[0]),
                       jnp.where(best == 1, f32(_AW[1]), f32(_AW[2])))
        ah = jnp.where(best == 0, f32(_AH[0]),
                       jnp.where(best == 1, f32(_AH[1]), f32(_AH[2])))
        ext_v[pl.ds(0 * 48 + j0, L)] = gxc - cx.astype(f32)
        ext_v[pl.ds(1 * 48 + j0, L)] = gyc - cy.astype(f32)
        ext_v[pl.ds(2 * 48 + j0, L)] = gw / aw * f32(_IMG)
        ext_v[pl.ds(3 * 48 + j0, L)] = gh / ah * f32(_IMG)
        ext_v[pl.ds(4 * 48 + j0, L)] = t4.astype(jnp.int32).astype(f32)

    koffs = [jnp.minimum(iota + g * L, 84) * SS for g in range(KP // L)]
    kmask = [(iota + g * L) < 85 for g in range(KP // L)]

    for c in range(NCHUNK):
        jbase = c * CPC

        def _fill(jj, _):
            qs = plsc.load_gather(q_v, [jnp.full((L,), jbase, jnp.int32) + jj])
            for g in range(KP // L):
                q = qs + koffs[g]
                idx_v[pl.ds(jj * KP + g * L, L)] = jnp.right_shift(q, 7)
            return 0

        lax.fori_loop(0, CPC, _fill, 0)

        copies = []
        for r in range(RPC // 128):
            copies.append(pltpu.async_copy(
                preds_hbm.at[idx_v.at[pl.ds(r * 128, 128)]],
                rows_v.at[pl.ds(r * 128, 128)], sem))
        for cp in copies:
            cp.wait()

        def _extract(jj, _):
            qs = plsc.load_gather(q_v, [jnp.full((L,), jbase, jnp.int32) + jj])
            obase = (jbase + jj) * KP
            for g in range(KP // L):
                lane = jnp.bitwise_and(qs + koffs[g], 127)
                rix = jj * KP + jnp.minimum(iota + g * L, 84)
                vals = plsc.load_gather(rows_v, [rix, lane])
                vals = jnp.where(kmask[g], vals, f32(0.0))
                out_v[pl.ds(obase + g * L, L)] = vals
            return 0

        lax.fori_loop(0, CPC, _extract, 0)

    k0 = key_v[pl.ds(0, L)]
    k1 = key_v[pl.ds(16, L)]
    k2 = key_v[pl.ds(32, L)]
    for j0 in (0, 16, 32):
        vvalid = jnp.zeros((L,), f32)
        for i in range(L):
            j = j0 + i
            if j >= JPW:
                break
            im_end = T if j < T else 2 * T
            keyt = plsc.load_gather(key_v, [jnp.full((L,), j, jnp.int32)])
            dup = jnp.zeros((L,), jnp.int32)
            for jj0, kkv in ((0, k0), (16, k1), (32, k2)):
                if jj0 + L <= j + 1 or jj0 >= im_end:
                    continue
                jjv = iota + jj0
                m = (kkv == keyt) & (jjv > j) & (jjv < im_end)
                dup = dup + plsc.all_reduce_population_count(m)
            ok = jnp.where(dup == 0, f32(1.0), f32(0.0))
            vvalid = jnp.where(iota == i, ok, vvalid)
        ext_v[pl.ds(5 * 48 + j0, L)] = vvalid

    for j0 in (0, 16, 32):
        jv = iota + j0
        maskj = jv < JPW
        xi = jv * KP
        for fi, off in ((0, _LX), (1, _LY), (2, _LRW), (3, _LRH),
                        (4, _LCLS), (5, _LVAL)):
            vec = ext_v[pl.ds(fi * 48 + j0, L)]
            plsc.store_scatter(out_v, [xi + off], vec, mask=maskj)

    pltpu.sync_copy(out_v, out_hbm.at[pl.ds(wid * (JPW * KP), JPW * KP)])


@functools.partial(
    pl.kernel,
    out_type=jax.ShapeDtypeStruct((CELLS * KP,), jnp.float32),
    mesh=plsc.VectorSubcoreMesh(core_axis_name="c", subcore_axis_name="s"),
    compiler_params=pltpu.CompilerParams(needs_layout_passes=False),
    scratch_types=[
        pltpu.VMEM((200,), jnp.float32),
        pltpu.VMEM((48,), jnp.int32),
        pltpu.VMEM((48,), jnp.int32),
        pltpu.VMEM((288,), jnp.float32),
        pltpu.VMEM((RPC,), jnp.int32),
        pltpu.VMEM((RPC, 128), jnp.float32),
        pltpu.VMEM((JPW * KP,), jnp.float32),
        pltpu.SemaphoreType.DMA,
    ],
)
def _sc_gather(preds_hbm, tgt_hbm, out_hbm, *scratch):
    _sc_body(preds_hbm, tgt_hbm, out_hbm, *scratch)


def _tc_body(obj_ref, g_ref, out_ref):
    i = pl.program_id(0)
    a = pl.program_id(1)
    step = i * 3 + a
    f32 = jnp.float32

    part = jnp.sum(jax.nn.softplus(obj_ref[...]))

    @pl.when(step == 0)
    def _init():
        out_ref[0, 0] = f32(0.0)

    out_ref[0, 0] += part

    @pl.when(step == 23)
    def _cells():
        gv = g_ref[...]
        px = gv[:, 0:1]
        py = gv[:, 1:2]
        pw = gv[:, 2:3]
        ph = gv[:, 3:4]
        pobj = gv[:, 4:5]
        x_t = gv[:, _LX:_LX + 1]
        y_t = gv[:, _LY:_LY + 1]
        rw = gv[:, _LRW:_LRW + 1]
        rh = gv[:, _LRH:_LRH + 1]
        cls = gv[:, _LCLS:_LCLS + 1].astype(jnp.int32)
        valid = gv[:, _LVAL:_LVAL + 1]

        li = lax.broadcasted_iota(jnp.int32, (CELLS, KP), 1)
        mch = (li >= 5) & (li < 85)
        neg = jnp.full(gv.shape, -jnp.inf, f32)
        logits = jnp.where(mch, gv, neg)
        m = jnp.max(logits, axis=1, keepdims=True)
        e = jnp.where(mch, jnp.exp(gv - m), f32(0.0))
        logz = jnp.log(jnp.sum(e, axis=1, keepdims=True)) + m
        picked = jnp.sum(jnp.where(li == cls + 5, gv, f32(0.0)),
                         axis=1, keepdims=True)

        xs = jax.nn.sigmoid(px)
        ys = jax.nn.sigmoid(py)
        w_t = jnp.log(rw + f32(1e-16))
        h_t = jnp.log(rh + f32(1e-16))
        cell = (-pobj
                + (xs - x_t) ** 2 + (ys - y_t) ** 2
                + (pw - w_t) ** 2 + (ph - h_t) ** 2
                + (logz - picked))
        out_ref[0, 0] = (out_ref[0, 0] + jnp.sum(valid * cell)) * f32(1.0 / B)


def kernel(preds, targets):
    preds_flat = preds.reshape(B * CH * SS // 128, 128)
    tgt_flat = targets.reshape(B * T * 5)
    gath = _sc_gather(preds_flat, tgt_flat)
    gath2d = gath.reshape(CELLS, KP)

    res = pl.pallas_call(
        _tc_body,
        grid=(8, 3),
        in_specs=[
            pl.BlockSpec((8, 1, S, S), lambda i, a: (i, 4 + 85 * a, 0, 0)),
            pl.BlockSpec((CELLS, KP), lambda i, a: (0, 0)),
        ],
        out_specs=pl.BlockSpec((1, 1), lambda i, a: (0, 0),
                               memory_space=pltpu.SMEM),
        out_shape=jax.ShapeDtypeStruct((1, 1), jnp.float32),
    )(preds, gath2d)
    return res[0, 0]

# --- scband reference (transcript-rebuilt; emitter-appended) ---
"""Pipeline reference for scband-yololoss-19679540150416 (READ-ONLY COPY).

The authoritative reference and input builder live on the scoring server;
editing this copy changes nothing except your own understanding.
"""

import jax, jax.numpy as jnp
import numpy as np

NUM_CLASSES = 80
IMG_W = 416.0
IMG_H = 416.0
ANCHORS = np.array([[10.0, 13.0], [16.0, 30.0], [33.0, 23.0]], dtype=np.float32)


def setup_inputs(seed: int = 0):
    key = jax.random.key(seed)
    k1, k2 = jax.random.split(key)
    preds = jax.random.normal(k1, (64, 255, 52, 52), dtype=jnp.float32)
    targets = jax.random.uniform(k2, (64, 20, 5), dtype=jnp.float32)
    return {"preds": preds, "targets": targets}


def _yolo_loss(preds, targets):
    B = preds.shape[0]
    A = ANCHORS.shape[0]
    S = preds.shape[2]
    C = NUM_CLASSES
    anchors = jnp.asarray(ANCHORS)
    pred = preds.reshape(B, A, 5 + C, S, S).transpose(0, 1, 3, 4, 2)
    x = jax.nn.sigmoid(pred[..., 0])
    y = jax.nn.sigmoid(pred[..., 1])
    w = pred[..., 2]
    h = pred[..., 3]
    obj = pred[..., 4]
    class_logits = pred[..., 5:]
    gx = targets[..., 0]
    gy = targets[..., 1]
    gw = targets[..., 2]
    gh = targets[..., 3]
    cls = targets[..., 4].astype(jnp.int32)
    anchors_wh = anchors / jnp.array([IMG_W, IMG_H], dtype=jnp.float32)
    inter = jnp.minimum(gw[..., None], anchors_wh[:, 0]) * jnp.minimum(gh[..., None], anchors_wh[:, 1])
    union = gw[..., None] * gh[..., None] + anchors_wh[:, 0] * anchors_wh[:, 1] - inter
    iou = inter / (union + 1e-16)
    best = jnp.argmax(iou, axis=-1)
    gx_cell = gx * S
    gy_cell = gy * S
    cx = jnp.floor(gx_cell).astype(jnp.int32)
    cy = jnp.floor(gy_cell).astype(jnp.int32)
    T = targets.shape[1]
    b_idx = jnp.broadcast_to(jnp.arange(B)[:, None], (B, T))
    zeros = jnp.zeros((B, A, S, S), dtype=jnp.float32)
    obj_target = zeros.at[b_idx, best, cy, cx].set(1.0)
    x_target = zeros.at[b_idx, best, cy, cx].set(gx_cell - cx.astype(jnp.float32))
    y_target = zeros.at[b_idx, best, cy, cx].set(gy_cell - cy.astype(jnp.float32))
    w_target = zeros.at[b_idx, best, cy, cx].set(jnp.log(gw / anchors[best, 0] * IMG_W + 1e-16))
    h_target = zeros.at[b_idx, best, cy, cx].set(jnp.log(gh / anchors[best, 1] * IMG_H + 1e-16))
    class_target = jnp.zeros((B, A, S, S), dtype=jnp.int32).at[b_idx, best, cy, cx].set(cls)
    loss_obj = jnp.sum(jax.nn.softplus(obj) - obj * obj_target)
    loss_x = jnp.sum((x * obj_target - x_target * obj_target) ** 2)
    loss_y = jnp.sum((y * obj_target - y_target * obj_target) ** 2)
    loss_w = jnp.sum((w * obj_target - w_target * obj_target) ** 2)
    loss_h = jnp.sum((h * obj_target - h_target * obj_target) ** 2)
    logz = jax.nn.logsumexp(class_logits, axis=-1)
    picked = jnp.take_along_axis(class_logits, class_target[..., None], axis=-1)[..., 0]
    loss_cls = jnp.sum((logz - picked) * obj_target)
    total = loss_obj + loss_x + loss_y + loss_w + loss_h + loss_cls
    return total / B


def reference(preds, targets):
    return _yolo_loss(preds, targets)

if __name__ == "__main__":
    import jax
    _d = setup_inputs()
    print(jax.jit(kernel)(*tuple(_d.values())))

</pallas_src>

<mosaic_0001>
#map = affine_map<(d0, d1) -> (0, 0)>
#map1 = affine_map<(d0, d1) -> (0)>
module attributes {stable_mosaic.version = 14 : i64} {
  func.func @_sc_gather(%arg0: i32, %arg1: i32, %arg2: memref<344760x128xf32, #tpu.memory_space<hbm>>, %arg3: memref<6400xf32, #tpu.memory_space<hbm>>, %arg4: memref<122880xf32, #tpu.memory_space<hbm>>, %arg5: memref<200xf32, #tpu.memory_space<vmem>>, %arg6: memref<48xi32, #tpu.memory_space<vmem>>, %arg7: memref<48xi32, #tpu.memory_space<vmem>>, %arg8: memref<288xf32, #tpu.memory_space<vmem>>, %arg9: memref<768xi32, #tpu.memory_space<vmem>>, %arg10: memref<768x128xf32, #tpu.memory_space<vmem>>, %arg11: memref<3840xf32, #tpu.memory_space<vmem>>, %arg12: memref<!tpu.dma_semaphore, #tpu.memory_space<semaphore_mem>>) attributes {dimension_semantics = [#tpu.dimension_semantics<core_parallel>, #tpu.dimension_semantics<subcore_parallel>], iteration_bounds = array<i64: 2, 16>, scalar_prefetch = 0 : i64, scratch_operands = 8 : i64, tpu.core_type = #tpu.core_type<sc_vector_subcore>, window_params = [{transform_indices = #map}, {transform_indices = #map1}, {transform_indices = #map1}]} {
    %mul3A = arith.constant 2 : i32
    %mul3A_0 = arith.muli %arg1, %mul3A : i32
    %add3A = arith.addi %mul3A_0, %arg0 : i32
    %iota3A = tpu.iota {dimensions = array<i32: 0>} : vector<16xi32>
    %mul3A_1 = arith.constant 200 : i32
    %mul3A_2 = arith.muli %add3A, %mul3A_1 : i32
    "tpu.region"() ({
      %run_scoped3A = tpu.sem_alloc : memref<!tpu.dma_semaphore, #tpu.memory_space<semaphore_mem>>
      %dma_start3A_2971 = tpu.memref_slice %arg3[%mul3A_2] : memref<6400xf32, #tpu.memory_space<hbm>> -> memref<200xf32, #tpu.memory_space<hbm>>
      %dma_start3A_2972 = tpu.memref_slice %arg3[%mul3A_2] : memref<6400xf32, #tpu.memory_space<hbm>> -> memref<200xf32, #tpu.memory_space<hbm>>
      tpu.enqueue_dma source(%dma_start3A_2972 : memref<200xf32, #tpu.memory_space<hbm>>) target(%arg5 : memref<200xf32, #tpu.memory_space<vmem>>) target_semaphore(%run_scoped3A : memref<!tpu.dma_semaphore, #tpu.memory_space<semaphore_mem>>)
      %dma_wait3A_2973 = tpu.memref_slice %arg3[%mul3A_2] : memref<6400xf32, #tpu.memory_space<hbm>> -> memref<200xf32, #tpu.memory_space<hbm>>
      %dma_wait3A_2974 = tpu.memref_slice %arg3[%mul3A_2] : memref<6400xf32, #tpu.memory_space<hbm>> -> memref<200xf32, #tpu.memory_space<hbm>>
      tpu.wait_dma2 semaphore(%run_scoped3A : memref<!tpu.dma_semaphore, #tpu.memory_space<semaphore_mem>>) src(%dma_wait3A_2974 : memref<200xf32, #tpu.memory_space<hbm>>) dst(%arg5 : memref<200xf32, #tpu.memory_space<vmem>>)
      tpu.yield
    }) : () -> ()
    %add3A_3 = arith.constant 0 : i32
    %add3A_4 = vector.broadcast %add3A_3 : i32 to vector<16xi32>
    %add3A_5 = arith.addi %iota3A, %add3A_4 : vector<16xi32>
    %lt3A = arith.constant 40 : i32
    %lt3A_6 = vector.broadcast %lt3A : i32 to vector<16xi32>
    %lt3A_7 = arith.cmpi slt, %add3A_5, %lt3A_6 : vector<16xi32>
    %jit3A = arith.constant 0 : i32
    %broadcast_in_dim3A = vector.broadcast %jit3A : i32 to vector<16xi32>
    %select_n3A = arith.select %lt3A_7, %add3A_5, %broadcast_in_dim3A : vector<16xi1>, vector<16xi32>
    %mul3A_8 = arith.constant 5 : i32
    %mul3A_9 = vector.broadcast %mul3A_8 : i32 to vector<16xi32>
    %mul3A_10 = arith.muli %select_n3A, %mul3A_9 : vector<16xi32>
    %add3A_11 = arith.constant 0 : i32
    %add3A_12 = vector.broadcast %add3A_11 : i32 to vector<16xi32>
    %add3A_13 = arith.addi %mul3A_10, %add3A_12 : vector<16xi32>
    %gather3A = tpu.vector_load_idx %arg5[%add3A_13] : memref<200xf32, #tpu.memory_space<vmem>>[vector<16xi32>], vector<16xf32>,
    %mul3A_14 = arith.constant 5 : i32
    %mul3A_15 = vector.broadcast %mul3A_14 : i32 to vector<16xi32>
    %mul3A_16 = arith.muli %select_n3A, %mul3A_15 : vector<16xi32>
    %add3A_17 = arith.constant 1 : i32
    %add3A_18 = vector.broadcast %add3A_17 : i32 to vector<16xi32>
    %add3A_19 = arith.addi %mul3A_16, %add3A_18 : vector<16xi32>
    %gather3A_20 = tpu.vector_load_idx %arg5[%add3A_19] : memref<200xf32, #tpu.memory_space<vmem>>[vector<16xi32>], vector<16xf32>,
    %mul3A_21 = arith.constant 5 : i32
    %mul3A_22 = vector.broadcast %mul3A_21 : i32 to vector<16xi32>
    %mul3A_23 = arith.muli %select_n3A, %mul3A_22 : vector<16xi32>
    %add3A_24 = arith.constant 2 : i32
    %add3A_25 = vector.broadcast %add3A_24 : i32 to vector<16xi32>
    %add3A_26 = arith.addi %mul3A_23, %add3A_25 : vector<16xi32>
    %gather3A_27 = tpu.vector_load_idx %arg5[%add3A_26] : memref<200xf32, #tpu.memory_space<vmem>>[vector<16xi32>], vector<16xf32>,
    %mul3A_28 = arith.constant 5 : i32
    %mul3A_29 = vector.broadcast %mul3A_28 : i32 to vector<16xi32>
    %mul3A_30 = arith.muli %select_n3A, %mul3A_29 : vector<16xi32>
    %add3A_31 = arith.constant 3 : i32
    %add3A_32 = vector.broadcast %add3A_31 : i32 to vector<16xi32>
    %add3A_33 = arith.addi %mul3A_30, %add3A_32 : vector<16xi32>
    %gather3A_34 = tpu.vector_load_idx %arg5[%add3A_33] : memref<200xf32, #tpu.memory_space<vmem>>[vector<16xi32>], vector<16xf32>,
    %mul3A_35 = arith.constant 5 : i32
    %mul3A_36 = vector.broadcast %mul3A_35 : i32 to vector<16xi32>
    %mul3A_37 = arith.muli %select_n3A, %mul3A_36 : vector<16xi32>
    %add3A_38 = arith.constant 4 : i32
    %add3A_39 = vector.broadcast %add3A_38 : i32 to vector<16xi32>
    %add3A_40 = arith.addi %mul3A_37, %add3A_39 : vector<16xi32>
    %gather3A_41 = tpu.vector_load_idx %arg5[%add3A_40] : memref<200xf32, #tpu.memory_space<vmem>>[vector<16xi32>], vector<16xf32>,
    %broadcast_in_dim3A_42 = arith.constant 0 : i32
    %broadcast_in_dim3A_43 = vector.broadcast %broadcast_in_dim3A_42 : i32 to vector<16xi32>
    %broadcast_in_dim3A_44 = arith.constant -1.000000e+00 : f32
    %broadcast_in_dim3A_45 = vector.broadcast %broadcast_in_dim3A_44 : f32 to vector<16xf32>
    %min3A = arith.constant 0.024038462 : f32
    %min3A_46 = vector.broadcast %min3A : f32 to vector<16xf32>
    %min3A_47 = arith.minimumf %gather3A_27, %min3A_46 : vector<16xf32>
    %min3A_48 = arith.constant 3.125000e-02 : f32
    %min3A_49 = vector.broadcast %min3A_48 : f32 to vector<16xf32>
    %min3A_50 = arith.minimumf %gather3A_34, %min3A_49 : vector<16xf32>
    %mul3A_51 = arith.mulf %min3A_47, %min3A_50 : vector<16xf32>
    %mul3A_52 = arith.mulf %gather3A_27, %gather3A_34 : vector<16xf32>
    %add3A_53 = arith.constant 7.51201937E-4 : f32
    %add3A_54 = vector.broadcast %add3A_53 : f32 to vector<16xf32>
    %add3A_55 = arith.addf %mul3A_52, %add3A_54 : vector<16xf32>
    %sub3A = arith.subf %add3A_55, %mul3A_51 : vector<16xf32>
    %add3A_56 = arith.constant 1.000000e-16 : f32
    %add3A_57 = vector.broadcast %add3A_56 : f32 to vector<16xf32>
    %add3A_58 = arith.addf %sub3A, %add3A_57 : vector<16xf32>
    %div3A = arith.divf %mul3A_51, %add3A_58 : vector<16xf32>
    %gt3A = arith.cmpf ogt, %div3A, %broadcast_in_dim3A_45 : vector<16xf32>
    %broadcast_in_dim3A_59 = arith.constant 0 : i32
    %broadcast_in_dim3A_60 = vector.broadcast %broadcast_in_dim3A_59 : i32 to vector<16xi32>
    %select_n3A_61 = arith.select %gt3A, %broadcast_in_dim3A_60, %broadcast_in_dim3A_43 : vector<16xi1>, vector<16xi32>
    %select_n3A_62 = arith.select %gt3A, %div3A, %broadcast_in_dim3A_45 : vector<16xi1>, vector<16xf32>
    %min3A_63 = arith.constant 0.0384615399 : f32
    %min3A_64 = vector.broadcast %min3A_63 : f32 to vector<16xf32>
    %min3A_65 = arith.minimumf %gather3A_27, %min3A_64 : vector<16xf32>
    %min3A_66 = arith.constant 0.072115384 : f32
    %min3A_67 = vector.broadcast %min3A_66 : f32 to vector<16xf32>
    %min3A_68 = arith.minimumf %gather3A_34, %min3A_67 : vector<16xf32>
    %mul3A_69 = arith.mulf %min3A_65, %min3A_68 : vector<16xf32>
    %mul3A_70 = arith.mulf %gather3A_27, %gather3A_34 : vector<16xf32>
    %add3A_71 = arith.constant 0.00277366862 : f32
    %add3A_72 = vector.broadcast %add3A_71 : f32 to vector<16xf32>
    %add3A_73 = arith.addf %mul3A_70, %add3A_72 : vector<16xf32>
    %sub3A_74 = arith.subf %add3A_73, %mul3A_69 : vector<16xf32>
    %add3A_75 = arith.constant 1.000000e-16 : f32
    %add3A_76 = vector.broadcast %add3A_75 : f32 to vector<16xf32>
    %add3A_77 = arith.addf %sub3A_74, %add3A_76 : vector<16xf32>
    %div3A_78 = arith.divf %mul3A_69, %add3A_77 : vector<16xf32>
    %gt3A_79 = arith.cmpf ogt, %div3A_78, %select_n3A_62 : vector<16xf32>
    %broadcast_in_dim3A_80 = arith.constant 1 : i32
    %broadcast_in_dim3A_81 = vector.broadcast %broadcast_in_dim3A_80 : i32 to vector<16xi32>
    %select_n3A_82 = arith.select %gt3A_79, %broadcast_in_dim3A_81, %select_n3A_61 : vector<16xi1>, vector<16xi32>
    %select_n3A_83 = arith.select %gt3A_79, %div3A_78, %select_n3A_62 : vector<16xi1>, vector<16xf32>
    %min3A_84 = arith.constant 0.0793269202 : f32
    %min3A_85 = vector.broadcast %min3A_84 : f32 to vector<16xf32>
    %min3A_86 = arith.minimumf %gather3A_27, %min3A_85 : vector<16xf32>
    %min3A_87 = arith.constant 0.0552884601 : f32
    %min3A_88 = vector.broadcast %min3A_87 : f32 to vector<16xf32>
    %min3A_89 = arith.minimumf %gather3A_34, %min3A_88 : vector<16xf32>
    %mul3A_90 = arith.mulf %min3A_86, %min3A_89 : vector<16xf32>
    %mul3A_91 = arith.mulf %gather3A_27, %gather3A_34 : vector<16xf32>
    %add3A_92 = arith.constant 0.00438586343 : f32
    %add3A_93 = vector.broadcast %add3A_92 : f32 to vector<16xf32>
    %add3A_94 = arith.addf %mul3A_91, %add3A_93 : vector<16xf32>
    %sub3A_95 = arith.subf %add3A_94, %mul3A_90 : vector<16xf32>
    %add3A_96 = arith.constant 1.000000e-16 : f32
    %add3A_97 = vector.broadcast %add3A_96 : f32 to vector<16xf32>
    %add3A_98 = arith.addf %sub3A_95, %add3A_97 : vector<16xf32>
    %div3A_99 = arith.divf %mul3A_90, %add3A_98 : vector<16xf32>
    %gt3A_100 = arith.cmpf ogt, %div3A_99, %select_n3A_83 : vector<16xf32>
    %broadcast_in_dim3A_101 = arith.constant 2 : i32
    %broadcast_in_dim3A_102 = vector.broadcast %broadcast_in_dim3A_101 : i32 to vector<16xi32>
    %select_n3A_103 = arith.select %gt3A_100, %broadcast_in_dim3A_102, %select_n3A_82 : vector<16xi1>, vector<16xi32>
    %select_n3A_104 = arith.select %gt3A_100, %div3A_99, %select_n3A_83 : vector<16xi1>, vector<16xf32>
    %mul3A_105 = arith.constant 5.200000e+01 : f32
    %mul3A_106 = vector.broadcast %mul3A_105 : f32 to vector<16xf32>
    %mul3A_107 = arith.mulf %gather3A, %mul3A_106 : vector<16xf32>
    %mul3A_108 = arith.constant 5.200000e+01 : f32
    %mul3A_109 = vector.broadcast %mul3A_108 : f32 to vector<16xf32>
    %mul3A_110 = arith.mulf %gather3A_20, %mul3A_109 : vector<16xf32>
    %convert_element_type3A = arith.fptosi %mul3A_107 : vector<16xf32> to vector<16xi32>
    %convert_element_type3A_111 = arith.fptosi %mul3A_110 : vector<16xf32> to vector<16xi32>
    %mul3A_112 = arith.constant 52 : i32
    %mul3A_113 = vector.broadcast %mul3A_112 : i32 to vector<16xi32>
    %mul3A_114 = arith.muli %convert_element_type3A_111, %mul3A_113 : vector<16xi32>
    %add3A_115 = arith.addi %mul3A_114, %convert_element_type3A : vector<16xi32>
    %ge3A = arith.constant 20 : i32
    %ge3A_116 = vector.broadcast %ge3A : i32 to vector<16xi32>
    %ge3A_117 = arith.cmpi sge, %add3A_5, %ge3A_116 : vector<16xi32>
    %convert_element_type3A_118 = arith.extui %ge3A_117 : vector<16xi1> to vector<16xi32>
    %mul3A_119 = arith.constant 2 : i32
    %mul3A_120 = arith.muli %add3A, %mul3A_119 : i32
    %add3A_121 = vector.broadcast %mul3A_120 : i32 to vector<16xi32>
    %add3A_122 = arith.addi %add3A_121, %convert_element_type3A_118 : vector<16xi32>
    %mul3A_123 = arith.constant 255 : i32
    %mul3A_124 = vector.broadcast %mul3A_123 : i32 to vector<16xi32>
    %mul3A_125 = arith.muli %add3A_122, %mul3A_124 : vector<16xi32>
    %mul3A_126 = arith.constant 85 : i32
    %mul3A_127 = vector.broadcast %mul3A_126 : i32 to vector<16xi32>
    %mul3A_128 = arith.muli %select_n3A_103, %mul3A_127 : vector<16xi32>
    %add3A_129 = arith.addi %mul3A_125, %mul3A_128 : vector<16xi32>
    %mul3A_130 = arith.constant 2704 : i32
    %mul3A_131 = vector.broadcast %mul3A_130 : i32 to vector<16xi32>
    %mul3A_132 = arith.muli %add3A_129, %mul3A_131 : vector<16xi32>
    %add3A_133 = arith.addi %mul3A_132, %add3A_115 : vector<16xi32>
    %swap3A = arith.constant 0 : index
    %swap3A_134 = tpu.vector_load %arg6[%swap3A] {strides = array<i32>} : memref<48xi32, #tpu.memory_space<vmem>>, vector<16xi32>,
    tpu.vector_store %arg6[%swap3A], %add3A_133 {strides = array<i32>} : memref<48xi32, #tpu.memory_space<vmem>>, vector<16xi32>,
    %mul3A_135 = arith.constant 2704 : i32
    %mul3A_136 = vector.broadcast %mul3A_135 : i32 to vector<16xi32>
    %mul3A_137 = arith.muli %select_n3A_103, %mul3A_136 : vector<16xi32>
    %add3A_138 = arith.addi %mul3A_137, %add3A_115 : vector<16xi32>
    %swap3A_139 = arith.constant 0 : index
    %swap3A_140 = tpu.vector_load %arg7[%swap3A_139] {strides = array<i32>} : memref<48xi32, #tpu.memory_space<vmem>>, vector<16xi32>,
    tpu.vector_store %arg7[%swap3A_139], %add3A_138 {strides = array<i32>} : memref<48xi32, #tpu.memory_space<vmem>>, vector<16xi32>,
    %eq3A = arith.constant 0 : i32
    %eq3A_141 = vector.broadcast %eq3A : i32 to vector<16xi32>
    %eq3A_142 = arith.cmpi eq, %select_n3A_103, %eq3A_141 : vector<16xi32>
    %eq3A_143 = arith.constant 1 : i32
    %eq3A_144 = vector.broadcast %eq3A_143 : i32 to vector<16xi32>
    %eq3A_145 = arith.cmpi eq, %select_n3A_103, %eq3A_144 : vector<16xi32>
    %jit3A_146 = arith.constant 1.600000e+01 : f32
    %jit3A_147 = arith.constant 3.300000e+01 : f32
    %broadcast_in_dim3A_148 = vector.broadcast %jit3A_146 : f32 to vector<16xf32>
    %broadcast_in_dim3A_149 = vector.broadcast %jit3A_147 : f32 to vector<16xf32>
    %select_n3A_150 = arith.select %eq3A_145, %broadcast_in_dim3A_148, %broadcast_in_dim3A_149 : vector<16xi1>, vector<16xf32>
    %jit3A_151 = arith.constant 1.000000e+01 : f32
    %broadcast_in_dim3A_152 = vector.broadcast %jit3A_151 : f32 to vector<16xf32>
    %select_n3A_153 = arith.select %eq3A_142, %broadcast_in_dim3A_152, %select_n3A_150 : vector<16xi1>, vector<16xf32>
    %eq3A_154 = arith.constant 0 : i32
    %eq3A_155 = vector.broadcast %eq3A_154 : i32 to vector<16xi32>
    %eq3A_156 = arith.cmpi eq, %select_n3A_103, %eq3A_155 : vector<16xi32>
    %eq3A_157 = arith.constant 1 : i32
    %eq3A_158 = vector.broadcast %eq3A_157 : i32 to vector<16xi32>
    %eq3A_159 = arith.cmpi eq, %select_n3A_103, %eq3A_158 : vector<16xi32>
    %jit3A_160 = arith.constant 3.000000e+01 : f32
    %jit3A_161 = arith.constant 2.300000e+01 : f32
    %broadcast_in_dim3A_162 = vector.broadcast %jit3A_160 : f32 to vector<16xf32>
    %broadcast_in_dim3A_163 = vector.broadcast %jit3A_161 : f32 to vector<16xf32>
    %select_n3A_164 = arith.select %eq3A_159, %broadcast_in_dim3A_162, %broadcast_in_dim3A_163 : vector<16xi1>, vector<16xf32>
    %jit3A_165 = arith.constant 1.300000e+01 : f32
    %broadcast_in_dim3A_166 = vector.broadcast %jit3A_165 : f32 to vector<16xf32>
    %select_n3A_167 = arith.select %eq3A_156, %broadcast_in_dim3A_166, %select_n3A_164 : vector<16xi1>, vector<16xf32>
    %convert_element_type3A_168 = arith.sitofp %convert_element_type3A : vector<16xi32> to vector<16xf32>
    %sub3A_169 = arith.subf %mul3A_107, %convert_element_type3A_168 : vector<16xf32>
    %swap3A_170 = arith.constant 0 : index
    %swap3A_171 = tpu.vector_load %arg8[%swap3A_170] {strides = array<i32>} : memref<288xf32, #tpu.memory_space<vmem>>, vector<16xf32>,
    tpu.vector_store %arg8[%swap3A_170], %sub3A_169 {strides = array<i32>} : memref<288xf32, #tpu.memory_space<vmem>>, vector<16xf32>,
    %convert_element_type3A_172 = arith.sitofp %convert_element_type3A_111 : vector<16xi32> to vector<16xf32>
    %sub3A_173 = arith.subf %mul3A_110, %convert_element_type3A_172 : vector<16xf32>
    %swap3A_174 = arith.constant 48 : index
    %swap3A_175 = tpu.vector_load %arg8[%swap3A_174] {strides = array<i32>} : memref<288xf32, #tpu.memory_space<vmem>>, vector<16xf32>,
    tpu.vector_store %arg8[%swap3A_174], %sub3A_173 {strides = array<i32>} : memref<288xf32, #tpu.memory_space<vmem>>, vector<16xf32>,
    %div3A_176 = arith.divf %gather3A_27, %select_n3A_153 : vector<16xf32>
    %mul3A_177 = arith.constant 4.160000e+02 : f32
    %mul3A_178 = vector.broadcast %mul3A_177 : f32 to vector<16xf32>
    %mul3A_179 = arith.mulf %div3A_176, %mul3A_178 : vector<16xf32>
    %swap3A_180 = arith.constant 96 : index
    %swap3A_181 = tpu.vector_load %arg8[%swap3A_180] {strides = array<i32>} : memref<288xf32, #tpu.memory_space<vmem>>, vector<16xf32>,
    tpu.vector_store %arg8[%swap3A_180], %mul3A_179 {strides = array<i32>} : memref<288xf32, #tpu.memory_space<vmem>>, vector<16xf32>,
    %div3A_182 = arith.divf %gather3A_34, %select_n3A_167 : vector<16xf32>
    %mul3A_183 = arith.constant 4.160000e+02 : f32
    %mul3A_184 = vector.broadcast %mul3A_183 : f32 to vector<16xf32>
    %mul3A_185 = arith.mulf %div3A_182, %mul3A_184 : vector<16xf32>
    %swap3A_186 = arith.constant 144 : index
    %swap3A_187 = tpu.vector_load %arg8[%swap3A_186] {strides = array<i32>} : memref<288xf32, #tpu.memory_space<vmem>>, vector<16xf32>,
    tpu.vector_store %arg8[%swap3A_186], %mul3A_185 {strides = array<i32>} : memref<288xf32, #tpu.memory_space<vmem>>, vector<16xf32>,
    %convert_element_type3A_188 = arith.fptosi %gather3A_41 : vector<16xf32> to vector<16xi32>
    %convert_element_type3A_189 = arith.sitofp %convert_element_type3A_188 : vector<16xi32> to vector<16xf32>
    %swap3A_190 = arith.constant 192 : index
    %swap3A_191 = tpu.vector_load %arg8[%swap3A_190] {strides = array<i32>} : memref<288xf32, #tpu.memory_space<vmem>>, vector<16xf32>,
    tpu.vector_store %arg8[%swap3A_190], %convert_element_type3A_189 {strides = array<i32>} : memref<288xf32, #tpu.memory_space<vmem>>, vector<16xf32>,
    %add3A_192 = arith.constant 16 : i32
    %add3A_193 = vector.broadcast %add3A_192 : i32 to vector<16xi32>
    %add3A_194 = arith.addi %iota3A, %add3A_193 : vector<16xi32>
    %lt3A_195 = arith.constant 40 : i32
    %lt3A_196 = vector.broadcast %lt3A_195 : i32 to vector<16xi32>
    %lt3A_197 = arith.cmpi slt, %add3A_194, %lt3A_196 : vector<16xi32>
    %jit3A_198 = arith.constant 0 : i32
    %broadcast_in_dim3A_199 = vector.broadcast %jit3A_198 : i32 to vector<16xi32>
    %select_n3A_200 = arith.select %lt3A_197, %add3A_194, %broadcast_in_dim3A_199 : vector<16xi1>, vector<16xi32>
    %mul3A_201 = arith.constant 5 : i32
    %mul3A_202 = vector.broadcast %mul3A_201 : i32 to vector<16xi32>
    %mul3A_203 = arith.muli %select_n3A_200, %mul3A_202 : vector<16xi32>
    %add3A_204 = arith.constant 0 : i32
    %add3A_205 = vector.broadcast %add3A_204 : i32 to vector<16xi32>
    %add3A_206 = arith.addi %mul3A_203, %add3A_205 : vector<16xi32>
    %gather3A_207 = tpu.vector_load_idx %arg5[%add3A_206] : memref<200xf32, #tpu.memory_space<vmem>>[vector<16xi32>], vector<16xf32>,
    %mul3A_208 = arith.constant 5 : i32
    %mul3A_209 = vector.broadcast %mul3A_208 : i32 to vector<16xi32>
    %mul3A_210 = arith.muli %select_n3A_200, %mul3A_209 : vector<16xi32>
    %add3A_211 = arith.constant 1 : i32
    %add3A_212 = vector.broadcast %add3A_211 : i32 to vector<16xi32>
    %add3A_213 = arith.addi %mul3A_210, %add3A_212 : vector<16xi32>
    %gather3A_214 = tpu.vector_load_idx %arg5[%add3A_213] : memref<200xf32, #tpu.memory_space<vmem>>[vector<16xi32>], vector<16xf32>,
    %mul3A_215 = arith.constant 5 : i32
    %mul3A_216 = vector.broadcast %mul3A_215 : i32 to vector<16xi32>
    %mul3A_217 = arith.muli %select_n3A_200, %mul3A_216 : vector<16xi32>
    %add3A_218 = arith.constant 2 : i32
    %add3A_219 = vector.broadcast %add3A_218 : i32 to vector<16xi32>
    %add3A_220 = arith.addi %mul3A_217, %add3A_219 : vector<16xi32>
    %gather3A_221 = tpu.vector_load_idx %arg5[%add3A_220] : memref<200xf32, #tpu.memory_space<vmem>>[vector<16xi32>], vector<16xf32>,
    %mul3A_222 = arith.constant 5 : i32
    %mul3A_223 = vector.broadcast %mul3A_222 : i32 to vector<16xi32>
    %mul3A_224 = arith.muli %select_n3A_200, %mul3A_223 : vector<16xi32>
    %add3A_225 = arith.constant 3 : i32
    %add3A_226 = vector.broadcast %add3A_225 : i32 to vector<16xi32>
    %add3A_227 = arith.addi %mul3A_224, %add3A_226 : vector<16xi32>
    %gather3A_228 = tpu.vector_load_idx %arg5[%add3A_227] : memref<200xf32, #tpu.memory_space<vmem>>[vector<16xi32>], vector<16xf32>,
    %mul3A_229 = arith.constant 5 : i32
    %mul3A_230 = vector.broadcast %mul3A_229 : i32 to vector<16xi32>
    %mul3A_231 = arith.muli %select_n3A_200, %mul3A_230 : vector<16xi32>
    %add3A_232 = arith.constant 4 : i32
    %add3A_233 = vector.broadcast %add3A_232 : i32 to vector<16xi32>
    %add3A_234 = arith.addi %mul3A_231, %add3A_233 : vector<16xi32>
    %gather3A_235 = tpu.vector_load_idx %arg5[%add3A_234] : memref<200xf32, #tpu.memory_space<vmem>>[vector<16xi32>], vector<16xf32>,
    %broadcast_in_dim3A_236 = arith.constant 0 : i32
    %broadcast_in_dim3A_237 = vector.broadcast %broadcast_in_dim3A_236 : i32 to vector<16xi32>
    %broadcast_in_dim3A_238 = arith.constant -1.000000e+00 : f32
    %broadcast_in_dim3A_239 = vector.broadcast %broadcast_in_dim3A_238 : f32 to vector<16xf32>
    %min3A_240 = arith.constant 0.024038462 : f32
    %min3A_241 = vector.broadcast %min3A_240 : f32 to vector<16xf32>
    %min3A_242 = arith.minimumf %gather3A_221, %min3A_241 : vector<16xf32>
    %min3A_243 = arith.constant 3.125000e-02 : f32
    %min3A_244 = vector.broadcast %min3A_243 : f32 to vector<16xf32>
    %min3A_245 = arith.minimumf %gather3A_228, %min3A_244 : vector<16xf32>
    %mul3A_246 = arith.mulf %min3A_242, %min3A_245 : vector<16xf32>
    %mul3A_247 = arith.mulf %gather3A_221, %gather3A_228 : vector<16xf32>
    %add3A_248 = arith.constant 7.51201937E-4 : f32
    %add3A_249 = vector.broadcast %add3A_248 : f32 to vector<16xf32>
    %add3A_250 = arith.addf %mul3A_247, %add3A_249 : vector<16xf32>
    %sub3A_251 = arith.subf %add3A_250, %mul3A_246 : vector<16xf32>
    %add3A_252 = arith.constant 1.000000e-16 : f32
    %add3A_253 = vector.broadcast %add3A_252 : f32 to vector<16xf32>
    %add3A_254 = arith.addf %sub3A_251, %add3A_253 : vector<16xf32>
    %div3A_255 = arith.divf %mul3A_246, %add3A_254 : vector<16xf32>
    %gt3A_256 = arith.cmpf ogt, %div3A_255, %broadcast_in_dim3A_239 : vector<16xf32>
    %broadcast_in_dim3A_257 = arith.constant 0 : i32
    %broadcast_in_dim3A_258 = vector.broadcast %broadcast_in_dim3A_257 : i32 to vector<16xi32>
    %select_n3A_259 = arith.select %gt3A_256, %broadcast_in_dim3A_258, %broadcast_in_dim3A_237 : vector<16xi1>, vector<16xi32>
    %select_n3A_260 = arith.select %gt3A_256, %div3A_255, %broadcast_in_dim3A_239 : vector<16xi1>, vector<16xf32>
    %min3A_261 = arith.constant 0.0384615399 : f32
    %min3A_262 = vector.broadcast %min3A_261 : f32 to vector<16xf32>
    %min3A_263 = arith.minimumf %gather3A_221, %min3A_262 : vector<16xf32>
    %min3A_264 = arith.constant 0.072115384 : f32
    %min3A_265 = vector.broadcast %min3A_264 : f32 to vector<16xf32>
    %min3A_266 = arith.minimumf %gather3A_228, %min3A_265 : vector<16xf32>
    %mul3A_267 = arith.mulf %min3A_263, %min3A_266 : vector<16xf32>
    %mul3A_268 = arith.mulf %gather3A_221, %gather3A_228 : vector<16xf32>
    %add3A_269 = arith.constant 0.00277366862 : f32
    %add3A_270 = vector.broadcast %add3A_269 : f32 to vector<16xf32>
    %add3A_271 = arith.addf %mul3A_268, %add3A_270 : vector<16xf32>
    %sub3A_272 = arith.subf %add3A_271, %mul3A_267 : vector<16xf32>
    %add3A_273 = arith.constant 1.000000e-16 : f32
    %add3A_274 = vector.broadcast %add3A_273 : f32 to vector<16xf32>
    %add3A_275 = arith.addf %sub3A_272, %add3A_274 : vector<16xf32>
    %div3A_276 = arith.divf %mul3A_267, %add3A_275 : vector<16xf32>
    %gt3A_277 = arith.cmpf ogt, %div3A_276, %select_n3A_260 : vector<16xf32>
    %broadcast_in_dim3A_278 = arith.constant 1 : i32
    %broadcast_in_dim3A_279 = vector.broadcast %broadcast_in_dim3A_278 : i32 to vector<16xi32>
    %select_n3A_280 = arith.select %gt3A_277, %broadcast_in_dim3A_279, %select_n3A_259 : vector<16xi1>, vector<16xi32>
    %select_n3A_281 = arith.select %gt3A_277, %div3A_276, %select_n3A_260 : vector<16xi1>, vector<16xf32>
    %min3A_282 = arith.constant 0.0793269202 : f32
    %min3A_283 = vector.broadcast %min3A_282 : f32 to vector<16xf32>
    %min3A_284 = arith.minimumf %gather3A_221, %min3A_283 : vector<16xf32>
    %min3A_285 = arith.constant 0.0552884601 : f32
    %min3A_286 = vector.broadcast %min3A_285 : f32 to vector<16xf32>
    %min3A_287 = arith.minimumf %gather3A_228, %min3A_286 : vector<16xf32>
    %mul3A_288 = arith.mulf %min3A_284, %min3A_287 : vector<16xf32>
    %mul3A_289 = arith.mulf %gather3A_221, %gather3A_228 : vector<16xf32>
    %add3A_290 = arith.constant 0.00438586343 : f32
    %add3A_291 = vector.broadcast %add3A_290 : f32 to vector<16xf32>
    %add3A_292 = arith.addf %mul3A_289, %add3A_291 : vector<16xf32>
    %sub3A_293 = arith.subf %add3A_292, %mul3A_288 : vector<16xf32>
    %add3A_294 = arith.constant 1.000000e-16 : f32
    %add3A_295 = vector.broadcast %add3A_294 : f32 to vector<16xf32>
    %add3A_296 = arith.addf %sub3A_293, %add3A_295 : vector<16xf32>
    %div3A_297 = arith.divf %mul3A_288, %add3A_296 : vector<16xf32>
    %gt3A_298 = arith.cmpf ogt, %div3A_297, %select_n3A_281 : vector<16xf32>
    %broadcast_in_dim3A_299 = arith.constant 2 : i32
    %broadcast_in_dim3A_300 = vector.broadcast %broadcast_in_dim3A_299 : i32 to vector<16xi32>
    %select_n3A_301 = arith.select %gt3A_298, %broadcast_in_dim3A_300, %select_n3A_280 : vector<16xi1>, vector<16xi32>
    %select_n3A_302 = arith.select %gt3A_298, %div3A_297, %select_n3A_281 : vector<16xi1>, vector<16xf32>
    %mul3A_303 = arith.constant 5.200000e+01 : f32
    %mul3A_304 = vector.broadcast %mul3A_303 : f32 to vector<16xf32>
    %mul3A_305 = arith.mulf %gather3A_207, %mul3A_304 : vector<16xf32>
    %mul3A_306 = arith.constant 5.200000e+01 : f32
    %mul3A_307 = vector.broadcast %mul3A_306 : f32 to vector<16xf32>
    %mul3A_308 = arith.mulf %gather3A_214, %mul3A_307 : vector<16xf32>
    %convert_element_type3A_309 = arith.fptosi %mul3A_305 : vector<16xf32> to vector<16xi32>
    %convert_element_type3A_310 = arith.fptosi %mul3A_308 : vector<16xf32> to vector<16xi32>
    %mul3A_311 = arith.constant 52 : i32
    %mul3A_312 = vector.broadcast %mul3A_311 : i32 to vector<16xi32>
    %mul3A_313 = arith.muli %convert_element_type3A_310, %mul3A_312 : vector<16xi32>
    %add3A_314 = arith.addi %mul3A_313, %convert_element_type3A_309 : vector<16xi32>
    %ge3A_315 = arith.constant 20 : i32
    %ge3A_316 = vector.broadcast %ge3A_315 : i32 to vector<16xi32>
    %ge3A_317 = arith.cmpi sge, %add3A_194, %ge3A_316 : vector<16xi32>
    %convert_element_type3A_318 = arith.extui %ge3A_317 : vector<16xi1> to vector<16xi32>
    %mul3A_319 = arith.constant 2 : i32
    %mul3A_320 = arith.muli %add3A, %mul3A_319 : i32
    %add3A_321 = vector.broadcast %mul3A_320 : i32 to vector<16xi32>
    %add3A_322 = arith.addi %add3A_321, %convert_element_type3A_318 : vector<16xi32>
    %mul3A_323 = arith.constant 255 : i32
    %mul3A_324 = vector.broadcast %mul3A_323 : i32 to vector<16xi32>
    %mul3A_325 = arith.muli %add3A_322, %mul3A_324 : vector<16xi32>
    %mul3A_326 = arith.constant 85 : i32
    %mul3A_327 = vector.broadcast %mul3A_326 : i32 to vector<16xi32>
    %mul3A_328 = arith.muli %select_n3A_301, %mul3A_327 : vector<16xi32>
    %add3A_329 = arith.addi %mul3A_325, %mul3A_328 : vector<16xi32>
    %mul3A_330 = arith.constant 2704 : i32
    %mul3A_331 = vector.broadcast %mul3A_330 : i32 to vector<16xi32>
    %mul3A_332 = arith.muli %add3A_329, %mul3A_331 : vector<16xi32>
    %add3A_333 = arith.addi %mul3A_332, %add3A_314 : vector<16xi32>
    %swap3A_334 = arith.constant 16 : index
    %swap3A_335 = tpu.vector_load %arg6[%swap3A_334] {strides = array<i32>} : memref<48xi32, #tpu.memory_space<vmem>>, vector<16xi32>,
    tpu.vector_store %arg6[%swap3A_334], %add3A_333 {strides = array<i32>} : memref<48xi32, #tpu.memory_space<vmem>>, vector<16xi32>,
    %mul3A_336 = arith.constant 2704 : i32
    %mul3A_337 = vector.broadcast %mul3A_336 : i32 to vector<16xi32>
    %mul3A_338 = arith.muli %select_n3A_301, %mul3A_337 : vector<16xi32>
    %add3A_339 = arith.addi %mul3A_338, %add3A_314 : vector<16xi32>
    %swap3A_340 = arith.constant 16 : index
    %swap3A_341 = tpu.vector_load %arg7[%swap3A_340] {strides = array<i32>} : memref<48xi32, #tpu.memory_space<vmem>>, vector<16xi32>,
    tpu.vector_store %arg7[%swap3A_340], %add3A_339 {strides = array<i32>} : memref<48xi32, #tpu.memory_space<vmem>>, vector<16xi32>,
    %eq3A_342 = arith.constant 0 : i32
    %eq3A_343 = vector.broadcast %eq3A_342 : i32 to vector<16xi32>
    %eq3A_344 = arith.cmpi eq, %select_n3A_301, %eq3A_343 : vector<16xi32>
    %eq3A_345 = arith.constant 1 : i32
    %eq3A_346 = vector.broadcast %eq3A_345 : i32 to vector<16xi32>
    %eq3A_347 = arith.cmpi eq, %select_n3A_301, %eq3A_346 : vector<16xi32>
    %jit3A_348 = arith.constant 1.600000e+01 : f32
    %jit3A_349 = arith.constant 3.300000e+01 : f32
    %broadcast_in_dim3A_350 = vector.broadcast %jit3A_348 : f32 to vector<16xf32>
    %broadcast_in_dim3A_351 = vector.broadcast %jit3A_349 : f32 to vector<16xf32>
    %select_n3A_352 = arith.select %eq3A_347, %broadcast_in_dim3A_350, %broadcast_in_dim3A_351 : vector<16xi1>, vector<16xf32>
    %jit3A_353 = arith.constant 1.000000e+01 : f32
    %broadcast_in_dim3A_354 = vector.broadcast %jit3A_353 : f32 to vector<16xf32>
    %select_n3A_355 = arith.select %eq3A_344, %broadcast_in_dim3A_354, %select_n3A_352 : vector<16xi1>, vector<16xf32>
    %eq3A_356 = arith.constant 0 : i32
    %eq3A_357 = vector.broadcast %eq3A_356 : i32 to vector<16xi32>
    %eq3A_358 = arith.cmpi eq, %select_n3A_301, %eq3A_357 : vector<16xi32>
    %eq3A_359 = arith.constant 1 : i32
    %eq3A_360 = vector.broadcast %eq3A_359 : i32 to vector<16xi32>
    %eq3A_361 = arith.cmpi eq, %select_n3A_301, %eq3A_360 : vector<16xi32>
    %jit3A_362 = arith.constant 3.000000e+01 : f32
    %jit3A_363 = arith.constant 2.300000e+01 : f32
    %broadcast_in_dim3A_364 = vector.broadcast %jit3A_362 : f32 to vector<16xf32>
    %broadcast_in_dim3A_365 = vector.broadcast %jit3A_363 : f32 to vector<16xf32>
    %select_n3A_366 = arith.select %eq3A_361, %broadcast_in_dim3A_364, %broadcast_in_dim3A_365 : vector<16xi1>, vector<16xf32>
    %jit3A_367 = arith.constant 1.300000e+01 : f32
    %broadcast_in_dim3A_368 = vector.broadcast %jit3A_367 : f32 to vector<16xf32>
    %select_n3A_369 = arith.select %eq3A_358, %broadcast_in_dim3A_368, %select_n3A_366 : vector<16xi1>, vector<16xf32>
    %convert_element_type3A_370 = arith.sitofp %convert_element_type3A_309 : vector<16xi32> to vector<16xf32>
    %sub3A_371 = arith.subf %mul3A_305, %convert_element_type3A_370 : vector<16xf32>
    %swap3A_372 = arith.constant 16 : index
    %swap3A_373 = tpu.vector_load %arg8[%swap3A_372] {strides = array<i32>} : memref<288xf32, #tpu.memory_space<vmem>>, vector<16xf32>,
    tpu.vector_store %arg8[%swap3A_372], %sub3A_371 {strides = array<i32>} : memref<288xf32, #tpu.memory_space<vmem>>, vector<16xf32>,
    %convert_element_type3A_374 = arith.sitofp %convert_element_type3A_310 : vector<16xi32> to vector<16xf32>
    %sub3A_375 = arith.subf %mul3A_308, %convert_element_type3A_374 : vector<16xf32>
    %swap3A_376 = arith.constant 64 : index
    %swap3A_377 = tpu.vector_load %arg8[%swap3A_376] {strides = array<i32>} : memref<288xf32, #tpu.memory_space<vmem>>, vector<16xf32>,
    tpu.vector_store %arg8[%swap3A_376], %sub3A_375 {strides = array<i32>} : memref<288xf32, #tpu.memory_space<vmem>>, vector<16xf32>,
    %div3A_378 = arith.divf %gather3A_221, %select_n3A_355 : vector<16xf32>
    %mul3A_379 = arith.constant 4.160000e+02 : f32
    %mul3A_380 = vector.broadcast %mul3A_379 : f32 to vector<16xf32>
    %mul3A_381 = arith.mulf %div3A_378, %mul3A_380 : vector<16xf32>
    %swap3A_382 = arith.constant 112 : index
    %swap3A_383 = tpu.vector_load %arg8[%swap3A_382] {strides = array<i32>} : memref<288xf32, #tpu.memory_space<vmem>>, vector<16xf32>,
    tpu.vector_store %arg8[%swap3A_382], %mul3A_381 {strides = array<i32>} : memref<288xf32, #tpu.memory_space<vmem>>, vector<16xf32>,
    %div3A_384 = arith.divf %gather3A_228, %select_n3A_369 : vector<16xf32>
    %mul3A_385 = arith.constant 4.160000e+02 : f32
    %mul3A_386 = vector.broadcast %mul3A_385 : f32 to vector<16xf32>
    %mul3A_387 = arith.mulf %div3A_384, %mul3A_386 : vector<16xf32>
    %swap3A_388 = arith.constant 160 : index
    %swap3A_389 = tpu.vector_load %arg8[%swap3A_388] {strides = array<i32>} : memref<288xf32, #tpu.memory_space<vmem>>, vector<16xf32>,
    tpu.vector_store %arg8[%swap3A_388], %mul3A_387 {strides = array<i32>} : memref<288xf32, #tpu.memory_space<vmem>>, vector<16xf32>,
    %convert_element_type3A_390 = arith.fptosi %gather3A_235 : vector<16xf32> to vector<16xi32>
    %convert_element_type3A_391 = arith.sitofp %convert_element_type3A_390 : vector<16xi32> to vector<16xf32>
    %swap3A_392 = arith.constant 208 : index
    %swap3A_393 = tpu.vector_load %arg8[%swap3A_392] {strides = array<i32>} : memref<288xf32, #tpu.memory_space<vmem>>, vector<16xf32>,
    tpu.vector_store %arg8[%swap3A_392], %convert_element_type3A_391 {strides = array<i32>} : memref<288xf32, #tpu.memory_space<vmem>>, vector<16xf32>,
    %add3A_394 = arith.constant 32 : i32
    %add3A_395 = vector.broadcast %add3A_394 : i32 to vector<16xi32>
    %add3A_396 = arith.addi %iota3A, %add3A_395 : vector<16xi32>
    %lt3A_397 = arith.constant 40 : i32
    %lt3A_398 = vector.broadcast %lt3A_397 : i32 to vector<16xi32>
    %lt3A_399 = arith.cmpi slt, %add3A_396, %lt3A_398 : vector<16xi32>
    %jit3A_400 = arith.constant 0 : i32
    %broadcast_in_dim3A_401 = vector.broadcast %jit3A_400 : i32 to vector<16xi32>
    %select_n3A_402 = arith.select %lt3A_399, %add3A_396, %broadcast_in_dim3A_401 : vector<16xi1>, vector<16xi32>
    %mul3A_403 = arith.constant 5 : i32
    %mul3A_404 = vector.broadcast %mul3A_403 : i32 to vector<16xi32>
    %mul3A_405 = arith.muli %select_n3A_402, %mul3A_404 : vector<16xi32>
    %add3A_406 = arith.constant 0 : i32
    %add3A_407 = vector.broadcast %add3A_406 : i32 to vector<16xi32>
    %add3A_408 = arith.addi %mul3A_405, %add3A_407 : vector<16xi32>
    %gather3A_409 = tpu.vector_load_idx %arg5[%add3A_408] : memref<200xf32, #tpu.memory_space<vmem>>[vector<16xi32>], vector<16xf32>,
    %mul3A_410 = arith.constant 5 : i32
    %mul3A_411 = vector.broadcast %mul3A_410 : i32 to vector<16xi32>
    %mul3A_412 = arith.muli %select_n3A_402, %mul3A_411 : vector<16xi32>
    %add3A_413 = arith.constant 1 : i32
    %add3A_414 = vector.broadcast %add3A_413 : i32 to vector<16xi32>
    %add3A_415 = arith.addi %mul3A_412, %add3A_414 : vector<16xi32>
    %gather3A_416 = tpu.vector_load_idx %arg5[%add3A_415] : memref<200xf32, #tpu.memory_space<vmem>>[vector<16xi32>], vector<16xf32>,
    %mul3A_417 = arith.constant 5 : i32
    %mul3A_418 = vector.broadcast %mul3A_417 : i32 to vector<16xi32>
    %mul3A_419 = arith.muli %select_n3A_402, %mul3A_418 : vector<16xi32>
    %add3A_420 = arith.constant 2 : i32
    %add3A_421 = vector.broadcast %add3A_420 : i32 to vector<16xi32>
    %add3A_422 = arith.addi %mul3A_419, %add3A_421 : vector<16xi32>
    %gather3A_423 = tpu.vector_load_idx %arg5[%add3A_422] : memref<200xf32, #tpu.memory_space<vmem>>[vector<16xi32>], vector<16xf32>,
    %mul3A_424 = arith.constant 5 : i32
    %mul3A_425 = vector.broadcast %mul3A_424 : i32 to vector<16xi32>
    %mul3A_426 = arith.muli %select_n3A_402, %mul3A_425 : vector<16xi32>
    %add3A_427 = arith.constant 3 : i32
    %add3A_428 = vector.broadcast %add3A_427 : i32 to vector<16xi32>
    %add3A_429 = arith.addi %mul3A_426, %add3A_428 : vector<16xi32>
    %gather3A_430 = tpu.vector_load_idx %arg5[%add3A_429] : memref<200xf32, #tpu.memory_space<vmem>>[vector<16xi32>], vector<16xf32>,
    %mul3A_431 = arith.constant 5 : i32
    %mul3A_432 = vector.broadcast %mul3A_431 : i32 to vector<16xi32>
    %mul3A_433 = arith.muli %select_n3A_402, %mul3A_432 : vector<16xi32>
    %add3A_434 = arith.constant 4 : i32
    %add3A_435 = vector.broadcast %add3A_434 : i32 to vector<16xi32>
    %add3A_436 = arith.addi %mul3A_433, %add3A_435 : vector<16xi32>
    %gather3A_437 = tpu.vector_load_idx %arg5[%add3A_436] : memref<200xf32, #tpu.memory_space<vmem>>[vector<16xi32>], vector<16xf32>,
    %broadcast_in_dim3A_438 = arith.constant 0 : i32
    %broadcast_in_dim3A_439 = vector.broadcast %broadcast_in_dim3A_438 : i32 to vector<16xi32>
    %broadcast_in_dim3A_440 = arith.constant -1.000000e+00 : f32
    %broadcast_in_dim3A_441 = vector.broadcast %broadcast_in_dim3A_440 : f32 to vector<16xf32>
    %min3A_442 = arith.constant 0.024038462 : f32
    %min3A_443 = vector.broadcast %min3A_442 : f32 to vector<16xf32>
    %min3A_444 = arith.minimumf %gather3A_423, %min3A_443 : vector<16xf32>
    %min3A_445 = arith.constant 3.125000e-02 : f32
    %min3A_446 = vector.broadcast %min3A_445 : f32 to vector<16xf32>
    %min3A_447 = arith.minimumf %gather3A_430, %min3A_446 : vector<16xf32>
    %mul3A_448 = arith.mulf %min3A_444, %min3A_447 : vector<16xf32>
    %mul3A_449 = arith.mulf %gather3A_423, %gather3A_430 : vector<16xf32>
    %add3A_450 = arith.constant 7.51201937E-4 : f32
    %add3A_451 = vector.broadcast %add3A_450 : f32 to vector<16xf32>
    %add3A_452 = arith.addf %mul3A_449, %add3A_451 : vector<16xf32>
    %sub3A_453 = arith.subf %add3A_452, %mul3A_448 : vector<16xf32>
    %add3A_454 = arith.constant 1.000000e-16 : f32
    %add3A_455 = vector.broadcast %add3A_454 : f32 to vector<16xf32>
    %add3A_456 = arith.addf %sub3A_453, %add3A_455 : vector<16xf32>
    %div3A_457 = arith.divf %mul3A_448, %add3A_456 : vector<16xf32>
    %gt3A_458 = arith.cmpf ogt, %div3A_457, %broadcast_in_dim3A_441 : vector<16xf32>
    %broadcast_in_dim3A_459 = arith.constant 0 : i32
    %broadcast_in_dim3A_460 = vector.broadcast %broadcast_in_dim3A_459 : i32 to vector<16xi32>
    %select_n3A_461 = arith.select %gt3A_458, %broadcast_in_dim3A_460, %broadcast_in_dim3A_439 : vector<16xi1>, vector<16xi32>
    %select_n3A_462 = arith.select %gt3A_458, %div3A_457, %broadcast_in_dim3A_441 : vector<16xi1>, vector<16xf32>
    %min3A_463 = arith.constant 0.0384615399 : f32
    %min3A_464 = vector.broadcast %min3A_463 : f32 to vector<16xf32>
    %min3A_465 = arith.minimumf %gather3A_423, %min3A_464 : vector<16xf32>
    %min3A_466 = arith.constant 0.072115384 : f32
    %min3A_467 = vector.broadcast %min3A_466 : f32 to vector<16xf32>
    %min3A_468 = arith.minimumf %gather3A_430, %min3A_467 : vector<16xf32>
    %mul3A_469 = arith.mulf %min3A_465, %min3A_468 : vector<16xf32>
    %mul3A_470 = arith.mulf %gather3A_423, %gather3A_430 : vector<16xf32>
    %add3A_471 = arith.constant 0.00277366862 : f32
    %add3A_472 = vector.broadcast %add3A_471 : f32 to vector<16xf32>
    %add3A_473 = arith.addf %mul3A_470, %add3A_472 : vector<16xf32>
    %sub3A_474 = arith.subf %add3A_473, %mul3A_469 : vector<16xf32>
    %add3A_475 = arith.constant 1.000000e-16 : f32
    %add3A_476 = vector.broadcast %add3A_475 : f32 to vector<16xf32>
    %add3A_477 = arith.addf %sub3A_474, %add3A_476 : vector<16xf32>
    %div3A_478 = arith.divf %mul3A_469, %add3A_477 : vector<16xf32>
    %gt3A_479 = arith.cmpf ogt, %div3A_478, %select_n3A_462 : vector<16xf32>
    %broadcast_in_dim3A_480 = arith.constant 1 : i32
    %broadcast_in_dim3A_481 = vector.broadcast %broadcast_in_dim3A_480 : i32 to vector<16xi32>
    %select_n3A_482 = arith.select %gt3A_479, %broadcast_in_dim3A_481, %select_n3A_461 : vector<16xi1>, vector<16xi32>
    %select_n3A_483 = arith.select %gt3A_479, %div3A_478, %select_n3A_462 : vector<16xi1>, vector<16xf32>
    %min3A_484 = arith.constant 0.0793269202 : f32
    %min3A_485 = vector.broadcast %min3A_484 : f32 to vector<16xf32>
    %min3A_486 = arith.minimumf %gather3A_423, %min3A_485 : vector<16xf32>
    %min3A_487 = arith.constant 0.0552884601 : f32
    %min3A_488 = vector.broadcast %min3A_487 : f32 to vector<16xf32>
    %min3A_489 = arith.minimumf %gather3A_430, %min3A_488 : vector<16xf32>
    %mul3A_490 = arith.mulf %min3A_486, %min3A_489 : vector<16xf32>
    %mul3A_491 = arith.mulf %gather3A_423, %gather3A_430 : vector<16xf32>
    %add3A_492 = arith.constant 0.00438586343 : f32
    %add3A_493 = vector.broadcast %add3A_492 : f32 to vector<16xf32>
    %add3A_494 = arith.addf %mul3A_491, %add3A_493 : vector<16xf32>
    %sub3A_495 = arith.subf %add3A_494, %mul3A_490 : vector<16xf32>
    %add3A_496 = arith.constant 1.000000e-16 : f32
    %add3A_497 = vector.broadcast %add3A_496 : f32 to vector<16xf32>
    %add3A_498 = arith.addf %sub3A_495, %add3A_497 : vector<16xf32>
    %div3A_499 = arith.divf %mul3A_490, %add3A_498 : vector<16xf32>
    %gt3A_500 = arith.cmpf ogt, %div3A_499, %select_n3A_483 : vector<16xf32>
    %broadcast_in_dim3A_501 = arith.constant 2 : i32
    %broadcast_in_dim3A_502 = vector.broadcast %broadcast_in_dim3A_501 : i32 to vector<16xi32>
    %select_n3A_503 = arith.select %gt3A_500, %broadcast_in_dim3A_502, %select_n3A_482 : vector<16xi1>, vector<16xi32>
    %select_n3A_504 = arith.select %gt3A_500, %div3A_499, %select_n3A_483 : vector<16xi1>, vector<16xf32>
    %mul3A_505 = arith.constant 5.200000e+01 : f32
    %mul3A_506 = vector.broadcast %mul3A_505 : f32 to vector<16xf32>
    %mul3A_507 = arith.mulf %gather3A_409, %mul3A_506 : vector<16xf32>
    %mul3A_508 = arith.constant 5.200000e+01 : f32
    %mul3A_509 = vector.broadcast %mul3A_508 : f32 to vector<16xf32>
    %mul3A_510 = arith.mulf %gather3A_416, %mul3A_509 : vector<16xf32>
    %convert_element_type3A_511 = arith.fptosi %mul3A_507 : vector<16xf32> to vector<16xi32>
    %convert_element_type3A_512 = arith.fptosi %mul3A_510 : vector<16xf32> to vector<16xi32>
    %mul3A_513 = arith.constant 52 : i32
    %mul3A_514 = vector.broadcast %mul3A_513 : i32 to vector<16xi32>
    %mul3A_515 = arith.muli %convert_element_type3A_512, %mul3A_514 : vector<16xi32>
    %add3A_516 = arith.addi %mul3A_515, %convert_element_type3A_511 : vector<16xi32>
    %ge3A_517 = arith.constant 20 : i32
    %ge3A_518 = vector.broadcast %ge3A_517 : i32 to vector<16xi32>
    %ge3A_519 = arith.cmpi sge, %add3A_396, %ge3A_518 : vector<16xi32>
    %convert_element_type3A_520 = arith.extui %ge3A_519 : vector<16xi1> to vector<16xi32>
    %mul3A_521 = arith.constant 2 : i32
    %mul3A_522 = arith.muli %add3A, %mul3A_521 : i32
    %add3A_523 = vector.broadcast %mul3A_522 : i32 to vector<16xi32>
    %add3A_524 = arith.addi %add3A_523, %convert_element_type3A_520 : vector<16xi32>
    %mul3A_525 = arith.constant 255 : i32
    %mul3A_526 = vector.broadcast %mul3A_525 : i32 to vector<16xi32>
    %mul3A_527 = arith.muli %add3A_524, %mul3A_526 : vector<16xi32>
    %mul3A_528 = arith.constant 85 : i32
    %mul3A_529 = vector.broadcast %mul3A_528 : i32 to vector<16xi32>
    %mul3A_530 = arith.muli %select_n3A_503, %mul3A_529 : vector<16xi32>
    %add3A_531 = arith.addi %mul3A_527, %mul3A_530 : vector<16xi32>
    %mul3A_532 = arith.constant 2704 : i32
    %mul3A_533 = vector.broadcast %mul3A_532 : i32 to vector<16xi32>
    %mul3A_534 = arith.muli %add3A_531, %mul3A_533 : vector<16xi32>
    %add3A_535 = arith.addi %mul3A_534, %add3A_516 : vector<16xi32>
    %swap3A_536 = arith.constant 32 : index
    %swap3A_537 = tpu.vector_load %arg6[%swap3A_536] {strides = array<i32>} : memref<48xi32, #tpu.memory_space<vmem>>, vector<16xi32>,
    tpu.vector_store %arg6[%swap3A_536], %add3A_535 {strides = array<i32>} : memref<48xi32, #tpu.memory_space<vmem>>, vector<16xi32>,
    %mul3A_538 = arith.constant 2704 : i32
    %mul3A_539 = vector.broadcast %mul3A_538 : i32 to vector<16xi32>
    %mul3A_540 = arith.muli %select_n3A_503, %mul3A_539 : vector<16xi32>
    %add3A_541 = arith.addi %mul3A_540, %add3A_516 : vector<16xi32>
    %swap3A_542 = arith.constant 32 : index
    %swap3A_543 = tpu.vector_load %arg7[%swap3A_542] {strides = array<i32>} : memref<48xi32, #tpu.memory_space<vmem>>, vector<16xi32>,
    tpu.vector_store %arg7[%swap3A_542], %add3A_541 {strides = array<i32>} : memref<48xi32, #tpu.memory_space<vmem>>, vector<16xi32>,
    %eq3A_544 = arith.constant 0 : i32
    %eq3A_545 = vector.broadcast %eq3A_544 : i32 to vector<16xi32>
    %eq3A_546 = arith.cmpi eq, %select_n3A_503, %eq3A_545 : vector<16xi32>
    %eq3A_547 = arith.constant 1 : i32
    %eq3A_548 = vector.broadcast %eq3A_547 : i32 to vector<16xi32>
    %eq3A_549 = arith.cmpi eq, %select_n3A_503, %eq3A_548 : vector<16xi32>
    %jit3A_550 = arith.constant 1.600000e+01 : f32
    %jit3A_551 = arith.constant 3.300000e+01 : f32
    %broadcast_in_dim3A_552 = vector.broadcast %jit3A_550 : f32 to vector<16xf32>
    %broadcast_in_dim3A_553 = vector.broadcast %jit3A_551 : f32 to vector<16xf32>
    %select_n3A_554 = arith.select %eq3A_549, %broadcast_in_dim3A_552, %broadcast_in_dim3A_553 : vector<16xi1>, vector<16xf32>
    %jit3A_555 = arith.constant 1.000000e+01 : f32
    %broadcast_in_dim3A_556 = vector.broadcast %jit3A_555 : f32 to vector<16xf32>
    %select_n3A_557 = arith.select %eq3A_546, %broadcast_in_dim3A_556, %select_n3A_554 : vector<16xi1>, vector<16xf32>
    %eq3A_558 = arith.constant 0 : i32
    %eq3A_559 = vector.broadcast %eq3A_558 : i32 to vector<16xi32>
    %eq3A_560 = arith.cmpi eq, %select_n3A_503, %eq3A_559 : vector<16xi32>
    %eq3A_561 = arith.constant 1 : i32
    %eq3A_562 = vector.broadcast %eq3A_561 : i32 to vector<16xi32>
    %eq3A_563 = arith.cmpi eq, %select_n3A_503, %eq3A_562 : vector<16xi32>
    %jit3A_564 = arith.constant 3.000000e+01 : f32
    %jit3A_565 = arith.constant 2.300000e+01 : f32
    %broadcast_in_dim3A_566 = vector.broadcast %jit3A_564 : f32 to vector<16xf32>
    %broadcast_in_dim3A_567 = vector.broadcast %jit3A_565 : f32 to vector<16xf32>
    %select_n3A_568 = arith.select %eq3A_563, %broadcast_in_dim3A_566, %broadcast_in_dim3A_567 : vector<16xi1>, vector<16xf32>
    %jit3A_569 = arith.constant 1.300000e+01 : f32
    %broadcast_in_dim3A_570 = vector.broadcast %jit3A_569 : f32 to vector<16xf32>
    %select_n3A_571 = arith.select %eq3A_560, %broadcast_in_dim3A_570, %select_n3A_568 : vector<16xi1>, vector<16xf32>
    %convert_element_type3A_572 = arith.sitofp %convert_element_type3A_511 : vector<16xi32> to vector<16xf32>
    %sub3A_573 = arith.subf %mul3A_507, %convert_element_type3A_572 : vector<16xf32>
    %swap3A_574 = arith.constant 32 : index
    %swap3A_575 = tpu.vector_load %arg8[%swap3A_574] {strides = array<i32>} : memref<288xf32, #tpu.memory_space<vmem>>, vector<16xf32>,
    tpu.vector_store %arg8[%swap3A_574], %sub3A_573 {strides = array<i32>} : memref<288xf32, #tpu.memory_space<vmem>>, vector<16xf32>,
    %convert_element_type3A_576 = arith.sitofp %convert_element_type3A_512 : vector<16xi32> to vector<16xf32>
    %sub3A_577 = arith.subf %mul3A_510, %convert_element_type3A_576 : vector<16xf32>
    %swap3A_578 = arith.constant 80 : index
    %swap3A_579 = tpu.vector_load %arg8[%swap3A_578] {strides = array<i32>} : memref<288xf32, #tpu.memory_space<vmem>>, vector<16xf32>,
    tpu.vector_store %arg8[%swap3A_578], %sub3A_577 {strides = array<i32>} : memref<288xf32, #tpu.memory_space<vmem>>, vector<16xf32>,
    %div3A_580 = arith.divf %gather3A_423, %select_n3A_557 : vector<16xf32>
    %mul3A_581 = arith.constant 4.160000e+02 : f32
    %mul3A_582 = vector.broadcast %mul3A_581 : f32 to vector<16xf32>
    %mul3A_583 = arith.mulf %div3A_580, %mul3A_582 : vector<16xf32>
    %swap3A_584 = arith.constant 128 : index
    %swap3A_585 = tpu.vector_load %arg8[%swap3A_584] {strides = array<i32>} : memref<288xf32, #tpu.memory_space<vmem>>, vector<16xf32>,
    tpu.vector_store %arg8[%swap3A_584], %mul3A_583 {strides = array<i32>} : memref<288xf32, #tpu.memory_space<vmem>>, vector<16xf32>,
    %div3A_586 = arith.divf %gather3A_430, %select_n3A_571 : vector<16xf32>
    %mul3A_587 = arith.constant 4.160000e+02 : f32
    %mul3A_588 = vector.broadcast %mul3A_587 : f32 to vector<16xf32>
    %mul3A_589 = arith.mulf %div3A_586, %mul3A_588 : vector<16xf32>
    %swap3A_590 = arith.constant 176 : index
    %swap3A_591 = tpu.vector_load %arg8[%swap3A_590] {strides = array<i32>} : memref<288xf32, #tpu.memory_space<vmem>>, vector<16xf32>,
    tpu.vector_store %arg8[%swap3A_590], %mul3A_589 {strides = array<i32>} : memref<288xf32, #tpu.memory_space<vmem>>, vector<16xf32>,
    %convert_element_type3A_592 = arith.fptosi %gather3A_437 : vector<16xf32> to vector<16xi32>
    %convert_element_type3A_593 = arith.sitofp %convert_element_type3A_592 : vector<16xi32> to vector<16xf32>
    %swap3A_594 = arith.constant 224 : index
    %swap3A_595 = tpu.vector_load %arg8[%swap3A_594] {strides = array<i32>} : memref<288xf32, #tpu.memory_space<vmem>>, vector<16xf32>,
    tpu.vector_store %arg8[%swap3A_594], %convert_element_type3A_593 {strides = array<i32>} : memref<288xf32, #tpu.memory_space<vmem>>, vector<16xf32>,
    %add3A_596 = arith.constant 0 : i32
    %add3A_597 = vector.broadcast %add3A_596 : i32 to vector<16xi32>
    %add3A_598 = arith.addi %iota3A, %add3A_597 : vector<16xi32>
    %min3A_599 = arith.constant 84 : i32
    %min3A_600 = vector.broadcast %min3A_599 : i32 to vector<16xi32>
    %min3A_601 = arith.minsi %add3A_598, %min3A_600 : vector<16xi32>
    %mul3A_602 = arith.constant 2704 : i32
    %mul3A_603 = vector.broadcast %mul3A_602 : i32 to vector<16xi32>
    %mul3A_604 = arith.muli %min3A_601, %mul3A_603 : vector<16xi32>
    %add3A_605 = arith.constant 16 : i32
    %add3A_606 = vector.broadcast %add3A_605 : i32 to vector<16xi32>
    %add3A_607 = arith.addi %iota3A, %add3A_606 : vector<16xi32>
    %min3A_608 = arith.constant 84 : i32
    %min3A_609 = vector.broadcast %min3A_608 : i32 to vector<16xi32>
    %min3A_610 = arith.minsi %add3A_607, %min3A_609 : vector<16xi32>
    %mul3A_611 = arith.constant 2704 : i32
    %mul3A_612 = vector.broadcast %mul3A_611 : i32 to vector<16xi32>
    %mul3A_613 = arith.muli %min3A_610, %mul3A_612 : vector<16xi32>
    %add3A_614 = arith.constant 32 : i32
    %add3A_615 = vector.broadcast %add3A_614 : i32 to vector<16xi32>
    %add3A_616 = arith.addi %iota3A, %add3A_615 : vector<16xi32>
    %min3A_617 = arith.constant 84 : i32
    %min3A_618 = vector.broadcast %min3A_617 : i32 to vector<16xi32>
    %min3A_619 = arith.minsi %add3A_616, %min3A_618 : vector<16xi32>
    %mul3A_620 = arith.constant 2704 : i32
    %mul3A_621 = vector.broadcast %mul3A_620 : i32 to vector<16xi32>
    %mul3A_622 = arith.muli %min3A_619, %mul3A_621 : vector<16xi32>
    %add3A_623 = arith.constant 48 : i32
    %add3A_624 = vector.broadcast %add3A_623 : i32 to vector<16xi32>
    %add3A_625 = arith.addi %iota3A, %add3A_624 : vector<16xi32>
    %min3A_626 = arith.constant 84 : i32
    %min3A_627 = vector.broadcast %min3A_626 : i32 to vector<16xi32>
    %min3A_628 = arith.minsi %add3A_625, %min3A_627 : vector<16xi32>
    %mul3A_629 = arith.constant 2704 : i32
    %mul3A_630 = vector.broadcast %mul3A_629 : i32 to vector<16xi32>
    %mul3A_631 = arith.muli %min3A_628, %mul3A_630 : vector<16xi32>
    %add3A_632 = arith.constant 64 : i32
    %add3A_633 = vector.broadcast %add3A_632 : i32 to vector<16xi32>
    %add3A_634 = arith.addi %iota3A, %add3A_633 : vector<16xi32>
    %min3A_635 = arith.constant 84 : i32
    %min3A_636 = vector.broadcast %min3A_635 : i32 to vector<16xi32>
    %min3A_637 = arith.minsi %add3A_634, %min3A_636 : vector<16xi32>
    %mul3A_638 = arith.constant 2704 : i32
    %mul3A_639 = vector.broadcast %mul3A_638 : i32 to vector<16xi32>
    %mul3A_640 = arith.muli %min3A_637, %mul3A_639 : vector<16xi32>
    %add3A_641 = arith.constant 80 : i32
    %add3A_642 = vector.broadcast %add3A_641 : i32 to vector<16xi32>
    %add3A_643 = arith.addi %iota3A, %add3A_642 : vector<16xi32>
    %min3A_644 = arith.constant 84 : i32
    %min3A_645 = vector.broadcast %min3A_644 : i32 to vector<16xi32>
    %min3A_646 = arith.minsi %add3A_643, %min3A_645 : vector<16xi32>
    %mul3A_647 = arith.constant 2704 : i32
    %mul3A_648 = vector.broadcast %mul3A_647 : i32 to vector<16xi32>
    %mul3A_649 = arith.muli %min3A_646, %mul3A_648 : vector<16xi32>
    %add3A_650 = arith.constant 0 : i32
    %add3A_651 = vector.broadcast %add3A_650 : i32 to vector<16xi32>
    %add3A_652 = arith.addi %iota3A, %add3A_651 : vector<16xi32>
    %lt3A_653 = arith.constant 85 : i32
    %lt3A_654 = vector.broadcast %lt3A_653 : i32 to vector<16xi32>
    %lt3A_655 = arith.cmpi slt, %add3A_652, %lt3A_654 : vector<16xi32>
    %add3A_656 = arith.constant 16 : i32
    %add3A_657 = vector.broadcast %add3A_656 : i32 to vector<16xi32>
    %add3A_658 = arith.addi %iota3A, %add3A_657 : vector<16xi32>
    %lt3A_659 = arith.constant 85 : i32
    %lt3A_660 = vector.broadcast %lt3A_659 : i32 to vector<16xi32>
    %lt3A_661 = arith.cmpi slt, %add3A_658, %lt3A_660 : vector<16xi32>
    %add3A_662 = arith.constant 32 : i32
    %add3A_663 = vector.broadcast %add3A_662 : i32 to vector<16xi32>
    %add3A_664 = arith.addi %iota3A, %add3A_663 : vector<16xi32>
    %lt3A_665 = arith.constant 85 : i32
    %lt3A_666 = vector.broadcast %lt3A_665 : i32 to vector<16xi32>
    %lt3A_667 = arith.cmpi slt, %add3A_664, %lt3A_666 : vector<16xi32>
    %add3A_668 = arith.constant 48 : i32
    %add3A_669 = vector.broadcast %add3A_668 : i32 to vector<16xi32>
    %add3A_670 = arith.addi %iota3A, %add3A_669 : vector<16xi32>
    %lt3A_671 = arith.constant 85 : i32
    %lt3A_672 = vector.broadcast %lt3A_671 : i32 to vector<16xi32>
    %lt3A_673 = arith.cmpi slt, %add3A_670, %lt3A_672 : vector<16xi32>
    %add3A_674 = arith.constant 64 : i32
    %add3A_675 = vector.broadcast %add3A_674 : i32 to vector<16xi32>
    %add3A_676 = arith.addi %iota3A, %add3A_675 : vector<16xi32>
    %lt3A_677 = arith.constant 85 : i32
    %lt3A_678 = vector.broadcast %lt3A_677 : i32 to vector<16xi32>
    %lt3A_679 = arith.cmpi slt, %add3A_676, %lt3A_678 : vector<16xi32>
    %add3A_680 = arith.constant 80 : i32
    %add3A_681 = vector.broadcast %add3A_680 : i32 to vector<16xi32>
    %add3A_682 = arith.addi %iota3A, %add3A_681 : vector<16xi32>
    %lt3A_683 = arith.constant 85 : i32
    %lt3A_684 = vector.broadcast %lt3A_683 : i32 to vector<16xi32>
    %lt3A_685 = arith.cmpi slt, %add3A_682, %lt3A_684 : vector<16xi32>
    %scan3A = arith.constant 0 : i32
    %scan3A_686 = arith.constant 0 : i32
    %scan3A_687 = arith.constant 8 : i32
    %scan3A_688 = arith.addi %scan3A_686, %scan3A_687 : i32
    %scan3A_689 = arith.constant 1 : i32
    %scan3A_690 = scf.for %scan3A_2971 = %scan3A_686 to %scan3A_688 step %scan3A_689 iter_args(%scan3A_2972 = %scan3A) -> (i32)  : i32 {
      %broadcast_in_dim3A_2973 = arith.constant 0 : i32
      %broadcast_in_dim3A_2974 = vector.broadcast %broadcast_in_dim3A_2973 : i32 to vector<16xi32>
      %add3A_2975 = vector.broadcast %scan3A_2971 : i32 to vector<16xi32>
      %add3A_2976 = arith.addi %broadcast_in_dim3A_2974, %add3A_2975 : vector<16xi32>
      %gather3A_2977 = tpu.vector_load_idx %arg6[%add3A_2976] : memref<48xi32, #tpu.memory_space<vmem>>[vector<16xi32>], vector<16xi32>,
      %add3A_2978 = arith.addi %gather3A_2977, %mul3A_604 : vector<16xi32>
      %shift_right_arithmetic3A = arith.constant 7 : i32
      %shift_right_arithmetic3A_2979 = vector.broadcast %shift_right_arithmetic3A : i32 to vector<16xi32>
      %shift_right_arithmetic3A_2980 = arith.shrsi %add3A_2978, %shift_right_arithmetic3A_2979 : vector<16xi32>
      %mul3A_2981 = arith.constant 96 : i32
      %mul3A_2982 = arith.muli %scan3A_2971, %mul3A_2981 : i32
      %add3A_2983 = arith.constant 0 : i32
      %add3A_2984 = arith.addi %mul3A_2982, %add3A_2983 : i32
      %swap3A_2985 = arith.index_cast %add3A_2984 : i32 to index
      %swap3A_2986 = tpu.vector_load %arg9[%swap3A_2985] {strides = array<i32>} : memref<768xi32, #tpu.memory_space<vmem>>, vector<16xi32>,
      tpu.vector_store %arg9[%swap3A_2985], %shift_right_arithmetic3A_2980 {strides = array<i32>} : memref<768xi32, #tpu.memory_space<vmem>>, vector<16xi32>,
      %add3A_2987 = arith.addi %gather3A_2977, %mul3A_613 : vector<16xi32>
      %shift_right_arithmetic3A_2988 = arith.constant 7 : i32
      %shift_right_arithmetic3A_2989 = vector.broadcast %shift_right_arithmetic3A_2988 : i32 to vector<16xi32>
      %shift_right_arithmetic3A_2990 = arith.shrsi %add3A_2987, %shift_right_arithmetic3A_2989 : vector<16xi32>
      %mul3A_2991 = arith.constant 96 : i32
      %mul3A_2992 = arith.muli %scan3A_2971, %mul3A_2991 : i32
      %add3A_2993 = arith.constant 16 : i32
      %add3A_2994 = arith.addi %mul3A_2992, %add3A_2993 : i32
      %swap3A_2995 = arith.index_cast %add3A_2994 : i32 to index
      %swap3A_2996 = tpu.vector_load %arg9[%swap3A_2995] {strides = array<i32>} : memref<768xi32, #tpu.memory_space<vmem>>, vector<16xi32>,
      tpu.vector_store %arg9[%swap3A_2995], %shift_right_arithmetic3A_2990 {strides = array<i32>} : memref<768xi32, #tpu.memory_space<vmem>>, vector<16xi32>,
      %add3A_2997 = arith.addi %gather3A_2977, %mul3A_622 : vector<16xi32>
      %shift_right_arithmetic3A_2998 = arith.constant 7 : i32
      %shift_right_arithmetic3A_2999 = vector.broadcast %shift_right_arithmetic3A_2998 : i32 to vector<16xi32>
      %shift_right_arithmetic3A_3000 = arith.shrsi %add3A_2997, %shift_right_arithmetic3A_2999 : vector<16xi32>
      %mul3A_3001 = arith.constant 96 : i32
      %mul3A_3002 = arith.muli %scan3A_2971, %mul3A_3001 : i32
      %add3A_3003 = arith.constant 32 : i32
      %add3A_3004 = arith.addi %mul3A_3002, %add3A_3003 : i32
      %swap3A_3005 = arith.index_cast %add3A_3004 : i32 to index
      %swap3A_3006 = tpu.vector_load %arg9[%swap3A_3005] {strides = array<i32>} : memref<768xi32, #tpu.memory_space<vmem>>, vector<16xi32>,
      tpu.vector_store %arg9[%swap3A_3005], %shift_right_arithmetic3A_3000 {strides = array<i32>} : memref<768xi32, #tpu.memory_space<vmem>>, vector<16xi32>,
      %add3A_3007 = arith.addi %gather3A_2977, %mul3A_631 : vector<16xi32>
      %shift_right_arithmetic3A_3008 = arith.constant 7 : i32
      %shift_right_arithmetic3A_3009 = vector.broadcast %shift_right_arithmetic3A_3008 : i32 to vector<16xi32>
      %shift_right_arithmetic3A_3010 = arith.shrsi %add3A_3007, %shift_right_arithmetic3A_3009 : vector<16xi32>
      %mul3A_3011 = arith.constant 96 : i32
      %mul3A_3012 = arith.muli %scan3A_2971, %mul3A_3011 : i32
      %add3A_3013 = arith.constant 48 : i32
      %add3A_3014 = arith.addi %mul3A_3012, %add3A_3013 : i32
      %swap3A_3015 = arith.index_cast %add3A_3014 : i32 to index
      %swap3A_3016 = tpu.vector_load %arg9[%swap3A_3015] {strides = array<i32>} : memref<768xi32, #tpu.memory_space<vmem>>, vector<16xi32>,
      tpu.vector_store %arg9[%swap3A_3015], %shift_right_arithmetic3A_3010 {strides = array<i32>} : memref<768xi32, #tpu.memory_space<vmem>>, vector<16xi32>,
      %add3A_3017 = arith.addi %gather3A_2977, %mul3A_640 : vector<16xi32>
      %shift_right_arithmetic3A_3018 = arith.constant 7 : i32
      %shift_right_arithmetic3A_3019 = vector.broadcast %shift_right_arithmetic3A_3018 : i32 to vector<16xi32>
      %shift_right_arithmetic3A_3020 = arith.shrsi %add3A_3017, %shift_right_arithmetic3A_3019 : vector<16xi32>
      %mul3A_3021 = arith.constant 96 : i32
      %mul3A_3022 = arith.muli %scan3A_2971, %mul3A_3021 : i32
      %add3A_3023 = arith.constant 64 : i32
      %add3A_3024 = arith.addi %mul3A_3022, %add3A_3023 : i32
      %swap3A_3025 = arith.index_cast %add3A_3024 : i32 to index
      %swap3A_3026 = tpu.vector_load %arg9[%swap3A_3025] {strides = array<i32>} : memref<768xi32, #tpu.memory_space<vmem>>, vector<16xi32>,
      tpu.vector_store %arg9[%swap3A_3025], %shift_right_arithmetic3A_3020 {strides = array<i32>} : memref<768xi32, #tpu.memory_space<vmem>>, vector<16xi32>,
      %add3A_3027 = arith.addi %gather3A_2977, %mul3A_649 : vector<16xi32>
      %shift_right_arithmetic3A_3028 = arith.constant 7 : i32
      %shift_right_arithmetic3A_3029 = vector.broadcast %shift_right_arithmetic3A_3028 : i32 to vector<16xi32>
      %shift_right_arithmetic3A_3030 = arith.shrsi %add3A_3027, %shift_right_arithmetic3A_3029 : vector<16xi32>
      %mul3A_3031 = arith.constant 96 : i32
      %mul3A_3032 = arith.muli %scan3A_2971, %mul3A_3031 : i32
      %add3A_3033 = arith.constant 80 : i32
      %add3A_3034 = arith.addi %mul3A_3032, %add3A_3033 : i32
      %swap3A_3035 = arith.index_cast %add3A_3034 : i32 to index
      %swap3A_3036 = tpu.vector_load %arg9[%swap3A_3035] {strides = array<i32>} : memref<768xi32, #tpu.memory_space<vmem>>, vector<16xi32>,
      tpu.vector_store %arg9[%swap3A_3035], %shift_right_arithmetic3A_3030 {strides = array<i32>} : memref<768xi32, #tpu.memory_space<vmem>>, vector<16xi32>,
      %scan3A_3037 = arith.constant 0 : i32
      scf.yield %scan3A_3037 : i32
    }
    %scan3A_691 = arith.constant 8 : i32
    %dma_start3A = arith.constant 0 : i32
    %dma_start3A_692 = arith.constant 0 : i32
    %dma_start3A_693 = tpu.memref_slice %arg10[%dma_start3A, %dma_start3A_692] : memref<768x128xf32, #tpu.memory_space<vmem>> -> memref<128x128xf32, #tpu.memory_space<vmem>>
    %dma_start3A_694 = arith.constant 0 : i32
    %dma_start3A_695 = tpu.memref_slice %arg9[%dma_start3A_694] : memref<768xi32, #tpu.memory_space<vmem>> -> memref<128xi32, #tpu.memory_space<vmem>>
    %dma_start3A_696 = arith.constant 0 : i32
    %dma_start3A_697 = arith.constant 0 : i32
    %dma_start3A_698 = tpu.memref_slice %arg2[%dma_start3A_696, %dma_start3A_697] : memref<344760x128xf32, #tpu.memory_space<hbm>> -> memref<344760x128xf32, #tpu.memory_space<hbm>>
    tpu.enqueue_indirect_dma source(%dma_start3A_698 : memref<344760x128xf32, #tpu.memory_space<hbm>>) target(%dma_start3A_693 : memref<128x128xf32, #tpu.memory_space<vmem>>) offsets(%dma_start3A_695 : memref<128xi32, #tpu.memory_space<vmem>>) semaphore(%arg12 : memref<!tpu.dma_semaphore, #tpu.memory_space<semaphore_mem>>)
    %dma_start3A_699 = arith.constant 128 : i32
    %dma_start3A_700 = arith.constant 0 : i32
    %dma_start3A_701 = tpu.memref_slice %arg10[%dma_start3A_699, %dma_start3A_700] : memref<768x128xf32, #tpu.memory_space<vmem>> -> memref<128x128xf32, #tpu.memory_space<vmem>>
    %dma_start3A_702 = arith.constant 128 : i32
    %dma_start3A_703 = tpu.memref_slice %arg9[%dma_start3A_702] : memref<768xi32, #tpu.memory_space<vmem>> -> memref<128xi32, #tpu.memory_space<vmem>>
    %dma_start3A_704 = arith.constant 0 : i32
    %dma_start3A_705 = arith.constant 0 : i32
    %dma_start3A_706 = tpu.memref_slice %arg2[%dma_start3A_704, %dma_start3A_705] : memref<344760x128xf32, #tpu.memory_space<hbm>> -> memref<344760x128xf32, #tpu.memory_space<hbm>>
    tpu.enqueue_indirect_dma source(%dma_start3A_706 : memref<344760x128xf32, #tpu.memory_space<hbm>>) target(%dma_start3A_701 : memref<128x128xf32, #tpu.memory_space<vmem>>) offsets(%dma_start3A_703 : memref<128xi32, #tpu.memory_space<vmem>>) semaphore(%arg12 : memref<!tpu.dma_semaphore, #tpu.memory_space<semaphore_mem>>)
    %dma_start3A_707 = arith.constant 256 : i32
    %dma_start3A_708 = arith.constant 0 : i32
    %dma_start3A_709 = tpu.memref_slice %arg10[%dma_start3A_707, %dma_start3A_708] : memref<768x128xf32, #tpu.memory_space<vmem>> -> memref<128x128xf32, #tpu.memory_space<vmem>>
    %dma_start3A_710 = arith.constant 256 : i32
    %dma_start3A_711 = tpu.memref_slice %arg9[%dma_start3A_710] : memref<768xi32, #tpu.memory_space<vmem>> -> memref<128xi32, #tpu.memory_space<vmem>>
    %dma_start3A_712 = arith.constant 0 : i32
    %dma_start3A_713 = arith.constant 0 : i32
    %dma_start3A_714 = tpu.memref_slice %arg2[%dma_start3A_712, %dma_start3A_713] : memref<344760x128xf32, #tpu.memory_space<hbm>> -> memref<344760x128xf32, #tpu.memory_space<hbm>>
    tpu.enqueue_indirect_dma source(%dma_start3A_714 : memref<344760x128xf32, #tpu.memory_space<hbm>>) target(%dma_start3A_709 : memref<128x128xf32, #tpu.memory_space<vmem>>) offsets(%dma_start3A_711 : memref<128xi32, #tpu.memory_space<vmem>>) semaphore(%arg12 : memref<!tpu.dma_semaphore, #tpu.memory_space<semaphore_mem>>)
    %dma_start3A_715 = arith.constant 384 : i32
    %dma_start3A_716 = arith.constant 0 : i32
    %dma_start3A_717 = tpu.memref_slice %arg10[%dma_start3A_715, %dma_start3A_716] : memref<768x128xf32, #tpu.memory_space<vmem>> -> memref<128x128xf32, #tpu.memory_space<vmem>>
    %dma_start3A_718 = arith.constant 384 : i32
    %dma_start3A_719 = tpu.memref_slice %arg9[%dma_start3A_718] : memref<768xi32, #tpu.memory_space<vmem>> -> memref<128xi32, #tpu.memory_space<vmem>>
    %dma_start3A_720 = arith.constant 0 : i32
    %dma_start3A_721 = arith.constant 0 : i32
    %dma_start3A_722 = tpu.memref_slice %arg2[%dma_start3A_720, %dma_start3A_721] : memref<344760x128xf32, #tpu.memory_space<hbm>> -> memref<344760x128xf32, #tpu.memory_space<hbm>>
    tpu.enqueue_indirect_dma source(%dma_start3A_722 : memref<344760x128xf32, #tpu.memory_space<hbm>>) target(%dma_start3A_717 : memref<128x128xf32, #tpu.memory_space<vmem>>) offsets(%dma_start3A_719 : memref<128xi32, #tpu.memory_space<vmem>>) semaphore(%arg12 : memref<!tpu.dma_semaphore, #tpu.memory_space<semaphore_mem>>)
    %dma_start3A_723 = arith.constant 512 : i32
    %dma_start3A_724 = arith.constant 0 : i32
    %dma_start3A_725 = tpu.memref_slice %arg10[%dma_start3A_723, %dma_start3A_724] : memref<768x128xf32, #tpu.memory_space<vmem>> -> memref<128x128xf32, #tpu.memory_space<vmem>>
    %dma_start3A_726 = arith.constant 512 : i32
    %dma_start3A_727 = tpu.memref_slice %arg9[%dma_start3A_726] : memref<768xi32, #tpu.memory_space<vmem>> -> memref<128xi32, #tpu.memory_space<vmem>>
    %dma_start3A_728 = arith.constant 0 : i32
    %dma_start3A_729 = arith.constant 0 : i32
    %dma_start3A_730 = tpu.memref_slice %arg2[%dma_start3A_728, %dma_start3A_729] : memref<344760x128xf32, #tpu.memory_space<hbm>> -> memref<344760x128xf32, #tpu.memory_space<hbm>>
    tpu.enqueue_indirect_dma source(%dma_start3A_730 : memref<344760x128xf32, #tpu.memory_space<hbm>>) target(%dma_start3A_725 : memref<128x128xf32, #tpu.memory_space<vmem>>) offsets(%dma_start3A_727 : memref<128xi32, #tpu.memory_space<vmem>>) semaphore(%arg12 : memref<!tpu.dma_semaphore, #tpu.memory_space<semaphore_mem>>)
    %dma_start3A_731 = arith.constant 640 : i32
    %dma_start3A_732 = arith.constant 0 : i32
    %dma_start3A_733 = tpu.memref_slice %arg10[%dma_start3A_731, %dma_start3A_732] : memref<768x128xf32, #tpu.memory_space<vmem>> -> memref<128x128xf32, #tpu.memory_space<vmem>>
    %dma_start3A_734 = arith.constant 640 : i32
    %dma_start3A_735 = tpu.memref_slice %arg9[%dma_start3A_734] : memref<768xi32, #tpu.memory_space<vmem>> -> memref<128xi32, #tpu.memory_space<vmem>>
    %dma_start3A_736 = arith.constant 0 : i32
    %dma_start3A_737 = arith.constant 0 : i32
    %dma_start3A_738 = tpu.memref_slice %arg2[%dma_start3A_736, %dma_start3A_737] : memref<344760x128xf32, #tpu.memory_space<hbm>> -> memref<344760x128xf32, #tpu.memory_space<hbm>>
    tpu.enqueue_indirect_dma source(%dma_start3A_738 : memref<344760x128xf32, #tpu.memory_space<hbm>>) target(%dma_start3A_733 : memref<128x128xf32, #tpu.memory_space<vmem>>) offsets(%dma_start3A_735 : memref<128xi32, #tpu.memory_space<vmem>>) semaphore(%arg12 : memref<!tpu.dma_semaphore, #tpu.memory_space<semaphore_mem>>)
    %dma_wait3A = arith.constant 0 : i32
    %dma_wait3A_739 = arith.constant 0 : i32
    %dma_wait3A_740 = tpu.memref_slice %arg10[%dma_wait3A, %dma_wait3A_739] : memref<768x128xf32, #tpu.memory_space<vmem>> -> memref<128x128xf32, #tpu.memory_space<vmem>>
    %dma_wait3A_741 = arith.constant 0 : i32
    %dma_wait3A_742 = tpu.memref_slice %arg9[%dma_wait3A_741] : memref<768xi32, #tpu.memory_space<vmem>> -> memref<128xi32, #tpu.memory_space<vmem>>
    %dma_wait3A_743 = arith.constant 0 : i32
    %dma_wait3A_744 = arith.constant 0 : i32
    %dma_wait3A_745 = tpu.memref_slice %arg2[%dma_wait3A_743, %dma_wait3A_744] : memref<344760x128xf32, #tpu.memory_space<hbm>> -> memref<344760x128xf32, #tpu.memory_space<hbm>>
    tpu.wait_indirect_dma semaphore(%arg12 : memref<!tpu.dma_semaphore, #tpu.memory_space<semaphore_mem>>) src(%dma_wait3A_745 : memref<344760x128xf32, #tpu.memory_space<hbm>>) dst(%dma_wait3A_740 : memref<128x128xf32, #tpu.memory_space<vmem>>)
    %dma_wait3A_746 = arith.constant 128 : i32
    %dma_wait3A_747 = arith.constant 0 : i32
    %dma_wait3A_748 = tpu.memref_slice %arg10[%dma_wait3A_746, %dma_wait3A_747] : memref<768x128xf32, #tpu.memory_space<vmem>> -> memref<128x128xf32, #tpu.memory_space<vmem>>
    %dma_wait3A_749 = arith.constant 128 : i32
    %dma_wait3A_750 = tpu.memref_slice %arg9[%dma_wait3A_749] : memref<768xi32, #tpu.memory_space<vmem>> -> memref<128xi32, #tpu.memory_space<vmem>>
    %dma_wait3A_751 = arith.constant 0 : i32
    %dma_wait3A_752 = arith.constant 0 : i32
    %dma_wait3A_753 = tpu.memref_slice %arg2[%dma_wait3A_751, %dma_wait3A_752] : memref<344760x128xf32, #tpu.memory_space<hbm>> -> memref<344760x128xf32, #tpu.memory_space<hbm>>
    tpu.wait_indirect_dma semaphore(%arg12 : memref<!tpu.dma_semaphore, #tpu.memory_space<semaphore_mem>>) src(%dma_wait3A_753 : memref<344760x128xf32, #tpu.memory_space<hbm>>) dst(%dma_wait3A_748 : memref<128x128xf32, #tpu.memory_space<vmem>>)
    %dma_wait3A_754 = arith.constant 256 : i32
    %dma_wait3A_755 = arith.constant 0 : i32
    %dma_wait3A_756 = tpu.memref_slice %arg10[%dma_wait3A_754, %dma_wait3A_755] : memref<768x128xf32, #tpu.memory_space<vmem>> -> memref<128x128xf32, #tpu.memory_space<vmem>>
    %dma_wait3A_757 = arith.constant 256 : i32
    %dma_wait3A_758 = tpu.memref_slice %arg9[%dma_wait3A_757] : memref<768xi32, #tpu.memory_space<vmem>> -> memref<128xi32, #tpu.memory_space<vmem>>
    %dma_wait3A_759 = arith.constant 0 : i32
    %dma_wait3A_760 = arith.constant 0 : i32
    %dma_wait3A_761 = tpu.memref_slice %arg2[%dma_wait3A_759, %dma_wait3A_760] : memref<344760x128xf32, #tpu.memory_space<hbm>> -> memref<344760x128xf32, #tpu.memory_space<hbm>>
    tpu.wait_indirect_dma semaphore(%arg12 : memref<!tpu.dma_semaphore, #tpu.memory_space<semaphore_mem>>) src(%dma_wait3A_761 : memref<344760x128xf32, #tpu.memory_space<hbm>>) dst(%dma_wait3A_756 : memref<128x128xf32, #tpu.memory_space<vmem>>)
    %dma_wait3A_762 = arith.constant 384 : i32
    %dma_wait3A_763 = arith.constant 0 : i32
    %dma_wait3A_764 = tpu.memref_slice %arg10[%dma_wait3A_762, %dma_wait3A_763] : memref<768x128xf32, #tpu.memory_space<vmem>> -> memref<128x128xf32, #tpu.memory_space<vmem>>
    %dma_wait3A_765 = arith.constant 384 : i32
    %dma_wait3A_766 = tpu.memref_slice %arg9[%dma_wait3A_765] : memref<768xi32, #tpu.memory_space<vmem>> -> memref<128xi32, #tpu.memory_space<vmem>>
    %dma_wait3A_767 = arith.constant 0 : i32
    %dma_wait3A_768 = arith.constant 0 : i32
    %dma_wait3A_769 = tpu.memref_slice %arg2[%dma_wait3A_767, %dma_wait3A_768] : memref<344760x128xf32, #tpu.memory_space<hbm>> -> memref<344760x128xf32, #tpu.memory_space<hbm>>
    tpu.wait_indirect_dma semaphore(%arg12 : memref<!tpu.dma_semaphore, #tpu.memory_space<semaphore_mem>>) src(%dma_wait3A_769 : memref<344760x128xf32, #tpu.memory_space<hbm>>) dst(%dma_wait3A_764 : memref<128x128xf32, #tpu.memory_space<vmem>>)
    %dma_wait3A_770 = arith.constant 512 : i32
    %dma_wait3A_771 = arith.constant 0 : i32
    %dma_wait3A_772 = tpu.memref_slice %arg10[%dma_wait3A_770, %dma_wait3A_771] : memref<768x128xf32, #tpu.memory_space<vmem>> -> memref<128x128xf32, #tpu.memory_space<vmem>>
    %dma_wait3A_773 = arith.constant 512 : i32
    %dma_wait3A_774 = tpu.memref_slice %arg9[%dma_wait3A_773] : memref<768xi32, #tpu.memory_space<vmem>> -> memref<128xi32, #tpu.memory_space<vmem>>
    %dma_wait3A_775 = arith.constant 0 : i32
    %dma_wait3A_776 = arith.constant 0 : i32
    %dma_wait3A_777 = tpu.memref_slice %arg2[%dma_wait3A_775, %dma_wait3A_776] : memref<344760x128xf32, #tpu.memory_space<hbm>> -> memref<344760x128xf32, #tpu.memory_space<hbm>>
    tpu.wait_indirect_dma semaphore(%arg12 : memref<!tpu.dma_semaphore, #tpu.memory_space<semaphore_mem>>) src(%dma_wait3A_777 : memref<344760x128xf32, #tpu.memory_space<hbm>>) dst(%dma_wait3A_772 : memref<128x128xf32, #tpu.memory_space<vmem>>)
    %dma_wait3A_778 = arith.constant 640 : i32
    %dma_wait3A_779 = arith.constant 0 : i32
    %dma_wait3A_780 = tpu.memref_slice %arg10[%dma_wait3A_778, %dma_wait3A_779] : memref<768x128xf32, #tpu.memory_space<vmem>> -> memref<128x128xf32, #tpu.memory_space<vmem>>
    %dma_wait3A_781 = arith.constant 640 : i32
    %dma_wait3A_782 = tpu.memref_slice %arg9[%dma_wait3A_781] : memref<768xi32, #tpu.memory_space<vmem>> -> memref<128xi32, #tpu.memory_space<vmem>>
    %dma_wait3A_783 = arith.constant 0 : i32
    %dma_wait3A_784 = arith.constant 0 : i32
    %dma_wait3A_785 = tpu.memref_slice %arg2[%dma_wait3A_783, %dma_wait3A_784] : memref<344760x128xf32, #tpu.memory_space<hbm>> -> memref<344760x128xf32, #tpu.memory_space<hbm>>
    tpu.wait_indirect_dma semaphore(%arg12 : memref<!tpu.dma_semaphore, #tpu.memory_space<semaphore_mem>>) src(%dma_wait3A_785 : memref<344760x128xf32, #tpu.memory_space<hbm>>) dst(%dma_wait3A_780 : memref<128x128xf32, #tpu.memory_space<vmem>>)
    %scan3A_786 = arith.constant 0 : i32
    %scan3A_787 = arith.constant 0 : i32
    %scan3A_788 = arith.constant 8 : i32
    %scan3A_789 = arith.addi %scan3A_787, %scan3A_788 : i32
    %scan3A_790 = arith.constant 1 : i32
    %scan3A_791 = scf.for %scan3A_2971 = %scan3A_787 to %scan3A_789 step %scan3A_790 iter_args(%scan3A_2972 = %scan3A_786) -> (i32)  : i32 {
      %broadcast_in_dim3A_2973 = arith.constant 0 : i32
      %broadcast_in_dim3A_2974 = vector.broadcast %broadcast_in_dim3A_2973 : i32 to vector<16xi32>
      %add3A_2975 = vector.broadcast %scan3A_2971 : i32 to vector<16xi32>
      %add3A_2976 = arith.addi %broadcast_in_dim3A_2974, %add3A_2975 : vector<16xi32>
      %gather3A_2977 = tpu.vector_load_idx %arg6[%add3A_2976] : memref<48xi32, #tpu.memory_space<vmem>>[vector<16xi32>], vector<16xi32>,
      %add3A_2978 = arith.constant 0 : i32
      %add3A_2979 = arith.addi %add3A_2978, %scan3A_2971 : i32
      %mul3A_2980 = arith.constant 96 : i32
      %mul3A_2981 = arith.muli %add3A_2979, %mul3A_2980 : i32
      %add3A_2982 = arith.addi %gather3A_2977, %mul3A_604 : vector<16xi32>
      %and3A_2983 = arith.constant 127 : i32
      %and3A_2984 = vector.broadcast %and3A_2983 : i32 to vector<16xi32>
      %and3A_2985 = arith.andi %add3A_2982, %and3A_2984 : vector<16xi32>
      %mul3A_2986 = arith.constant 96 : i32
      %mul3A_2987 = arith.muli %scan3A_2971, %mul3A_2986 : i32
      %add3A_2988 = arith.constant 0 : i32
      %add3A_2989 = vector.broadcast %add3A_2988 : i32 to vector<16xi32>
      %add3A_2990 = arith.addi %iota3A, %add3A_2989 : vector<16xi32>
      %min3A_2991 = arith.constant 84 : i32
      %min3A_2992 = vector.broadcast %min3A_2991 : i32 to vector<16xi32>
      %min3A_2993 = arith.minsi %add3A_2990, %min3A_2992 : vector<16xi32>
      %add3A_2994 = vector.broadcast %mul3A_2987 : i32 to vector<16xi32>
      %add3A_2995 = arith.addi %add3A_2994, %min3A_2993 : vector<16xi32>
      %gather3A_2996 = tpu.vector_load_idx %arg10[%add3A_2995, %and3A_2985] : memref<768x128xf32, #tpu.memory_space<vmem>>[vector<16xi32>, vector<16xi32>], vector<16xf32>,
      %jit3A_2997 = arith.constant 0.000000e+00 : f32
      %broadcast_in_dim3A_2998 = vector.broadcast %jit3A_2997 : f32 to vector<16xf32>
      %select_n3A_2999 = arith.select %lt3A_655, %gather3A_2996, %broadcast_in_dim3A_2998 : vector<16xi1>, vector<16xf32>
      %add3A_3000 = arith.constant 0 : i32
      %add3A_3001 = arith.addi %mul3A_2981, %add3A_3000 : i32
      %swap3A_3002 = arith.index_cast %add3A_3001 : i32 to index
      %swap3A_3003 = tpu.vector_load %arg11[%swap3A_3002] {strides = array<i32>} : memref<3840xf32, #tpu.memory_space<vmem>>, vector<16xf32>,
      tpu.vector_store %arg11[%swap3A_3002], %select_n3A_2999 {strides = array<i32>} : memref<3840xf32, #tpu.memory_space<vmem>>, vector<16xf32>,
      %add3A_3004 = arith.addi %gather3A_2977, %mul3A_613 : vector<16xi32>
      %and3A_3005 = arith.constant 127 : i32
      %and3A_3006 = vector.broadcast %and3A_3005 : i32 to vector<16xi32>
      %and3A_3007 = arith.andi %add3A_3004, %and3A_3006 : vector<16xi32>
      %mul3A_3008 = arith.constant 96 : i32
      %mul3A_3009 = arith.muli %scan3A_2971, %mul3A_3008 : i32
      %add3A_3010 = arith.constant 16 : i32
      %add3A_3011 = vector.broadcast %add3A_3010 : i32 to vector<16xi32>
      %add3A_3012 = arith.addi %iota3A, %add3A_3011 : vector<16xi32>
      %min3A_3013 = arith.constant 84 : i32
      %min3A_3014 = vector.broadcast %min3A_3013 : i32 to vector<16xi32>
      %min3A_3015 = arith.minsi %add3A_3012, %min3A_3014 : vector<16xi32>
      %add3A_3016 = vector.broadcast %mul3A_3009 : i32 to vector<16xi32>
      %add3A_3017 = arith.addi %add3A_3016, %min3A_3015 : vector<16xi32>
      %gather3A_3018 = tpu.vector_load_idx %arg10[%add3A_3017, %and3A_3007] : memref<768x128xf32, #tpu.memory_space<vmem>>[vector<16xi32>, vector<16xi32>], vector<16xf32>,
      %jit3A_3019 = arith.constant 0.000000e+00 : f32
      %broadcast_in_dim3A_3020 = vector.broadcast %jit3A_3019 : f32 to vector<16xf32>
      %select_n3A_3021 = arith.select %lt3A_661, %gather3A_3018, %broadcast_in_dim3A_3020 : vector<16xi1>, vector<16xf32>
      %add3A_3022 = arith.constant 16 : i32
      %add3A_3023 = arith.addi %mul3A_2981, %add3A_3022 : i32
      %swap3A_3024 = arith.index_cast %add3A_3023 : i32 to index
      %swap3A_3025 = tpu.vector_load %arg11[%swap3A_3024] {strides = array<i32>} : memref<3840xf32, #tpu.memory_space<vmem>>, vector<16xf32>,
      tpu.vector_store %arg11[%swap3A_3024], %select_n3A_3021 {strides = array<i32>} : memref<3840xf32, #tpu.memory_space<vmem>>, vector<16xf32>,
      %add3A_3026 = arith.addi %gather3A_2977, %mul3A_622 : vector<16xi32>
      %and3A_3027 = arith.constant 127 : i32
      %and3A_3028 = vector.broadcast %and3A_3027 : i32 to vector<16xi32>
      %and3A_3029 = arith.andi %add3A_3026, %and3A_3028 : vector<16xi32>
      %mul3A_3030 = arith.constant 96 : i32
      %mul3A_3031 = arith.muli %scan3A_2971, %mul3A_3030 : i32
      %add3A_3032 = arith.constant 32 : i32
      %add3A_3033 = vector.broadcast %add3A_3032 : i32 to vector<16xi32>
      %add3A_3034 = arith.addi %iota3A, %add3A_3033 : vector<16xi32>
      %min3A_3035 = arith.constant 84 : i32
      %min3A_3036 = vector.broadcast %min3A_3035 : i32 to vector<16xi32>
      %min3A_3037 = arith.minsi %add3A_3034, %min3A_3036 : vector<16xi32>
      %add3A_3038 = vector.broadcast %mul3A_3031 : i32 to vector<16xi32>
      %add3A_3039 = arith.addi %add3A_3038, %min3A_3037 : vector<16xi32>
      %gather3A_3040 = tpu.vector_load_idx %arg10[%add3A_3039, %and3A_3029] : memref<768x128xf32, #tpu.memory_space<vmem>>[vector<16xi32>, vector<16xi32>], vector<16xf32>,
      %jit3A_3041 = arith.constant 0.000000e+00 : f32
      %broadcast_in_dim3A_3042 = vector.broadcast %jit3A_3041 : f32 to vector<16xf32>
      %select_n3A_3043 = arith.select %lt3A_667, %gather3A_3040, %broadcast_in_dim3A_3042 : vector<16xi1>, vector<16xf32>
      %add3A_3044 = arith.constant 32 : i32
      %add3A_3045 = arith.addi %mul3A_2981, %add3A_3044 : i32
      %swap3A_3046 = arith.index_cast %add3A_3045 : i32 to index
      %swap3A_3047 = tpu.vector_load %arg11[%swap3A_3046] {strides = array<i32>} : memref<3840xf32, #tpu.memory_space<vmem>>, vector<16xf32>,
      tpu.vector_store %arg11[%swap3A_3046], %select_n3A_3043 {strides = array<i32>} : memref<3840xf32, #tpu.memory_space<vmem>>, vector<16xf32>,
      %add3A_3048 = arith.addi %gather3A_2977, %mul3A_631 : vector<16xi32>
      %and3A_3049 = arith.constant 127 : i32
      %and3A_3050 = vector.broadcast %and3A_3049 : i32 to vector<16xi32>
      %and3A_3051 = arith.andi %add3A_3048, %and3A_3050 : vector<16xi32>
      %mul3A_3052 = arith.constant 96 : i32
      %mul3A_3053 = arith.muli %scan3A_2971, %mul3A_3052 : i32
      %add3A_3054 = arith.constant 48 : i32
      %add3A_3055 = vector.broadcast %add3A_3054 : i32 to vector<16xi32>
      %add3A_3056 = arith.addi %iota3A, %add3A_3055 : vector<16xi32>
      %min3A_3057 = arith.constant 84 : i32
      %min3A_3058 = vector.broadcast %min3A_3057 : i32 to vector<16xi32>
      %min3A_3059 = arith.minsi %add3A_3056, %min3A_3058 : vector<16xi32>
      %add3A_3060 = vector.broadcast %mul3A_3053 : i32 to vector<16xi32>
      %add3A_3061 = arith.addi %add3A_3060, %min3A_3059 : vector<16xi32>
      %gather3A_3062 = tpu.vector_load_idx %arg10[%add3A_3061, %and3A_3051] : memref<768x128xf32, #tpu.memory_space<vmem>>[vector<16xi32>, vector<16xi32>], vector<16xf32>,
      %jit3A_3063 = arith.constant 0.000000e+00 : f32
      %broadcast_in_dim3A_3064 = vector.broadcast %jit3A_3063 : f32 to vector<16xf32>
      %select_n3A_3065 = arith.select %lt3A_673, %gather3A_3062, %broadcast_in_dim3A_3064 : vector<16xi1>, vector<16xf32>
      %add3A_3066 = arith.constant 48 : i32
      %add3A_3067 = arith.addi %mul3A_2981, %add3A_3066 : i32
      %swap3A_3068 = arith.index_cast %add3A_3067 : i32 to index
      %swap3A_3069 = tpu.vector_load %arg11[%swap3A_3068] {strides = array<i32>} : memref<3840xf32, #tpu.memory_space<vmem>>, vector<16xf32>,
      tpu.vector_store %arg11[%swap3A_3068], %select_n3A_3065 {strides = array<i32>} : memref<3840xf32, #tpu.memory_space<vmem>>, vector<16xf32>,
      %add3A_3070 = arith.addi %gather3A_2977, %mul3A_640 : vector<16xi32>
      %and3A_3071 = arith.constant 127 : i32
      %and3A_3072 = vector.broadcast %and3A_3071 : i32 to vector<16xi32>
      %and3A_3073 = arith.andi %add3A_3070, %and3A_3072 : vector<16xi32>
      %mul3A_3074 = arith.constant 96 : i32
      %mul3A_3075 = arith.muli %scan3A_2971, %mul3A_3074 : i32
      %add3A_3076 = arith.constant 64 : i32
      %add3A_3077 = vector.broadcast %add3A_3076 : i32 to vector<16xi32>
      %add3A_3078 = arith.addi %iota3A, %add3A_3077 : vector<16xi32>
      %min3A_3079 = arith.constant 84 : i32
      %min3A_3080 = vector.broadcast %min3A_3079 : i32 to vector<16xi32>
      %min3A_3081 = arith.minsi %add3A_3078, %min3A_3080 : vector<16xi32>
      %add3A_3082 = vector.broadcast %mul3A_3075 : i32 to vector<16xi32>
      %add3A_3083 = arith.addi %add3A_3082, %min3A_3081 : vector<16xi32>
      %gather3A_3084 = tpu.vector_load_idx %arg10[%add3A_3083, %and3A_3073] : memref<768x128xf32, #tpu.memory_space<vmem>>[vector<16xi32>, vector<16xi32>], vector<16xf32>,
      %jit3A_3085 = arith.constant 0.000000e+00 : f32
      %broadcast_in_dim3A_3086 = vector.broadcast %jit3A_3085 : f32 to vector<16xf32>
      %select_n3A_3087 = arith.select %lt3A_679, %gather3A_3084, %broadcast_in_dim3A_3086 : vector<16xi1>, vector<16xf32>
      %add3A_3088 = arith.constant 64 : i32
      %add3A_3089 = arith.addi %mul3A_2981, %add3A_3088 : i32
      %swap3A_3090 = arith.index_cast %add3A_3089 : i32 to index
      %swap3A_3091 = tpu.vector_load %arg11[%swap3A_3090] {strides = array<i32>} : memref<3840xf32, #tpu.memory_space<vmem>>, vector<16xf32>,
      tpu.vector_store %arg11[%swap3A_3090], %select_n3A_3087 {strides = array<i32>} : memref<3840xf32, #tpu.memory_space<vmem>>, vector<16xf32>,
      %add3A_3092 = arith.addi %gather3A_2977, %mul3A_649 : vector<16xi32>
      %and3A_3093 = arith.constant 127 : i32
      %and3A_3094 = vector.broadcast %and3A_3093 : i32 to vector<16xi32>
      %and3A_3095 = arith.andi %add3A_3092, %and3A_3094 : vector<16xi32>
      %mul3A_3096 = arith.constant 96 : i32
      %mul3A_3097 = arith.muli %scan3A_2971, %mul3A_3096 : i32
      %add3A_3098 = arith.constant 80 : i32
      %add3A_3099 = vector.broadcast %add3A_3098 : i32 to vector<16xi32>
      %add3A_3100 = arith.addi %iota3A, %add3A_3099 : vector<16xi32>
      %min3A_3101 = arith.constant 84 : i32
      %min3A_3102 = vector.broadcast %min3A_3101 : i32 to vector<16xi32>
      %min3A_3103 = arith.minsi %add3A_3100, %min3A_3102 : vector<16xi32>
      %add3A_3104 = vector.broadcast %mul3A_3097 : i32 to vector<16xi32>
      %add3A_3105 = arith.addi %add3A_3104, %min3A_3103 : vector<16xi32>
      %gather3A_3106 = tpu.vector_load_idx %arg10[%add3A_3105, %and3A_3095] : memref<768x128xf32, #tpu.memory_space<vmem>>[vector<16xi32>, vector<16xi32>], vector<16xf32>,
      %jit3A_3107 = arith.constant 0.000000e+00 : f32
      %broadcast_in_dim3A_3108 = vector.broadcast %jit3A_3107 : f32 to vector<16xf32>
      %select_n3A_3109 = arith.select %lt3A_685, %gather3A_3106, %broadcast_in_dim3A_3108 : vector<16xi1>, vector<16xf32>
      %add3A_3110 = arith.constant 80 : i32
      %add3A_3111 = arith.addi %mul3A_2981, %add3A_3110 : i32
      %swap3A_3112 = arith.index_cast %add3A_3111 : i32 to index
      %swap3A_3113 = tpu.vector_load %arg11[%swap3A_3112] {strides = array<i32>} : memref<3840xf32, #tpu.memory_space<vmem>>, vector<16xf32>,
      tpu.vector_store %arg11[%swap3A_3112], %select_n3A_3109 {strides = array<i32>} : memref<3840xf32, #tpu.memory_space<vmem>>, vector<16xf32>,
      %scan3A_3114 = arith.constant 0 : i32
      scf.yield %scan3A_3114 : i32
    }
    %scan3A_792 = arith.constant 8 : i32
    %scan3A_793 = arith.constant 0 : i32
    %scan3A_794 = arith.constant 0 : i32
    %scan3A_795 = arith.constant 8 : i32
    %scan3A_796 = arith.addi %scan3A_794, %scan3A_795 : i32
    %scan3A_797 = arith.constant 1 : i32
    %scan3A_798 = scf.for %scan3A_2971 = %scan3A_794 to %scan3A_796 step %scan3A_797 iter_args(%scan3A_2972 = %scan3A_793) -> (i32)  : i32 {
      %broadcast_in_dim3A_2973 = arith.constant 8 : i32
      %broadcast_in_dim3A_2974 = vector.broadcast %broadcast_in_dim3A_2973 : i32 to vector<16xi32>
      %add3A_2975 = vector.broadcast %scan3A_2971 : i32 to vector<16xi32>
      %add3A_2976 = arith.addi %broadcast_in_dim3A_2974, %add3A_2975 : vector<16xi32>
      %gather3A_2977 = tpu.vector_load_idx %arg6[%add3A_2976] : memref<48xi32, #tpu.memory_space<vmem>>[vector<16xi32>], vector<16xi32>,
      %add3A_2978 = arith.addi %gather3A_2977, %mul3A_604 : vector<16xi32>
      %shift_right_arithmetic3A = arith.constant 7 : i32
      %shift_right_arithmetic3A_2979 = vector.broadcast %shift_right_arithmetic3A : i32 to vector<16xi32>
      %shift_right_arithmetic3A_2980 = arith.shrsi %add3A_2978, %shift_right_arithmetic3A_2979 : vector<16xi32>
      %mul3A_2981 = arith.constant 96 : i32
      %mul3A_2982 = arith.muli %scan3A_2971, %mul3A_2981 : i32
      %add3A_2983 = arith.constant 0 : i32
      %add3A_2984 = arith.addi %mul3A_2982, %add3A_2983 : i32
      %swap3A_2985 = arith.index_cast %add3A_2984 : i32 to index
      %swap3A_2986 = tpu.vector_load %arg9[%swap3A_2985] {strides = array<i32>} : memref<768xi32, #tpu.memory_space<vmem>>, vector<16xi32>,
      tpu.vector_store %arg9[%swap3A_2985], %shift_right_arithmetic3A_2980 {strides = array<i32>} : memref<768xi32, #tpu.memory_space<vmem>>, vector<16xi32>,
      %add3A_2987 = arith.addi %gather3A_2977, %mul3A_613 : vector<16xi32>
      %shift_right_arithmetic3A_2988 = arith.constant 7 : i32
      %shift_right_arithmetic3A_2989 = vector.broadcast %shift_right_arithmetic3A_2988 : i32 to vector<16xi32>
      %shift_right_arithmetic3A_2990 = arith.shrsi %add3A_2987, %shift_right_arithmetic3A_2989 : vector<16xi32>
      %mul3A_2991 = arith.constant 96 : i32
      %mul3A_2992 = arith.muli %scan3A_2971, %mul3A_2991 : i32
      %add3A_2993 = arith.constant 16 : i32
      %add3A_2994 = arith.addi %mul3A_2992, %add3A_2993 : i32
      %swap3A_2995 = arith.index_cast %add3A_2994 : i32 to index
      %swap3A_2996 = tpu.vector_load %arg9[%swap3A_2995] {strides = array<i32>} : memref<768xi32, #tpu.memory_space<vmem>>, vector<16xi32>,
      tpu.vector_store %arg9[%swap3A_2995], %shift_right_arithmetic3A_2990 {strides = array<i32>} : memref<768xi32, #tpu.memory_space<vmem>>, vector<16xi32>,
      %add3A_2997 = arith.addi %gather3A_2977, %mul3A_622 : vector<16xi32>
      %shift_right_arithmetic3A_2998 = arith.constant 7 : i32
      %shift_right_arithmetic3A_2999 = vector.broadcast %shift_right_arithmetic3A_2998 : i32 to vector<16xi32>
      %shift_right_arithmetic3A_3000 = arith.shrsi %add3A_2997, %shift_right_arithmetic3A_2999 : vector<16xi32>
      %mul3A_3001 = arith.constant 96 : i32
      %mul3A_3002 = arith.muli %scan3A_2971, %mul3A_3001 : i32
      %add3A_3003 = arith.constant 32 : i32
      %add3A_3004 = arith.addi %mul3A_3002, %add3A_3003 : i32
      %swap3A_3005 = arith.index_cast %add3A_3004 : i32 to index
      %swap3A_3006 = tpu.vector_load %arg9[%swap3A_3005] {strides = array<i32>} : memref<768xi32, #tpu.memory_space<vmem>>, vector<16xi32>,
      tpu.vector_store %arg9[%swap3A_3005], %shift_right_arithmetic3A_3000 {strides = array<i32>} : memref<768xi32, #tpu.memory_space<vmem>>, vector<16xi32>,
      %add3A_3007 = arith.addi %gather3A_2977, %mul3A_631 : vector<16xi32>
      %shift_right_arithmetic3A_3008 = arith.constant 7 : i32
      %shift_right_arithmetic3A_3009 = vector.broadcast %shift_right_arithmetic3A_3008 : i32 to vector<16xi32>
      %shift_right_arithmetic3A_3010 = arith.shrsi %add3A_3007, %shift_right_arithmetic3A_3009 : vector<16xi32>
      %mul3A_3011 = arith.constant 96 : i32
      %mul3A_3012 = arith.muli %scan3A_2971, %mul3A_3011 : i32
      %add3A_3013 = arith.constant 48 : i32
      %add3A_3014 = arith.addi %mul3A_3012, %add3A_3013 : i32
      %swap3A_3015 = arith.index_cast %add3A_3014 : i32 to index
      %swap3A_3016 = tpu.vector_load %arg9[%swap3A_3015] {strides = array<i32>} : memref<768xi32, #tpu.memory_space<vmem>>, vector<16xi32>,
      tpu.vector_store %arg9[%swap3A_3015], %shift_right_arithmetic3A_3010 {strides = array<i32>} : memref<768xi32, #tpu.memory_space<vmem>>, vector<16xi32>,
      %add3A_3017 = arith.addi %gather3A_2977, %mul3A_640 : vector<16xi32>
      %shift_right_arithmetic3A_3018 = arith.constant 7 : i32
      %shift_right_arithmetic3A_3019 = vector.broadcast %shift_right_arithmetic3A_3018 : i32 to vector<16xi32>
      %shift_right_arithmetic3A_3020 = arith.shrsi %add3A_3017, %shift_right_arithmetic3A_3019 : vector<16xi32>
      %mul3A_3021 = arith.constant 96 : i32
      %mul3A_3022 = arith.muli %scan3A_2971, %mul3A_3021 : i32
      %add3A_3023 = arith.constant 64 : i32
      %add3A_3024 = arith.addi %mul3A_3022, %add3A_3023 : i32
      %swap3A_3025 = arith.index_cast %add3A_3024 : i32 to index
      %swap3A_3026 = tpu.vector_load %arg9[%swap3A_3025] {strides = array<i32>} : memref<768xi32, #tpu.memory_space<vmem>>, vector<16xi32>,
      tpu.vector_store %arg9[%swap3A_3025], %shift_right_arithmetic3A_3020 {strides = array<i32>} : memref<768xi32, #tpu.memory_space<vmem>>, vector<16xi32>,
      %add3A_3027 = arith.addi %gather3A_2977, %mul3A_649 : vector<16xi32>
      %shift_right_arithmetic3A_3028 = arith.constant 7 : i32
      %shift_right_arithmetic3A_3029 = vector.broadcast %shift_right_arithmetic3A_3028 : i32 to vector<16xi32>
      %shift_right_arithmetic3A_3030 = arith.shrsi %add3A_3027, %shift_right_arithmetic3A_3029 : vector<16xi32>
      %mul3A_3031 = arith.constant 96 : i32
      %mul3A_3032 = arith.muli %scan3A_2971, %mul3A_3031 : i32
      %add3A_3033 = arith.constant 80 : i32
      %add3A_3034 = arith.addi %mul3A_3032, %add3A_3033 : i32
      %swap3A_3035 = arith.index_cast %add3A_3034 : i32 to index
      %swap3A_3036 = tpu.vector_load %arg9[%swap3A_3035] {strides = array<i32>} : memref<768xi32, #tpu.memory_space<vmem>>, vector<16xi32>,
      tpu.vector_store %arg9[%swap3A_3035], %shift_right_arithmetic3A_3030 {strides = array<i32>} : memref<768xi32, #tpu.memory_space<vmem>>, vector<16xi32>,
      %scan3A_3037 = arith.constant 0 : i32
      scf.yield %scan3A_3037 : i32
    }
    %scan3A_799 = arith.constant 8 : i32
    %dma_start3A_800 = arith.constant 0 : i32
    %dma_start3A_801 = arith.constant 0 : i32
    %dma_start3A_802 = tpu.memref_slice %arg10[%dma_start3A_800, %dma_start3A_801] : memref<768x128xf32, #tpu.memory_space<vmem>> -> memref<128x128xf32, #tpu.memory_space<vmem>>
    %dma_start3A_803 = arith.constant 0 : i32
    %dma_start3A_804 = tpu.memref_slice %arg9[%dma_start3A_803] : memref<768xi32, #tpu.memory_space<vmem>> -> memref<128xi32, #tpu.memory_space<vmem>>
    %dma_start3A_805 = arith.constant 0 : i32
    %dma_start3A_806 = arith.constant 0 : i32
    %dma_start3A_807 = tpu.memref_slice %arg2[%dma_start3A_805, %dma_start3A_806] : memref<344760x128xf32, #tpu.memory_space<hbm>> -> memref<344760x128xf32, #tpu.memory_space<hbm>>
    tpu.enqueue_indirect_dma source(%dma_start3A_807 : memref<344760x128xf32, #tpu.memory_space<hbm>>) target(%dma_start3A_802 : memref<128x128xf32, #tpu.memory_space<vmem>>) offsets(%dma_start3A_804 : memref<128xi32, #tpu.memory_space<vmem>>) semaphore(%arg12 : memref<!tpu.dma_semaphore, #tpu.memory_space<semaphore_mem>>)
    %dma_start3A_808 = arith.constant 128 : i32
    %dma_start3A_809 = arith.constant 0 : i32
    %dma_start3A_810 = tpu.memref_slice %arg10[%dma_start3A_808, %dma_start3A_809] : memref<768x128xf32, #tpu.memory_space<vmem>> -> memref<128x128xf32, #tpu.memory_space<vmem>>
    %dma_start3A_811 = arith.constant 128 : i32
    %dma_start3A_812 = tpu.memref_slice %arg9[%dma_start3A_811] : memref<768xi32, #tpu.memory_space<vmem>> -> memref<128xi32, #tpu.memory_space<vmem>>
    %dma_start3A_813 = arith.constant 0 : i32
    %dma_start3A_814 = arith.constant 0 : i32
    %dma_start3A_815 = tpu.memref_slice %arg2[%dma_start3A_813, %dma_start3A_814] : memref<344760x128xf32, #tpu.memory_space<hbm>> -> memref<344760x128xf32, #tpu.memory_space<hbm>>
    tpu.enqueue_indirect_dma source(%dma_start3A_815 : memref<344760x128xf32, #tpu.memory_space<hbm>>) target(%dma_start3A_810 : memref<128x128xf32, #tpu.memory_space<vmem>>) offsets(%dma_start3A_812 : memref<128xi32, #tpu.memory_space<vmem>>) semaphore(%arg12 : memref<!tpu.dma_semaphore, #tpu.memory_space<semaphore_mem>>)
    %dma_start3A_816 = arith.constant 256 : i32
    %dma_start3A_817 = arith.constant 0 : i32
    %dma_start3A_818 = tpu.memref_slice %arg10[%dma_start3A_816, %dma_start3A_817] : memref<768x128xf32, #tpu.memory_space<vmem>> -> memref<128x128xf32, #tpu.memory_space<vmem>>
    %dma_start3A_819 = arith.constant 256 : i32
    %dma_start3A_820 = tpu.memref_slice %arg9[%dma_start3A_819] : memref<768xi32, #tpu.memory_space<vmem>> -> memref<128xi32, #tpu.memory_space<vmem>>
    %dma_start3A_821 = arith.constant 0 : i32
    %dma_start3A_822 = arith.constant 0 : i32
    %dma_start3A_823 = tpu.memref_slice %arg2[%dma_start3A_821, %dma_start3A_822] : memref<344760x128xf32, #tpu.memory_space<hbm>> -> memref<344760x128xf32, #tpu.memory_space<hbm>>
    tpu.enqueue_indirect_dma source(%dma_start3A_823 : memref<344760x128xf32, #tpu.memory_space<hbm>>) target(%dma_start3A_818 : memref<128x128xf32, #tpu.memory_space<vmem>>) offsets(%dma_start3A_820 : memref<128xi32, #tpu.memory_space<vmem>>) semaphore(%arg12 : memref<!tpu.dma_semaphore, #tpu.memory_space<semaphore_mem>>)
    %dma_start3A_824 = arith.constant 384 : i32
    %dma_start3A_825 = arith.constant 0 : i32
    %dma_start3A_826 = tpu.memref_slice %arg10[%dma_start3A_824, %dma_start3A_825] : memref<768x128xf32, #tpu.memory_space<vmem>> -> memref<128x128xf32, #tpu.memory_space<vmem>>
    %dma_start3A_827 = arith.constant 384 : i32
    %dma_start3A_828 = tpu.memref_slice %arg9[%dma_start3A_827] : memref<768xi32, #tpu.memory_space<vmem>> -> memref<128xi32, #tpu.memory_space<vmem>>
    %dma_start3A_829 = arith.constant 0 : i32
    %dma_start3A_830 = arith.constant 0 : i32
    %dma_start3A_831 = tpu.memref_slice %arg2[%dma_start3A_829, %dma_start3A_830] : memref<344760x128xf32, #tpu.memory_space<hbm>> -> memref<344760x128xf32, #tpu.memory_space<hbm>>
    tpu.enqueue_indirect_dma source(%dma_start3A_831 : memref<344760x128xf32, #tpu.memory_space<hbm>>) target(%dma_start3A_826 : memref<128x128xf32, #tpu.memory_space<vmem>>) offsets(%dma_start3A_828 : memref<128xi32, #tpu.memory_space<vmem>>) semaphore(%arg12 : memref<!tpu.dma_semaphore, #tpu.memory_space<semaphore_mem>>)
    %dma_start3A_832 = arith.constant 512 : i32
    %dma_start3A_833 = arith.constant 0 : i32
    %dma_start3A_834 = tpu.memref_slice %arg10[%dma_start3A_832, %dma_start3A_833] : memref<768x128xf32, #tpu.memory_space<vmem>> -> memref<128x128xf32, #tpu.memory_space<vmem>>
    %dma_start3A_835 = arith.constant 512 : i32
    %dma_start3A_836 = tpu.memref_slice %arg9[%dma_start3A_835] : memref<768xi32, #tpu.memory_space<vmem>> -> memref<128xi32, #tpu.memory_space<vmem>>
    %dma_start3A_837 = arith.constant 0 : i32
    %dma_start3A_838 = arith.constant 0 : i32
    %dma_start3A_839 = tpu.memref_slice %arg2[%dma_start3A_837, %dma_start3A_838] : memref<344760x128xf32, #tpu.memory_space<hbm>> -> memref<344760x128xf32, #tpu.memory_space<hbm>>
    tpu.enqueue_indirect_dma source(%dma_start3A_839 : memref<344760x128xf32, #tpu.memory_space<hbm>>) target(%dma_start3A_834 : memref<128x128xf32, #tpu.memory_space<vmem>>) offsets(%dma_start3A_836 : memref<128xi32, #tpu.memory_space<vmem>>) semaphore(%arg12 : memref<!tpu.dma_semaphore, #tpu.memory_space<semaphore_mem>>)
    %dma_start3A_840 = arith.constant 640 : i32
    %dma_start3A_841 = arith.constant 0 : i32
    %dma_start3A_842 = tpu.memref_slice %arg10[%dma_start3A_840, %dma_start3A_841] : memref<768x128xf32, #tpu.memory_space<vmem>> -> memref<128x128xf32, #tpu.memory_space<vmem>>
    %dma_start3A_843 = arith.constant 640 : i32
    %dma_start3A_844 = tpu.memref_slice %arg9[%dma_start3A_843] : memref<768xi32, #tpu.memory_space<vmem>> -> memref<128xi32, #tpu.memory_space<vmem>>
    %dma_start3A_845 = arith.constant 0 : i32
    %dma_start3A_846 = arith.constant 0 : i32
    %dma_start3A_847 = tpu.memref_slice %arg2[%dma_start3A_845, %dma_start3A_846] : memref<344760x128xf32, #tpu.memory_space<hbm>> -> memref<344760x128xf32, #tpu.memory_space<hbm>>
    tpu.enqueue_indirect_dma source(%dma_start3A_847 : memref<344760x128xf32, #tpu.memory_space<hbm>>) target(%dma_start3A_842 : memref<128x128xf32, #tpu.memory_space<vmem>>) offsets(%dma_start3A_844 : memref<128xi32, #tpu.memory_space<vmem>>) semaphore(%arg12 : memref<!tpu.dma_semaphore, #tpu.memory_space<semaphore_mem>>)
    %dma_wait3A_848 = arith.constant 0 : i32
    %dma_wait3A_849 = arith.constant 0 : i32
    %dma_wait3A_850 = tpu.memref_slice %arg10[%dma_wait3A_848, %dma_wait3A_849] : memref<768x128xf32, #tpu.memory_space<vmem>> -> memref<128x128xf32, #tpu.memory_space<vmem>>
    %dma_wait3A_851 = arith.constant 0 : i32
    %dma_wait3A_852 = tpu.memref_slice %arg9[%dma_wait3A_851] : memref<768xi32, #tpu.memory_space<vmem>> -> memref<128xi32, #tpu.memory_space<vmem>>
    %dma_wait3A_853 = arith.constant 0 : i32
    %dma_wait3A_854 = arith.constant 0 : i32
    %dma_wait3A_855 = tpu.memref_slice %arg2[%dma_wait3A_853, %dma_wait3A_854] : memref<344760x128xf32, #tpu.memory_space<hbm>> -> memref<344760x128xf32, #tpu.memory_space<hbm>>
    tpu.wait_indirect_dma semaphore(%arg12 : memref<!tpu.dma_semaphore, #tpu.memory_space<semaphore_mem>>) src(%dma_wait3A_855 : memref<344760x128xf32, #tpu.memory_space<hbm>>) dst(%dma_wait3A_850 : memref<128x128xf32, #tpu.memory_space<vmem>>)
    %dma_wait3A_856 = arith.constant 128 : i32
    %dma_wait3A_857 = arith.constant 0 : i32
    %dma_wait3A_858 = tpu.memref_slice %arg10[%dma_wait3A_856, %dma_wait3A_857] : memref<768x128xf32, #tpu.memory_space<vmem>> -> memref<128x128xf32, #tpu.memory_space<vmem>>
    %dma_wait3A_859 = arith.constant 128 : i32
    %dma_wait3A_860 = tpu.memref_slice %arg9[%dma_wait3A_859] : memref<768xi32, #tpu.memory_space<vmem>> -> memref<128xi32, #tpu.memory_space<vmem>>
    %dma_wait3A_861 = arith.constant 0 : i32
    %dma_wait3A_862 = arith.constant 0 : i32
    %dma_wait3A_863 = tpu.memref_slice %arg2[%dma_wait3A_861, %dma_wait3A_862] : memref<344760x128xf32, #tpu.memory_space<hbm>> -> memref<344760x128xf32, #tpu.memory_space<hbm>>
    tpu.wait_indirect_dma semaphore(%arg12 : memref<!tpu.dma_semaphore, #tpu.memory_space<semaphore_mem>>) src(%dma_wait3A_863 : memref<344760x128xf32, #tpu.memory_space<hbm>>) dst(%dma_wait3A_858 : memref<128x128xf32, #tpu.memory_space<vmem>>)
    %dma_wait3A_864 = arith.constant 256 : i32
    %dma_wait3A_865 = arith.constant 0 : i32
    %dma_wait3A_866 = tpu.memref_slice %arg10[%dma_wait3A_864, %dma_wait3A_865] : memref<768x128xf32, #tpu.memory_space<vmem>> -> memref<128x128xf32, #tpu.memory_space<vmem>>
    %dma_wait3A_867 = arith.constant 256 : i32
    %dma_wait3A_868 = tpu.memref_slice %arg9[%dma_wait3A_867] : memref<768xi32, #tpu.memory_space<vmem>> -> memref<128xi32, #tpu.memory_space<vmem>>
    %dma_wait3A_869 = arith.constant 0 : i32
    %dma_wait3A_870 = arith.constant 0 : i32
    %dma_wait3A_871 = tpu.memref_slice %arg2[%dma_wait3A_869, %dma_wait3A_870] : memref<344760x128xf32, #tpu.memory_space<hbm>> -> memref<344760x128xf32, #tpu.memory_space<hbm>>
    tpu.wait_indirect_dma semaphore(%arg12 : memref<!tpu.dma_semaphore, #tpu.memory_space<semaphore_mem>>) src(%dma_wait3A_871 : memref<344760x128xf32, #tpu.memory_space<hbm>>) dst(%dma_wait3A_866 : memref<128x128xf32, #tpu.memory_space<vmem>>)
    %dma_wait3A_872 = arith.constant 384 : i32
    %dma_wait3A_873 = arith.constant 0 : i32
    %dma_wait3A_874 = tpu.memref_slice %arg10[%dma_wait3A_872, %dma_wait3A_873] : memref<768x128xf32, #tpu.memory_space<vmem>> -> memref<128x128xf32, #tpu.memory_space<vmem>>
    %dma_wait3A_875 = arith.constant 384 : i32
    %dma_wait3A_876 = tpu.memref_slice %arg9[%dma_wait3A_875] : memref<768xi32, #tpu.memory_space<vmem>> -> memref<128xi32, #tpu.memory_space<vmem>>
    %dma_wait3A_877 = arith.constant 0 : i32
    %dma_wait3A_878 = arith.constant 0 : i32
    %dma_wait3A_879 = tpu.memref_slice %arg2[%dma_wait3A_877, %dma_wait3A_878] : memref<344760x128xf32, #tpu.memory_space<hbm>> -> memref<344760x128xf32, #tpu.memory_space<hbm>>
    tpu.wait_indirect_dma semaphore(%arg12 : memref<!tpu.dma_semaphore, #tpu.memory_space<semaphore_mem>>) src(%dma_wait3A_879 : memref<344760x128xf32, #tpu.memory_space<hbm>>) dst(%dma_wait3A_874 : memref<128x128xf32, #tpu.memory_space<vmem>>)
    %dma_wait3A_880 = arith.constant 512 : i32
    %dma_wait3A_881 = arith.constant 0 : i32
    %dma_wait3A_882 = tpu.memref_slice %arg10[%dma_wait3A_880, %dma_wait3A_881] : memref<768x128xf32, #tpu.memory_space<vmem>> -> memref<128x128xf32, #tpu.memory_space<vmem>>
    %dma_wait3A_883 = arith.constant 512 : i32
    %dma_wait3A_884 = tpu.memref_slice %arg9[%dma_wait3A_883] : memref<768xi32, #tpu.memory_space<vmem>> -> memref<128xi32, #tpu.memory_space<vmem>>
    %dma_wait3A_885 = arith.constant 0 : i32
    %dma_wait3A_886 = arith.constant 0 : i32
    %dma_wait3A_887 = tpu.memref_slice %arg2[%dma_wait3A_885, %dma_wait3A_886] : memref<344760x128xf32, #tpu.memory_space<hbm>> -> memref<344760x128xf32, #tpu.memory_space<hbm>>
    tpu.wait_indirect_dma semaphore(%arg12 : memref<!tpu.dma_semaphore, #tpu.memory_space<semaphore_mem>>) src(%dma_wait3A_887 : memref<344760x128xf32, #tpu.memory_space<hbm>>) dst(%dma_wait3A_882 : memref<128x128xf32, #tpu.memory_space<vmem>>)
    %dma_wait3A_888 = arith.constant 640 : i32
    %dma_wait3A_889 = arith.constant 0 : i32
    %dma_wait3A_890 = tpu.memref_slice %arg10[%dma_wait3A_888, %dma_wait3A_889] : memref<768x128xf32, #tpu.memory_space<vmem>> -> memref<128x128xf32, #tpu.memory_space<vmem>>
    %dma_wait3A_891 = arith.constant 640 : i32
    %dma_wait3A_892 = tpu.memref_slice %arg9[%dma_wait3A_891] : memref<768xi32, #tpu.memory_space<vmem>> -> memref<128xi32, #tpu.memory_space<vmem>>
    %dma_wait3A_893 = arith.constant 0 : i32
    %dma_wait3A_894 = arith.constant 0 : i32
    %dma_wait3A_895 = tpu.memref_slice %arg2[%dma_wait3A_893, %dma_wait3A_894] : memref<344760x128xf32, #tpu.memory_space<hbm>> -> memref<344760x128xf32, #tpu.memory_space<hbm>>
    tpu.wait_indirect_dma semaphore(%arg12 : memref<!tpu.dma_semaphore, #tpu.memory_space<semaphore_mem>>) src(%dma_wait3A_895 : memref<344760x128xf32, #tpu.memory_space<hbm>>) dst(%dma_wait3A_890 : memref<128x128xf32, #tpu.memory_space<vmem>>)
    %scan3A_896 = arith.constant 0 : i32
    %scan3A_897 = arith.constant 0 : i32
    %scan3A_898 = arith.constant 8 : i32
    %scan3A_899 = arith.addi %scan3A_897, %scan3A_898 : i32
    %scan3A_900 = arith.constant 1 : i32
    %scan3A_901 = scf.for %scan3A_2971 = %scan3A_897 to %scan3A_899 step %scan3A_900 iter_args(%scan3A_2972 = %scan3A_896) -> (i32)  : i32 {
      %broadcast_in_dim3A_2973 = arith.constant 8 : i32
      %broadcast_in_dim3A_2974 = vector.broadcast %broadcast_in_dim3A_2973 : i32 to vector<16xi32>
      %add3A_2975 = vector.broadcast %scan3A_2971 : i32 to vector<16xi32>
      %add3A_2976 = arith.addi %broadcast_in_dim3A_2974, %add3A_2975 : vector<16xi32>
      %gather3A_2977 = tpu.vector_load_idx %arg6[%add3A_2976] : memref<48xi32, #tpu.memory_space<vmem>>[vector<16xi32>], vector<16xi32>,
      %add3A_2978 = arith.constant 8 : i32
      %add3A_2979 = arith.addi %add3A_2978, %scan3A_2971 : i32
      %mul3A_2980 = arith.constant 96 : i32
      %mul3A_2981 = arith.muli %add3A_2979, %mul3A_2980 : i32
      %add3A_2982 = arith.addi %gather3A_2977, %mul3A_604 : vector<16xi32>
      %and3A_2983 = arith.constant 127 : i32
      %and3A_2984 = vector.broadcast %and3A_2983 : i32 to vector<16xi32>
      %and3A_2985 = arith.andi %add3A_2982, %and3A_2984 : vector<16xi32>
      %mul3A_2986 = arith.constant 96 : i32
      %mul3A_2987 = arith.muli %scan3A_2971, %mul3A_2986 : i32
      %add3A_2988 = arith.constant 0 : i32
      %add3A_2989 = vector.broadcast %add3A_2988 : i32 to vector<16xi32>
      %add3A_2990 = arith.addi %iota3A, %add3A_2989 : vector<16xi32>
      %min3A_2991 = arith.constant 84 : i32
      %min3A_2992 = vector.broadcast %min3A_2991 : i32 to vector<16xi32>
      %min3A_2993 = arith.minsi %add3A_2990, %min3A_2992 : vector<16xi32>
      %add3A_2994 = vector.broadcast %mul3A_2987 : i32 to vector<16xi32>
      %add3A_2995 = arith.addi %add3A_2994, %min3A_2993 : vector<16xi32>
      %gather3A_2996 = tpu.vector_load_idx %arg10[%add3A_2995, %and3A_2985] : memref<768x128xf32, #tpu.memory_space<vmem>>[vector<16xi32>, vector<16xi32>], vector<16xf32>,
      %jit3A_2997 = arith.constant 0.000000e+00 : f32
      %broadcast_in_dim3A_2998 = vector.broadcast %jit3A_2997 : f32 to vector<16xf32>
      %select_n3A_2999 = arith.select %lt3A_655, %gather3A_2996, %broadcast_in_dim3A_2998 : vector<16xi1>, vector<16xf32>
      %add3A_3000 = arith.constant 0 : i32
      %add3A_3001 = arith.addi %mul3A_2981, %add3A_3000 : i32
      %swap3A_3002 = arith.index_cast %add3A_3001 : i32 to index
      %swap3A_3003 = tpu.vector_load %arg11[%swap3A_3002] {strides = array<i32>} : memref<3840xf32, #tpu.memory_space<vmem>>, vector<16xf32>,
      tpu.vector_store %arg11[%swap3A_3002], %select_n3A_2999 {strides = array<i32>} : memref<3840xf32, #tpu.memory_space<vmem>>, vector<16xf32>,
      %add3A_3004 = arith.addi %gather3A_2977, %mul3A_613 : vector<16xi32>
      %and3A_3005 = arith.constant 127 : i32
      %and3A_3006 = vector.broadcast %and3A_3005 : i32 to vector<16xi32>
      %and3A_3007 = arith.andi %add3A_3004, %and3A_3006 : vector<16xi32>
      %mul3A_3008 = arith.constant 96 : i32
      %mul3A_3009 = arith.muli %scan3A_2971, %mul3A_3008 : i32
      %add3A_3010 = arith.constant 16 : i32
      %add3A_3011 = vector.broadcast %add3A_3010 : i32 to vector<16xi32>
      %add3A_3012 = arith.addi %iota3A, %add3A_3011 : vector<16xi32>
      %min3A_3013 = arith.constant 84 : i32
      %min3A_3014 = vector.broadcast %min3A_3013 : i32 to vector<16xi32>
      %min3A_3015 = arith.minsi %add3A_3012, %min3A_3014 : vector<16xi32>
      %add3A_3016 = vector.broadcast %mul3A_3009 : i32 to vector<16xi32>
      %add3A_3017 = arith.addi %add3A_3016, %min3A_3015 : vector<16xi32>
      %gather3A_3018 = tpu.vector_load_idx %arg10[%add3A_3017, %and3A_3007] : memref<768x128xf32, #tpu.memory_space<vmem>>[vector<16xi32>, vector<16xi32>], vector<16xf32>,
      %jit3A_3019 = arith.constant 0.000000e+00 : f32
      %broadcast_in_dim3A_3020 = vector.broadcast %jit3A_3019 : f32 to vector<16xf32>
      %select_n3A_3021 = arith.select %lt3A_661, %gather3A_3018, %broadcast_in_dim3A_3020 : vector<16xi1>, vector<16xf32>
      %add3A_3022 = arith.constant 16 : i32
      %add3A_3023 = arith.addi %mul3A_2981, %add3A_3022 : i32
      %swap3A_3024 = arith.index_cast %add3A_3023 : i32 to index
      %swap3A_3025 = tpu.vector_load %arg11[%swap3A_3024] {strides = array<i32>} : memref<3840xf32, #tpu.memory_space<vmem>>, vector<16xf32>,
      tpu.vector_store %arg11[%swap3A_3024], %select_n3A_3021 {strides = array<i32>} : memref<3840xf32, #tpu.memory_space<vmem>>, vector<16xf32>,
      %add3A_3026 = arith.addi %gather3A_2977, %mul3A_622 : vector<16xi32>
      %and3A_3027 = arith.constant 127 : i32
      %and3A_3028 = vector.broadcast %and3A_3027 : i32 to vector<16xi32>
      %and3A_3029 = arith.andi %add3A_3026, %and3A_3028 : vector<16xi32>
      %mul3A_3030 = arith.constant 96 : i32
      %mul3A_3031 = arith.muli %scan3A_2971, %mul3A_3030 : i32
      %add3A_3032 = arith.constant 32 : i32
      %add3A_3033 = vector.broadcast %add3A_3032 : i32 to vector<16xi32>
      %add3A_3034 = arith.addi %iota3A, %add3A_3033 : vector<16xi32>
      %min3A_3035 = arith.constant 84 : i32
      %min3A_3036 = vector.broadcast %min3A_3035 : i32 to vector<16xi32>
      %min3A_3037 = arith.minsi %add3A_3034, %min3A_3036 : vector<16xi32>
      %add3A_3038 = vector.broadcast %mul3A_3031 : i32 to vector<16xi32>
      %add3A_3039 = arith.addi %add3A_3038, %min3A_3037 : vector<16xi32>
      %gather3A_3040 = tpu.vector_load_idx %arg10[%add3A_3039, %and3A_3029] : memref<768x128xf32, #tpu.memory_space<vmem>>[vector<16xi32>, vector<16xi32>], vector<16xf32>,
      %jit3A_3041 = arith.constant 0.000000e+00 : f32
      %broadcast_in_dim3A_3042 = vector.broadcast %jit3A_3041 : f32 to vector<16xf32>
      %select_n3A_3043 = arith.select %lt3A_667, %gather3A_3040, %broadcast_in_dim3A_3042 : vector<16xi1>, vector<16xf32>
      %add3A_3044 = arith.constant 32 : i32
      %add3A_3045 = arith.addi %mul3A_2981, %add3A_3044 : i32
      %swap3A_3046 = arith.index_cast %add3A_3045 : i32 to index
      %swap3A_3047 = tpu.vector_load %arg11[%swap3A_3046] {strides = array<i32>} : memref<3840xf32, #tpu.memory_space<vmem>>, vector<16xf32>,
      tpu.vector_store %arg11[%swap3A_3046], %select_n3A_3043 {strides = array<i32>} : memref<3840xf32, #tpu.memory_space<vmem>>, vector<16xf32>,
      %add3A_3048 = arith.addi %gather3A_2977, %mul3A_631 : vector<16xi32>
      %and3A_3049 = arith.constant 127 : i32
      %and3A_3050 = vector.broadcast %and3A_3049 : i32 to vector<16xi32>
      %and3A_3051 = arith.andi %add3A_3048, %and3A_3050 : vector<16xi32>
      %mul3A_3052 = arith.constant 96 : i32
      %mul3A_3053 = arith.muli %scan3A_2971, %mul3A_3052 : i32
      %add3A_3054 = arith.constant 48 : i32
      %add3A_3055 = vector.broadcast %add3A_3054 : i32 to vector<16xi32>
      %add3A_3056 = arith.addi %iota3A, %add3A_3055 : vector<16xi32>
      %min3A_3057 = arith.constant 84 : i32
      %min3A_3058 = vector.broadcast %min3A_3057 : i32 to vector<16xi32>
      %min3A_3059 = arith.minsi %add3A_3056, %min3A_3058 : vector<16xi32>
      %add3A_3060 = vector.broadcast %mul3A_3053 : i32 to vector<16xi32>
      %add3A_3061 = arith.addi %add3A_3060, %min3A_3059 : vector<16xi32>
      %gather3A_3062 = tpu.vector_load_idx %arg10[%add3A_3061, %and3A_3051] : memref<768x128xf32, #tpu.memory_space<vmem>>[vector<16xi32>, vector<16xi32>], vector<16xf32>,
      %jit3A_3063 = arith.constant 0.000000e+00 : f32
      %broadcast_in_dim3A_3064 = vector.broadcast %jit3A_3063 : f32 to vector<16xf32>
      %select_n3A_3065 = arith.select %lt3A_673, %gather3A_3062, %broadcast_in_dim3A_3064 : vector<16xi1>, vector<16xf32>
      %add3A_3066 = arith.constant 48 : i32
      %add3A_3067 = arith.addi %mul3A_2981, %add3A_3066 : i32
      %swap3A_3068 = arith.index_cast %add3A_3067 : i32 to index
      %swap3A_3069 = tpu.vector_load %arg11[%swap3A_3068] {strides = array<i32>} : memref<3840xf32, #tpu.memory_space<vmem>>, vector<16xf32>,
      tpu.vector_store %arg11[%swap3A_3068], %select_n3A_3065 {strides = array<i32>} : memref<3840xf32, #tpu.memory_space<vmem>>, vector<16xf32>,
      %add3A_3070 = arith.addi %gather3A_2977, %mul3A_640 : vector<16xi32>
      %and3A_3071 = arith.constant 127 : i32
      %and3A_3072 = vector.broadcast %and3A_3071 : i32 to vector<16xi32>
      %and3A_3073 = arith.andi %add3A_3070, %and3A_3072 : vector<16xi32>
      %mul3A_3074 = arith.constant 96 : i32
      %mul3A_3075 = arith.muli %scan3A_2971, %mul3A_3074 : i32
      %add3A_3076 = arith.constant 64 : i32
      %add3A_3077 = vector.broadcast %add3A_3076 : i32 to vector<16xi32>
      %add3A_3078 = arith.addi %iota3A, %add3A_3077 : vector<16xi32>
      %min3A_3079 = arith.constant 84 : i32
      %min3A_3080 = vector.broadcast %min3A_3079 : i32 to vector<16xi32>
      %min3A_3081 = arith.minsi %add3A_3078, %min3A_3080 : vector<16xi32>
      %add3A_3082 = vector.broadcast %mul3A_3075 : i32 to vector<16xi32>
      %add3A_3083 = arith.addi %add3A_3082, %min3A_3081 : vector<16xi32>
      %gather3A_3084 = tpu.vector_load_idx %arg10[%add3A_3083, %and3A_3073] : memref<768x128xf32, #tpu.memory_space<vmem>>[vector<16xi32>, vector<16xi32>], vector<16xf32>,
      %jit3A_3085 = arith.constant 0.000000e+00 : f32
      %broadcast_in_dim3A_3086 = vector.broadcast %jit3A_3085 : f32 to vector<16xf32>
      %select_n3A_3087 = arith.select %lt3A_679, %gather3A_3084, %broadcast_in_dim3A_3086 : vector<16xi1>, vector<16xf32>
      %add3A_3088 = arith.constant 64 : i32
      %add3A_3089 = arith.addi %mul3A_2981, %add3A_3088 : i32
      %swap3A_3090 = arith.index_cast %add3A_3089 : i32 to index
      %swap3A_3091 = tpu.vector_load %arg11[%swap3A_3090] {strides = array<i32>} : memref<3840xf32, #tpu.memory_space<vmem>>, vector<16xf32>,
      tpu.vector_store %arg11[%swap3A_3090], %select_n3A_3087 {strides = array<i32>} : memref<3840xf32, #tpu.memory_space<vmem>>, vector<16xf32>,
      %add3A_3092 = arith.addi %gather3A_2977, %mul3A_649 : vector<16xi32>
      %and3A_3093 = arith.constant 127 : i32
      %and3A_3094 = vector.broadcast %and3A_3093 : i32 to vector<16xi32>
      %and3A_3095 = arith.andi %add3A_3092, %and3A_3094 : vector<16xi32>
      %mul3A_3096 = arith.constant 96 : i32
      %mul3A_3097 = arith.muli %scan3A_2971, %mul3A_3096 : i32
      %add3A_3098 = arith.constant 80 : i32
      %add3A_3099 = vector.broadcast %add3A_3098 : i32 to vector<16xi32>
      %add3A_3100 = arith.addi %iota3A, %add3A_3099 : vector<16xi32>
      %min3A_3101 = arith.constant 84 : i32
      %min3A_3102 = vector.broadcast %min3A_3101 : i32 to vector<16xi32>
      %min3A_3103 = arith.minsi %add3A_3100, %min3A_3102 : vector<16xi32>
      %add3A_3104 = vector.broadcast %mul3A_3097 : i32 to vector<16xi32>
      %add3A_3105 = arith.addi %add3A_3104, %min3A_3103 : vector<16xi32>
      %gather3A_3106 = tpu.vector_load_idx %arg10[%add3A_3105, %and3A_3095] : memref<768x128xf32, #tpu.memory_space<vmem>>[vector<16xi32>, vector<16xi32>], vector<16xf32>,
      %jit3A_3107 = arith.constant 0.000000e+00 : f32
      %broadcast_in_dim3A_3108 = vector.broadcast %jit3A_3107 : f32 to vector<16xf32>
      %select_n3A_3109 = arith.select %lt3A_685, %gather3A_3106, %broadcast_in_dim3A_3108 : vector<16xi1>, vector<16xf32>
      %add3A_3110 = arith.constant 80 : i32
      %add3A_3111 = arith.addi %mul3A_2981, %add3A_3110 : i32
      %swap3A_3112 = arith.index_cast %add3A_3111 : i32 to index
      %swap3A_3113 = tpu.vector_load %arg11[%swap3A_3112] {strides = array<i32>} : memref<3840xf32, #tpu.memory_space<vmem>>, vector<16xf32>,
      tpu.vector_store %arg11[%swap3A_3112], %select_n3A_3109 {strides = array<i32>} : memref<3840xf32, #tpu.memory_space<vmem>>, vector<16xf32>,
      %scan3A_3114 = arith.constant 0 : i32
      scf.yield %scan3A_3114 : i32
    }
    %scan3A_902 = arith.constant 8 : i32
    %scan3A_903 = arith.constant 0 : i32
    %scan3A_904 = arith.constant 0 : i32
    %scan3A_905 = arith.constant 8 : i32
    %scan3A_906 = arith.addi %scan3A_904, %scan3A_905 : i32
    %scan3A_907 = arith.constant 1 : i32
    %scan3A_908 = scf.for %scan3A_2971 = %scan3A_904 to %scan3A_906 step %scan3A_907 iter_args(%scan3A_2972 = %scan3A_903) -> (i32)  : i32 {
      %broadcast_in_dim3A_2973 = arith.constant 16 : i32
      %broadcast_in_dim3A_2974 = vector.broadcast %broadcast_in_dim3A_2973 : i32 to vector<16xi32>
      %add3A_2975 = vector.broadcast %scan3A_2971 : i32 to vector<16xi32>
      %add3A_2976 = arith.addi %broadcast_in_dim3A_2974, %add3A_2975 : vector<16xi32>
      %gather3A_2977 = tpu.vector_load_idx %arg6[%add3A_2976] : memref<48xi32, #tpu.memory_space<vmem>>[vector<16xi32>], vector<16xi32>,
      %add3A_2978 = arith.addi %gather3A_2977, %mul3A_604 : vector<16xi32>
      %shift_right_arithmetic3A = arith.constant 7 : i32
      %shift_right_arithmetic3A_2979 = vector.broadcast %shift_right_arithmetic3A : i32 to vector<16xi32>
      %shift_right_arithmetic3A_2980 = arith.shrsi %add3A_2978, %shift_right_arithmetic3A_2979 : vector<16xi32>
      %mul3A_2981 = arith.constant 96 : i32
      %mul3A_2982 = arith.muli %scan3A_2971, %mul3A_2981 : i32
      %add3A_2983 = arith.constant 0 : i32
      %add3A_2984 = arith.addi %mul3A_2982, %add3A_2983 : i32
      %swap3A_2985 = arith.index_cast %add3A_2984 : i32 to index
      %swap3A_2986 = tpu.vector_load %arg9[%swap3A_2985] {strides = array<i32>} : memref<768xi32, #tpu.memory_space<vmem>>, vector<16xi32>,
      tpu.vector_store %arg9[%swap3A_2985], %shift_right_arithmetic3A_2980 {strides = array<i32>} : memref<768xi32, #tpu.memory_space<vmem>>, vector<16xi32>,
      %add3A_2987 = arith.addi %gather3A_2977, %mul3A_613 : vector<16xi32>
      %shift_right_arithmetic3A_2988 = arith.constant 7 : i32
      %shift_right_arithmetic3A_2989 = vector.broadcast %shift_right_arithmetic3A_2988 : i32 to vector<16xi32>
      %shift_right_arithmetic3A_2990 = arith.shrsi %add3A_2987, %shift_right_arithmetic3A_2989 : vector<16xi32>
      %mul3A_2991 = arith.constant 96 : i32
      %mul3A_2992 = arith.muli %scan3A_2971, %mul3A_2991 : i32
      %add3A_2993 = arith.constant 16 : i32
      %add3A_2994 = arith.addi %mul3A_2992, %add3A_2993 : i32
      %swap3A_2995 = arith.index_cast %add3A_2994 : i32 to index
      %swap3A_2996 = tpu.vector_load %arg9[%swap3A_2995] {strides = array<i32>} : memref<768xi32, #tpu.memory_space<vmem>>, vector<16xi32>,
      tpu.vector_store %arg9[%swap3A_2995], %shift_right_arithmetic3A_2990 {strides = array<i32>} : memref<768xi32, #tpu.memory_space<vmem>>, vector<16xi32>,
      %add3A_2997 = arith.addi %gather3A_2977, %mul3A_622 : vector<16xi32>
      %shift_right_arithmetic3A_2998 = arith.constant 7 : i32
      %shift_right_arithmetic3A_2999 = vector.broadcast %shift_right_arithmetic3A_2998 : i32 to vector<16xi32>
      %shift_right_arithmetic3A_3000 = arith.shrsi %add3A_2997, %shift_right_arithmetic3A_2999 : vector<16xi32>
      %mul3A_3001 = arith.constant 96 : i32
      %mul3A_3002 = arith.muli %scan3A_2971, %mul3A_3001 : i32
      %add3A_3003 = arith.constant 32 : i32
      %add3A_3004 = arith.addi %mul3A_3002, %add3A_3003 : i32
      %swap3A_3005 = arith.index_cast %add3A_3004 : i32 to index
      %swap3A_3006 = tpu.vector_load %arg9[%swap3A_3005] {strides = array<i32>} : memref<768xi32, #tpu.memory_space<vmem>>, vector<16xi32>,
      tpu.vector_store %arg9[%swap3A_3005], %shift_right_arithmetic3A_3000 {strides = array<i32>} : memref<768xi32, #tpu.memory_space<vmem>>, vector<16xi32>,
      %add3A_3007 = arith.addi %gather3A_2977, %mul3A_631 : vector<16xi32>
      %shift_right_arithmetic3A_3008 = arith.constant 7 : i32
      %shift_right_arithmetic3A_3009 = vector.broadcast %shift_right_arithmetic3A_3008 : i32 to vector<16xi32>
      %shift_right_arithmetic3A_3010 = arith.shrsi %add3A_3007, %shift_right_arithmetic3A_3009 : vector<16xi32>
      %mul3A_3011 = arith.constant 96 : i32
      %mul3A_3012 = arith.muli %scan3A_2971, %mul3A_3011 : i32
      %add3A_3013 = arith.constant 48 : i32
      %add3A_3014 = arith.addi %mul3A_3012, %add3A_3013 : i32
      %swap3A_3015 = arith.index_cast %add3A_3014 : i32 to index
      %swap3A_3016 = tpu.vector_load %arg9[%swap3A_3015] {strides = array<i32>} : memref<768xi32, #tpu.memory_space<vmem>>, vector<16xi32>,
      tpu.vector_store %arg9[%swap3A_3015], %shift_right_arithmetic3A_3010 {strides = array<i32>} : memref<768xi32, #tpu.memory_space<vmem>>, vector<16xi32>,
      %add3A_3017 = arith.addi %gather3A_2977, %mul3A_640 : vector<16xi32>
      %shift_right_arithmetic3A_3018 = arith.constant 7 : i32
      %shift_right_arithmetic3A_3019 = vector.broadcast %shift_right_arithmetic3A_3018 : i32 to vector<16xi32>
      %shift_right_arithmetic3A_3020 = arith.shrsi %add3A_3017, %shift_right_arithmetic3A_3019 : vector<16xi32>
      %mul3A_3021 = arith.constant 96 : i32
      %mul3A_3022 = arith.muli %scan3A_2971, %mul3A_3021 : i32
      %add3A_3023 = arith.constant 64 : i32
      %add3A_3024 = arith.addi %mul3A_3022, %add3A_3023 : i32
      %swap3A_3025 = arith.index_cast %add3A_3024 : i32 to index
      %swap3A_3026 = tpu.vector_load %arg9[%swap3A_3025] {strides = array<i32>} : memref<768xi32, #tpu.memory_space<vmem>>, vector<16xi32>,
      tpu.vector_store %arg9[%swap3A_3025], %shift_right_arithmetic3A_3020 {strides = array<i32>} : memref<768xi32, #tpu.memory_space<vmem>>, vector<16xi32>,
      %add3A_3027 = arith.addi %gather3A_2977, %mul3A_649 : vector<16xi32>
      %shift_right_arithmetic3A_3028 = arith.constant 7 : i32
      %shift_right_arithmetic3A_3029 = vector.broadcast %shift_right_arithmetic3A_3028 : i32 to vector<16xi32>
      %shift_right_arithmetic3A_3030 = arith.shrsi %add3A_3027, %shift_right_arithmetic3A_3029 : vector<16xi32>
      %mul3A_3031 = arith.constant 96 : i32
      %mul3A_3032 = arith.muli %scan3A_2971, %mul3A_3031 : i32
      %add3A_3033 = arith.constant 80 : i32
      %add3A_3034 = arith.addi %mul3A_3032, %add3A_3033 : i32
      %swap3A_3035 = arith.index_cast %add3A_3034 : i32 to index
      %swap3A_3036 = tpu.vector_load %arg9[%swap3A_3035] {strides = array<i32>} : memref<768xi32, #tpu.memory_space<vmem>>, vector<16xi32>,
      tpu.vector_store %arg9[%swap3A_3035], %shift_right_arithmetic3A_3030 {strides = array<i32>} : memref<768xi32, #tpu.memory_space<vmem>>, vector<16xi32>,
      %scan3A_3037 = arith.constant 0 : i32
      scf.yield %scan3A_3037 : i32
    }
    %scan3A_909 = arith.constant 8 : i32
    %dma_start3A_910 = arith.constant 0 : i32
    %dma_start3A_911 = arith.constant 0 : i32
    %dma_start3A_912 = tpu.memref_slice %arg10[%dma_start3A_910, %dma_start3A_911] : memref<768x128xf32, #tpu.memory_space<vmem>> -> memref<128x128xf32, #tpu.memory_space<vmem>>
    %dma_start3A_913 = arith.constant 0 : i32
    %dma_start3A_914 = tpu.memref_slice %arg9[%dma_start3A_913] : memref<768xi32, #tpu.memory_space<vmem>> -> memref<128xi32, #tpu.memory_space<vmem>>
    %dma_start3A_915 = arith.constant 0 : i32
    %dma_start3A_916 = arith.constant 0 : i32
    %dma_start3A_917 = tpu.memref_slice %arg2[%dma_start3A_915, %dma_start3A_916] : memref<344760x128xf32, #tpu.memory_space<hbm>> -> memref<344760x128xf32, #tpu.memory_space<hbm>>
    tpu.enqueue_indirect_dma source(%dma_start3A_917 : memref<344760x128xf32, #tpu.memory_space<hbm>>) target(%dma_start3A_912 : memref<128x128xf32, #tpu.memory_space<vmem>>) offsets(%dma_start3A_914 : memref<128xi32, #tpu.memory_space<vmem>>) semaphore(%arg12 : memref<!tpu.dma_semaphore, #tpu.memory_space<semaphore_mem>>)
    %dma_start3A_918 = arith.constant 128 : i32
    %dma_start3A_919 = arith.constant 0 : i32
    %dma_start3A_920 = tpu.memref_slice %arg10[%dma_start3A_918, %dma_start3A_919] : memref<768x128xf32, #tpu.memory_space<vmem>> -> memref<128x128xf32, #tpu.memory_space<vmem>>
    %dma_start3A_921 = arith.constant 128 : i32
    %dma_start3A_922 = tpu.memref_slice %arg9[%dma_start3A_921] : memref<768xi32, #tpu.memory_space<vmem>> -> memref<128xi32, #tpu.memory_space<vmem>>
    %dma_start3A_923 = arith.constant 0 : i32
    %dma_start3A_924 = arith.constant 0 : i32
    %dma_start3A_925 = tpu.memref_slice %arg2[%dma_start3A_923, %dma_start3A_924] : memref<344760x128xf32, #tpu.memory_space<hbm>> -> memref<344760x128xf32, #tpu.memory_space<hbm>>
    tpu.enqueue_indirect_dma source(%dma_start3A_925 : memref<344760x128xf32, #tpu.memory_space<hbm>>) target(%dma_start3A_920 : memref<128x128xf32, #tpu.memory_space<vmem>>) offsets(%dma_start3A_922 : memref<128xi32, #tpu.memory_space<vmem>>) semaphore(%arg12 : memref<!tpu.dma_semaphore, #tpu.memory_space<semaphore_mem>>)
    %dma_start3A_926 = arith.constant 256 : i32
    %dma_start3A_927 = arith.constant 0 : i32
    %dma_start3A_928 = tpu.memref_slice %arg10[%dma_start3A_926, %dma_start3A_927] : memref<768x128xf32, #tpu.memory_space<vmem>> -> memref<128x128xf32, #tpu.memory_space<vmem>>
    %dma_start3A_929 = arith.constant 256 : i32
    %dma_start3A_930 = tpu.memref_slice %arg9[%dma_start3A_929] : memref<768xi32, #tpu.memory_space<vmem>> -> memref<128xi32, #tpu.memory_space<vmem>>
    %dma_start3A_931 = arith.constant 0 : i32
    %dma_start3A_932 = arith.constant 0 : i32
    %dma_start3A_933 = tpu.memref_slice %arg2[%dma_start3A_931, %dma_start3A_932] : memref<344760x128xf32, #tpu.memory_space<hbm>> -> memref<344760x128xf32, #tpu.memory_space<hbm>>
    tpu.enqueue_indirect_dma source(%dma_start3A_933 : memref<344760x128xf32, #tpu.memory_space<hbm>>) target(%dma_start3A_928 : memref<128x128xf32, #tpu.memory_space<vmem>>) offsets(%dma_start3A_930 : memref<128xi32, #tpu.memory_space<vmem>>) semaphore(%arg12 : memref<!tpu.dma_semaphore, #tpu.memory_space<semaphore_mem>>)
    %dma_start3A_934 = arith.constant 384 : i32
    %dma_start3A_935 = arith.constant 0 : i32
    %dma_start3A_936 = tpu.memref_slice %arg10[%dma_start3A_934, %dma_start3A_935] : memref<768x128xf32, #tpu.memory_space<vmem>> -> memref<128x128xf32, #tpu.memory_space<vmem>>
    %dma_start3A_937 = arith.constant 384 : i32
    %dma_start3A_938 = tpu.memref_slice %arg9[%dma_start3A_937] : memref<768xi32, #tpu.memory_space<vmem>> -> memref<128xi32, #tpu.memory_space<vmem>>
    %dma_start3A_939 = arith.constant 0 : i32
    %dma_start3A_940 = arith.constant 0 : i32
    %dma_start3A_941 = tpu.memref_slice %arg2[%dma_start3A_939, %dma_start3A_940] : memref<344760x128xf32, #tpu.memory_space<hbm>> -> memref<344760x128xf32, #tpu.memory_space<hbm>>
    tpu.enqueue_indirect_dma source(%dma_start3A_941 : memref<344760x128xf32, #tpu.memory_space<hbm>>) target(%dma_start3A_936 : memref<128x128xf32, #tpu.memory_space<vmem>>) offsets(%dma_start3A_938 : memref<128xi32, #tpu.memory_space<vmem>>) semaphore(%arg12 : memref<!tpu.dma_semaphore, #tpu.memory_space<semaphore_mem>>)
    %dma_start3A_942 = arith.constant 512 : i32
    %dma_start3A_943 = arith.constant 0 : i32
    %dma_start3A_944 = tpu.memref_slice %arg10[%dma_start3A_942, %dma_start3A_943] : memref<768x128xf32, #tpu.memory_space<vmem>> -> memref<128x128xf32, #tpu.memory_space<vmem>>
    %dma_start3A_945 = arith.constant 512 : i32
    %dma_start3A_946 = tpu.memref_slice %arg9[%dma_start3A_945] : memref<768xi32, #tpu.memory_space<vmem>> -> memref<128xi32, #tpu.memory_space<vmem>>
    %dma_start3A_947 = arith.constant 0 : i32
    %dma_start3A_948 = arith.constant 0 : i32
    %dma_start3A_949 = tpu.memref_slice %arg2[%dma_start3A_947, %dma_start3A_948] : memref<344760x128xf32, #tpu.memory_space<hbm>> -> memref<344760x128xf32, #tpu.memory_space<hbm>>
    tpu.enqueue_indirect_dma source(%dma_start3A_949 : memref<344760x128xf32, #tpu.memory_space<hbm>>) target(%dma_start3A_944 : memref<128x128xf32, #tpu.memory_space<vmem>>) offsets(%dma_start3A_946 : memref<128xi32, #tpu.memory_space<vmem>>) semaphore(%arg12 : memref<!tpu.dma_semaphore, #tpu.memory_space<semaphore_mem>>)
    %dma_start3A_950 = arith.constant 640 : i32
    %dma_start3A_951 = arith.constant 0 : i32
    %dma_start3A_952 = tpu.memref_slice %arg10[%dma_start3A_950, %dma_start3A_951] : memref<768x128xf32, #tpu.memory_space<vmem>> -> memref<128x128xf32, #tpu.memory_space<vmem>>
    %dma_start3A_953 = arith.constant 640 : i32
    %dma_start3A_954 = tpu.memref_slice %arg9[%dma_start3A_953] : memref<768xi32, #tpu.memory_space<vmem>> -> memref<128xi32, #tpu.memory_space<vmem>>
    %dma_start3A_955 = arith.constant 0 : i32
    %dma_start3A_956 = arith.constant 0 : i32
    %dma_start3A_957 = tpu.memref_slice %arg2[%dma_start3A_955, %dma_start3A_956] : memref<344760x128xf32, #tpu.memory_space<hbm>> -> memref<344760x128xf32, #tpu.memory_space<hbm>>
    tpu.enqueue_indirect_dma source(%dma_start3A_957 : memref<344760x128xf32, #tpu.memory_space<hbm>>) target(%dma_start3A_952 : memref<128x128xf32, #tpu.memory_space<vmem>>) offsets(%dma_start3A_954 : memref<128xi32, #tpu.memory_space<vmem>>) semaphore(%arg12 : memref<!tpu.dma_semaphore, #tpu.memory_space<semaphore_mem>>)
    %dma_wait3A_958 = arith.constant 0 : i32
    %dma_wait3A_959 = arith.constant 0 : i32
    %dma_wait3A_960 = tpu.memref_slice %arg10[%dma_wait3A_958, %dma_wait3A_959] : memref<768x128xf32, #tpu.memory_space<vmem>> -> memref<128x128xf32, #tpu.memory_space<vmem>>
    %dma_wait3A_961 = arith.constant 0 : i32
    %dma_wait3A_962 = tpu.memref_slice %arg9[%dma_wait3A_961] : memref<768xi32, #tpu.memory_space<vmem>> -> memref<128xi32, #tpu.memory_space<vmem>>
    %dma_wait3A_963 = arith.constant 0 : i32
    %dma_wait3A_964 = arith.constant 0 : i32
    %dma_wait3A_965 = tpu.memref_slice %arg2[%dma_wait3A_963, %dma_wait3A_964] : memref<344760x128xf32, #tpu.memory_space<hbm>> -> memref<344760x128xf32, #tpu.memory_space<hbm>>
    tpu.wait_indirect_dma semaphore(%arg12 : memref<!tpu.dma_semaphore, #tpu.memory_space<semaphore_mem>>) src(%dma_wait3A_965 : memref<344760x128xf32, #tpu.memory_space<hbm>>) dst(%dma_wait3A_960 : memref<128x128xf32, #tpu.memory_space<vmem>>)
    %dma_wait3A_966 = arith.constant 128 : i32
    %dma_wait3A_967 = arith.constant 0 : i32
    %dma_wait3A_968 = tpu.memref_slice %arg10[%dma_wait3A_966, %dma_wait3A_967] : memref<768x128xf32, #tpu.memory_space<vmem>> -> memref<128x128xf32, #tpu.memory_space<vmem>>
    %dma_wait3A_969 = arith.constant 128 : i32
    %dma_wait3A_970 = tpu.memref_slice %arg9[%dma_wait3A_969] : memref<768xi32, #tpu.memory_space<vmem>> -> memref<128xi32, #tpu.memory_space<vmem>>
    %dma_wait3A_971 = arith.constant 0 : i32
    %dma_wait3A_972 = arith.constant 0 : i32
    %dma_wait3A_973 = tpu.memref_slice %arg2[%dma_wait3A_971, %dma_wait3A_972] : memref<344760x128xf32, #tpu.memory_space<hbm>> -> memref<344760x128xf32, #tpu.memory_space<hbm>>
    tpu.wait_indirect_dma semaphore(%arg12 : memref<!tpu.dma_semaphore, #tpu.memory_space<semaphore_mem>>) src(%dma_wait3A_973 : memref<344760x128xf32, #tpu.memory_space<hbm>>) dst(%dma_wait3A_968 : memref<128x128xf32, #tpu.memory_space<vmem>>)
    %dma_wait3A_974 = arith.constant 256 : i32
    %dma_wait3A_975 = arith.constant 0 : i32
    %dma_wait3A_976 = tpu.memref_slice %arg10[%dma_wait3A_974, %dma_wait3A_975] : memref<768x128xf32, #tpu.memory_space<vmem>> -> memref<128x128xf32, #tpu.memory_space<vmem>>
    %dma_wait3A_977 = arith.constant 256 : i32
    %dma_wait3A_978 = tpu.memref_slice %arg9[%dma_wait3A_977] : memref<768xi32, #tpu.memory_space<vmem>> -> memref<128xi32, #tpu.memory_space<vmem>>
    %dma_wait3A_979 = arith.constant 0 : i32
    %dma_wait3A_980 = arith.constant 0 : i32
    %dma_wait3A_981 = tpu.memref_slice %arg2[%dma_wait3A_979, %dma_wait3A_980] : memref<344760x128xf32, #tpu.memory_space<hbm>> -> memref<344760x128xf32, #tpu.memory_space<hbm>>
    tpu.wait_indirect_dma semaphore(%arg12 : memref<!tpu.dma_semaphore, #tpu.memory_space<semaphore_mem>>) src(%dma_wait3A_981 : memref<344760x128xf32, #tpu.memory_space<hbm>>) dst(%dma_wait3A_976 : memref<128x128xf32, #tpu.memory_space<vmem>>)
    %dma_wait3A_982 = arith.constant 384 : i32
    %dma_wait3A_983 = arith.constant 0 : i32
    %dma_wait3A_984 = tpu.memref_slice %arg10[%dma_wait3A_982, %dma_wait3A_983] : memref<768x128xf32, #tpu.memory_space<vmem>> -> memref<128x128xf32, #tpu.memory_space<vmem>>
    %dma_wait3A_985 = arith.constant 384 : i32
    %dma_wait3A_986 = tpu.memref_slice %arg9[%dma_wait3A_985] : memref<768xi32, #tpu.memory_space<vmem>> -> memref<128xi32, #tpu.memory_space<vmem>>
    %dma_wait3A_987 = arith.constant 0 : i32
    %dma_wait3A_988 = arith.constant 0 : i32
    %dma_wait3A_989 = tpu.memref_slice %arg2[%dma_wait3A_987, %dma_wait3A_988] : memref<344760x128xf32, #tpu.memory_space<hbm>> -> memref<344760x128xf32, #tpu.memory_space<hbm>>
    tpu.wait_indirect_dma semaphore(%arg12 : memref<!tpu.dma_semaphore, #tpu.memory_space<semaphore_mem>>) src(%dma_wait3A_989 : memref<344760x128xf32, #tpu.memory_space<hbm>>) dst(%dma_wait3A_984 : memref<128x128xf32, #tpu.memory_space<vmem>>)
    %dma_wait3A_990 = arith.constant 512 : i32
    %dma_wait3A_991 = arith.constant 0 : i32
    %dma_wait3A_992 = tpu.memref_slice %arg10[%dma_wait3A_990, %dma_wait3A_991] : memref<768x128xf32, #tpu.memory_space<vmem>> -> memref<128x128xf32, #tpu.memory_space<vmem>>
    %dma_wait3A_993 = arith.constant 512 : i32
    %dma_wait3A_994 = tpu.memref_slice %arg9[%dma_wait3A_993] : memref<768xi32, #tpu.memory_space<vmem>> -> memref<128xi32, #tpu.memory_space<vmem>>
    %dma_wait3A_995 = arith.constant 0 : i32
    %dma_wait3A_996 = arith.constant 0 : i32
    %dma_wait3A_997 = tpu.memref_slice %arg2[%dma_wait3A_995, %dma_wait3A_996] : memref<344760x128xf32, #tpu.memory_space<hbm>> -> memref<344760x128xf32, #tpu.memory_space<hbm>>
    tpu.wait_indirect_dma semaphore(%arg12 : memref<!tpu.dma_semaphore, #tpu.memory_space<semaphore_mem>>) src(%dma_wait3A_997 : memref<344760x128xf32, #tpu.memory_space<hbm>>) dst(%dma_wait3A_992 : memref<128x128xf32, #tpu.memory_space<vmem>>)
    %dma_wait3A_998 = arith.constant 640 : i32
    %dma_wait3A_999 = arith.constant 0 : i32
    %dma_wait3A_1000 = tpu.memref_slice %arg10[%dma_wait3A_998, %dma_wait3A_999] : memref<768x128xf32, #tpu.memory_space<vmem>> -> memref<128x128xf32, #tpu.memory_space<vmem>>
    %dma_wait3A_1001 = arith.constant 640 : i32
    %dma_wait3A_1002 = tpu.memref_slice %arg9[%dma_wait3A_1001] : memref<768xi32, #tpu.memory_space<vmem>> -> memref<128xi32, #tpu.memory_space<vmem>>
    %dma_wait3A_1003 = arith.constant 0 : i32
    %dma_wait3A_1004 = arith.constant 0 : i32
    %dma_wait3A_1005 = tpu.memref_slice %arg2[%dma_wait3A_1003, %dma_wait3A_1004] : memref<344760x128xf32, #tpu.memory_space<hbm>> -> memref<344760x128xf32, #tpu.memory_space<hbm>>
    tpu.wait_indirect_dma semaphore(%arg12 : memref<!tpu.dma_semaphore, #tpu.memory_space<semaphore_mem>>) src(%dma_wait3A_1005 : memref<344760x128xf32, #tpu.memory_space<hbm>>) dst(%dma_wait3A_1000 : memref<128x128xf32, #tpu.memory_space<vmem>>)
    %scan3A_1006 = arith.constant 0 : i32
    %scan3A_1007 = arith.constant 0 : i32
    %scan3A_1008 = arith.constant 8 : i32
    %scan3A_1009 = arith.addi %scan3A_1007, %scan3A_1008 : i32
    %scan3A_1010 = arith.constant 1 : i32
    %scan3A_1011 = scf.for %scan3A_2971 = %scan3A_1007 to %scan3A_1009 step %scan3A_1010 iter_args(%scan3A_2972 = %scan3A_1006) -> (i32)  : i32 {
      %broadcast_in_dim3A_2973 = arith.constant 16 : i32
      %broadcast_in_dim3A_2974 = vector.broadcast %broadcast_in_dim3A_2973 : i32 to vector<16xi32>
      %add3A_2975 = vector.broadcast %scan3A_2971 : i32 to vector<16xi32>
      %add3A_2976 = arith.addi %broadcast_in_dim3A_2974, %add3A_2975 : vector<16xi32>
      %gather3A_2977 = tpu.vector_load_idx %arg6[%add3A_2976] : memref<48xi32, #tpu.memory_space<vmem>>[vector<16xi32>], vector<16xi32>,
      %add3A_2978 = arith.constant 16 : i32
      %add3A_2979 = arith.addi %add3A_2978, %scan3A_2971 : i32
      %mul3A_2980 = arith.constant 96 : i32
      %mul3A_2981 = arith.muli %add3A_2979, %mul3A_2980 : i32
      %add3A_2982 = arith.addi %gather3A_2977, %mul3A_604 : vector<16xi32>
      %and3A_2983 = arith.constant 127 : i32
      %and3A_2984 = vector.broadcast %and3A_2983 : i32 to vector<16xi32>
      %and3A_2985 = arith.andi %add3A_2982, %and3A_2984 : vector<16xi32>
      %mul3A_2986 = arith.constant 96 : i32
      %mul3A_2987 = arith.muli %scan3A_2971, %mul3A_2986 : i32
      %add3A_2988 = arith.constant 0 : i32
      %add3A_2989 = vector.broadcast %add3A_2988 : i32 to vector<16xi32>
      %add3A_2990 = arith.addi %iota3A, %add3A_2989 : vector<16xi32>
      %min3A_2991 = arith.constant 84 : i32
      %min3A_2992 = vector.broadcast %min3A_2991 : i32 to vector<16xi32>
      %min3A_2993 = arith.minsi %add3A_2990, %min3A_2992 : vector<16xi32>
      %add3A_2994 = vector.broadcast %mul3A_2987 : i32 to vector<16xi32>
      %add3A_2995 = arith.addi %add3A_2994, %min3A_2993 : vector<16xi32>
      %gather3A_2996 = tpu.vector_load_idx %arg10[%add3A_2995, %and3A_2985] : memref<768x128xf32, #tpu.memory_space<vmem>>[vector<16xi32>, vector<16xi32>], vector<16xf32>,
      %jit3A_2997 = arith.constant 0.000000e+00 : f32
      %broadcast_in_dim3A_2998 = vector.broadcast %jit3A_2997 : f32 to vector<16xf32>
      %select_n3A_2999 = arith.select %lt3A_655, %gather3A_2996, %broadcast_in_dim3A_2998 : vector<16xi1>, vector<16xf32>
      %add3A_3000 = arith.constant 0 : i32
      %add3A_3001 = arith.addi %mul3A_2981, %add3A_3000 : i32
      %swap3A_3002 = arith.index_cast %add3A_3001 : i32 to index
      %swap3A_3003 = tpu.vector_load %arg11[%swap3A_3002] {strides = array<i32>} : memref<3840xf32, #tpu.memory_space<vmem>>, vector<16xf32>,
      tpu.vector_store %arg11[%swap3A_3002], %select_n3A_2999 {strides = array<i32>} : memref<3840xf32, #tpu.memory_space<vmem>>, vector<16xf32>,
      %add3A_3004 = arith.addi %gather3A_2977, %mul3A_613 : vector<16xi32>
      %and3A_3005 = arith.constant 127 : i32
      %and3A_3006 = vector.broadcast %and3A_3005 : i32 to vector<16xi32>
      %and3A_3007 = arith.andi %add3A_3004, %and3A_3006 : vector<16xi32>
      %mul3A_3008 = arith.constant 96 : i32
      %mul3A_3009 = arith.muli %scan3A_2971, %mul3A_3008 : i32
      %add3A_3010 = arith.constant 16 : i32
      %add3A_3011 = vector.broadcast %add3A_3010 : i32 to vector<16xi32>
      %add3A_3012 = arith.addi %iota3A, %add3A_3011 : vector<16xi32>
      %min3A_3013 = arith.constant 84 : i32
      %min3A_3014 = vector.broadcast %min3A_3013 : i32 to vector<16xi32>
      %min3A_3015 = arith.minsi %add3A_3012, %min3A_3014 : vector<16xi32>
      %add3A_3016 = vector.broadcast %mul3A_3009 : i32 to vector<16xi32>
      %add3A_3017 = arith.addi %add3A_3016, %min3A_3015 : vector<16xi32>
      %gather3A_3018 = tpu.vector_load_idx %arg10[%add3A_3017, %and3A_3007] : memref<768x128xf32, #tpu.memory_space<vmem>>[vector<16xi32>, vector<16xi32>], vector<16xf32>,
      %jit3A_3019 = arith.constant 0.000000e+00 : f32
      %broadcast_in_dim3A_3020 = vector.broadcast %jit3A_3019 : f32 to vector<16xf32>
      %select_n3A_3021 = arith.select %lt3A_661, %gather3A_3018, %broadcast_in_dim3A_3020 : vector<16xi1>, vector<16xf32>
      %add3A_3022 = arith.constant 16 : i32
      %add3A_3023 = arith.addi %mul3A_2981, %add3A_3022 : i32
      %swap3A_3024 = arith.index_cast %add3A_3023 : i32 to index
      %swap3A_3025 = tpu.vector_load %arg11[%swap3A_3024] {strides = array<i32>} : memref<3840xf32, #tpu.memory_space<vmem>>, vector<16xf32>,
      tpu.vector_store %arg11[%swap3A_3024], %select_n3A_3021 {strides = array<i32>} : memref<3840xf32, #tpu.memory_space<vmem>>, vector<16xf32>,
      %add3A_3026 = arith.addi %gather3A_2977, %mul3A_622 : vector<16xi32>
      %and3A_3027 = arith.constant 127 : i32
      %and3A_3028 = vector.broadcast %and3A_3027 : i32 to vector<16xi32>
      %and3A_3029 = arith.andi %add3A_3026, %and3A_3028 : vector<16xi32>
      %mul3A_3030 = arith.constant 96 : i32
      %mul3A_3031 = arith.muli %scan3A_2971, %mul3A_3030 : i32
      %add3A_3032 = arith.constant 32 : i32
      %add3A_3033 = vector.broadcast %add3A_3032 : i32 to vector<16xi32>
      %add3A_3034 = arith.addi %iota3A, %add3A_3033 : vector<16xi32>
      %min3A_3035 = arith.constant 84 : i32
      %min3A_3036 = vector.broadcast %min3A_3035 : i32 to vector<16xi32>
      %min3A_3037 = arith.minsi %add3A_3034, %min3A_3036 : vector<16xi32>
      %add3A_3038 = vector.broadcast %mul3A_3031 : i32 to vector<16xi32>
      %add3A_3039 = arith.addi %add3A_3038, %min3A_3037 : vector<16xi32>
      %gather3A_3040 = tpu.vector_load_idx %arg10[%add3A_3039, %and3A_3029] : memref<768x128xf32, #tpu.memory_space<vmem>>[vector<16xi32>, vector<16xi32>], vector<16xf32>,
      %jit3A_3041 = arith.constant 0.000000e+00 : f32
      %broadcast_in_dim3A_3042 = vector.broadcast %jit3A_3041 : f32 to vector<16xf32>
      %select_n3A_3043 = arith.select %lt3A_667, %gather3A_3040, %broadcast_in_dim3A_3042 : vector<16xi1>, vector<16xf32>
      %add3A_3044 = arith.constant 32 : i32
      %add3A_3045 = arith.addi %mul3A_2981, %add3A_3044 : i32
      %swap3A_3046 = arith.index_cast %add3A_3045 : i32 to index
      %swap3A_3047 = tpu.vector_load %arg11[%swap3A_3046] {strides = array<i32>} : memref<3840xf32, #tpu.memory_space<vmem>>, vector<16xf32>,
      tpu.vector_store %arg11[%swap3A_3046], %select_n3A_3043 {strides = array<i32>} : memref<3840xf32, #tpu.memory_space<vmem>>, vector<16xf32>,
      %add3A_3048 = arith.addi %gather3A_2977, %mul3A_631 : vector<16xi32>
      %and3A_3049 = arith.constant 127 : i32
      %and3A_3050 = vector.broadcast %and3A_3049 : i32 to vector<16xi32>
      %and3A_3051 = arith.andi %add3A_3048, %and3A_3050 : vector<16xi32>
      %mul3A_3052 = arith.constant 96 : i32
      %mul3A_3053 = arith.muli %scan3A_2971, %mul3A_3052 : i32
      %add3A_3054 = arith.constant 48 : i32
      %add3A_3055 = vector.broadcast %add3A_3054 : i32 to vector<16xi32>
      %add3A_3056 = arith.addi %iota3A, %add3A_3055 : vector<16xi32>
      %min3A_3057 = arith.constant 84 : i32
      %min3A_3058 = vector.broadcast %min3A_3057 : i32 to vector<16xi32>
      %min3A_3059 = arith.minsi %add3A_3056, %min3A_3058 : vector<16xi32>
      %add3A_3060 = vector.broadcast %mul3A_3053 : i32 to vector<16xi32>
      %add3A_3061 = arith.addi %add3A_3060, %min3A_3059 : vector<16xi32>
      %gather3A_3062 = tpu.vector_load_idx %arg10[%add3A_3061, %and3A_3051] : memref<768x128xf32, #tpu.memory_space<vmem>>[vector<16xi32>, vector<16xi32>], vector<16xf32>,
      %jit3A_3063 = arith.constant 0.000000e+00 : f32
      %broadcast_in_dim3A_3064 = vector.broadcast %jit3A_3063 : f32 to vector<16xf32>
      %select_n3A_3065 = arith.select %lt3A_673, %gather3A_3062, %broadcast_in_dim3A_3064 : vector<16xi1>, vector<16xf32>
      %add3A_3066 = arith.constant 48 : i32
      %add3A_3067 = arith.addi %mul3A_2981, %add3A_3066 : i32
      %swap3A_3068 = arith.index_cast %add3A_3067 : i32 to index
      %swap3A_3069 = tpu.vector_load %arg11[%swap3A_3068] {strides = array<i32>} : memref<3840xf32, #tpu.memory_space<vmem>>, vector<16xf32>,
      tpu.vector_store %arg11[%swap3A_3068], %select_n3A_3065 {strides = array<i32>} : memref<3840xf32, #tpu.memory_space<vmem>>, vector<16xf32>,
      %add3A_3070 = arith.addi %gather3A_2977, %mul3A_640 : vector<16xi32>
      %and3A_3071 = arith.constant 127 : i32
      %and3A_3072 = vector.broadcast %and3A_3071 : i32 to vector<16xi32>
      %and3A_3073 = arith.andi %add3A_3070, %and3A_3072 : vector<16xi32>
      %mul3A_3074 = arith.constant 96 : i32
      %mul3A_3075 = arith.muli %scan3A_2971, %mul3A_3074 : i32
      %add3A_3076 = arith.constant 64 : i32
      %add3A_3077 = vector.broadcast %add3A_3076 : i32 to vector<16xi32>
      %add3A_3078 = arith.addi %iota3A, %add3A_3077 : vector<16xi32>
      %min3A_3079 = arith.constant 84 : i32
      %min3A_3080 = vector.broadcast %min3A_3079 : i32 to vector<16xi32>
      %min3A_3081 = arith.minsi %add3A_3078, %min3A_3080 : vector<16xi32>
      %add3A_3082 = vector.broadcast %mul3A_3075 : i32 to vector<16xi32>
      %add3A_3083 = arith.addi %add3A_3082, %min3A_3081 : vector<16xi32>
      %gather3A_3084 = tpu.vector_load_idx %arg10[%add3A_3083, %and3A_3073] : memref<768x128xf32, #tpu.memory_space<vmem>>[vector<16xi32>, vector<16xi32>], vector<16xf32>,
      %jit3A_3085 = arith.constant 0.000000e+00 : f32
      %broadcast_in_dim3A_3086 = vector.broadcast %jit3A_3085 : f32 to vector<16xf32>
      %select_n3A_3087 = arith.select %lt3A_679, %gather3A_3084, %broadcast_in_dim3A_3086 : vector<16xi1>, vector<16xf32>
      %add3A_3088 = arith.constant 64 : i32
      %add3A_3089 = arith.addi %mul3A_2981, %add3A_3088 : i32
      %swap3A_3090 = arith.index_cast %add3A_3089 : i32 to index
      %swap3A_3091 = tpu.vector_load %arg11[%swap3A_3090] {strides = array<i32>} : memref<3840xf32, #tpu.memory_space<vmem>>, vector<16xf32>,
      tpu.vector_store %arg11[%swap3A_3090], %select_n3A_3087 {strides = array<i32>} : memref<3840xf32, #tpu.memory_space<vmem>>, vector<16xf32>,
      %add3A_3092 = arith.addi %gather3A_2977, %mul3A_649 : vector<16xi32>
      %and3A_3093 = arith.constant 127 : i32
      %and3A_3094 = vector.broadcast %and3A_3093 : i32 to vector<16xi32>
      %and3A_3095 = arith.andi %add3A_3092, %and3A_3094 : vector<16xi32>
      %mul3A_3096 = arith.constant 96 : i32
      %mul3A_3097 = arith.muli %scan3A_2971, %mul3A_3096 : i32
      %add3A_3098 = arith.constant 80 : i32
      %add3A_3099 = vector.broadcast %add3A_3098 : i32 to vector<16xi32>
      %add3A_3100 = arith.addi %iota3A, %add3A_3099 : vector<16xi32>
      %min3A_3101 = arith.constant 84 : i32
      %min3A_3102 = vector.broadcast %min3A_3101 : i32 to vector<16xi32>
      %min3A_3103 = arith.minsi %add3A_3100, %min3A_3102 : vector<16xi32>
      %add3A_3104 = vector.broadcast %mul3A_3097 : i32 to vector<16xi32>
      %add3A_3105 = arith.addi %add3A_3104, %min3A_3103 : vector<16xi32>
      %gather3A_3106 = tpu.vector_load_idx %arg10[%add3A_3105, %and3A_3095] : memref<768x128xf32, #tpu.memory_space<vmem>>[vector<16xi32>, vector<16xi32>], vector<16xf32>,
      %jit3A_3107 = arith.constant 0.000000e+00 : f32
      %broadcast_in_dim3A_3108 = vector.broadcast %jit3A_3107 : f32 to vector<16xf32>
      %select_n3A_3109 = arith.select %lt3A_685, %gather3A_3106, %broadcast_in_dim3A_3108 : vector<16xi1>, vector<16xf32>
      %add3A_3110 = arith.constant 80 : i32
      %add3A_3111 = arith.addi %mul3A_2981, %add3A_3110 : i32
      %swap3A_3112 = arith.index_cast %add3A_3111 : i32 to index
      %swap3A_3113 = tpu.vector_load %arg11[%swap3A_3112] {strides = array<i32>} : memref<3840xf32, #tpu.memory_space<vmem>>, vector<16xf32>,
      tpu.vector_store %arg11[%swap3A_3112], %select_n3A_3109 {strides = array<i32>} : memref<3840xf32, #tpu.memory_space<vmem>>, vector<16xf32>,
      %scan3A_3114 = arith.constant 0 : i32
      scf.yield %scan3A_3114 : i32
    }
    %scan3A_1012 = arith.constant 8 : i32
    %scan3A_1013 = arith.constant 0 : i32
    %scan3A_1014 = arith.constant 0 : i32
    %scan3A_1015 = arith.constant 8 : i32
    %scan3A_1016 = arith.addi %scan3A_1014, %scan3A_1015 : i32
    %scan3A_1017 = arith.constant 1 : i32
    %scan3A_1018 = scf.for %scan3A_2971 = %scan3A_1014 to %scan3A_1016 step %scan3A_1017 iter_args(%scan3A_2972 = %scan3A_1013) -> (i32)  : i32 {
      %broadcast_in_dim3A_2973 = arith.constant 24 : i32
      %broadcast_in_dim3A_2974 = vector.broadcast %broadcast_in_dim3A_2973 : i32 to vector<16xi32>
      %add3A_2975 = vector.broadcast %scan3A_2971 : i32 to vector<16xi32>
      %add3A_2976 = arith.addi %broadcast_in_dim3A_2974, %add3A_2975 : vector<16xi32>
      %gather3A_2977 = tpu.vector_load_idx %arg6[%add3A_2976] : memref<48xi32, #tpu.memory_space<vmem>>[vector<16xi32>], vector<16xi32>,
      %add3A_2978 = arith.addi %gather3A_2977, %mul3A_604 : vector<16xi32>
      %shift_right_arithmetic3A = arith.constant 7 : i32
      %shift_right_arithmetic3A_2979 = vector.broadcast %shift_right_arithmetic3A : i32 to vector<16xi32>
      %shift_right_arithmetic3A_2980 = arith.shrsi %add3A_2978, %shift_right_arithmetic3A_2979 : vector<16xi32>
      %mul3A_2981 = arith.constant 96 : i32
      %mul3A_2982 = arith.muli %scan3A_2971, %mul3A_2981 : i32
      %add3A_2983 = arith.constant 0 : i32
      %add3A_2984 = arith.addi %mul3A_2982, %add3A_2983 : i32
      %swap3A_2985 = arith.index_cast %add3A_2984 : i32 to index
      %swap3A_2986 = tpu.vector_load %arg9[%swap3A_2985] {strides = array<i32>} : memref<768xi32, #tpu.memory_space<vmem>>, vector<16xi32>,
      tpu.vector_store %arg9[%swap3A_2985], %shift_right_arithmetic3A_2980 {strides = array<i32>} : memref<768xi32, #tpu.memory_space<vmem>>, vector<16xi32>,
      %add3A_2987 = arith.addi %gather3A_2977, %mul3A_613 : vector<16xi32>
      %shift_right_arithmetic3A_2988 = arith.constant 7 : i32
      %shift_right_arithmetic3A_2989 = vector.broadcast %shift_right_arithmetic3A_2988 : i32 to vector<16xi32>
      %shift_right_arithmetic3A_2990 = arith.shrsi %add3A_2987, %shift_right_arithmetic3A_2989 : vector<16xi32>
      %mul3A_2991 = arith.constant 96 : i32
      %mul3A_2992 = arith.muli %scan3A_2971, %mul3A_2991 : i32
      %add3A_2993 = arith.constant 16 : i32
      %add3A_2994 = arith.addi %mul3A_2992, %add3A_2993 : i32
      %swap3A_2995 = arith.index_cast %add3A_2994 : i32 to index
      %swap3A_2996 = tpu.vector_load %arg9[%swap3A_2995] {strides = array<i32>} : memref<768xi32, #tpu.memory_space<vmem>>, vector<16xi32>,
      tpu.vector_store %arg9[%swap3A_2995], %shift_right_arithmetic3A_2990 {strides = array<i32>} : memref<768xi32, #tpu.memory_space<vmem>>, vector<16xi32>,
      %add3A_2997 = arith.addi %gather3A_2977, %mul3A_622 : vector<16xi32>
      %shift_right_arithmetic3A_2998 = arith.constant 7 : i32
      %shift_right_arithmetic3A_2999 = vector.broadcast %shift_right_arithmetic3A_2998 : i32 to vector<16xi32>
      %shift_right_arithmetic3A_3000 = arith.shrsi %add3A_2997, %shift_right_arithmetic3A_2999 : vector<16xi32>
      %mul3A_3001 = arith.constant 96 : i32
      %mul3A_3002 = arith.muli %scan3A_2971, %mul3A_3001 : i32
      %add3A_3003 = arith.constant 32 : i32
      %add3A_3004 = arith.addi %mul3A_3002, %add3A_3003 : i32
      %swap3A_3005 = arith.index_cast %add3A_3004 : i32 to index
      %swap3A_3006 = tpu.vector_load %arg9[%swap3A_3005] {strides = array<i32>} : memref<768xi32, #tpu.memory_space<vmem>>, vector<16xi32>,
      tpu.vector_store %arg9[%swap3A_3005], %shift_right_arithmetic3A_3000 {strides = array<i32>} : memref<768xi32, #tpu.memory_space<vmem>>, vector<16xi32>,
      %add3A_3007 = arith.addi %gather3A_2977, %mul3A_631 : vector<16xi32>
      %shift_right_arithmetic3A_3008 = arith.constant 7 : i32
      %shift_right_arithmetic3A_3009 = vector.broadcast %shift_right_arithmetic3A_3008 : i32 to vector<16xi32>
      %shift_right_arithmetic3A_3010 = arith.shrsi %add3A_3007, %shift_right_arithmetic3A_3009 : vector<16xi32>
      %mul3A_3011 = arith.constant 96 : i32
      %mul3A_3012 = arith.muli %scan3A_2971, %mul3A_3011 : i32
      %add3A_3013 = arith.constant 48 : i32
      %add3A_3014 = arith.addi %mul3A_3012, %add3A_3013 : i32
      %swap3A_3015 = arith.index_cast %add3A_3014 : i32 to index
      %swap3A_3016 = tpu.vector_load %arg9[%swap3A_3015] {strides = array<i32>} : memref<768xi32, #tpu.memory_space<vmem>>, vector<16xi32>,
      tpu.vector_store %arg9[%swap3A_3015], %shift_right_arithmetic3A_3010 {strides = array<i32>} : memref<768xi32, #tpu.memory_space<vmem>>, vector<16xi32>,
      %add3A_3017 = arith.addi %gather3A_2977, %mul3A_640 : vector<16xi32>
      %shift_right_arithmetic3A_3018 = arith.constant 7 : i32
      %shift_right_arithmetic3A_3019 = vector.broadcast %shift_right_arithmetic3A_3018 : i32 to vector<16xi32>
      %shift_right_arithmetic3A_3020 = arith.shrsi %add3A_3017, %shift_right_arithmetic3A_3019 : vector<16xi32>
      %mul3A_3021 = arith.constant 96 : i32
      %mul3A_3022 = arith.muli %scan3A_2971, %mul3A_3021 : i32
      %add3A_3023 = arith.constant 64 : i32
      %add3A_3024 = arith.addi %mul3A_3022, %add3A_3023 : i32
      %swap3A_3025 = arith.index_cast %add3A_3024 : i32 to index
      %swap3A_3026 = tpu.vector_load %arg9[%swap3A_3025] {strides = array<i32>} : memref<768xi32, #tpu.memory_space<vmem>>, vector<16xi32>,
      tpu.vector_store %arg9[%swap3A_3025], %shift_right_arithmetic3A_3020 {strides = array<i32>} : memref<768xi32, #tpu.memory_space<vmem>>, vector<16xi32>,
      %add3A_3027 = arith.addi %gather3A_2977, %mul3A_649 : vector<16xi32>
      %shift_right_arithmetic3A_3028 = arith.constant 7 : i32
      %shift_right_arithmetic3A_3029 = vector.broadcast %shift_right_arithmetic3A_3028 : i32 to vector<16xi32>
      %shift_right_arithmetic3A_3030 = arith.shrsi %add3A_3027, %shift_right_arithmetic3A_3029 : vector<16xi32>
      %mul3A_3031 = arith.constant 96 : i32
      %mul3A_3032 = arith.muli %scan3A_2971, %mul3A_3031 : i32
      %add3A_3033 = arith.constant 80 : i32
      %add3A_3034 = arith.addi %mul3A_3032, %add3A_3033 : i32
      %swap3A_3035 = arith.index_cast %add3A_3034 : i32 to index
      %swap3A_3036 = tpu.vector_load %arg9[%swap3A_3035] {strides = array<i32>} : memref<768xi32, #tpu.memory_space<vmem>>, vector<16xi32>,
      tpu.vector_store %arg9[%swap3A_3035], %shift_right_arithmetic3A_3030 {strides = array<i32>} : memref<768xi32, #tpu.memory_space<vmem>>, vector<16xi32>,
      %scan3A_3037 = arith.constant 0 : i32
      scf.yield %scan3A_3037 : i32
    }
    %scan3A_1019 = arith.constant 8 : i32
    %dma_start3A_1020 = arith.constant 0 : i32
    %dma_start3A_1021 = arith.constant 0 : i32
    %dma_start3A_1022 = tpu.memref_slice %arg10[%dma_start3A_1020, %dma_start3A_1021] : memref<768x128xf32, #tpu.memory_space<vmem>> -> memref<128x128xf32, #tpu.memory_space<vmem>>
    %dma_start3A_1023 = arith.constant 0 : i32
    %dma_start3A_1024 = tpu.memref_slice %arg9[%dma_start3A_1023] : memref<768xi32, #tpu.memory_space<vmem>> -> memref<128xi32, #tpu.memory_space<vmem>>
    %dma_start3A_1025 = arith.constant 0 : i32
    %dma_start3A_1026 = arith.constant 0 : i32
    %dma_start3A_1027 = tpu.memref_slice %arg2[%dma_start3A_1025, %dma_start3A_1026] : memref<344760x128xf32, #tpu.memory_space<hbm>> -> memref<344760x128xf32, #tpu.memory_space<hbm>>
    tpu.enqueue_indirect_dma source(%dma_start3A_1027 : memref<344760x128xf32, #tpu.memory_space<hbm>>) target(%dma_start3A_1022 : memref<128x128xf32, #tpu.memory_space<vmem>>) offsets(%dma_start3A_1024 : memref<128xi32, #tpu.memory_space<vmem>>) semaphore(%arg12 : memref<!tpu.dma_semaphore, #tpu.memory_space<semaphore_mem>>)
    %dma_start3A_1028 = arith.constant 128 : i32
    %dma_start3A_1029 = arith.constant 0 : i32
    %dma_start3A_1030 = tpu.memref_slice %arg10[%dma_start3A_1028, %dma_start3A_1029] : memref<768x128xf32, #tpu.memory_space<vmem>> -> memref<128x128xf32, #tpu.memory_space<vmem>>
    %dma_start3A_1031 = arith.constant 128 : i32
    %dma_start3A_1032 = tpu.memref_slice %arg9[%dma_start3A_1031] : memref<768xi32, #tpu.memory_space<vmem>> -> memref<128xi32, #tpu.memory_space<vmem>>
    %dma_start3A_1033 = arith.constant 0 : i32
    %dma_start3A_1034 = arith.constant 0 : i32
    %dma_start3A_1035 = tpu.memref_slice %arg2[%dma_start3A_1033, %dma_start3A_1034] : memref<344760x128xf32, #tpu.memory_space<hbm>> -> memref<344760x128xf32, #tpu.memory_space<hbm>>
    tpu.enqueue_indirect_dma source(%dma_start3A_1035 : memref<344760x128xf32, #tpu.memory_space<hbm>>) target(%dma_start3A_1030 : memref<128x128xf32, #tpu.memory_space<vmem>>) offsets(%dma_start3A_1032 : memref<128xi32, #tpu.memory_space<vmem>>) semaphore(%arg12 : memref<!tpu.dma_semaphore, #tpu.memory_space<semaphore_mem>>)
    %dma_start3A_1036 = arith.constant 256 : i32
    %dma_start3A_1037 = arith.constant 0 : i32
    %dma_start3A_1038 = tpu.memref_slice %arg10[%dma_start3A_1036, %dma_start3A_1037] : memref<768x128xf32, #tpu.memory_space<vmem>> -> memref<128x128xf32, #tpu.memory_space<vmem>>
    %dma_start3A_1039 = arith.constant 256 : i32
    %dma_start3A_1040 = tpu.memref_slice %arg9[%dma_start3A_1039] : memref<768xi32, #tpu.memory_space<vmem>> -> memref<128xi32, #tpu.memory_space<vmem>>
    %dma_start3A_1041 = arith.constant 0 : i32
    %dma_start3A_1042 = arith.constant 0 : i32
    %dma_start3A_1043 = tpu.memref_slice %arg2[%dma_start3A_1041, %dma_start3A_1042] : memref<344760x128xf32, #tpu.memory_space<hbm>> -> memref<344760x128xf32, #tpu.memory_space<hbm>>
    tpu.enqueue_indirect_dma source(%dma_start3A_1043 : memref<344760x128xf32, #tpu.memory_space<hbm>>) target(%dma_start3A_1038 : memref<128x128xf32, #tpu.memory_space<vmem>>) offsets(%dma_start3A_1040 : memref<128xi32, #tpu.memory_space<vmem>>) semaphore(%arg12 : memref<!tpu.dma_semaphore, #tpu.memory_space<semaphore_mem>>)
    %dma_start3A_1044 = arith.constant 384 : i32
    %dma_start3A_1045 = arith.constant 0 : i32
    %dma_start3A_1046 = tpu.memref_slice %arg10[%dma_start3A_1044, %dma_start3A_1045] : memref<768x128xf32, #tpu.memory_space<vmem>> -> memref<128x128xf32, #tpu.memory_space<vmem>>
    %dma_start3A_1047 = arith.constant 384 : i32
    %dma_start3A_1048 = tpu.memref_slice %arg9[%dma_start3A_1047] : memref<768xi32, #tpu.memory_space<vmem>> -> memref<128xi32, #tpu.memory_space<vmem>>
    %dma_start3A_1049 = arith.constant 0 : i32
    %dma_start3A_1050 = arith.constant 0 : i32
    %dma_start3A_1051 = tpu.memref_slice %arg2[%dma_start3A_1049, %dma_start3A_1050] : memref<344760x128xf32, #tpu.memory_space<hbm>> -> memref<344760x128xf32, #tpu.memory_space<hbm>>
    tpu.enqueue_indirect_dma source(%dma_start3A_1051 : memref<344760x128xf32, #tpu.memory_space<hbm>>) target(%dma_start3A_1046 : memref<128x128xf32, #tpu.memory_space<vmem>>) offsets(%dma_start3A_1048 : memref<128xi32, #tpu.memory_space<vmem>>) semaphore(%arg12 : memref<!tpu.dma_semaphore, #tpu.memory_space<semaphore_mem>>)
    %dma_start3A_1052 = arith.constant 512 : i32
    %dma_start3A_1053 = arith.constant 0 : i32
    %dma_start3A_1054 = tpu.memref_slice %arg10[%dma_start3A_1052, %dma_start3A_1053] : memref<768x128xf32, #tpu.memory_space<vmem>> -> memref<128x128xf32, #tpu.memory_space<vmem>>
    %dma_start3A_1055 = arith.constant 512 : i32
    %dma_start3A_1056 = tpu.memref_slice %arg9[%dma_start3A_1055] : memref<768xi32, #tpu.memory_space<vmem>> -> memref<128xi32, #tpu.memory_space<vmem>>
    %dma_start3A_1057 = arith.constant 0 : i32
    %dma_start3A_1058 = arith.constant 0 : i32
    %dma_start3A_1059 = tpu.memref_slice %arg2[%dma_start3A_1057, %dma_start3A_1058] : memref<344760x128xf32, #tpu.memory_space<hbm>> -> memref<344760x128xf32, #tpu.memory_space<hbm>>
    tpu.enqueue_indirect_dma source(%dma_start3A_1059 : memref<344760x128xf32, #tpu.memory_space<hbm>>) target(%dma_start3A_1054 : memref<128x128xf32, #tpu.memory_space<vmem>>) offsets(%dma_start3A_1056 : memref<128xi32, #tpu.memory_space<vmem>>) semaphore(%arg12 : memref<!tpu.dma_semaphore, #tpu.memory_space<semaphore_mem>>)
    %dma_start3A_1060 = arith.constant 640 : i32
    %dma_start3A_1061 = arith.constant 0 : i32
    %dma_start3A_1062 = tpu.memref_slice %arg10[%dma_start3A_1060, %dma_start3A_1061] : memref<768x128xf32, #tpu.memory_space<vmem>> -> memref<128x128xf32, #tpu.memory_space<vmem>>
    %dma_start3A_1063 = arith.constant 640 : i32
    %dma_start3A_1064 = tpu.memref_slice %arg9[%dma_start3A_1063] : memref<768xi32, #tpu.memory_space<vmem>> -> memref<128xi32, #tpu.memory_space<vmem>>
    %dma_start3A_1065 = arith.constant 0 : i32
    %dma_start3A_1066 = arith.constant 0 : i32
    %dma_start3A_1067 = tpu.memref_slice %arg2[%dma_start3A_1065, %dma_start3A_1066] : memref<344760x128xf32, #tpu.memory_space<hbm>> -> memref<344760x128xf32, #tpu.memory_space<hbm>>
    tpu.enqueue_indirect_dma source(%dma_start3A_1067 : memref<344760x128xf32, #tpu.memory_space<hbm>>) target(%dma_start3A_1062 : memref<128x128xf32, #tpu.memory_space<vmem>>) offsets(%dma_start3A_1064 : memref<128xi32, #tpu.memory_space<vmem>>) semaphore(%arg12 : memref<!tpu.dma_semaphore, #tpu.memory_space<semaphore_mem>>)
    %dma_wait3A_1068 = arith.constant 0 : i32
    %dma_wait3A_1069 = arith.constant 0 : i32
    %dma_wait3A_1070 = tpu.memref_slice %arg10[%dma_wait3A_1068, %dma_wait3A_1069] : memref<768x128xf32, #tpu.memory_space<vmem>> -> memref<128x128xf32, #tpu.memory_space<vmem>>
    %dma_wait3A_1071 = arith.constant 0 : i32
    %dma_wait3A_1072 = tpu.memref_slice %arg9[%dma_wait3A_1071] : memref<768xi32, #tpu.memory_space<vmem>> -> memref<128xi32, #tpu.memory_space<vmem>>
    %dma_wait3A_1073 = arith.constant 0 : i32
    %dma_wait3A_1074 = arith.constant 0 : i32
    %dma_wait3A_1075 = tpu.memref_slice %arg2[%dma_wait3A_1073, %dma_wait3A_1074] : memref<344760x128xf32, #tpu.memory_space<hbm>> -> memref<344760x128xf32, #tpu.memory_space<hbm>>
    tpu.wait_indirect_dma semaphore(%arg12 : memref<!tpu.dma_semaphore, #tpu.memory_space<semaphore_mem>>) src(%dma_wait3A_1075 : memref<344760x128xf32, #tpu.memory_space<hbm>>) dst(%dma_wait3A_1070 : memref<128x128xf32, #tpu.memory_space<vmem>>)
    %dma_wait3A_1076 = arith.constant 128 : i32
    %dma_wait3A_1077 = arith.constant 0 : i32
    %dma_wait3A_1078 = tpu.memref_slice %arg10[%dma_wait3A_1076, %dma_wait3A_1077] : memref<768x128xf32, #tpu.memory_space<vmem>> -> memref<128x128xf32, #tpu.memory_space<vmem>>
    %dma_wait3A_1079 = arith.constant 128 : i32
    %dma_wait3A_1080 = tpu.memref_slice %arg9[%dma_wait3A_1079] : memref<768xi32, #tpu.memory_space<vmem>> -> memref<128xi32, #tpu.memory_space<vmem>>
    %dma_wait3A_1081 = arith.constant 0 : i32
    %dma_wait3A_1082 = arith.constant 0 : i32
    %dma_wait3A_1083 = tpu.memref_slice %arg2[%dma_wait3A_1081, %dma_wait3A_1082] : memref<344760x128xf32, #tpu.memory_space<hbm>> -> memref<344760x128xf32, #tpu.memory_space<hbm>>
    tpu.wait_indirect_dma semaphore(%arg12 : memref<!tpu.dma_semaphore, #tpu.memory_space<semaphore_mem>>) src(%dma_wait3A_1083 : memref<344760x128xf32, #tpu.memory_space<hbm>>) dst(%dma_wait3A_1078 : memref<128x128xf32, #tpu.memory_space<vmem>>)
    %dma_wait3A_1084 = arith.constant 256 : i32
    %dma_wait3A_1085 = arith.constant 0 : i32
    %dma_wait3A_1086 = tpu.memref_slice %arg10[%dma_wait3A_1084, %dma_wait3A_1085] : memref<768x128xf32, #tpu.memory_space<vmem>> -> memref<128x128xf32, #tpu.memory_space<vmem>>
    %dma_wait3A_1087 = arith.constant 256 : i32
    %dma_wait3A_1088 = tpu.memref_slice %arg9[%dma_wait3A_1087] : memref<768xi32, #tpu.memory_space<vmem>> -> memref<128xi32, #tpu.memory_space<vmem>>
    %dma_wait3A_1089 = arith.constant 0 : i32
    %dma_wait3A_1090 = arith.constant 0 : i32
    %dma_wait3A_1091 = tpu.memref_slice %arg2[%dma_wait3A_1089, %dma_wait3A_1090] : memref<344760x128xf32, #tpu.memory_space<hbm>> -> memref<344760x128xf32, #tpu.memory_space<hbm>>
    tpu.wait_indirect_dma semaphore(%arg12 : memref<!tpu.dma_semaphore, #tpu.memory_space<semaphore_mem>>) src(%dma_wait3A_1091 : memref<344760x128xf32, #tpu.memory_space<hbm>>) dst(%dma_wait3A_1086 : memref<128x128xf32, #tpu.memory_space<vmem>>)
    %dma_wait3A_1092 = arith.constant 384 : i32
    %dma_wait3A_1093 = arith.constant 0 : i32
    %dma_wait3A_1094 = tpu.memref_slice %arg10[%dma_wait3A_1092, %dma_wait3A_1093] : memref<768x128xf32, #tpu.memory_space<vmem>> -> memref<128x128xf32, #tpu.memory_space<vmem>>
    %dma_wait3A_1095 = arith.constant 384 : i32
    %dma_wait3A_1096 = tpu.memref_slice %arg9[%dma_wait3A_1095] : memref<768xi32, #tpu.memory_space<vmem>> -> memref<128xi32, #tpu.memory_space<vmem>>
    %dma_wait3A_1097 = arith.constant 0 : i32
    %dma_wait3A_1098 = arith.constant 0 : i32
    %dma_wait3A_1099 = tpu.memref_slice %arg2[%dma_wait3A_1097, %dma_wait3A_1098] : memref<344760x128xf32, #tpu.memory_space<hbm>> -> memref<344760x128xf32, #tpu.memory_space<hbm>>
    tpu.wait_indirect_dma semaphore(%arg12 : memref<!tpu.dma_semaphore, #tpu.memory_space<semaphore_mem>>) src(%dma_wait3A_1099 : memref<344760x128xf32, #tpu.memory_space<hbm>>) dst(%dma_wait3A_1094 : memref<128x128xf32, #tpu.memory_space<vmem>>)
    %dma_wait3A_1100 = arith.constant 512 : i32
    %dma_wait3A_1101 = arith.constant 0 : i32
    %dma_wait3A_1102 = tpu.memref_slice %arg10[%dma_wait3A_1100, %dma_wait3A_1101] : memref<768x128xf32, #tpu.memory_space<vmem>> -> memref<128x128xf32, #tpu.memory_space<vmem>>
    %dma_wait3A_1103 = arith.constant 512 : i32
    %dma_wait3A_1104 = tpu.memref_slice %arg9[%dma_wait3A_1103] : memref<768xi32, #tpu.memory_space<vmem>> -> memref<128xi32, #tpu.memory_space<vmem>>
    %dma_wait3A_1105 = arith.constant 0 : i32
    %dma_wait3A_1106 = arith.constant 0 : i32
    %dma_wait3A_1107 = tpu.memref_slice %arg2[%dma_wait3A_1105, %dma_wait3A_1106] : memref<344760x128xf32, #tpu.memory_space<hbm>> -> memref<344760x128xf32, #tpu.memory_space<hbm>>
    tpu.wait_indirect_dma semaphore(%arg12 : memref<!tpu.dma_semaphore, #tpu.memory_space<semaphore_mem>>) src(%dma_wait3A_1107 : memref<344760x128xf32, #tpu.memory_space<hbm>>) dst(%dma_wait3A_1102 : memref<128x128xf32, #tpu.memory_space<vmem>>)
    %dma_wait3A_1108 = arith.constant 640 : i32
    %dma_wait3A_1109 = arith.constant 0 : i32
    %dma_wait3A_1110 = tpu.memref_slice %arg10[%dma_wait3A_1108, %dma_wait3A_1109] : memref<768x128xf32, #tpu.memory_space<vmem>> -> memref<128x128xf32, #tpu.memory_space<vmem>>
    %dma_wait3A_1111 = arith.constant 640 : i32
    %dma_wait3A_1112 = tpu.memref_slice %arg9[%dma_wait3A_1111] : memref<768xi32, #tpu.memory_space<vmem>> -> memref<128xi32, #tpu.memory_space<vmem>>
    %dma_wait3A_1113 = arith.constant 0 : i32
    %dma_wait3A_1114 = arith.constant 0 : i32
    %dma_wait3A_1115 = tpu.memref_slice %arg2[%dma_wait3A_1113, %dma_wait3A_1114] : memref<344760x128xf32, #tpu.memory_space<hbm>> -> memref<344760x128xf32, #tpu.memory_space<hbm>>
    tpu.wait_indirect_dma semaphore(%arg12 : memref<!tpu.dma_semaphore, #tpu.memory_space<semaphore_mem>>) src(%dma_wait3A_1115 : memref<344760x128xf32, #tpu.memory_space<hbm>>) dst(%dma_wait3A_1110 : memref<128x128xf32, #tpu.memory_space<vmem>>)
    %scan3A_1116 = arith.constant 0 : i32
    %scan3A_1117 = arith.constant 0 : i32
    %scan3A_1118 = arith.constant 8 : i32
    %scan3A_1119 = arith.addi %scan3A_1117, %scan3A_1118 : i32
    %scan3A_1120 = arith.constant 1 : i32
    %scan3A_1121 = scf.for %scan3A_2971 = %scan3A_1117 to %scan3A_1119 step %scan3A_1120 iter_args(%scan3A_2972 = %scan3A_1116) -> (i32)  : i32 {
      %broadcast_in_dim3A_2973 = arith.constant 24 : i32
      %broadcast_in_dim3A_2974 = vector.broadcast %broadcast_in_dim3A_2973 : i32 to vector<16xi32>
      %add3A_2975 = vector.broadcast %scan3A_2971 : i32 to vector<16xi32>
      %add3A_2976 = arith.addi %broadcast_in_dim3A_2974, %add3A_2975 : vector<16xi32>
      %gather3A_2977 = tpu.vector_load_idx %arg6[%add3A_2976] : memref<48xi32, #tpu.memory_space<vmem>>[vector<16xi32>], vector<16xi32>,
      %add3A_2978 = arith.constant 24 : i32
      %add3A_2979 = arith.addi %add3A_2978, %scan3A_2971 : i32
      %mul3A_2980 = arith.constant 96 : i32
      %mul3A_2981 = arith.muli %add3A_2979, %mul3A_2980 : i32
      %add3A_2982 = arith.addi %gather3A_2977, %mul3A_604 : vector<16xi32>
      %and3A_2983 = arith.constant 127 : i32
      %and3A_2984 = vector.broadcast %and3A_2983 : i32 to vector<16xi32>
      %and3A_2985 = arith.andi %add3A_2982, %and3A_2984 : vector<16xi32>
      %mul3A_2986 = arith.constant 96 : i32
      %mul3A_2987 = arith.muli %scan3A_2971, %mul3A_2986 : i32
      %add3A_2988 = arith.constant 0 : i32
      %add3A_2989 = vector.broadcast %add3A_2988 : i32 to vector<16xi32>
      %add3A_2990 = arith.addi %iota3A, %add3A_2989 : vector<16xi32>
      %min3A_2991 = arith.constant 84 : i32
      %min3A_2992 = vector.broadcast %min3A_2991 : i32 to vector<16xi32>
      %min3A_2993 = arith.minsi %add3A_2990, %min3A_2992 : vector<16xi32>
      %add3A_2994 = vector.broadcast %mul3A_2987 : i32 to vector<16xi32>
      %add3A_2995 = arith.addi %add3A_2994, %min3A_2993 : vector<16xi32>
      %gather3A_2996 = tpu.vector_load_idx %arg10[%add3A_2995, %and3A_2985] : memref<768x128xf32, #tpu.memory_space<vmem>>[vector<16xi32>, vector<16xi32>], vector<16xf32>,
      %jit3A_2997 = arith.constant 0.000000e+00 : f32
      %broadcast_in_dim3A_2998 = vector.broadcast %jit3A_2997 : f32 to vector<16xf32>
      %select_n3A_2999 = arith.select %lt3A_655, %gather3A_2996, %broadcast_in_dim3A_2998 : vector<16xi1>, vector<16xf32>
      %add3A_3000 = arith.constant 0 : i32
      %add3A_3001 = arith.addi %mul3A_2981, %add3A_3000 : i32
      %swap3A_3002 = arith.index_cast %add3A_3001 : i32 to index
      %swap3A_3003 = tpu.vector_load %arg11[%swap3A_3002] {strides = array<i32>} : memref<3840xf32, #tpu.memory_space<vmem>>, vector<16xf32>,
      tpu.vector_store %arg11[%swap3A_3002], %select_n3A_2999 {strides = array<i32>} : memref<3840xf32, #tpu.memory_space<vmem>>, vector<16xf32>,
      %add3A_3004 = arith.addi %gather3A_2977, %mul3A_613 : vector<16xi32>
      %and3A_3005 = arith.constant 127 : i32
      %and3A_3006 = vector.broadcast %and3A_3005 : i32 to vector<16xi32>
      %and3A_3007 = arith.andi %add3A_3004, %and3A_3006 : vector<16xi32>
      %mul3A_3008 = arith.constant 96 : i32
      %mul3A_3009 = arith.muli %scan3A_2971, %mul3A_3008 : i32
      %add3A_3010 = arith.constant 16 : i32
      %add3A_3011 = vector.broadcast %add3A_3010 : i32 to vector<16xi32>
      %add3A_3012 = arith.addi %iota3A, %add3A_3011 : vector<16xi32>
      %min3A_3013 = arith.constant 84 : i32
      %min3A_3014 = vector.broadcast %min3A_3013 : i32 to vector<16xi32>
      %min3A_3015 = arith.minsi %add3A_3012, %min3A_3014 : vector<16xi32>
      %add3A_3016 = vector.broadcast %mul3A_3009 : i32 to vector<16xi32>
      %add3A_3017 = arith.addi %add3A_3016, %min3A_3015 : vector<16xi32>
      %gather3A_3018 = tpu.vector_load_idx %arg10[%add3A_3017, %and3A_3007] : memref<768x128xf32, #tpu.memory_space<vmem>>[vector<16xi32>, vector<16xi32>], vector<16xf32>,
      %jit3A_3019 = arith.constant 0.000000e+00 : f32
      %broadcast_in_dim3A_3020 = vector.broadcast %jit3A_3019 : f32 to vector<16xf32>
      %select_n3A_3021 = arith.select %lt3A_661, %gather3A_3018, %broadcast_in_dim3A_3020 : vector<16xi1>, vector<16xf32>
      %add3A_3022 = arith.constant 16 : i32
      %add3A_3023 = arith.addi %mul3A_2981, %add3A_3022 : i32
      %swap3A_3024 = arith.index_cast %add3A_3023 : i32 to index
      %swap3A_3025 = tpu.vector_load %arg11[%swap3A_3024] {strides = array<i32>} : memref<3840xf32, #tpu.memory_space<vmem>>, vector<16xf32>,
      tpu.vector_store %arg11[%swap3A_3024], %select_n3A_3021 {strides = array<i32>} : memref<3840xf32, #tpu.memory_space<vmem>>, vector<16xf32>,
      %add3A_3026 = arith.addi %gather3A_2977, %mul3A_622 : vector<16xi32>
      %and3A_3027 = arith.constant 127 : i32
      %and3A_3028 = vector.broadcast %and3A_3027 : i32 to vector<16xi32>
      %and3A_3029 = arith.andi %add3A_3026, %and3A_3028 : vector<16xi32>
      %mul3A_3030 = arith.constant 96 : i32
      %mul3A_3031 = arith.muli %scan3A_2971, %mul3A_3030 : i32
      %add3A_3032 = arith.constant 32 : i32
      %add3A_3033 = vector.broadcast %add3A_3032 : i32 to vector<16xi32>
      %add3A_3034 = arith.addi %iota3A, %add3A_3033 : vector<16xi32>
      %min3A_3035 = arith.constant 84 : i32
      %min3A_3036 = vector.broadcast %min3A_3035 : i32 to vector<16xi32>
      %min3A_3037 = arith.minsi %add3A_3034, %min3A_3036 : vector<16xi32>
      %add3A_3038 = vector.broadcast %mul3A_3031 : i32 to vector<16xi32>
      %add3A_3039 = arith.addi %add3A_3038, %min3A_3037 : vector<16xi32>
      %gather3A_3040 = tpu.vector_load_idx %arg10[%add3A_3039, %and3A_3029] : memref<768x128xf32, #tpu.memory_space<vmem>>[vector<16xi32>, vector<16xi32>], vector<16xf32>,
      %jit3A_3041 = arith.constant 0.000000e+00 : f32
      %broadcast_in_dim3A_3042 = vector.broadcast %jit3A_3041 : f32 to vector<16xf32>
      %select_n3A_3043 = arith.select %lt3A_667, %gather3A_3040, %broadcast_in_dim3A_3042 : vector<16xi1>, vector<16xf32>
      %add3A_3044 = arith.constant 32 : i32
      %add3A_3045 = arith.addi %mul3A_2981, %add3A_3044 : i32
      %swap3A_3046 = arith.index_cast %add3A_3045 : i32 to index
      %swap3A_3047 = tpu.vector_load %arg11[%swap3A_3046] {strides = array<i32>} : memref<3840xf32, #tpu.memory_space<vmem>>, vector<16xf32>,
      tpu.vector_store %arg11[%swap3A_3046], %select_n3A_3043 {strides = array<i32>} : memref<3840xf32, #tpu.memory_space<vmem>>, vector<16xf32>,
      %add3A_3048 = arith.addi %gather3A_2977, %mul3A_631 : vector<16xi32>
      %and3A_3049 = arith.constant 127 : i32
      %and3A_3050 = vector.broadcast %and3A_3049 : i32 to vector<16xi32>
      %and3A_3051 = arith.andi %add3A_3048, %and3A_3050 : vector<16xi32>
      %mul3A_3052 = arith.constant 96 : i32
      %mul3A_3053 = arith.muli %scan3A_2971, %mul3A_3052 : i32
      %add3A_3054 = arith.constant 48 : i32
      %add3A_3055 = vector.broadcast %add3A_3054 : i32 to vector<16xi32>
      %add3A_3056 = arith.addi %iota3A, %add3A_3055 : vector<16xi32>
      %min3A_3057 = arith.constant 84 : i32
      %min3A_3058 = vector.broadcast %min3A_3057 : i32 to vector<16xi32>
      %min3A_3059 = arith.minsi %add3A_3056, %min3A_3058 : vector<16xi32>
      %add3A_3060 = vector.broadcast %mul3A_3053 : i32 to vector<16xi32>
      %add3A_3061 = arith.addi %add3A_3060, %min3A_3059 : vector<16xi32>
      %gather3A_3062 = tpu.vector_load_idx %arg10[%add3A_3061, %and3A_3051] : memref<768x128xf32, #tpu.memory_space<vmem>>[vector<16xi32>, vector<16xi32>], vector<16xf32>,
      %jit3A_3063 = arith.constant 0.000000e+00 : f32
      %broadcast_in_dim3A_3064 = vector.broadcast %jit3A_3063 : f32 to vector<16xf32>
      %select_n3A_3065 = arith.select %lt3A_673, %gather3A_3062, %broadcast_in_dim3A_3064 : vector<16xi1>, vector<16xf32>
      %add3A_3066 = arith.constant 48 : i32
      %add3A_3067 = arith.addi %mul3A_2981, %add3A_3066 : i32
      %swap3A_3068 = arith.index_cast %add3A_3067 : i32 to index
      %swap3A_3069 = tpu.vector_load %arg11[%swap3A_3068] {strides = array<i32>} : memref<3840xf32, #tpu.memory_space<vmem>>, vector<16xf32>,
      tpu.vector_store %arg11[%swap3A_3068], %select_n3A_3065 {strides = array<i32>} : memref<3840xf32, #tpu.memory_space<vmem>>, vector<16xf32>,
      %add3A_3070 = arith.addi %gather3A_2977, %mul3A_640 : vector<16xi32>
      %and3A_3071 = arith.constant 127 : i32
      %and3A_3072 = vector.broadcast %and3A_3071 : i32 to vector<16xi32>
      %and3A_3073 = arith.andi %add3A_3070, %and3A_3072 : vector<16xi32>
      %mul3A_3074 = arith.constant 96 : i32
      %mul3A_3075 = arith.muli %scan3A_2971, %mul3A_3074 : i32
      %add3A_3076 = arith.constant 64 : i32
      %add3A_3077 = vector.broadcast %add3A_3076 : i32 to vector<16xi32>
      %add3A_3078 = arith.addi %iota3A, %add3A_3077 : vector<16xi32>
      %min3A_3079 = arith.constant 84 : i32
      %min3A_3080 = vector.broadcast %min3A_3079 : i32 to vector<16xi32>
      %min3A_3081 = arith.minsi %add3A_3078, %min3A_3080 : vector<16xi32>
      %add3A_3082 = vector.broadcast %mul3A_3075 : i32 to vector<16xi32>
      %add3A_3083 = arith.addi %add3A_3082, %min3A_3081 : vector<16xi32>
      %gather3A_3084 = tpu.vector_load_idx %arg10[%add3A_3083, %and3A_3073] : memref<768x128xf32, #tpu.memory_space<vmem>>[vector<16xi32>, vector<16xi32>], vector<16xf32>,
      %jit3A_3085 = arith.constant 0.000000e+00 : f32
      %broadcast_in_dim3A_3086 = vector.broadcast %jit3A_3085 : f32 to vector<16xf32>
      %select_n3A_3087 = arith.select %lt3A_679, %gather3A_3084, %broadcast_in_dim3A_3086 : vector<16xi1>, vector<16xf32>
      %add3A_3088 = arith.constant 64 : i32
      %add3A_3089 = arith.addi %mul3A_2981, %add3A_3088 : i32
      %swap3A_3090 = arith.index_cast %add3A_3089 : i32 to index
      %swap3A_3091 = tpu.vector_load %arg11[%swap3A_3090] {strides = array<i32>} : memref<3840xf32, #tpu.memory_space<vmem>>, vector<16xf32>,
      tpu.vector_store %arg11[%swap3A_3090], %select_n3A_3087 {strides = array<i32>} : memref<3840xf32, #tpu.memory_space<vmem>>, vector<16xf32>,
      %add3A_3092 = arith.addi %gather3A_2977, %mul3A_649 : vector<16xi32>
      %and3A_3093 = arith.constant 127 : i32
      %and3A_3094 = vector.broadcast %and3A_3093 : i32 to vector<16xi32>
      %and3A_3095 = arith.andi %add3A_3092, %and3A_3094 : vector<16xi32>
      %mul3A_3096 = arith.constant 96 : i32
      %mul3A_3097 = arith.muli %scan3A_2971, %mul3A_3096 : i32
      %add3A_3098 = arith.constant 80 : i32
      %add3A_3099 = vector.broadcast %add3A_3098 : i32 to vector<16xi32>
      %add3A_3100 = arith.addi %iota3A, %add3A_3099 : vector<16xi32>
      %min3A_3101 = arith.constant 84 : i32
      %min3A_3102 = vector.broadcast %min3A_3101 : i32 to vector<16xi32>
      %min3A_3103 = arith.minsi %add3A_3100, %min3A_3102 : vector<16xi32>
      %add3A_3104 = vector.broadcast %mul3A_3097 : i32 to vector<16xi32>
      %add3A_3105 = arith.addi %add3A_3104, %min3A_3103 : vector<16xi32>
      %gather3A_3106 = tpu.vector_load_idx %arg10[%add3A_3105, %and3A_3095] : memref<768x128xf32, #tpu.memory_space<vmem>>[vector<16xi32>, vector<16xi32>], vector<16xf32>,
      %jit3A_3107 = arith.constant 0.000000e+00 : f32
      %broadcast_in_dim3A_3108 = vector.broadcast %jit3A_3107 : f32 to vector<16xf32>
      %select_n3A_3109 = arith.select %lt3A_685, %gather3A_3106, %broadcast_in_dim3A_3108 : vector<16xi1>, vector<16xf32>
      %add3A_3110 = arith.constant 80 : i32
      %add3A_3111 = arith.addi %mul3A_2981, %add3A_3110 : i32
      %swap3A_3112 = arith.index_cast %add3A_3111 : i32 to index
      %swap3A_3113 = tpu.vector_load %arg11[%swap3A_3112] {strides = array<i32>} : memref<3840xf32, #tpu.memory_space<vmem>>, vector<16xf32>,
      tpu.vector_store %arg11[%swap3A_3112], %select_n3A_3109 {strides = array<i32>} : memref<3840xf32, #tpu.memory_space<vmem>>, vector<16xf32>,
      %scan3A_3114 = arith.constant 0 : i32
      scf.yield %scan3A_3114 : i32
    }
    %scan3A_1122 = arith.constant 8 : i32
    %scan3A_1123 = arith.constant 0 : i32
    %scan3A_1124 = arith.constant 0 : i32
    %scan3A_1125 = arith.constant 8 : i32
    %scan3A_1126 = arith.addi %scan3A_1124, %scan3A_1125 : i32
    %scan3A_1127 = arith.constant 1 : i32
    %scan3A_1128 = scf.for %scan3A_2971 = %scan3A_1124 to %scan3A_1126 step %scan3A_1127 iter_args(%scan3A_2972 = %scan3A_1123) -> (i32)  : i32 {
      %broadcast_in_dim3A_2973 = arith.constant 32 : i32
      %broadcast_in_dim3A_2974 = vector.broadcast %broadcast_in_dim3A_2973 : i32 to vector<16xi32>
      %add3A_2975 = vector.broadcast %scan3A_2971 : i32 to vector<16xi32>
      %add3A_2976 = arith.addi %broadcast_in_dim3A_2974, %add3A_2975 : vector<16xi32>
      %gather3A_2977 = tpu.vector_load_idx %arg6[%add3A_2976] : memref<48xi32, #tpu.memory_space<vmem>>[vector<16xi32>], vector<16xi32>,
      %add3A_2978 = arith.addi %gather3A_2977, %mul3A_604 : vector<16xi32>
      %shift_right_arithmetic3A = arith.constant 7 : i32
      %shift_right_arithmetic3A_2979 = vector.broadcast %shift_right_arithmetic3A : i32 to vector<16xi32>
      %shift_right_arithmetic3A_2980 = arith.shrsi %add3A_2978, %shift_right_arithmetic3A_2979 : vector<16xi32>
      %mul3A_2981 = arith.constant 96 : i32
      %mul3A_2982 = arith.muli %scan3A_2971, %mul3A_2981 : i32
      %add3A_2983 = arith.constant 0 : i32
      %add3A_2984 = arith.addi %mul3A_2982, %add3A_2983 : i32
      %swap3A_2985 = arith.index_cast %add3A_2984 : i32 to index
      %swap3A_2986 = tpu.vector_load %arg9[%swap3A_2985] {strides = array<i32>} : memref<768xi32, #tpu.memory_space<vmem>>, vector<16xi32>,
      tpu.vector_store %arg9[%swap3A_2985], %shift_right_arithmetic3A_2980 {strides = array<i32>} : memref<768xi32, #tpu.memory_space<vmem>>, vector<16xi32>,
      %add3A_2987 = arith.addi %gather3A_2977, %mul3A_613 : vector<16xi32>
      %shift_right_arithmetic3A_2988 = arith.constant 7 : i32
      %shift_right_arithmetic3A_2989 = vector.broadcast %shift_right_arithmetic3A_2988 : i32 to vector<16xi32>
      %shift_right_arithmetic3A_2990 = arith.shrsi %add3A_2987, %shift_right_arithmetic3A_2989 : vector<16xi32>
      %mul3A_2991 = arith.constant 96 : i32
      %mul3A_2992 = arith.muli %scan3A_2971, %mul3A_2991 : i32
      %add3A_2993 = arith.constant 16 : i32
      %add3A_2994 = arith.addi %mul3A_2992, %add3A_2993 : i32
      %swap3A_2995 = arith.index_cast %add3A_2994 : i32 to index
      %swap3A_2996 = tpu.vector_load %arg9[%swap3A_2995] {strides = array<i32>} : memref<768xi32, #tpu.memory_space<vmem>>, vector<16xi32>,
      tpu.vector_store %arg9[%swap3A_2995], %shift_right_arithmetic3A_2990 {strides = array<i32>} : memref<768xi32, #tpu.memory_space<vmem>>, vector<16xi32>,
      %add3A_2997 = arith.addi %gather3A_2977, %mul3A_622 : vector<16xi32>
      %shift_right_arithmetic3A_2998 = arith.constant 7 : i32
      %shift_right_arithmetic3A_2999 = vector.broadcast %shift_right_arithmetic3A_2998 : i32 to vector<16xi32>
      %shift_right_arithmetic3A_3000 = arith.shrsi %add3A_2997, %shift_right_arithmetic3A_2999 : vector<16xi32>
      %mul3A_3001 = arith.constant 96 : i32
      %mul3A_3002 = arith.muli %scan3A_2971, %mul3A_3001 : i32
      %add3A_3003 = arith.constant 32 : i32
      %add3A_3004 = arith.addi %mul3A_3002, %add3A_3003 : i32
      %swap3A_3005 = arith.index_cast %add3A_3004 : i32 to index
      %swap3A_3006 = tpu.vector_load %arg9[%swap3A_3005] {strides = array<i32>} : memref<768xi32, #tpu.memory_space<vmem>>, vector<16xi32>,
      tpu.vector_store %arg9[%swap3A_3005], %shift_right_arithmetic3A_3000 {strides = array<i32>} : memref<768xi32, #tpu.memory_space<vmem>>, vector<16xi32>,
      %add3A_3007 = arith.addi %gather3A_2977, %mul3A_631 : vector<16xi32>
      %shift_right_arithmetic3A_3008 = arith.constant 7 : i32
      %shift_right_arithmetic3A_3009 = vector.broadcast %shift_right_arithmetic3A_3008 : i32 to vector<16xi32>
      %shift_right_arithmetic3A_3010 = arith.shrsi %add3A_3007, %shift_right_arithmetic3A_3009 : vector<16xi32>
      %mul3A_3011 = arith.constant 96 : i32
      %mul3A_3012 = arith.muli %scan3A_2971, %mul3A_3011 : i32
      %add3A_3013 = arith.constant 48 : i32
      %add3A_3014 = arith.addi %mul3A_3012, %add3A_3013 : i32
      %swap3A_3015 = arith.index_cast %add3A_3014 : i32 to index
      %swap3A_3016 = tpu.vector_load %arg9[%swap3A_3015] {strides = array<i32>} : memref<768xi32, #tpu.memory_space<vmem>>, vector<16xi32>,
      tpu.vector_store %arg9[%swap3A_3015], %shift_right_arithmetic3A_3010 {strides = array<i32>} : memref<768xi32, #tpu.memory_space<vmem>>, vector<16xi32>,
      %add3A_3017 = arith.addi %gather3A_2977, %mul3A_640 : vector<16xi32>
      %shift_right_arithmetic3A_3018 = arith.constant 7 : i32
      %shift_right_arithmetic3A_3019 = vector.broadcast %shift_right_arithmetic3A_3018 : i32 to vector<16xi32>
      %shift_right_arithmetic3A_3020 = arith.shrsi %add3A_3017, %shift_right_arithmetic3A_3019 : vector<16xi32>
      %mul3A_3021 = arith.constant 96 : i32
      %mul3A_3022 = arith.muli %scan3A_2971, %mul3A_3021 : i32
      %add3A_3023 = arith.constant 64 : i32
      %add3A_3024 = arith.addi %mul3A_3022, %add3A_3023 : i32
      %swap3A_3025 = arith.index_cast %add3A_3024 : i32 to index
      %swap3A_3026 = tpu.vector_load %arg9[%swap3A_3025] {strides = array<i32>} : memref<768xi32, #tpu.memory_space<vmem>>, vector<16xi32>,
      tpu.vector_store %arg9[%swap3A_3025], %shift_right_arithmetic3A_3020 {strides = array<i32>} : memref<768xi32, #tpu.memory_space<vmem>>, vector<16xi32>,
      %add3A_3027 = arith.addi %gather3A_2977, %mul3A_649 : vector<16xi32>
      %shift_right_arithmetic3A_3028 = arith.constant 7 : i32
      %shift_right_arithmetic3A_3029 = vector.broadcast %shift_right_arithmetic3A_3028 : i32 to vector<16xi32>
      %shift_right_arithmetic3A_3030 = arith.shrsi %add3A_3027, %shift_right_arithmetic3A_3029 : vector<16xi32>
      %mul3A_3031 = arith.constant 96 : i32
      %mul3A_3032 = arith.muli %scan3A_2971, %mul3A_3031 : i32
      %add3A_3033 = arith.constant 80 : i32
      %add3A_3034 = arith.addi %mul3A_3032, %add3A_3033 : i32
      %swap3A_3035 = arith.index_cast %add3A_3034 : i32 to index
      %swap3A_3036 = tpu.vector_load %arg9[%swap3A_3035] {strides = array<i32>} : memref<768xi32, #tpu.memory_space<vmem>>, vector<16xi32>,
      tpu.vector_store %arg9[%swap3A_3035], %shift_right_arithmetic3A_3030 {strides = array<i32>} : memref<768xi32, #tpu.memory_space<vmem>>, vector<16xi32>,
      %scan3A_3037 = arith.constant 0 : i32
      scf.yield %scan3A_3037 : i32
    }
    %scan3A_1129 = arith.constant 8 : i32
    %dma_start3A_1130 = arith.constant 0 : i32
    %dma_start3A_1131 = arith.constant 0 : i32
    %dma_start3A_1132 = tpu.memref_slice %arg10[%dma_start3A_1130, %dma_start3A_1131] : memref<768x128xf32, #tpu.memory_space<vmem>> -> memref<128x128xf32, #tpu.memory_space<vmem>>
    %dma_start3A_1133 = arith.constant 0 : i32
    %dma_start3A_1134 = tpu.memref_slice %arg9[%dma_start3A_1133] : memref<768xi32, #tpu.memory_space<vmem>> -> memref<128xi32, #tpu.memory_space<vmem>>
    %dma_start3A_1135 = arith.constant 0 : i32
    %dma_start3A_1136 = arith.constant 0 : i32
    %dma_start3A_1137 = tpu.memref_slice %arg2[%dma_start3A_1135, %dma_start3A_1136] : memref<344760x128xf32, #tpu.memory_space<hbm>> -> memref<344760x128xf32, #tpu.memory_space<hbm>>
    tpu.enqueue_indirect_dma source(%dma_start3A_1137 : memref<344760x128xf32, #tpu.memory_space<hbm>>) target(%dma_start3A_1132 : memref<128x128xf32, #tpu.memory_space<vmem>>) offsets(%dma_start3A_1134 : memref<128xi32, #tpu.memory_space<vmem>>) semaphore(%arg12 : memref<!tpu.dma_semaphore, #tpu.memory_space<semaphore_mem>>)
    %dma_start3A_1138 = arith.constant 128 : i32
    %dma_start3A_1139 = arith.constant 0 : i32
    %dma_start3A_1140 = tpu.memref_slice %arg10[%dma_start3A_1138, %dma_start3A_1139] : memref<768x128xf32, #tpu.memory_space<vmem>> -> memref<128x128xf32, #tpu.memory_space<vmem>>
    %dma_start3A_1141 = arith.constant 128 : i32
    %dma_start3A_1142 = tpu.memref_slice %arg9[%dma_start3A_1141] : memref<768xi32, #tpu.memory_space<vmem>> -> memref<128xi32, #tpu.memory_space<vmem>>
    %dma_start3A_1143 = arith.constant 0 : i32
    %dma_start3A_1144 = arith.constant 0 : i32
    %dma_start3A_1145 = tpu.memref_slice %arg2[%dma_start3A_1143, %dma_start3A_1144] : memref<344760x128xf32, #tpu.memory_space<hbm>> -> memref<344760x128xf32, #tpu.memory_space<hbm>>
    tpu.enqueue_indirect_dma source(%dma_start3A_1145 : memref<344760x128xf32, #tpu.memory_space<hbm>>) target(%dma_start3A_1140 : memref<128x128xf32, #tpu.memory_space<vmem>>) offsets(%dma_start3A_1142 : memref<128xi32, #tpu.memory_space<vmem>>) semaphore(%arg12 : memref<!tpu.dma_semaphore, #tpu.memory_space<semaphore_mem>>)
    %dma_start3A_1146 = arith.constant 256 : i32
    %dma_start3A_1147 = arith.constant 0 : i32
    %dma_start3A_1148 = tpu.memref_slice %arg10[%dma_start3A_1146, %dma_start3A_1147] : memref<768x128xf32, #tpu.memory_space<vmem>> -> memref<128x128xf32, #tpu.memory_space<vmem>>
    %dma_start3A_1149 = arith.constant 256 : i32
    %dma_start3A_1150 = tpu.memref_slice %arg9[%dma_start3A_1149] : memref<768xi32, #tpu.memory_space<vmem>> -> memref<128xi32, #tpu.memory_space<vmem>>
    %dma_start3A_1151 = arith.constant 0 : i32
    %dma_start3A_1152 = arith.constant 0 : i32
    %dma_start3A_1153 = tpu.memref_slice %arg2[%dma_start3A_1151, %dma_start3A_1152] : memref<344760x128xf32, #tpu.memory_space<hbm>> -> memref<344760x128xf32, #tpu.memory_space<hbm>>
    tpu.enqueue_indirect_dma source(%dma_start3A_1153 : memref<344760x128xf32, #tpu.memory_space<hbm>>) target(%dma_start3A_1148 : memref<128x128xf32, #tpu.memory_space<vmem>>) offsets(%dma_start3A_1150 : memref<128xi32, #tpu.memory_space<vmem>>) semaphore(%arg12 : memref<!tpu.dma_semaphore, #tpu.memory_space<semaphore_mem>>)
    %dma_start3A_1154 = arith.constant 384 : i32
    %dma_start3A_1155 = arith.constant 0 : i32
    %dma_start3A_1156 = tpu.memref_slice %arg10[%dma_start3A_1154, %dma_start3A_1155] : memref<768x128xf32, #tpu.memory_space<vmem>> -> memref<128x128xf32, #tpu.memory_space<vmem>>
    %dma_start3A_1157 = arith.constant 384 : i32
    %dma_start3A_1158 = tpu.memref_slice %arg9[%dma_start3A_1157] : memref<768xi32, #tpu.memory_space<vmem>> -> memref<128xi32, #tpu.memory_space<vmem>>
    %dma_start3A_1159 = arith.constant 0 : i32
    %dma_start3A_1160 = arith.constant 0 : i32
    %dma_start3A_1161 = tpu.memref_slice %arg2[%dma_start3A_1159, %dma_start3A_1160] : memref<344760x128xf32, #tpu.memory_space<hbm>> -> memref<344760x128xf32, #tpu.memory_space<hbm>>
    tpu.enqueue_indirect_dma source(%dma_start3A_1161 : memref<344760x128xf32, #tpu.memory_space<hbm>>) target(%dma_start3A_1156 : memref<128x128xf32, #tpu.memory_space<vmem>>) offsets(%dma_start3A_1158 : memref<128xi32, #tpu.memory_space<vmem>>) semaphore(%arg12 : memref<!tpu.dma_semaphore, #tpu.memory_space<semaphore_mem>>)
    %dma_start3A_1162 = arith.constant 512 : i32
    %dma_start3A_1163 = arith.constant 0 : i32
    %dma_start3A_1164 = tpu.memref_slice %arg10[%dma_start3A_1162, %dma_start3A_1163] : memref<768x128xf32, #tpu.memory_space<vmem>> -> memref<128x128xf32, #tpu.memory_space<vmem>>
    %dma_start3A_1165 = arith.constant 512 : i32
    %dma_start3A_1166 = tpu.memref_slice %arg9[%dma_start3A_1165] : memref<768xi32, #tpu.memory_space<vmem>> -> memref<128xi32, #tpu.memory_space<vmem>>
    %dma_start3A_1167 = arith.constant 0 : i32
    %dma_start3A_1168 = arith.constant 0 : i32
    %dma_start3A_1169 = tpu.memref_slice %arg2[%dma_start3A_1167, %dma_start3A_1168] : memref<344760x128xf32, #tpu.memory_space<hbm>> -> memref<344760x128xf32, #tpu.memory_space<hbm>>
    tpu.enqueue_indirect_dma source(%dma_start3A_1169 : memref<344760x128xf32, #tpu.memory_space<hbm>>) target(%dma_start3A_1164 : memref<128x128xf32, #tpu.memory_space<vmem>>) offsets(%dma_start3A_1166 : memref<128xi32, #tpu.memory_space<vmem>>) semaphore(%arg12 : memref<!tpu.dma_semaphore, #tpu.memory_space<semaphore_mem>>)
    %dma_start3A_1170 = arith.constant 640 : i32
    %dma_start3A_1171 = arith.constant 0 : i32
    %dma_start3A_1172 = tpu.memref_slice %arg10[%dma_start3A_1170, %dma_start3A_1171] : memref<768x128xf32, #tpu.memory_space<vmem>> -> memref<128x128xf32, #tpu.memory_space<vmem>>
    %dma_start3A_1173 = arith.constant 640 : i32
    %dma_start3A_1174 = tpu.memref_slice %arg9[%dma_start3A_1173] : memref<768xi32, #tpu.memory_space<vmem>> -> memref<128xi32, #tpu.memory_space<vmem>>
    %dma_start3A_1175 = arith.constant 0 : i32
    %dma_start3A_1176 = arith.constant 0 : i32
    %dma_start3A_1177 = tpu.memref_slice %arg2[%dma_start3A_1175, %dma_start3A_1176] : memref<344760x128xf32, #tpu.memory_space<hbm>> -> memref<344760x128xf32, #tpu.memory_space<hbm>>
    tpu.enqueue_indirect_dma source(%dma_start3A_1177 : memref<344760x128xf32, #tpu.memory_space<hbm>>) target(%dma_start3A_1172 : memref<128x128xf32, #tpu.memory_space<vmem>>) offsets(%dma_start3A_1174 : memref<128xi32, #tpu.memory_space<vmem>>) semaphore(%arg12 : memref<!tpu.dma_semaphore, #tpu.memory_space<semaphore_mem>>)
    %dma_wait3A_1178 = arith.constant 0 : i32
    %dma_wait3A_1179 = arith.constant 0 : i32
    %dma_wait3A_1180 = tpu.memref_slice %arg10[%dma_wait3A_1178, %dma_wait3A_1179] : memref<768x128xf32, #tpu.memory_space<vmem>> -> memref<128x128xf32, #tpu.memory_space<vmem>>
    %dma_wait3A_1181 = arith.constant 0 : i32
    %dma_wait3A_1182 = tpu.memref_slice %arg9[%dma_wait3A_1181] : memref<768xi32, #tpu.memory_space<vmem>> -> memref<128xi32, #tpu.memory_space<vmem>>
    %dma_wait3A_1183 = arith.constant 0 : i32
    %dma_wait3A_1184 = arith.constant 0 : i32
    %dma_wait3A_1185 = tpu.memref_slice %arg2[%dma_wait3A_1183, %dma_wait3A_1184] : memref<344760x128xf32, #tpu.memory_space<hbm>> -> memref<344760x128xf32, #tpu.memory_space<hbm>>
    tpu.wait_indirect_dma semaphore(%arg12 : memref<!tpu.dma_semaphore, #tpu.memory_space<semaphore_mem>>) src(%dma_wait3A_1185 : memref<344760x128xf32, #tpu.memory_space<hbm>>) dst(%dma_wait3A_1180 : memref<128x128xf32, #tpu.memory_space<vmem>>)
    %dma_wait3A_1186 = arith.constant 128 : i32
    %dma_wait3A_1187 = arith.constant 0 : i32
    %dma_wait3A_1188 = tpu.memref_slice %arg10[%dma_wait3A_1186, %dma_wait3A_1187] : memref<768x128xf32, #tpu.memory_space<vmem>> -> memref<128x128xf32, #tpu.memory_space<vmem>>
    %dma_wait3A_1189 = arith.constant 128 : i32
    %dma_wait3A_1190 = tpu.memref_slice %arg9[%dma_wait3A_1189] : memref<768xi32, #tpu.memory_space<vmem>> -> memref<128xi32, #tpu.memory_space<vmem>>
    %dma_wait3A_1191 = arith.constant 0 : i32
    %dma_wait3A_1192 = arith.constant 0 : i32
    %dma_wait3A_1193 = tpu.memref_slice %arg2[%dma_wait3A_1191, %dma_wait3A_1192] : memref<344760x128xf32, #tpu.memory_space<hbm>> -> memref<344760x128xf32, #tpu.memory_space<hbm>>
    tpu.wait_indirect_dma semaphore(%arg12 : memref<!tpu.dma_semaphore, #tpu.memory_space<semaphore_mem>>) src(%dma_wait3A_1193 : memref<344760x128xf32, #tpu.memory_space<hbm>>) dst(%dma_wait3A_1188 : memref<128x128xf32, #tpu.memory_space<vmem>>)
    %dma_wait3A_1194 = arith.constant 256 : i32
    %dma_wait3A_1195 = arith.constant 0 : i32
    %dma_wait3A_1196 = tpu.memref_slice %arg10[%dma_wait3A_1194, %dma_wait3A_1195] : memref<768x128xf32, #tpu.memory_space<vmem>> -> memref<128x128xf32, #tpu.memory_space<vmem>>
    %dma_wait3A_1197 = arith.constant 256 : i32
    %dma_wait3A_1198 = tpu.memref_slice %arg9[%dma_wait3A_1197] : memref<768xi32, #tpu.memory_space<vmem>> -> memref<128xi32, #tpu.memory_space<vmem>>
    %dma_wait3A_1199 = arith.constant 0 : i32
    %dma_wait3A_1200 = arith.constant 0 : i32
    %dma_wait3A_1201 = tpu.memref_slice %arg2[%dma_wait3A_1199, %dma_wait3A_1200] : memref<344760x128xf32, #tpu.memory_space<hbm>> -> memref<344760x128xf32, #tpu.memory_space<hbm>>
    tpu.wait_indirect_dma semaphore(%arg12 : memref<!tpu.dma_semaphore, #tpu.memory_space<semaphore_mem>>) src(%dma_wait3A_1201 : memref<344760x128xf32, #tpu.memory_space<hbm>>) dst(%dma_wait3A_1196 : memref<128x128xf32, #tpu.memory_space<vmem>>)
    %dma_wait3A_1202 = arith.constant 384 : i32
    %dma_wait3A_1203 = arith.constant 0 : i32
    %dma_wait3A_1204 = tpu.memref_slice %arg10[%dma_wait3A_1202, %dma_wait3A_1203] : memref<768x128xf32, #tpu.memory_space<vmem>> -> memref<128x128xf32, #tpu.memory_space<vmem>>
    %dma_wait3A_1205 = arith.constant 384 : i32
    %dma_wait3A_1206 = tpu.memref_slice %arg9[%dma_wait3A_1205] : memref<768xi32, #tpu.memory_space<vmem>> -> memref<128xi32, #tpu.memory_space<vmem>>
    %dma_wait3A_1207 = arith.constant 0 : i32
    %dma_wait3A_1208 = arith.constant 0 : i32
    %dma_wait3A_1209 = tpu.memref_slice %arg2[%dma_wait3A_1207, %dma_wait3A_1208] : memref<344760x128xf32, #tpu.memory_space<hbm>> -> memref<344760x128xf32, #tpu.memory_space<hbm>>
    tpu.wait_indirect_dma semaphore(%arg12 : memref<!tpu.dma_semaphore, #tpu.memory_space<semaphore_mem>>) src(%dma_wait3A_1209 : memref<344760x128xf32, #tpu.memory_space<hbm>>) dst(%dma_wait3A_1204 : memref<128x128xf32, #tpu.memory_space<vmem>>)
    %dma_wait3A_1210 = arith.constant 512 : i32
    %dma_wait3A_1211 = arith.constant 0 : i32
    %dma_wait3A_1212 = tpu.memref_slice %arg10[%dma_wait3A_1210, %dma_wait3A_1211] : memref<768x128xf32, #tpu.memory_space<vmem>> -> memref<128x128xf32, #tpu.memory_space<vmem>>
    %dma_wait3A_1213 = arith.constant 512 : i32
    %dma_wait3A_1214 = tpu.memref_slice %arg9[%dma_wait3A_1213] : memref<768xi32, #tpu.memory_space<vmem>> -> memref<128xi32, #tpu.memory_space<vmem>>
    %dma_wait3A_1215 = arith.constant 0 : i32
    %dma_wait3A_1216 = arith.constant 0 : i32
    %dma_wait3A_1217 = tpu.memref_slice %arg2[%dma_wait3A_1215, %dma_wait3A_1216] : memref<344760x128xf32, #tpu.memory_space<hbm>> -> memref<344760x128xf32, #tpu.memory_space<hbm>>
    tpu.wait_indirect_dma semaphore(%arg12 : memref<!tpu.dma_semaphore, #tpu.memory_space<semaphore_mem>>) src(%dma_wait3A_1217 : memref<344760x128xf32, #tpu.memory_space<hbm>>) dst(%dma_wait3A_1212 : memref<128x128xf32, #tpu.memory_space<vmem>>)
    %dma_wait3A_1218 = arith.constant 640 : i32
    %dma_wait3A_1219 = arith.constant 0 : i32
    %dma_wait3A_1220 = tpu.memref_slice %arg10[%dma_wait3A_1218, %dma_wait3A_1219] : memref<768x128xf32, #tpu.memory_space<vmem>> -> memref<128x128xf32, #tpu.memory_space<vmem>>
    %dma_wait3A_1221 = arith.constant 640 : i32
    %dma_wait3A_1222 = tpu.memref_slice %arg9[%dma_wait3A_1221] : memref<768xi32, #tpu.memory_space<vmem>> -> memref<128xi32, #tpu.memory_space<vmem>>
    %dma_wait3A_1223 = arith.constant 0 : i32
    %dma_wait3A_1224 = arith.constant 0 : i32
    %dma_wait3A_1225 = tpu.memref_slice %arg2[%dma_wait3A_1223, %dma_wait3A_1224] : memref<344760x128xf32, #tpu.memory_space<hbm>> -> memref<344760x128xf32, #tpu.memory_space<hbm>>
    tpu.wait_indirect_dma semaphore(%arg12 : memref<!tpu.dma_semaphore, #tpu.memory_space<semaphore_mem>>) src(%dma_wait3A_1225 : memref<344760x128xf32, #tpu.memory_space<hbm>>) dst(%dma_wait3A_1220 : memref<128x128xf32, #tpu.memory_space<vmem>>)
    %scan3A_1226 = arith.constant 0 : i32
    %scan3A_1227 = arith.constant 0 : i32
    %scan3A_1228 = arith.constant 8 : i32
    %scan3A_1229 = arith.addi %scan3A_1227, %scan3A_1228 : i32
    %scan3A_1230 = arith.constant 1 : i32
    %scan3A_1231 = scf.for %scan3A_2971 = %scan3A_1227 to %scan3A_1229 step %scan3A_1230 iter_args(%scan3A_2972 = %scan3A_1226) -> (i32)  : i32 {
      %broadcast_in_dim3A_2973 = arith.constant 32 : i32
      %broadcast_in_dim3A_2974 = vector.broadcast %broadcast_in_dim3A_2973 : i32 to vector<16xi32>
      %add3A_2975 = vector.broadcast %scan3A_2971 : i32 to vector<16xi32>
      %add3A_2976 = arith.addi %broadcast_in_dim3A_2974, %add3A_2975 : vector<16xi32>
      %gather3A_2977 = tpu.vector_load_idx %arg6[%add3A_2976] : memref<48xi32, #tpu.memory_space<vmem>>[vector<16xi32>], vector<16xi32>,
      %add3A_2978 = arith.constant 32 : i32
      %add3A_2979 = arith.addi %add3A_2978, %scan3A_2971 : i32
      %mul3A_2980 = arith.constant 96 : i32
      %mul3A_2981 = arith.muli %add3A_2979, %mul3A_2980 : i32
      %add3A_2982 = arith.addi %gather3A_2977, %mul3A_604 : vector<16xi32>
      %and3A_2983 = arith.constant 127 : i32
      %and3A_2984 = vector.broadcast %and3A_2983 : i32 to vector<16xi32>
      %and3A_2985 = arith.andi %add3A_2982, %and3A_2984 : vector<16xi32>
      %mul3A_2986 = arith.constant 96 : i32
      %mul3A_2987 = arith.muli %scan3A_2971, %mul3A_2986 : i32
      %add3A_2988 = arith.constant 0 : i32
      %add3A_2989 = vector.broadcast %add3A_2988 : i32 to vector<16xi32>
      %add3A_2990 = arith.addi %iota3A, %add3A_2989 : vector<16xi32>
      %min3A_2991 = arith.constant 84 : i32
      %min3A_2992 = vector.broadcast %min3A_2991 : i32 to vector<16xi32>
      %min3A_2993 = arith.minsi %add3A_2990, %min3A_2992 : vector<16xi32>
      %add3A_2994 = vector.broadcast %mul3A_2987 : i32 to vector<16xi32>
      %add3A_2995 = arith.addi %add3A_2994, %min3A_2993 : vector<16xi32>
      %gather3A_2996 = tpu.vector_load_idx %arg10[%add3A_2995, %and3A_2985] : memref<768x128xf32, #tpu.memory_space<vmem>>[vector<16xi32>, vector<16xi32>], vector<16xf32>,
      %jit3A_2997 = arith.constant 0.000000e+00 : f32
      %broadcast_in_dim3A_2998 = vector.broadcast %jit3A_2997 : f32 to vector<16xf32>
      %select_n3A_2999 = arith.select %lt3A_655, %gather3A_2996, %broadcast_in_dim3A_2998 : vector<16xi1>, vector<16xf32>
      %add3A_3000 = arith.constant 0 : i32
      %add3A_3001 = arith.addi %mul3A_2981, %add3A_3000 : i32
      %swap3A_3002 = arith.index_cast %add3A_3001 : i32 to index
      %swap3A_3003 = tpu.vector_load %arg11[%swap3A_3002] {strides = array<i32>} : memref<3840xf32, #tpu.memory_space<vmem>>, vector<16xf32>,
      tpu.vector_store %arg11[%swap3A_3002], %select_n3A_2999 {strides = array<i32>} : memref<3840xf32, #tpu.memory_space<vmem>>, vector<16xf32>,
      %add3A_3004 = arith.addi %gather3A_2977, %mul3A_613 : vector<16xi32>
      %and3A_3005 = arith.constant 127 : i32
      %and3A_3006 = vector.broadcast %and3A_3005 : i32 to vector<16xi32>
      %and3A_3007 = arith.andi %add3A_3004, %and3A_3006 : vector<16xi32>
      %mul3A_3008 = arith.constant 96 : i32
      %mul3A_3009 = arith.muli %scan3A_2971, %mul3A_3008 : i32
      %add3A_3010 = arith.constant 16 : i32
      %add3A_3011 = vector.broadcast %add3A_3010 : i32 to vector<16xi32>
      %add3A_3012 = arith.addi %iota3A, %add3A_3011 : vector<16xi32>
      %min3A_3013 = arith.constant 84 : i32
      %min3A_3014 = vector.broadcast %min3A_3013 : i32 to vector<16xi32>
      %min3A_3015 = arith.minsi %add3A_3012, %min3A_3014 : vector<16xi32>
      %add3A_3016 = vector.broadcast %mul3A_3009 : i32 to vector<16xi32>
      %add3A_3017 = arith.addi %add3A_3016, %min3A_3015 : vector<16xi32>
      %gather3A_3018 = tpu.vector_load_idx %arg10[%add3A_3017, %and3A_3007] : memref<768x128xf32, #tpu.memory_space<vmem>>[vector<16xi32>, vector<16xi32>], vector<16xf32>,
      %jit3A_3019 = arith.constant 0.000000e+00 : f32
      %broadcast_in_dim3A_3020 = vector.broadcast %jit3A_3019 : f32 to vector<16xf32>
      %select_n3A_3021 = arith.select %lt3A_661, %gather3A_3018, %broadcast_in_dim3A_3020 : vector<16xi1>, vector<16xf32>
      %add3A_3022 = arith.constant 16 : i32
      %add3A_3023 = arith.addi %mul3A_2981, %add3A_3022 : i32
      %swap3A_3024 = arith.index_cast %add3A_3023 : i32 to index
      %swap3A_3025 = tpu.vector_load %arg11[%swap3A_3024] {strides = array<i32>} : memref<3840xf32, #tpu.memory_space<vmem>>, vector<16xf32>,
      tpu.vector_store %arg11[%swap3A_3024], %select_n3A_3021 {strides = array<i32>} : memref<3840xf32, #tpu.memory_space<vmem>>, vector<16xf32>,
      %add3A_3026 = arith.addi %gather3A_2977, %mul3A_622 : vector<16xi32>
      %and3A_3027 = arith.constant 127 : i32
      %and3A_3028 = vector.broadcast %and3A_3027 : i32 to vector<16xi32>
      %and3A_3029 = arith.andi %add3A_3026, %and3A_3028 : vector<16xi32>
      %mul3A_3030 = arith.constant 96 : i32
      %mul3A_3031 = arith.muli %scan3A_2971, %mul3A_3030 : i32
      %add3A_3032 = arith.constant 32 : i32
      %add3A_3033 = vector.broadcast %add3A_3032 : i32 to vector<16xi32>
      %add3A_3034 = arith.addi %iota3A, %add3A_3033 : vector<16xi32>
      %min3A_3035 = arith.constant 84 : i32
      %min3A_3036 = vector.broadcast %min3A_3035 : i32 to vector<16xi32>
      %min3A_3037 = arith.minsi %add3A_3034, %min3A_3036 : vector<16xi32>
      %add3A_3038 = vector.broadcast %mul3A_3031 : i32 to vector<16xi32>
      %add3A_3039 = arith.addi %add3A_3038, %min3A_3037 : vector<16xi32>
      %gather3A_3040 = tpu.vector_load_idx %arg10[%add3A_3039, %and3A_3029] : memref<768x128xf32, #tpu.memory_space<vmem>>[vector<16xi32>, vector<16xi32>], vector<16xf32>,
      %jit3A_3041 = arith.constant 0.000000e+00 : f32
      %broadcast_in_dim3A_3042 = vector.broadcast %jit3A_3041 : f32 to vector<16xf32>
      %select_n3A_3043 = arith.select %lt3A_667, %gather3A_3040, %broadcast_in_dim3A_3042 : vector<16xi1>, vector<16xf32>
      %add3A_3044 = arith.constant 32 : i32
      %add3A_3045 = arith.addi %mul3A_2981, %add3A_3044 : i32
      %swap3A_3046 = arith.index_cast %add3A_3045 : i32 to index
      %swap3A_3047 = tpu.vector_load %arg11[%swap3A_3046] {strides = array<i32>} : memref<3840xf32, #tpu.memory_space<vmem>>, vector<16xf32>,
      tpu.vector_store %arg11[%swap3A_3046], %select_n3A_3043 {strides = array<i32>} : memref<3840xf32, #tpu.memory_space<vmem>>, vector<16xf32>,
      %add3A_3048 = arith.addi %gather3A_2977, %mul3A_631 : vector<16xi32>
      %and3A_3049 = arith.constant 127 : i32
      %and3A_3050 = vector.broadcast %and3A_3049 : i32 to vector<16xi32>
      %and3A_3051 = arith.andi %add3A_3048, %and3A_3050 : vector<16xi32>
      %mul3A_3052 = arith.constant 96 : i32
      %mul3A_3053 = arith.muli %scan3A_2971, %mul3A_3052 : i32
      %add3A_3054 = arith.constant 48 : i32
      %add3A_3055 = vector.broadcast %add3A_3054 : i32 to vector<16xi32>
      %add3A_3056 = arith.addi %iota3A, %add3A_3055 : vector<16xi32>
      %min3A_3057 = arith.constant 84 : i32
      %min3A_3058 = vector.broadcast %min3A_3057 : i32 to vector<16xi32>
      %min3A_3059 = arith.minsi %add3A_3056, %min3A_3058 : vector<16xi32>
      %add3A_3060 = vector.broadcast %mul3A_3053 : i32 to vector<16xi32>
      %add3A_3061 = arith.addi %add3A_3060, %min3A_3059 : vector<16xi32>
      %gather3A_3062 = tpu.vector_load_idx %arg10[%add3A_3061, %and3A_3051] : memref<768x128xf32, #tpu.memory_space<vmem>>[vector<16xi32>, vector<16xi32>], vector<16xf32>,
      %jit3A_3063 = arith.constant 0.000000e+00 : f32
      %broadcast_in_dim3A_3064 = vector.broadcast %jit3A_3063 : f32 to vector<16xf32>
      %select_n3A_3065 = arith.select %lt3A_673, %gather3A_3062, %broadcast_in_dim3A_3064 : vector<16xi1>, vector<16xf32>
      %add3A_3066 = arith.constant 48 : i32
      %add3A_3067 = arith.addi %mul3A_2981, %add3A_3066 : i32
      %swap3A_3068 = arith.index_cast %add3A_3067 : i32 to index
      %swap3A_3069 = tpu.vector_load %arg11[%swap3A_3068] {strides = array<i32>} : memref<3840xf32, #tpu.memory_space<vmem>>, vector<16xf32>,
      tpu.vector_store %arg11[%swap3A_3068], %select_n3A_3065 {strides = array<i32>} : memref<3840xf32, #tpu.memory_space<vmem>>, vector<16xf32>,
      %add3A_3070 = arith.addi %gather3A_2977, %mul3A_640 : vector<16xi32>
      %and3A_3071 = arith.constant 127 : i32
      %and3A_3072 = vector.broadcast %and3A_3071 : i32 to vector<16xi32>
      %and3A_3073 = arith.andi %add3A_3070, %and3A_3072 : vector<16xi32>
      %mul3A_3074 = arith.constant 96 : i32
      %mul3A_3075 = arith.muli %scan3A_2971, %mul3A_3074 : i32
      %add3A_3076 = arith.constant 64 : i32
      %add3A_3077 = vector.broadcast %add3A_3076 : i32 to vector<16xi32>
      %add3A_3078 = arith.addi %iota3A, %add3A_3077 : vector<16xi32>
      %min3A_3079 = arith.constant 84 : i32
      %min3A_3080 = vector.broadcast %min3A_3079 : i32 to vector<16xi32>
      %min3A_3081 = arith.minsi %add3A_3078, %min3A_3080 : vector<16xi32>
      %add3A_3082 = vector.broadcast %mul3A_3075 : i32 to vector<16xi32>
      %add3A_3083 = arith.addi %add3A_3082, %min3A_3081 : vector<16xi32>
      %gather3A_3084 = tpu.vector_load_idx %arg10[%add3A_3083, %and3A_3073] : memref<768x128xf32, #tpu.memory_space<vmem>>[vector<16xi32>, vector<16xi32>], vector<16xf32>,
      %jit3A_3085 = arith.constant 0.000000e+00 : f32
      %broadcast_in_dim3A_3086 = vector.broadcast %jit3A_3085 : f32 to vector<16xf32>
      %select_n3A_3087 = arith.select %lt3A_679, %gather3A_3084, %broadcast_in_dim3A_3086 : vector<16xi1>, vector<16xf32>
      %add3A_3088 = arith.constant 64 : i32
      %add3A_3089 = arith.addi %mul3A_2981, %add3A_3088 : i32
      %swap3A_3090 = arith.index_cast %add3A_3089 : i32 to index
      %swap3A_3091 = tpu.vector_load %arg11[%swap3A_3090] {strides = array<i32>} : memref<3840xf32, #tpu.memory_space<vmem>>, vector<16xf32>,
      tpu.vector_store %arg11[%swap3A_3090], %select_n3A_3087 {strides = array<i32>} : memref<3840xf32, #tpu.memory_space<vmem>>, vector<16xf32>,
      %add3A_3092 = arith.addi %gather3A_2977, %mul3A_649 : vector<16xi32>
      %and3A_3093 = arith.constant 127 : i32
      %and3A_3094 = vector.broadcast %and3A_3093 : i32 to vector<16xi32>
      %and3A_3095 = arith.andi %add3A_3092, %and3A_3094 : vector<16xi32>
      %mul3A_3096 = arith.constant 96 : i32
      %mul3A_3097 = arith.muli %scan3A_2971, %mul3A_3096 : i32
      %add3A_3098 = arith.constant 80 : i32
      %add3A_3099 = vector.broadcast %add3A_3098 : i32 to vector<16xi32>
      %add3A_3100 = arith.addi %iota3A, %add3A_3099 : vector<16xi32>
      %min3A_3101 = arith.constant 84 : i32
      %min3A_3102 = vector.broadcast %min3A_3101 : i32 to vector<16xi32>
      %min3A_3103 = arith.minsi %add3A_3100, %min3A_3102 : vector<16xi32>
      %add3A_3104 = vector.broadcast %mul3A_3097 : i32 to vector<16xi32>
      %add3A_3105 = arith.addi %add3A_3104, %min3A_3103 : vector<16xi32>
      %gather3A_3106 = tpu.vector_load_idx %arg10[%add3A_3105, %and3A_3095] : memref<768x128xf32, #tpu.memory_space<vmem>>[vector<16xi32>, vector<16xi32>], vector<16xf32>,
      %jit3A_3107 = arith.constant 0.000000e+00 : f32
      %broadcast_in_dim3A_3108 = vector.broadcast %jit3A_3107 : f32 to vector<16xf32>
      %select_n3A_3109 = arith.select %lt3A_685, %gather3A_3106, %broadcast_in_dim3A_3108 : vector<16xi1>, vector<16xf32>
      %add3A_3110 = arith.constant 80 : i32
      %add3A_3111 = arith.addi %mul3A_2981, %add3A_3110 : i32
      %swap3A_3112 = arith.index_cast %add3A_3111 : i32 to index
      %swap3A_3113 = tpu.vector_load %arg11[%swap3A_3112] {strides = array<i32>} : memref<3840xf32, #tpu.memory_space<vmem>>, vector<16xf32>,
      tpu.vector_store %arg11[%swap3A_3112], %select_n3A_3109 {strides = array<i32>} : memref<3840xf32, #tpu.memory_space<vmem>>, vector<16xf32>,
      %scan3A_3114 = arith.constant 0 : i32
      scf.yield %scan3A_3114 : i32
    }
    %scan3A_1232 = arith.constant 8 : i32
    %get3A = arith.constant 0 : index
    %get3A_1233 = tpu.vector_load %arg7[%get3A] {strides = array<i32>} : memref<48xi32, #tpu.memory_space<vmem>>, vector<16xi32>,
    %get3A_1234 = arith.constant 16 : index
    %get3A_1235 = tpu.vector_load %arg7[%get3A_1234] {strides = array<i32>} : memref<48xi32, #tpu.memory_space<vmem>>, vector<16xi32>,
    %get3A_1236 = arith.constant 32 : index
    %get3A_1237 = tpu.vector_load %arg7[%get3A_1236] {strides = array<i32>} : memref<48xi32, #tpu.memory_space<vmem>>, vector<16xi32>,
    %broadcast_in_dim3A_1238 = arith.constant 0.000000e+00 : f32
    %broadcast_in_dim3A_1239 = vector.broadcast %broadcast_in_dim3A_1238 : f32 to vector<16xf32>
    %broadcast_in_dim3A_1240 = arith.constant 0 : i32
    %broadcast_in_dim3A_1241 = vector.broadcast %broadcast_in_dim3A_1240 : i32 to vector<16xi32>
    %gather3A_1242 = tpu.vector_load_idx %arg7[%broadcast_in_dim3A_1241] : memref<48xi32, #tpu.memory_space<vmem>>[vector<16xi32>], vector<16xi32>,
    %broadcast_in_dim3A_1243 = arith.constant 0 : i32
    %broadcast_in_dim3A_1244 = vector.broadcast %broadcast_in_dim3A_1243 : i32 to vector<16xi32>
    %add3A_1245 = arith.constant 0 : i32
    %add3A_1246 = vector.broadcast %add3A_1245 : i32 to vector<16xi32>
    %add3A_1247 = arith.addi %iota3A, %add3A_1246 : vector<16xi32>
    %eq3A_1248 = arith.cmpi eq, %get3A_1233, %gather3A_1242 : vector<16xi32>
    %gt3A_1249 = arith.constant 0 : i32
    %gt3A_1250 = vector.broadcast %gt3A_1249 : i32 to vector<16xi32>
    %gt3A_1251 = arith.cmpi sgt, %add3A_1247, %gt3A_1250 : vector<16xi32>
    %and3A = arith.andi %eq3A_1248, %gt3A_1251 : vector<16xi1>
    %lt3A_1252 = arith.constant 20 : i32
    %lt3A_1253 = vector.broadcast %lt3A_1252 : i32 to vector<16xi32>
    %lt3A_1254 = arith.cmpi slt, %add3A_1247, %lt3A_1253 : vector<16xi32>
    %and3A_1255 = arith.andi %and3A, %lt3A_1254 : vector<16xi1>
    %all_reduce_population_count3A = tpu.all_reduce %and3A_1255 {dim = 0 : i64, kind = #tpu.reduction_kind<sum>} : vector<16xi1> -> vector<16xi32>
    %add3A_1256 = arith.addi %broadcast_in_dim3A_1244, %all_reduce_population_count3A : vector<16xi32>
    %add3A_1257 = arith.constant 16 : i32
    %add3A_1258 = vector.broadcast %add3A_1257 : i32 to vector<16xi32>
    %add3A_1259 = arith.addi %iota3A, %add3A_1258 : vector<16xi32>
    %eq3A_1260 = arith.cmpi eq, %get3A_1235, %gather3A_1242 : vector<16xi32>
    %gt3A_1261 = arith.constant 0 : i32
    %gt3A_1262 = vector.broadcast %gt3A_1261 : i32 to vector<16xi32>
    %gt3A_1263 = arith.cmpi sgt, %add3A_1259, %gt3A_1262 : vector<16xi32>
    %and3A_1264 = arith.andi %eq3A_1260, %gt3A_1263 : vector<16xi1>
    %lt3A_1265 = arith.constant 20 : i32
    %lt3A_1266 = vector.broadcast %lt3A_1265 : i32 to vector<16xi32>
    %lt3A_1267 = arith.cmpi slt, %add3A_1259, %lt3A_1266 : vector<16xi32>
    %and3A_1268 = arith.andi %and3A_1264, %lt3A_1267 : vector<16xi1>
    %all_reduce_population_count3A_1269 = tpu.all_reduce %and3A_1268 {dim = 0 : i64, kind = #tpu.reduction_kind<sum>} : vector<16xi1> -> vector<16xi32>
    %add3A_1270 = arith.addi %add3A_1256, %all_reduce_population_count3A_1269 : vector<16xi32>
    %eq3A_1271 = arith.constant 0 : i32
    %eq3A_1272 = vector.broadcast %eq3A_1271 : i32 to vector<16xi32>
    %eq3A_1273 = arith.cmpi eq, %add3A_1270, %eq3A_1272 : vector<16xi32>
    %jit3A_1274 = arith.constant 1.000000e+00 : f32
    %jit3A_1275 = arith.constant 0.000000e+00 : f32
    %broadcast_in_dim3A_1276 = vector.broadcast %jit3A_1274 : f32 to vector<16xf32>
    %broadcast_in_dim3A_1277 = vector.broadcast %jit3A_1275 : f32 to vector<16xf32>
    %select_n3A_1278 = arith.select %eq3A_1273, %broadcast_in_dim3A_1276, %broadcast_in_dim3A_1277 : vector<16xi1>, vector<16xf32>
    %eq3A_1279 = arith.constant 0 : i32
    %eq3A_1280 = vector.broadcast %eq3A_1279 : i32 to vector<16xi32>
    %eq3A_1281 = arith.cmpi eq, %iota3A, %eq3A_1280 : vector<16xi32>
    %select_n3A_1282 = arith.select %eq3A_1281, %select_n3A_1278, %broadcast_in_dim3A_1239 : vector<16xi1>, vector<16xf32>
    %broadcast_in_dim3A_1283 = arith.constant 1 : i32
    %broadcast_in_dim3A_1284 = vector.broadcast %broadcast_in_dim3A_1283 : i32 to vector<16xi32>
    %gather3A_1285 = tpu.vector_load_idx %arg7[%broadcast_in_dim3A_1284] : memref<48xi32, #tpu.memory_space<vmem>>[vector<16xi32>], vector<16xi32>,
    %broadcast_in_dim3A_1286 = arith.constant 0 : i32
    %broadcast_in_dim3A_1287 = vector.broadcast %broadcast_in_dim3A_1286 : i32 to vector<16xi32>
    %add3A_1288 = arith.constant 0 : i32
    %add3A_1289 = vector.broadcast %add3A_1288 : i32 to vector<16xi32>
    %add3A_1290 = arith.addi %iota3A, %add3A_1289 : vector<16xi32>
    %eq3A_1291 = arith.cmpi eq, %get3A_1233, %gather3A_1285 : vector<16xi32>
    %gt3A_1292 = arith.constant 1 : i32
    %gt3A_1293 = vector.broadcast %gt3A_1292 : i32 to vector<16xi32>
    %gt3A_1294 = arith.cmpi sgt, %add3A_1290, %gt3A_1293 : vector<16xi32>
    %and3A_1295 = arith.andi %eq3A_1291, %gt3A_1294 : vector<16xi1>
    %lt3A_1296 = arith.constant 20 : i32
    %lt3A_1297 = vector.broadcast %lt3A_1296 : i32 to vector<16xi32>
    %lt3A_1298 = arith.cmpi slt, %add3A_1290, %lt3A_1297 : vector<16xi32>
    %and3A_1299 = arith.andi %and3A_1295, %lt3A_1298 : vector<16xi1>
    %all_reduce_population_count3A_1300 = tpu.all_reduce %and3A_1299 {dim = 0 : i64, kind = #tpu.reduction_kind<sum>} : vector<16xi1> -> vector<16xi32>
    %add3A_1301 = arith.addi %broadcast_in_dim3A_1287, %all_reduce_population_count3A_1300 : vector<16xi32>
    %add3A_1302 = arith.constant 16 : i32
    %add3A_1303 = vector.broadcast %add3A_1302 : i32 to vector<16xi32>
    %add3A_1304 = arith.addi %iota3A, %add3A_1303 : vector<16xi32>
    %eq3A_1305 = arith.cmpi eq, %get3A_1235, %gather3A_1285 : vector<16xi32>
    %gt3A_1306 = arith.constant 1 : i32
    %gt3A_1307 = vector.broadcast %gt3A_1306 : i32 to vector<16xi32>
    %gt3A_1308 = arith.cmpi sgt, %add3A_1304, %gt3A_1307 : vector<16xi32>
    %and3A_1309 = arith.andi %eq3A_1305, %gt3A_1308 : vector<16xi1>
    %lt3A_1310 = arith.constant 20 : i32
    %lt3A_1311 = vector.broadcast %lt3A_1310 : i32 to vector<16xi32>
    %lt3A_1312 = arith.cmpi slt, %add3A_1304, %lt3A_1311 : vector<16xi32>
    %and3A_1313 = arith.andi %and3A_1309, %lt3A_1312 : vector<16xi1>
    %all_reduce_population_count3A_1314 = tpu.all_reduce %and3A_1313 {dim = 0 : i64, kind = #tpu.reduction_kind<sum>} : vector<16xi1> -> vector<16xi32>
    %add3A_1315 = arith.addi %add3A_1301, %all_reduce_population_count3A_1314 : vector<16xi32>
    %eq3A_1316 = arith.constant 0 : i32
    %eq3A_1317 = vector.broadcast %eq3A_1316 : i32 to vector<16xi32>
    %eq3A_1318 = arith.cmpi eq, %add3A_1315, %eq3A_1317 : vector<16xi32>
    %jit3A_1319 = arith.constant 1.000000e+00 : f32
    %jit3A_1320 = arith.constant 0.000000e+00 : f32
    %broadcast_in_dim3A_1321 = vector.broadcast %jit3A_1319 : f32 to vector<16xf32>
    %broadcast_in_dim3A_1322 = vector.broadcast %jit3A_1320 : f32 to vector<16xf32>
    %select_n3A_1323 = arith.select %eq3A_1318, %broadcast_in_dim3A_1321, %broadcast_in_dim3A_1322 : vector<16xi1>, vector<16xf32>
    %eq3A_1324 = arith.constant 1 : i32
    %eq3A_1325 = vector.broadcast %eq3A_1324 : i32 to vector<16xi32>
    %eq3A_1326 = arith.cmpi eq, %iota3A, %eq3A_1325 : vector<16xi32>
    %select_n3A_1327 = arith.select %eq3A_1326, %select_n3A_1323, %select_n3A_1282 : vector<16xi1>, vector<16xf32>
    %broadcast_in_dim3A_1328 = arith.constant 2 : i32
    %broadcast_in_dim3A_1329 = vector.broadcast %broadcast_in_dim3A_1328 : i32 to vector<16xi32>
    %gather3A_1330 = tpu.vector_load_idx %arg7[%broadcast_in_dim3A_1329] : memref<48xi32, #tpu.memory_space<vmem>>[vector<16xi32>], vector<16xi32>,
    %broadcast_in_dim3A_1331 = arith.constant 0 : i32
    %broadcast_in_dim3A_1332 = vector.broadcast %broadcast_in_dim3A_1331 : i32 to vector<16xi32>
    %add3A_1333 = arith.constant 0 : i32
    %add3A_1334 = vector.broadcast %add3A_1333 : i32 to vector<16xi32>
    %add3A_1335 = arith.addi %iota3A, %add3A_1334 : vector<16xi32>
    %eq3A_1336 = arith.cmpi eq, %get3A_1233, %gather3A_1330 : vector<16xi32>
    %gt3A_1337 = arith.constant 2 : i32
    %gt3A_1338 = vector.broadcast %gt3A_1337 : i32 to vector<16xi32>
    %gt3A_1339 = arith.cmpi sgt, %add3A_1335, %gt3A_1338 : vector<16xi32>
    %and3A_1340 = arith.andi %eq3A_1336, %gt3A_1339 : vector<16xi1>
    %lt3A_1341 = arith.constant 20 : i32
    %lt3A_1342 = vector.broadcast %lt3A_1341 : i32 to vector<16xi32>
    %lt3A_1343 = arith.cmpi slt, %add3A_1335, %lt3A_1342 : vector<16xi32>
    %and3A_1344 = arith.andi %and3A_1340, %lt3A_1343 : vector<16xi1>
    %all_reduce_population_count3A_1345 = tpu.all_reduce %and3A_1344 {dim = 0 : i64, kind = #tpu.reduction_kind<sum>} : vector<16xi1> -> vector<16xi32>
    %add3A_1346 = arith.addi %broadcast_in_dim3A_1332, %all_reduce_population_count3A_1345 : vector<16xi32>
    %add3A_1347 = arith.constant 16 : i32
    %add3A_1348 = vector.broadcast %add3A_1347 : i32 to vector<16xi32>
    %add3A_1349 = arith.addi %iota3A, %add3A_1348 : vector<16xi32>
    %eq3A_1350 = arith.cmpi eq, %get3A_1235, %gather3A_1330 : vector<16xi32>
    %gt3A_1351 = arith.constant 2 : i32
    %gt3A_1352 = vector.broadcast %gt3A_1351 : i32 to vector<16xi32>
    %gt3A_1353 = arith.cmpi sgt, %add3A_1349, %gt3A_1352 : vector<16xi32>
    %and3A_1354 = arith.andi %eq3A_1350, %gt3A_1353 : vector<16xi1>
    %lt3A_1355 = arith.constant 20 : i32
    %lt3A_1356 = vector.broadcast %lt3A_1355 : i32 to vector<16xi32>
    %lt3A_1357 = arith.cmpi slt, %add3A_1349, %lt3A_1356 : vector<16xi32>
    %and3A_1358 = arith.andi %and3A_1354, %lt3A_1357 : vector<16xi1>
    %all_reduce_population_count3A_1359 = tpu.all_reduce %and3A_1358 {dim = 0 : i64, kind = #tpu.reduction_kind<sum>} : vector<16xi1> -> vector<16xi32>
    %add3A_1360 = arith.addi %add3A_1346, %all_reduce_population_count3A_1359 : vector<16xi32>
    %eq3A_1361 = arith.constant 0 : i32
    %eq3A_1362 = vector.broadcast %eq3A_1361 : i32 to vector<16xi32>
    %eq3A_1363 = arith.cmpi eq, %add3A_1360, %eq3A_1362 : vector<16xi32>
    %jit3A_1364 = arith.constant 1.000000e+00 : f32
    %jit3A_1365 = arith.constant 0.000000e+00 : f32
    %broadcast_in_dim3A_1366 = vector.broadcast %jit3A_1364 : f32 to vector<16xf32>
    %broadcast_in_dim3A_1367 = vector.broadcast %jit3A_1365 : f32 to vector<16xf32>
    %select_n3A_1368 = arith.select %eq3A_1363, %broadcast_in_dim3A_1366, %broadcast_in_dim3A_1367 : vector<16xi1>, vector<16xf32>
    %eq3A_1369 = arith.constant 2 : i32
    %eq3A_1370 = vector.broadcast %eq3A_1369 : i32 to vector<16xi32>
    %eq3A_1371 = arith.cmpi eq, %iota3A, %eq3A_1370 : vector<16xi32>
    %select_n3A_1372 = arith.select %eq3A_1371, %select_n3A_1368, %select_n3A_1327 : vector<16xi1>, vector<16xf32>
    %broadcast_in_dim3A_1373 = arith.constant 3 : i32
    %broadcast_in_dim3A_1374 = vector.broadcast %broadcast_in_dim3A_1373 : i32 to vector<16xi32>
    %gather3A_1375 = tpu.vector_load_idx %arg7[%broadcast_in_dim3A_1374] : memref<48xi32, #tpu.memory_space<vmem>>[vector<16xi32>], vector<16xi32>,
    %broadcast_in_dim3A_1376 = arith.constant 0 : i32
    %broadcast_in_dim3A_1377 = vector.broadcast %broadcast_in_dim3A_1376 : i32 to vector<16xi32>
    %add3A_1378 = arith.constant 0 : i32
    %add3A_1379 = vector.broadcast %add3A_1378 : i32 to vector<16xi32>
    %add3A_1380 = arith.addi %iota3A, %add3A_1379 : vector<16xi32>
    %eq3A_1381 = arith.cmpi eq, %get3A_1233, %gather3A_1375 : vector<16xi32>
    %gt3A_1382 = arith.constant 3 : i32
    %gt3A_1383 = vector.broadcast %gt3A_1382 : i32 to vector<16xi32>
    %gt3A_1384 = arith.cmpi sgt, %add3A_1380, %gt3A_1383 : vector<16xi32>
    %and3A_1385 = arith.andi %eq3A_1381, %gt3A_1384 : vector<16xi1>
    %lt3A_1386 = arith.constant 20 : i32
    %lt3A_1387 = vector.broadcast %lt3A_1386 : i32 to vector<16xi32>
    %lt3A_1388 = arith.cmpi slt, %add3A_1380, %lt3A_1387 : vector<16xi32>
    %and3A_1389 = arith.andi %and3A_1385, %lt3A_1388 : vector<16xi1>
    %all_reduce_population_count3A_1390 = tpu.all_reduce %and3A_1389 {dim = 0 : i64, kind = #tpu.reduction_kind<sum>} : vector<16xi1> -> vector<16xi32>
    %add3A_1391 = arith.addi %broadcast_in_dim3A_1377, %all_reduce_population_count3A_1390 : vector<16xi32>
    %add3A_1392 = arith.constant 16 : i32
    %add3A_1393 = vector.broadcast %add3A_1392 : i32 to vector<16xi32>
    %add3A_1394 = arith.addi %iota3A, %add3A_1393 : vector<16xi32>
    %eq3A_1395 = arith.cmpi eq, %get3A_1235, %gather3A_1375 : vector<16xi32>
    %gt3A_1396 = arith.constant 3 : i32
    %gt3A_1397 = vector.broadcast %gt3A_1396 : i32 to vector<16xi32>
    %gt3A_1398 = arith.cmpi sgt, %add3A_1394, %gt3A_1397 : vector<16xi32>
    %and3A_1399 = arith.andi %eq3A_1395, %gt3A_1398 : vector<16xi1>
    %lt3A_1400 = arith.constant 20 : i32
    %lt3A_1401 = vector.broadcast %lt3A_1400 : i32 to vector<16xi32>
    %lt3A_1402 = arith.cmpi slt, %add3A_1394, %lt3A_1401 : vector<16xi32>
    %and3A_1403 = arith.andi %and3A_1399, %lt3A_1402 : vector<16xi1>
    %all_reduce_population_count3A_1404 = tpu.all_reduce %and3A_1403 {dim = 0 : i64, kind = #tpu.reduction_kind<sum>} : vector<16xi1> -> vector<16xi32>
    %add3A_1405 = arith.addi %add3A_1391, %all_reduce_population_count3A_1404 : vector<16xi32>
    %eq3A_1406 = arith.constant 0 : i32
    %eq3A_1407 = vector.broadcast %eq3A_1406 : i32 to vector<16xi32>
    %eq3A_1408 = arith.cmpi eq, %add3A_1405, %eq3A_1407 : vector<16xi32>
    %jit3A_1409 = arith.constant 1.000000e+00 : f32
    %jit3A_1410 = arith.constant 0.000000e+00 : f32
    %broadcast_in_dim3A_1411 = vector.broadcast %jit3A_1409 : f32 to vector<16xf32>
    %broadcast_in_dim3A_1412 = vector.broadcast %jit3A_1410 : f32 to vector<16xf32>
    %select_n3A_1413 = arith.select %eq3A_1408, %broadcast_in_dim3A_1411, %broadcast_in_dim3A_1412 : vector<16xi1>, vector<16xf32>
    %eq3A_1414 = arith.constant 3 : i32
    %eq3A_1415 = vector.broadcast %eq3A_1414 : i32 to vector<16xi32>
    %eq3A_1416 = arith.cmpi eq, %iota3A, %eq3A_1415 : vector<16xi32>
    %select_n3A_1417 = arith.select %eq3A_1416, %select_n3A_1413, %select_n3A_1372 : vector<16xi1>, vector<16xf32>
    %broadcast_in_dim3A_1418 = arith.constant 4 : i32
    %broadcast_in_dim3A_1419 = vector.broadcast %broadcast_in_dim3A_1418 : i32 to vector<16xi32>
    %gather3A_1420 = tpu.vector_load_idx %arg7[%broadcast_in_dim3A_1419] : memref<48xi32, #tpu.memory_space<vmem>>[vector<16xi32>], vector<16xi32>,
    %broadcast_in_dim3A_1421 = arith.constant 0 : i32
    %broadcast_in_dim3A_1422 = vector.broadcast %broadcast_in_dim3A_1421 : i32 to vector<16xi32>
    %add3A_1423 = arith.constant 0 : i32
    %add3A_1424 = vector.broadcast %add3A_1423 : i32 to vector<16xi32>
    %add3A_1425 = arith.addi %iota3A, %add3A_1424 : vector<16xi32>
    %eq3A_1426 = arith.cmpi eq, %get3A_1233, %gather3A_1420 : vector<16xi32>
    %gt3A_1427 = arith.constant 4 : i32
    %gt3A_1428 = vector.broadcast %gt3A_1427 : i32 to vector<16xi32>
    %gt3A_1429 = arith.cmpi sgt, %add3A_1425, %gt3A_1428 : vector<16xi32>
    %and3A_1430 = arith.andi %eq3A_1426, %gt3A_1429 : vector<16xi1>
    %lt3A_1431 = arith.constant 20 : i32
    %lt3A_1432 = vector.broadcast %lt3A_1431 : i32 to vector<16xi32>
    %lt3A_1433 = arith.cmpi slt, %add3A_1425, %lt3A_1432 : vector<16xi32>
    %and3A_1434 = arith.andi %and3A_1430, %lt3A_1433 : vector<16xi1>
    %all_reduce_population_count3A_1435 = tpu.all_reduce %and3A_1434 {dim = 0 : i64, kind = #tpu.reduction_kind<sum>} : vector<16xi1> -> vector<16xi32>
    %add3A_1436 = arith.addi %broadcast_in_dim3A_1422, %all_reduce_population_count3A_1435 : vector<16xi32>
    %add3A_1437 = arith.constant 16 : i32
    %add3A_1438 = vector.broadcast %add3A_1437 : i32 to vector<16xi32>
    %add3A_1439 = arith.addi %iota3A, %add3A_1438 : vector<16xi32>
    %eq3A_1440 = arith.cmpi eq, %get3A_1235, %gather3A_1420 : vector<16xi32>
    %gt3A_1441 = arith.constant 4 : i32
    %gt3A_1442 = vector.broadcast %gt3A_1441 : i32 to vector<16xi32>
    %gt3A_1443 = arith.cmpi sgt, %add3A_1439, %gt3A_1442 : vector<16xi32>
    %and3A_1444 = arith.andi %eq3A_1440, %gt3A_1443 : vector<16xi1>
    %lt3A_1445 = arith.constant 20 : i32
    %lt3A_1446 = vector.broadcast %lt3A_1445 : i32 to vector<16xi32>
    %lt3A_1447 = arith.cmpi slt, %add3A_1439, %lt3A_1446 : vector<16xi32>
    %and3A_1448 = arith.andi %and3A_1444, %lt3A_1447 : vector<16xi1>
    %all_reduce_population_count3A_1449 = tpu.all_reduce %and3A_1448 {dim = 0 : i64, kind = #tpu.reduction_kind<sum>} : vector<16xi1> -> vector<16xi32>
    %add3A_1450 = arith.addi %add3A_1436, %all_reduce_population_count3A_1449 : vector<16xi32>
    %eq3A_1451 = arith.constant 0 : i32
    %eq3A_1452 = vector.broadcast %eq3A_1451 : i32 to vector<16xi32>
    %eq3A_1453 = arith.cmpi eq, %add3A_1450, %eq3A_1452 : vector<16xi32>
    %jit3A_1454 = arith.constant 1.000000e+00 : f32
    %jit3A_1455 = arith.constant 0.000000e+00 : f32
    %broadcast_in_dim3A_1456 = vector.broadcast %jit3A_1454 : f32 to vector<16xf32>
    %broadcast_in_dim3A_1457 = vector.broadcast %jit3A_1455 : f32 to vector<16xf32>
    %select_n3A_1458 = arith.select %eq3A_1453, %broadcast_in_dim3A_1456, %broadcast_in_dim3A_1457 : vector<16xi1>, vector<16xf32>
    %eq3A_1459 = arith.constant 4 : i32
    %eq3A_1460 = vector.broadcast %eq3A_1459 : i32 to vector<16xi32>
    %eq3A_1461 = arith.cmpi eq, %iota3A, %eq3A_1460 : vector<16xi32>
    %select_n3A_1462 = arith.select %eq3A_1461, %select_n3A_1458, %select_n3A_1417 : vector<16xi1>, vector<16xf32>
    %broadcast_in_dim3A_1463 = arith.constant 5 : i32
    %broadcast_in_dim3A_1464 = vector.broadcast %broadcast_in_dim3A_1463 : i32 to vector<16xi32>
    %gather3A_1465 = tpu.vector_load_idx %arg7[%broadcast_in_dim3A_1464] : memref<48xi32, #tpu.memory_space<vmem>>[vector<16xi32>], vector<16xi32>,
    %broadcast_in_dim3A_1466 = arith.constant 0 : i32
    %broadcast_in_dim3A_1467 = vector.broadcast %broadcast_in_dim3A_1466 : i32 to vector<16xi32>
    %add3A_1468 = arith.constant 0 : i32
    %add3A_1469 = vector.broadcast %add3A_1468 : i32 to vector<16xi32>
    %add3A_1470 = arith.addi %iota3A, %add3A_1469 : vector<16xi32>
    %eq3A_1471 = arith.cmpi eq, %get3A_1233, %gather3A_1465 : vector<16xi32>
    %gt3A_1472 = arith.constant 5 : i32
    %gt3A_1473 = vector.broadcast %gt3A_1472 : i32 to vector<16xi32>
    %gt3A_1474 = arith.cmpi sgt, %add3A_1470, %gt3A_1473 : vector<16xi32>
    %and3A_1475 = arith.andi %eq3A_1471, %gt3A_1474 : vector<16xi1>
    %lt3A_1476 = arith.constant 20 : i32
    %lt3A_1477 = vector.broadcast %lt3A_1476 : i32 to vector<16xi32>
    %lt3A_1478 = arith.cmpi slt, %add3A_1470, %lt3A_1477 : vector<16xi32>
    %and3A_1479 = arith.andi %and3A_1475, %lt3A_1478 : vector<16xi1>
    %all_reduce_population_count3A_1480 = tpu.all_reduce %and3A_1479 {dim = 0 : i64, kind = #tpu.reduction_kind<sum>} : vector<16xi1> -> vector<16xi32>
    %add3A_1481 = arith.addi %broadcast_in_dim3A_1467, %all_reduce_population_count3A_1480 : vector<16xi32>
    %add3A_1482 = arith.constant 16 : i32
    %add3A_1483 = vector.broadcast %add3A_1482 : i32 to vector<16xi32>
    %add3A_1484 = arith.addi %iota3A, %add3A_1483 : vector<16xi32>
    %eq3A_1485 = arith.cmpi eq, %get3A_1235, %gather3A_1465 : vector<16xi32>
    %gt3A_1486 = arith.constant 5 : i32
    %gt3A_1487 = vector.broadcast %gt3A_1486 : i32 to vector<16xi32>
    %gt3A_1488 = arith.cmpi sgt, %add3A_1484, %gt3A_1487 : vector<16xi32>
    %and3A_1489 = arith.andi %eq3A_1485, %gt3A_1488 : vector<16xi1>
    %lt3A_1490 = arith.constant 20 : i32
    %lt3A_1491 = vector.broadcast %lt3A_1490 : i32 to vector<16xi32>
    %lt3A_1492 = arith.cmpi slt, %add3A_1484, %lt3A_1491 : vector<16xi32>
    %and3A_1493 = arith.andi %and3A_1489, %lt3A_1492 : vector<16xi1>
    %all_reduce_population_count3A_1494 = tpu.all_reduce %and3A_1493 {dim = 0 : i64, kind = #tpu.reduction_kind<sum>} : vector<16xi1> -> vector<16xi32>
    %add3A_1495 = arith.addi %add3A_1481, %all_reduce_population_count3A_1494 : vector<16xi32>
    %eq3A_1496 = arith.constant 0 : i32
    %eq3A_1497 = vector.broadcast %eq3A_1496 : i32 to vector<16xi32>
    %eq3A_1498 = arith.cmpi eq, %add3A_1495, %eq3A_1497 : vector<16xi32>
    %jit3A_1499 = arith.constant 1.000000e+00 : f32
    %jit3A_1500 = arith.constant 0.000000e+00 : f32
    %broadcast_in_dim3A_1501 = vector.broadcast %jit3A_1499 : f32 to vector<16xf32>
    %broadcast_in_dim3A_1502 = vector.broadcast %jit3A_1500 : f32 to vector<16xf32>
    %select_n3A_1503 = arith.select %eq3A_1498, %broadcast_in_dim3A_1501, %broadcast_in_dim3A_1502 : vector<16xi1>, vector<16xf32>
    %eq3A_1504 = arith.constant 5 : i32
    %eq3A_1505 = vector.broadcast %eq3A_1504 : i32 to vector<16xi32>
    %eq3A_1506 = arith.cmpi eq, %iota3A, %eq3A_1505 : vector<16xi32>
    %select_n3A_1507 = arith.select %eq3A_1506, %select_n3A_1503, %select_n3A_1462 : vector<16xi1>, vector<16xf32>
    %broadcast_in_dim3A_1508 = arith.constant 6 : i32
    %broadcast_in_dim3A_1509 = vector.broadcast %broadcast_in_dim3A_1508 : i32 to vector<16xi32>
    %gather3A_1510 = tpu.vector_load_idx %arg7[%broadcast_in_dim3A_1509] : memref<48xi32, #tpu.memory_space<vmem>>[vector<16xi32>], vector<16xi32>,
    %broadcast_in_dim3A_1511 = arith.constant 0 : i32
    %broadcast_in_dim3A_1512 = vector.broadcast %broadcast_in_dim3A_1511 : i32 to vector<16xi32>
    %add3A_1513 = arith.constant 0 : i32
    %add3A_1514 = vector.broadcast %add3A_1513 : i32 to vector<16xi32>
    %add3A_1515 = arith.addi %iota3A, %add3A_1514 : vector<16xi32>
    %eq3A_1516 = arith.cmpi eq, %get3A_1233, %gather3A_1510 : vector<16xi32>
    %gt3A_1517 = arith.constant 6 : i32
    %gt3A_1518 = vector.broadcast %gt3A_1517 : i32 to vector<16xi32>
    %gt3A_1519 = arith.cmpi sgt, %add3A_1515, %gt3A_1518 : vector<16xi32>
    %and3A_1520 = arith.andi %eq3A_1516, %gt3A_1519 : vector<16xi1>
    %lt3A_1521 = arith.constant 20 : i32
    %lt3A_1522 = vector.broadcast %lt3A_1521 : i32 to vector<16xi32>
    %lt3A_1523 = arith.cmpi slt, %add3A_1515, %lt3A_1522 : vector<16xi32>
    %and3A_1524 = arith.andi %and3A_1520, %lt3A_1523 : vector<16xi1>
    %all_reduce_population_count3A_1525 = tpu.all_reduce %and3A_1524 {dim = 0 : i64, kind = #tpu.reduction_kind<sum>} : vector<16xi1> -> vector<16xi32>
    %add3A_1526 = arith.addi %broadcast_in_dim3A_1512, %all_reduce_population_count3A_1525 : vector<16xi32>
    %add3A_1527 = arith.constant 16 : i32
    %add3A_1528 = vector.broadcast %add3A_1527 : i32 to vector<16xi32>
    %add3A_1529 = arith.addi %iota3A, %add3A_1528 : vector<16xi32>
    %eq3A_1530 = arith.cmpi eq, %get3A_1235, %gather3A_1510 : vector<16xi32>
    %gt3A_1531 = arith.constant 6 : i32
    %gt3A_1532 = vector.broadcast %gt3A_1531 : i32 to vector<16xi32>
    %gt3A_1533 = arith.cmpi sgt, %add3A_1529, %gt3A_1532 : vector<16xi32>
    %and3A_1534 = arith.andi %eq3A_1530, %gt3A_1533 : vector<16xi1>
    %lt3A_1535 = arith.constant 20 : i32
    %lt3A_1536 = vector.broadcast %lt3A_1535 : i32 to vector<16xi32>
    %lt3A_1537 = arith.cmpi slt, %add3A_1529, %lt3A_1536 : vector<16xi32>
    %and3A_1538 = arith.andi %and3A_1534, %lt3A_1537 : vector<16xi1>
    %all_reduce_population_count3A_1539 = tpu.all_reduce %and3A_1538 {dim = 0 : i64, kind = #tpu.reduction_kind<sum>} : vector<16xi1> -> vector<16xi32>
    %add3A_1540 = arith.addi %add3A_1526, %all_reduce_population_count3A_1539 : vector<16xi32>
    %eq3A_1541 = arith.constant 0 : i32
    %eq3A_1542 = vector.broadcast %eq3A_1541 : i32 to vector<16xi32>
    %eq3A_1543 = arith.cmpi eq, %add3A_1540, %eq3A_1542 : vector<16xi32>
    %jit3A_1544 = arith.constant 1.000000e+00 : f32
    %jit3A_1545 = arith.constant 0.000000e+00 : f32
    %broadcast_in_dim3A_1546 = vector.broadcast %jit3A_1544 : f32 to vector<16xf32>
    %broadcast_in_dim3A_1547 = vector.broadcast %jit3A_1545 : f32 to vector<16xf32>
    %select_n3A_1548 = arith.select %eq3A_1543, %broadcast_in_dim3A_1546, %broadcast_in_dim3A_1547 : vector<16xi1>, vector<16xf32>
    %eq3A_1549 = arith.constant 6 : i32
    %eq3A_1550 = vector.broadcast %eq3A_1549 : i32 to vector<16xi32>
    %eq3A_1551 = arith.cmpi eq, %iota3A, %eq3A_1550 : vector<16xi32>
    %select_n3A_1552 = arith.select %eq3A_1551, %select_n3A_1548, %select_n3A_1507 : vector<16xi1>, vector<16xf32>
    %broadcast_in_dim3A_1553 = arith.constant 7 : i32
    %broadcast_in_dim3A_1554 = vector.broadcast %broadcast_in_dim3A_1553 : i32 to vector<16xi32>
    %gather3A_1555 = tpu.vector_load_idx %arg7[%broadcast_in_dim3A_1554] : memref<48xi32, #tpu.memory_space<vmem>>[vector<16xi32>], vector<16xi32>,
    %broadcast_in_dim3A_1556 = arith.constant 0 : i32
    %broadcast_in_dim3A_1557 = vector.broadcast %broadcast_in_dim3A_1556 : i32 to vector<16xi32>
    %add3A_1558 = arith.constant 0 : i32
    %add3A_1559 = vector.broadcast %add3A_1558 : i32 to vector<16xi32>
    %add3A_1560 = arith.addi %iota3A, %add3A_1559 : vector<16xi32>
    %eq3A_1561 = arith.cmpi eq, %get3A_1233, %gather3A_1555 : vector<16xi32>
    %gt3A_1562 = arith.constant 7 : i32
    %gt3A_1563 = vector.broadcast %gt3A_1562 : i32 to vector<16xi32>
    %gt3A_1564 = arith.cmpi sgt, %add3A_1560, %gt3A_1563 : vector<16xi32>
    %and3A_1565 = arith.andi %eq3A_1561, %gt3A_1564 : vector<16xi1>
    %lt3A_1566 = arith.constant 20 : i32
    %lt3A_1567 = vector.broadcast %lt3A_1566 : i32 to vector<16xi32>
    %lt3A_1568 = arith.cmpi slt, %add3A_1560, %lt3A_1567 : vector<16xi32>
    %and3A_1569 = arith.andi %and3A_1565, %lt3A_1568 : vector<16xi1>
    %all_reduce_population_count3A_1570 = tpu.all_reduce %and3A_1569 {dim = 0 : i64, kind = #tpu.reduction_kind<sum>} : vector<16xi1> -> vector<16xi32>
    %add3A_1571 = arith.addi %broadcast_in_dim3A_1557, %all_reduce_population_count3A_1570 : vector<16xi32>
    %add3A_1572 = arith.constant 16 : i32
    %add3A_1573 = vector.broadcast %add3A_1572 : i32 to vector<16xi32>
    %add3A_1574 = arith.addi %iota3A, %add3A_1573 : vector<16xi32>
    %eq3A_1575 = arith.cmpi eq, %get3A_1235, %gather3A_1555 : vector<16xi32>
    %gt3A_1576 = arith.constant 7 : i32
    %gt3A_1577 = vector.broadcast %gt3A_1576 : i32 to vector<16xi32>
    %gt3A_1578 = arith.cmpi sgt, %add3A_1574, %gt3A_1577 : vector<16xi32>
    %and3A_1579 = arith.andi %eq3A_1575, %gt3A_1578 : vector<16xi1>
    %lt3A_1580 = arith.constant 20 : i32
    %lt3A_1581 = vector.broadcast %lt3A_1580 : i32 to vector<16xi32>
    %lt3A_1582 = arith.cmpi slt, %add3A_1574, %lt3A_1581 : vector<16xi32>
    %and3A_1583 = arith.andi %and3A_1579, %lt3A_1582 : vector<16xi1>
    %all_reduce_population_count3A_1584 = tpu.all_reduce %and3A_1583 {dim = 0 : i64, kind = #tpu.reduction_kind<sum>} : vector<16xi1> -> vector<16xi32>
    %add3A_1585 = arith.addi %add3A_1571, %all_reduce_population_count3A_1584 : vector<16xi32>
    %eq3A_1586 = arith.constant 0 : i32
    %eq3A_1587 = vector.broadcast %eq3A_1586 : i32 to vector<16xi32>
    %eq3A_1588 = arith.cmpi eq, %add3A_1585, %eq3A_1587 : vector<16xi32>
    %jit3A_1589 = arith.constant 1.000000e+00 : f32
    %jit3A_1590 = arith.constant 0.000000e+00 : f32
    %broadcast_in_dim3A_1591 = vector.broadcast %jit3A_1589 : f32 to vector<16xf32>
    %broadcast_in_dim3A_1592 = vector.broadcast %jit3A_1590 : f32 to vector<16xf32>
    %select_n3A_1593 = arith.select %eq3A_1588, %broadcast_in_dim3A_1591, %broadcast_in_dim3A_1592 : vector<16xi1>, vector<16xf32>
    %eq3A_1594 = arith.constant 7 : i32
    %eq3A_1595 = vector.broadcast %eq3A_1594 : i32 to vector<16xi32>
    %eq3A_1596 = arith.cmpi eq, %iota3A, %eq3A_1595 : vector<16xi32>
    %select_n3A_1597 = arith.select %eq3A_1596, %select_n3A_1593, %select_n3A_1552 : vector<16xi1>, vector<16xf32>
    %broadcast_in_dim3A_1598 = arith.constant 8 : i32
    %broadcast_in_dim3A_1599 = vector.broadcast %broadcast_in_dim3A_1598 : i32 to vector<16xi32>
    %gather3A_1600 = tpu.vector_load_idx %arg7[%broadcast_in_dim3A_1599] : memref<48xi32, #tpu.memory_space<vmem>>[vector<16xi32>], vector<16xi32>,
    %broadcast_in_dim3A_1601 = arith.constant 0 : i32
    %broadcast_in_dim3A_1602 = vector.broadcast %broadcast_in_dim3A_1601 : i32 to vector<16xi32>
    %add3A_1603 = arith.constant 0 : i32
    %add3A_1604 = vector.broadcast %add3A_1603 : i32 to vector<16xi32>
    %add3A_1605 = arith.addi %iota3A, %add3A_1604 : vector<16xi32>
    %eq3A_1606 = arith.cmpi eq, %get3A_1233, %gather3A_1600 : vector<16xi32>
    %gt3A_1607 = arith.constant 8 : i32
    %gt3A_1608 = vector.broadcast %gt3A_1607 : i32 to vector<16xi32>
    %gt3A_1609 = arith.cmpi sgt, %add3A_1605, %gt3A_1608 : vector<16xi32>
    %and3A_1610 = arith.andi %eq3A_1606, %gt3A_1609 : vector<16xi1>
    %lt3A_1611 = arith.constant 20 : i32
    %lt3A_1612 = vector.broadcast %lt3A_1611 : i32 to vector<16xi32>
    %lt3A_1613 = arith.cmpi slt, %add3A_1605, %lt3A_1612 : vector<16xi32>
    %and3A_1614 = arith.andi %and3A_1610, %lt3A_1613 : vector<16xi1>
    %all_reduce_population_count3A_1615 = tpu.all_reduce %and3A_1614 {dim = 0 : i64, kind = #tpu.reduction_kind<sum>} : vector<16xi1> -> vector<16xi32>
    %add3A_1616 = arith.addi %broadcast_in_dim3A_1602, %all_reduce_population_count3A_1615 : vector<16xi32>
    %add3A_1617 = arith.constant 16 : i32
    %add3A_1618 = vector.broadcast %add3A_1617 : i32 to vector<16xi32>
    %add3A_1619 = arith.addi %iota3A, %add3A_1618 : vector<16xi32>
    %eq3A_1620 = arith.cmpi eq, %get3A_1235, %gather3A_1600 : vector<16xi32>
    %gt3A_1621 = arith.constant 8 : i32
    %gt3A_1622 = vector.broadcast %gt3A_1621 : i32 to vector<16xi32>
    %gt3A_1623 = arith.cmpi sgt, %add3A_1619, %gt3A_1622 : vector<16xi32>
    %and3A_1624 = arith.andi %eq3A_1620, %gt3A_1623 : vector<16xi1>
    %lt3A_1625 = arith.constant 20 : i32
    %lt3A_1626 = vector.broadcast %lt3A_1625 : i32 to vector<16xi32>
    %lt3A_1627 = arith.cmpi slt, %add3A_1619, %lt3A_1626 : vector<16xi32>
    %and3A_1628 = arith.andi %and3A_1624, %lt3A_1627 : vector<16xi1>
    %all_reduce_population_count3A_1629 = tpu.all_reduce %and3A_1628 {dim = 0 : i64, kind = #tpu.reduction_kind<sum>} : vector<16xi1> -> vector<16xi32>
    %add3A_1630 = arith.addi %add3A_1616, %all_reduce_population_count3A_1629 : vector<16xi32>
    %eq3A_1631 = arith.constant 0 : i32
    %eq3A_1632 = vector.broadcast %eq3A_1631 : i32 to vector<16xi32>
    %eq3A_1633 = arith.cmpi eq, %add3A_1630, %eq3A_1632 : vector<16xi32>
    %jit3A_1634 = arith.constant 1.000000e+00 : f32
    %jit3A_1635 = arith.constant 0.000000e+00 : f32
    %broadcast_in_dim3A_1636 = vector.broadcast %jit3A_1634 : f32 to vector<16xf32>
    %broadcast_in_dim3A_1637 = vector.broadcast %jit3A_1635 : f32 to vector<16xf32>
    %select_n3A_1638 = arith.select %eq3A_1633, %broadcast_in_dim3A_1636, %broadcast_in_dim3A_1637 : vector<16xi1>, vector<16xf32>
    %eq3A_1639 = arith.constant 8 : i32
    %eq3A_1640 = vector.broadcast %eq3A_1639 : i32 to vector<16xi32>
    %eq3A_1641 = arith.cmpi eq, %iota3A, %eq3A_1640 : vector<16xi32>
    %select_n3A_1642 = arith.select %eq3A_1641, %select_n3A_1638, %select_n3A_1597 : vector<16xi1>, vector<16xf32>
    %broadcast_in_dim3A_1643 = arith.constant 9 : i32
    %broadcast_in_dim3A_1644 = vector.broadcast %broadcast_in_dim3A_1643 : i32 to vector<16xi32>
    %gather3A_1645 = tpu.vector_load_idx %arg7[%broadcast_in_dim3A_1644] : memref<48xi32, #tpu.memory_space<vmem>>[vector<16xi32>], vector<16xi32>,
    %broadcast_in_dim3A_1646 = arith.constant 0 : i32
    %broadcast_in_dim3A_1647 = vector.broadcast %broadcast_in_dim3A_1646 : i32 to vector<16xi32>
    %add3A_1648 = arith.constant 0 : i32
    %add3A_1649 = vector.broadcast %add3A_1648 : i32 to vector<16xi32>
    %add3A_1650 = arith.addi %iota3A, %add3A_1649 : vector<16xi32>
    %eq3A_1651 = arith.cmpi eq, %get3A_1233, %gather3A_1645 : vector<16xi32>
    %gt3A_1652 = arith.constant 9 : i32
    %gt3A_1653 = vector.broadcast %gt3A_1652 : i32 to vector<16xi32>
    %gt3A_1654 = arith.cmpi sgt, %add3A_1650, %gt3A_1653 : vector<16xi32>
    %and3A_1655 = arith.andi %eq3A_1651, %gt3A_1654 : vector<16xi1>
    %lt3A_1656 = arith.constant 20 : i32
    %lt3A_1657 = vector.broadcast %lt3A_1656 : i32 to vector<16xi32>
    %lt3A_1658 = arith.cmpi slt, %add3A_1650, %lt3A_1657 : vector<16xi32>
    %and3A_1659 = arith.andi %and3A_1655, %lt3A_1658 : vector<16xi1>
    %all_reduce_population_count3A_1660 = tpu.all_reduce %and3A_1659 {dim = 0 : i64, kind = #tpu.reduction_kind<sum>} : vector<16xi1> -> vector<16xi32>
    %add3A_1661 = arith.addi %broadcast_in_dim3A_1647, %all_reduce_population_count3A_1660 : vector<16xi32>
    %add3A_1662 = arith.constant 16 : i32
    %add3A_1663 = vector.broadcast %add3A_1662 : i32 to vector<16xi32>
    %add3A_1664 = arith.addi %iota3A, %add3A_1663 : vector<16xi32>
    %eq3A_1665 = arith.cmpi eq, %get3A_1235, %gather3A_1645 : vector<16xi32>
    %gt3A_1666 = arith.constant 9 : i32
    %gt3A_1667 = vector.broadcast %gt3A_1666 : i32 to vector<16xi32>
    %gt3A_1668 = arith.cmpi sgt, %add3A_1664, %gt3A_1667 : vector<16xi32>
    %and3A_1669 = arith.andi %eq3A_1665, %gt3A_1668 : vector<16xi1>
    %lt3A_1670 = arith.constant 20 : i32
    %lt3A_1671 = vector.broadcast %lt3A_1670 : i32 to vector<16xi32>
    %lt3A_1672 = arith.cmpi slt, %add3A_1664, %lt3A_1671 : vector<16xi32>
    %and3A_1673 = arith.andi %and3A_1669, %lt3A_1672 : vector<16xi1>
    %all_reduce_population_count3A_1674 = tpu.all_reduce %and3A_1673 {dim = 0 : i64, kind = #tpu.reduction_kind<sum>} : vector<16xi1> -> vector<16xi32>
    %add3A_1675 = arith.addi %add3A_1661, %all_reduce_population_count3A_1674 : vector<16xi32>
    %eq3A_1676 = arith.constant 0 : i32
    %eq3A_1677 = vector.broadcast %eq3A_1676 : i32 to vector<16xi32>
    %eq3A_1678 = arith.cmpi eq, %add3A_1675, %eq3A_1677 : vector<16xi32>
    %jit3A_1679 = arith.constant 1.000000e+00 : f32
    %jit3A_1680 = arith.constant 0.000000e+00 : f32
    %broadcast_in_dim3A_1681 = vector.broadcast %jit3A_1679 : f32 to vector<16xf32>
    %broadcast_in_dim3A_1682 = vector.broadcast %jit3A_1680 : f32 to vector<16xf32>
    %select_n3A_1683 = arith.select %eq3A_1678, %broadcast_in_dim3A_1681, %broadcast_in_dim3A_1682 : vector<16xi1>, vector<16xf32>
    %eq3A_1684 = arith.constant 9 : i32
    %eq3A_1685 = vector.broadcast %eq3A_1684 : i32 to vector<16xi32>
    %eq3A_1686 = arith.cmpi eq, %iota3A, %eq3A_1685 : vector<16xi32>
    %select_n3A_1687 = arith.select %eq3A_1686, %select_n3A_1683, %select_n3A_1642 : vector<16xi1>, vector<16xf32>
    %broadcast_in_dim3A_1688 = arith.constant 10 : i32
    %broadcast_in_dim3A_1689 = vector.broadcast %broadcast_in_dim3A_1688 : i32 to vector<16xi32>
    %gather3A_1690 = tpu.vector_load_idx %arg7[%broadcast_in_dim3A_1689] : memref<48xi32, #tpu.memory_space<vmem>>[vector<16xi32>], vector<16xi32>,
    %broadcast_in_dim3A_1691 = arith.constant 0 : i32
    %broadcast_in_dim3A_1692 = vector.broadcast %broadcast_in_dim3A_1691 : i32 to vector<16xi32>
    %add3A_1693 = arith.constant 0 : i32
    %add3A_1694 = vector.broadcast %add3A_1693 : i32 to vector<16xi32>
    %add3A_1695 = arith.addi %iota3A, %add3A_1694 : vector<16xi32>
    %eq3A_1696 = arith.cmpi eq, %get3A_1233, %gather3A_1690 : vector<16xi32>
    %gt3A_1697 = arith.constant 10 : i32
    %gt3A_1698 = vector.broadcast %gt3A_1697 : i32 to vector<16xi32>
    %gt3A_1699 = arith.cmpi sgt, %add3A_1695, %gt3A_1698 : vector<16xi32>
    %and3A_1700 = arith.andi %eq3A_1696, %gt3A_1699 : vector<16xi1>
    %lt3A_1701 = arith.constant 20 : i32
    %lt3A_1702 = vector.broadcast %lt3A_1701 : i32 to vector<16xi32>
    %lt3A_1703 = arith.cmpi slt, %add3A_1695, %lt3A_1702 : vector<16xi32>
    %and3A_1704 = arith.andi %and3A_1700, %lt3A_1703 : vector<16xi1>
    %all_reduce_population_count3A_1705 = tpu.all_reduce %and3A_1704 {dim = 0 : i64, kind = #tpu.reduction_kind<sum>} : vector<16xi1> -> vector<16xi32>
    %add3A_1706 = arith.addi %broadcast_in_dim3A_1692, %all_reduce_population_count3A_1705 : vector<16xi32>
    %add3A_1707 = arith.constant 16 : i32
    %add3A_1708 = vector.broadcast %add3A_1707 : i32 to vector<16xi32>
    %add3A_1709 = arith.addi %iota3A, %add3A_1708 : vector<16xi32>
    %eq3A_1710 = arith.cmpi eq, %get3A_1235, %gather3A_1690 : vector<16xi32>
    %gt3A_1711 = arith.constant 10 : i32
    %gt3A_1712 = vector.broadcast %gt3A_1711 : i32 to vector<16xi32>
    %gt3A_1713 = arith.cmpi sgt, %add3A_1709, %gt3A_1712 : vector<16xi32>
    %and3A_1714 = arith.andi %eq3A_1710, %gt3A_1713 : vector<16xi1>
    %lt3A_1715 = arith.constant 20 : i32
    %lt3A_1716 = vector.broadcast %lt3A_1715 : i32 to vector<16xi32>
    %lt3A_1717 = arith.cmpi slt, %add3A_1709, %lt3A_1716 : vector<16xi32>
    %and3A_1718 = arith.andi %and3A_1714, %lt3A_1717 : vector<16xi1>
    %all_reduce_population_count3A_1719 = tpu.all_reduce %and3A_1718 {dim = 0 : i64, kind = #tpu.reduction_kind<sum>} : vector<16xi1> -> vector<16xi32>
    %add3A_1720 = arith.addi %add3A_1706, %all_reduce_population_count3A_1719 : vector<16xi32>
    %eq3A_1721 = arith.constant 0 : i32
    %eq3A_1722 = vector.broadcast %eq3A_1721 : i32 to vector<16xi32>
    %eq3A_1723 = arith.cmpi eq, %add3A_1720, %eq3A_1722 : vector<16xi32>
    %jit3A_1724 = arith.constant 1.000000e+00 : f32
    %jit3A_1725 = arith.constant 0.000000e+00 : f32
    %broadcast_in_dim3A_1726 = vector.broadcast %jit3A_1724 : f32 to vector<16xf32>
    %broadcast_in_dim3A_1727 = vector.broadcast %jit3A_1725 : f32 to vector<16xf32>
    %select_n3A_1728 = arith.select %eq3A_1723, %broadcast_in_dim3A_1726, %broadcast_in_dim3A_1727 : vector<16xi1>, vector<16xf32>
    %eq3A_1729 = arith.constant 10 : i32
    %eq3A_1730 = vector.broadcast %eq3A_1729 : i32 to vector<16xi32>
    %eq3A_1731 = arith.cmpi eq, %iota3A, %eq3A_1730 : vector<16xi32>
    %select_n3A_1732 = arith.select %eq3A_1731, %select_n3A_1728, %select_n3A_1687 : vector<16xi1>, vector<16xf32>
    %broadcast_in_dim3A_1733 = arith.constant 11 : i32
    %broadcast_in_dim3A_1734 = vector.broadcast %broadcast_in_dim3A_1733 : i32 to vector<16xi32>
    %gather3A_1735 = tpu.vector_load_idx %arg7[%broadcast_in_dim3A_1734] : memref<48xi32, #tpu.memory_space<vmem>>[vector<16xi32>], vector<16xi32>,
    %broadcast_in_dim3A_1736 = arith.constant 0 : i32
    %broadcast_in_dim3A_1737 = vector.broadcast %broadcast_in_dim3A_1736 : i32 to vector<16xi32>
    %add3A_1738 = arith.constant 0 : i32
    %add3A_1739 = vector.broadcast %add3A_1738 : i32 to vector<16xi32>
    %add3A_1740 = arith.addi %iota3A, %add3A_1739 : vector<16xi32>
    %eq3A_1741 = arith.cmpi eq, %get3A_1233, %gather3A_1735 : vector<16xi32>
    %gt3A_1742 = arith.constant 11 : i32
    %gt3A_1743 = vector.broadcast %gt3A_1742 : i32 to vector<16xi32>
    %gt3A_1744 = arith.cmpi sgt, %add3A_1740, %gt3A_1743 : vector<16xi32>
    %and3A_1745 = arith.andi %eq3A_1741, %gt3A_1744 : vector<16xi1>
    %lt3A_1746 = arith.constant 20 : i32
    %lt3A_1747 = vector.broadcast %lt3A_1746 : i32 to vector<16xi32>
    %lt3A_1748 = arith.cmpi slt, %add3A_1740, %lt3A_1747 : vector<16xi32>
    %and3A_1749 = arith.andi %and3A_1745, %lt3A_1748 : vector<16xi1>
    %all_reduce_population_count3A_1750 = tpu.all_reduce %and3A_1749 {dim = 0 : i64, kind = #tpu.reduction_kind<sum>} : vector<16xi1> -> vector<16xi32>
    %add3A_1751 = arith.addi %broadcast_in_dim3A_1737, %all_reduce_population_count3A_1750 : vector<16xi32>
    %add3A_1752 = arith.constant 16 : i32
    %add3A_1753 = vector.broadcast %add3A_1752 : i32 to vector<16xi32>
    %add3A_1754 = arith.addi %iota3A, %add3A_1753 : vector<16xi32>
    %eq3A_1755 = arith.cmpi eq, %get3A_1235, %gather3A_1735 : vector<16xi32>
    %gt3A_1756 = arith.constant 11 : i32
    %gt3A_1757 = vector.broadcast %gt3A_1756 : i32 to vector<16xi32>
    %gt3A_1758 = arith.cmpi sgt, %add3A_1754, %gt3A_1757 : vector<16xi32>
    %and3A_1759 = arith.andi %eq3A_1755, %gt3A_1758 : vector<16xi1>
    %lt3A_1760 = arith.constant 20 : i32
    %lt3A_1761 = vector.broadcast %lt3A_1760 : i32 to vector<16xi32>
    %lt3A_1762 = arith.cmpi slt, %add3A_1754, %lt3A_1761 : vector<16xi32>
    %and3A_1763 = arith.andi %and3A_1759, %lt3A_1762 : vector<16xi1>
    %all_reduce_population_count3A_1764 = tpu.all_reduce %and3A_1763 {dim = 0 : i64, kind = #tpu.reduction_kind<sum>} : vector<16xi1> -> vector<16xi32>
    %add3A_1765 = arith.addi %add3A_1751, %all_reduce_population_count3A_1764 : vector<16xi32>
    %eq3A_1766 = arith.constant 0 : i32
    %eq3A_1767 = vector.broadcast %eq3A_1766 : i32 to vector<16xi32>
    %eq3A_1768 = arith.cmpi eq, %add3A_1765, %eq3A_1767 : vector<16xi32>
    %jit3A_1769 = arith.constant 1.000000e+00 : f32
    %jit3A_1770 = arith.constant 0.000000e+00 : f32
    %broadcast_in_dim3A_1771 = vector.broadcast %jit3A_1769 : f32 to vector<16xf32>
    %broadcast_in_dim3A_1772 = vector.broadcast %jit3A_1770 : f32 to vector<16xf32>
    %select_n3A_1773 = arith.select %eq3A_1768, %broadcast_in_dim3A_1771, %broadcast_in_dim3A_1772 : vector<16xi1>, vector<16xf32>
    %eq3A_1774 = arith.constant 11 : i32
    %eq3A_1775 = vector.broadcast %eq3A_1774 : i32 to vector<16xi32>
    %eq3A_1776 = arith.cmpi eq, %iota3A, %eq3A_1775 : vector<16xi32>
    %select_n3A_1777 = arith.select %eq3A_1776, %select_n3A_1773, %select_n3A_1732 : vector<16xi1>, vector<16xf32>
    %broadcast_in_dim3A_1778 = arith.constant 12 : i32
    %broadcast_in_dim3A_1779 = vector.broadcast %broadcast_in_dim3A_1778 : i32 to vector<16xi32>
    %gather3A_1780 = tpu.vector_load_idx %arg7[%broadcast_in_dim3A_1779] : memref<48xi32, #tpu.memory_space<vmem>>[vector<16xi32>], vector<16xi32>,
    %broadcast_in_dim3A_1781 = arith.constant 0 : i32
    %broadcast_in_dim3A_1782 = vector.broadcast %broadcast_in_dim3A_1781 : i32 to vector<16xi32>
    %add3A_1783 = arith.constant 0 : i32
    %add3A_1784 = vector.broadcast %add3A_1783 : i32 to vector<16xi32>
    %add3A_1785 = arith.addi %iota3A, %add3A_1784 : vector<16xi32>
    %eq3A_1786 = arith.cmpi eq, %get3A_1233, %gather3A_1780 : vector<16xi32>
    %gt3A_1787 = arith.constant 12 : i32
    %gt3A_1788 = vector.broadcast %gt3A_1787 : i32 to vector<16xi32>
    %gt3A_1789 = arith.cmpi sgt, %add3A_1785, %gt3A_1788 : vector<16xi32>
    %and3A_1790 = arith.andi %eq3A_1786, %gt3A_1789 : vector<16xi1>
    %lt3A_1791 = arith.constant 20 : i32
    %lt3A_1792 = vector.broadcast %lt3A_1791 : i32 to vector<16xi32>
    %lt3A_1793 = arith.cmpi slt, %add3A_1785, %lt3A_1792 : vector<16xi32>
    %and3A_1794 = arith.andi %and3A_1790, %lt3A_1793 : vector<16xi1>
    %all_reduce_population_count3A_1795 = tpu.all_reduce %and3A_1794 {dim = 0 : i64, kind = #tpu.reduction_kind<sum>} : vector<16xi1> -> vector<16xi32>
    %add3A_1796 = arith.addi %broadcast_in_dim3A_1782, %all_reduce_population_count3A_1795 : vector<16xi32>
    %add3A_1797 = arith.constant 16 : i32
    %add3A_1798 = vector.broadcast %add3A_1797 : i32 to vector<16xi32>
    %add3A_1799 = arith.addi %iota3A, %add3A_1798 : vector<16xi32>
    %eq3A_1800 = arith.cmpi eq, %get3A_1235, %gather3A_1780 : vector<16xi32>
    %gt3A_1801 = arith.constant 12 : i32
    %gt3A_1802 = vector.broadcast %gt3A_1801 : i32 to vector<16xi32>
    %gt3A_1803 = arith.cmpi sgt, %add3A_1799, %gt3A_1802 : vector<16xi32>
    %and3A_1804 = arith.andi %eq3A_1800, %gt3A_1803 : vector<16xi1>
    %lt3A_1805 = arith.constant 20 : i32
    %lt3A_1806 = vector.broadcast %lt3A_1805 : i32 to vector<16xi32>
    %lt3A_1807 = arith.cmpi slt, %add3A_1799, %lt3A_1806 : vector<16xi32>
    %and3A_1808 = arith.andi %and3A_1804, %lt3A_1807 : vector<16xi1>
    %all_reduce_population_count3A_1809 = tpu.all_reduce %and3A_1808 {dim = 0 : i64, kind = #tpu.reduction_kind<sum>} : vector<16xi1> -> vector<16xi32>
    %add3A_1810 = arith.addi %add3A_1796, %all_reduce_population_count3A_1809 : vector<16xi32>
    %eq3A_1811 = arith.constant 0 : i32
    %eq3A_1812 = vector.broadcast %eq3A_1811 : i32 to vector<16xi32>
    %eq3A_1813 = arith.cmpi eq, %add3A_1810, %eq3A_1812 : vector<16xi32>
    %jit3A_1814 = arith.constant 1.000000e+00 : f32
    %jit3A_1815 = arith.constant 0.000000e+00 : f32
    %broadcast_in_dim3A_1816 = vector.broadcast %jit3A_1814 : f32 to vector<16xf32>
    %broadcast_in_dim3A_1817 = vector.broadcast %jit3A_1815 : f32 to vector<16xf32>
    %select_n3A_1818 = arith.select %eq3A_1813, %broadcast_in_dim3A_1816, %broadcast_in_dim3A_1817 : vector<16xi1>, vector<16xf32>
    %eq3A_1819 = arith.constant 12 : i32
    %eq3A_1820 = vector.broadcast %eq3A_1819 : i32 to vector<16xi32>
    %eq3A_1821 = arith.cmpi eq, %iota3A, %eq3A_1820 : vector<16xi32>
    %select_n3A_1822 = arith.select %eq3A_1821, %select_n3A_1818, %select_n3A_1777 : vector<16xi1>, vector<16xf32>
    %broadcast_in_dim3A_1823 = arith.constant 13 : i32
    %broadcast_in_dim3A_1824 = vector.broadcast %broadcast_in_dim3A_1823 : i32 to vector<16xi32>
    %gather3A_1825 = tpu.vector_load_idx %arg7[%broadcast_in_dim3A_1824] : memref<48xi32, #tpu.memory_space<vmem>>[vector<16xi32>], vector<16xi32>,
    %broadcast_in_dim3A_1826 = arith.constant 0 : i32
    %broadcast_in_dim3A_1827 = vector.broadcast %broadcast_in_dim3A_1826 : i32 to vector<16xi32>
    %add3A_1828 = arith.constant 0 : i32
    %add3A_1829 = vector.broadcast %add3A_1828 : i32 to vector<16xi32>
    %add3A_1830 = arith.addi %iota3A, %add3A_1829 : vector<16xi32>
    %eq3A_1831 = arith.cmpi eq, %get3A_1233, %gather3A_1825 : vector<16xi32>
    %gt3A_1832 = arith.constant 13 : i32
    %gt3A_1833 = vector.broadcast %gt3A_1832 : i32 to vector<16xi32>
    %gt3A_1834 = arith.cmpi sgt, %add3A_1830, %gt3A_1833 : vector<16xi32>
    %and3A_1835 = arith.andi %eq3A_1831, %gt3A_1834 : vector<16xi1>
    %lt3A_1836 = arith.constant 20 : i32
    %lt3A_1837 = vector.broadcast %lt3A_1836 : i32 to vector<16xi32>
    %lt3A_1838 = arith.cmpi slt, %add3A_1830, %lt3A_1837 : vector<16xi32>
    %and3A_1839 = arith.andi %and3A_1835, %lt3A_1838 : vector<16xi1>
    %all_reduce_population_count3A_1840 = tpu.all_reduce %and3A_1839 {dim = 0 : i64, kind = #tpu.reduction_kind<sum>} : vector<16xi1> -> vector<16xi32>
    %add3A_1841 = arith.addi %broadcast_in_dim3A_1827, %all_reduce_population_count3A_1840 : vector<16xi32>
    %add3A_1842 = arith.constant 16 : i32
    %add3A_1843 = vector.broadcast %add3A_1842 : i32 to vector<16xi32>
    %add3A_1844 = arith.addi %iota3A, %add3A_1843 : vector<16xi32>
    %eq3A_1845 = arith.cmpi eq, %get3A_1235, %gather3A_1825 : vector<16xi32>
    %gt3A_1846 = arith.constant 13 : i32
    %gt3A_1847 = vector.broadcast %gt3A_1846 : i32 to vector<16xi32>
    %gt3A_1848 = arith.cmpi sgt, %add3A_1844, %gt3A_1847 : vector<16xi32>
    %and3A_1849 = arith.andi %eq3A_1845, %gt3A_1848 : vector<16xi1>
    %lt3A_1850 = arith.constant 20 : i32
    %lt3A_1851 = vector.broadcast %lt3A_1850 : i32 to vector<16xi32>
    %lt3A_1852 = arith.cmpi slt, %add3A_1844, %lt3A_1851 : vector<16xi32>
    %and3A_1853 = arith.andi %and3A_1849, %lt3A_1852 : vector<16xi1>
    %all_reduce_population_count3A_1854 = tpu.all_reduce %and3A_1853 {dim = 0 : i64, kind = #tpu.reduction_kind<sum>} : vector<16xi1> -> vector<16xi32>
    %add3A_1855 = arith.addi %add3A_1841, %all_reduce_population_count3A_1854 : vector<16xi32>
    %eq3A_1856 = arith.constant 0 : i32
    %eq3A_1857 = vector.broadcast %eq3A_1856 : i32 to vector<16xi32>
    %eq3A_1858 = arith.cmpi eq, %add3A_1855, %eq3A_1857 : vector<16xi32>
    %jit3A_1859 = arith.constant 1.000000e+00 : f32
    %jit3A_1860 = arith.constant 0.000000e+00 : f32
    %broadcast_in_dim3A_1861 = vector.broadcast %jit3A_1859 : f32 to vector<16xf32>
    %broadcast_in_dim3A_1862 = vector.broadcast %jit3A_1860 : f32 to vector<16xf32>
    %select_n3A_1863 = arith.select %eq3A_1858, %broadcast_in_dim3A_1861, %broadcast_in_dim3A_1862 : vector<16xi1>, vector<16xf32>
    %eq3A_1864 = arith.constant 13 : i32
    %eq3A_1865 = vector.broadcast %eq3A_1864 : i32 to vector<16xi32>
    %eq3A_1866 = arith.cmpi eq, %iota3A, %eq3A_1865 : vector<16xi32>
    %select_n3A_1867 = arith.select %eq3A_1866, %select_n3A_1863, %select_n3A_1822 : vector<16xi1>, vector<16xf32>
    %broadcast_in_dim3A_1868 = arith.constant 14 : i32
    %broadcast_in_dim3A_1869 = vector.broadcast %broadcast_in_dim3A_1868 : i32 to vector<16xi32>
    %gather3A_1870 = tpu.vector_load_idx %arg7[%broadcast_in_dim3A_1869] : memref<48xi32, #tpu.memory_space<vmem>>[vector<16xi32>], vector<16xi32>,
    %broadcast_in_dim3A_1871 = arith.constant 0 : i32
    %broadcast_in_dim3A_1872 = vector.broadcast %broadcast_in_dim3A_1871 : i32 to vector<16xi32>
    %add3A_1873 = arith.constant 0 : i32
    %add3A_1874 = vector.broadcast %add3A_1873 : i32 to vector<16xi32>
    %add3A_1875 = arith.addi %iota3A, %add3A_1874 : vector<16xi32>
    %eq3A_1876 = arith.cmpi eq, %get3A_1233, %gather3A_1870 : vector<16xi32>
    %gt3A_1877 = arith.constant 14 : i32
    %gt3A_1878 = vector.broadcast %gt3A_1877 : i32 to vector<16xi32>
    %gt3A_1879 = arith.cmpi sgt, %add3A_1875, %gt3A_1878 : vector<16xi32>
    %and3A_1880 = arith.andi %eq3A_1876, %gt3A_1879 : vector<16xi1>
    %lt3A_1881 = arith.constant 20 : i32
    %lt3A_1882 = vector.broadcast %lt3A_1881 : i32 to vector<16xi32>
    %lt3A_1883 = arith.cmpi slt, %add3A_1875, %lt3A_1882 : vector<16xi32>
    %and3A_1884 = arith.andi %and3A_1880, %lt3A_1883 : vector<16xi1>
    %all_reduce_population_count3A_1885 = tpu.all_reduce %and3A_1884 {dim = 0 : i64, kind = #tpu.reduction_kind<sum>} : vector<16xi1> -> vector<16xi32>
    %add3A_1886 = arith.addi %broadcast_in_dim3A_1872, %all_reduce_population_count3A_1885 : vector<16xi32>
    %add3A_1887 = arith.constant 16 : i32
    %add3A_1888 = vector.broadcast %add3A_1887 : i32 to vector<16xi32>
    %add3A_1889 = arith.addi %iota3A, %add3A_1888 : vector<16xi32>
    %eq3A_1890 = arith.cmpi eq, %get3A_1235, %gather3A_1870 : vector<16xi32>
    %gt3A_1891 = arith.constant 14 : i32
    %gt3A_1892 = vector.broadcast %gt3A_1891 : i32 to vector<16xi32>
    %gt3A_1893 = arith.cmpi sgt, %add3A_1889, %gt3A_1892 : vector<16xi32>
    %and3A_1894 = arith.andi %eq3A_1890, %gt3A_1893 : vector<16xi1>
    %lt3A_1895 = arith.constant 20 : i32
    %lt3A_1896 = vector.broadcast %lt3A_1895 : i32 to vector<16xi32>
    %lt3A_1897 = arith.cmpi slt, %add3A_1889, %lt3A_1896 : vector<16xi32>
    %and3A_1898 = arith.andi %and3A_1894, %lt3A_1897 : vector<16xi1>
    %all_reduce_population_count3A_1899 = tpu.all_reduce %and3A_1898 {dim = 0 : i64, kind = #tpu.reduction_kind<sum>} : vector<16xi1> -> vector<16xi32>
    %add3A_1900 = arith.addi %add3A_1886, %all_reduce_population_count3A_1899 : vector<16xi32>
    %eq3A_1901 = arith.constant 0 : i32
    %eq3A_1902 = vector.broadcast %eq3A_1901 : i32 to vector<16xi32>
    %eq3A_1903 = arith.cmpi eq, %add3A_1900, %eq3A_1902 : vector<16xi32>
    %jit3A_1904 = arith.constant 1.000000e+00 : f32
    %jit3A_1905 = arith.constant 0.000000e+00 : f32
    %broadcast_in_dim3A_1906 = vector.broadcast %jit3A_1904 : f32 to vector<16xf32>
    %broadcast_in_dim3A_1907 = vector.broadcast %jit3A_1905 : f32 to vector<16xf32>
    %select_n3A_1908 = arith.select %eq3A_1903, %broadcast_in_dim3A_1906, %broadcast_in_dim3A_1907 : vector<16xi1>, vector<16xf32>
    %eq3A_1909 = arith.constant 14 : i32
    %eq3A_1910 = vector.broadcast %eq3A_1909 : i32 to vector<16xi32>
    %eq3A_1911 = arith.cmpi eq, %iota3A, %eq3A_1910 : vector<16xi32>
    %select_n3A_1912 = arith.select %eq3A_1911, %select_n3A_1908, %select_n3A_1867 : vector<16xi1>, vector<16xf32>
    %broadcast_in_dim3A_1913 = arith.constant 15 : i32
    %broadcast_in_dim3A_1914 = vector.broadcast %broadcast_in_dim3A_1913 : i32 to vector<16xi32>
    %gather3A_1915 = tpu.vector_load_idx %arg7[%broadcast_in_dim3A_1914] : memref<48xi32, #tpu.memory_space<vmem>>[vector<16xi32>], vector<16xi32>,
    %broadcast_in_dim3A_1916 = arith.constant 0 : i32
    %broadcast_in_dim3A_1917 = vector.broadcast %broadcast_in_dim3A_1916 : i32 to vector<16xi32>
    %add3A_1918 = arith.constant 16 : i32
    %add3A_1919 = vector.broadcast %add3A_1918 : i32 to vector<16xi32>
    %add3A_1920 = arith.addi %iota3A, %add3A_1919 : vector<16xi32>
    %eq3A_1921 = arith.cmpi eq, %get3A_1235, %gather3A_1915 : vector<16xi32>
    %gt3A_1922 = arith.constant 15 : i32
    %gt3A_1923 = vector.broadcast %gt3A_1922 : i32 to vector<16xi32>
    %gt3A_1924 = arith.cmpi sgt, %add3A_1920, %gt3A_1923 : vector<16xi32>
    %and3A_1925 = arith.andi %eq3A_1921, %gt3A_1924 : vector<16xi1>
    %lt3A_1926 = arith.constant 20 : i32
    %lt3A_1927 = vector.broadcast %lt3A_1926 : i32 to vector<16xi32>
    %lt3A_1928 = arith.cmpi slt, %add3A_1920, %lt3A_1927 : vector<16xi32>
    %and3A_1929 = arith.andi %and3A_1925, %lt3A_1928 : vector<16xi1>
    %all_reduce_population_count3A_1930 = tpu.all_reduce %and3A_1929 {dim = 0 : i64, kind = #tpu.reduction_kind<sum>} : vector<16xi1> -> vector<16xi32>
    %add3A_1931 = arith.addi %broadcast_in_dim3A_1917, %all_reduce_population_count3A_1930 : vector<16xi32>
    %eq3A_1932 = arith.constant 0 : i32
    %eq3A_1933 = vector.broadcast %eq3A_1932 : i32 to vector<16xi32>
    %eq3A_1934 = arith.cmpi eq, %add3A_1931, %eq3A_1933 : vector<16xi32>
    %jit3A_1935 = arith.constant 1.000000e+00 : f32
    %jit3A_1936 = arith.constant 0.000000e+00 : f32
    %broadcast_in_dim3A_1937 = vector.broadcast %jit3A_1935 : f32 to vector<16xf32>
    %broadcast_in_dim3A_1938 = vector.broadcast %jit3A_1936 : f32 to vector<16xf32>
    %select_n3A_1939 = arith.select %eq3A_1934, %broadcast_in_dim3A_1937, %broadcast_in_dim3A_1938 : vector<16xi1>, vector<16xf32>
    %eq3A_1940 = arith.constant 15 : i32
    %eq3A_1941 = vector.broadcast %eq3A_1940 : i32 to vector<16xi32>
    %eq3A_1942 = arith.cmpi eq, %iota3A, %eq3A_1941 : vector<16xi32>
    %select_n3A_1943 = arith.select %eq3A_1942, %select_n3A_1939, %select_n3A_1912 : vector<16xi1>, vector<16xf32>
    %swap3A_1944 = arith.constant 240 : index
    %swap3A_1945 = tpu.vector_load %arg8[%swap3A_1944] {strides = array<i32>} : memref<288xf32, #tpu.memory_space<vmem>>, vector<16xf32>,
    tpu.vector_store %arg8[%swap3A_1944], %select_n3A_1943 {strides = array<i32>} : memref<288xf32, #tpu.memory_space<vmem>>, vector<16xf32>,
    %broadcast_in_dim3A_1946 = arith.constant 0.000000e+00 : f32
    %broadcast_in_dim3A_1947 = vector.broadcast %broadcast_in_dim3A_1946 : f32 to vector<16xf32>
    %broadcast_in_dim3A_1948 = arith.constant 16 : i32
    %broadcast_in_dim3A_1949 = vector.broadcast %broadcast_in_dim3A_1948 : i32 to vector<16xi32>
    %gather3A_1950 = tpu.vector_load_idx %arg7[%broadcast_in_dim3A_1949] : memref<48xi32, #tpu.memory_space<vmem>>[vector<16xi32>], vector<16xi32>,
    %broadcast_in_dim3A_1951 = arith.constant 0 : i32
    %broadcast_in_dim3A_1952 = vector.broadcast %broadcast_in_dim3A_1951 : i32 to vector<16xi32>
    %add3A_1953 = arith.constant 16 : i32
    %add3A_1954 = vector.broadcast %add3A_1953 : i32 to vector<16xi32>
    %add3A_1955 = arith.addi %iota3A, %add3A_1954 : vector<16xi32>
    %eq3A_1956 = arith.cmpi eq, %get3A_1235, %gather3A_1950 : vector<16xi32>
    %gt3A_1957 = arith.constant 16 : i32
    %gt3A_1958 = vector.broadcast %gt3A_1957 : i32 to vector<16xi32>
    %gt3A_1959 = arith.cmpi sgt, %add3A_1955, %gt3A_1958 : vector<16xi32>
    %and3A_1960 = arith.andi %eq3A_1956, %gt3A_1959 : vector<16xi1>
    %lt3A_1961 = arith.constant 20 : i32
    %lt3A_1962 = vector.broadcast %lt3A_1961 : i32 to vector<16xi32>
    %lt3A_1963 = arith.cmpi slt, %add3A_1955, %lt3A_1962 : vector<16xi32>
    %and3A_1964 = arith.andi %and3A_1960, %lt3A_1963 : vector<16xi1>
    %all_reduce_population_count3A_1965 = tpu.all_reduce %and3A_1964 {dim = 0 : i64, kind = #tpu.reduction_kind<sum>} : vector<16xi1> -> vector<16xi32>
    %add3A_1966 = arith.addi %broadcast_in_dim3A_1952, %all_reduce_population_count3A_1965 : vector<16xi32>
    %eq3A_1967 = arith.constant 0 : i32
    %eq3A_1968 = vector.broadcast %eq3A_1967 : i32 to vector<16xi32>
    %eq3A_1969 = arith.cmpi eq, %add3A_1966, %eq3A_1968 : vector<16xi32>
    %jit3A_1970 = arith.constant 1.000000e+00 : f32
    %jit3A_1971 = arith.constant 0.000000e+00 : f32
    %broadcast_in_dim3A_1972 = vector.broadcast %jit3A_1970 : f32 to vector<16xf32>
    %broadcast_in_dim3A_1973 = vector.broadcast %jit3A_1971 : f32 to vector<16xf32>
    %select_n3A_1974 = arith.select %eq3A_1969, %broadcast_in_dim3A_1972, %broadcast_in_dim3A_1973 : vector<16xi1>, vector<16xf32>
    %eq3A_1975 = arith.constant 0 : i32
    %eq3A_1976 = vector.broadcast %eq3A_1975 : i32 to vector<16xi32>
    %eq3A_1977 = arith.cmpi eq, %iota3A, %eq3A_1976 : vector<16xi32>
    %select_n3A_1978 = arith.select %eq3A_1977, %select_n3A_1974, %broadcast_in_dim3A_1947 : vector<16xi1>, vector<16xf32>
    %broadcast_in_dim3A_1979 = arith.constant 17 : i32
    %broadcast_in_dim3A_1980 = vector.broadcast %broadcast_in_dim3A_1979 : i32 to vector<16xi32>
    %gather3A_1981 = tpu.vector_load_idx %arg7[%broadcast_in_dim3A_1980] : memref<48xi32, #tpu.memory_space<vmem>>[vector<16xi32>], vector<16xi32>,
    %broadcast_in_dim3A_1982 = arith.constant 0 : i32
    %broadcast_in_dim3A_1983 = vector.broadcast %broadcast_in_dim3A_1982 : i32 to vector<16xi32>
    %add3A_1984 = arith.constant 16 : i32
    %add3A_1985 = vector.broadcast %add3A_1984 : i32 to vector<16xi32>
    %add3A_1986 = arith.addi %iota3A, %add3A_1985 : vector<16xi32>
    %eq3A_1987 = arith.cmpi eq, %get3A_1235, %gather3A_1981 : vector<16xi32>
    %gt3A_1988 = arith.constant 17 : i32
    %gt3A_1989 = vector.broadcast %gt3A_1988 : i32 to vector<16xi32>
    %gt3A_1990 = arith.cmpi sgt, %add3A_1986, %gt3A_1989 : vector<16xi32>
    %and3A_1991 = arith.andi %eq3A_1987, %gt3A_1990 : vector<16xi1>
    %lt3A_1992 = arith.constant 20 : i32
    %lt3A_1993 = vector.broadcast %lt3A_1992 : i32 to vector<16xi32>
    %lt3A_1994 = arith.cmpi slt, %add3A_1986, %lt3A_1993 : vector<16xi32>
    %and3A_1995 = arith.andi %and3A_1991, %lt3A_1994 : vector<16xi1>
    %all_reduce_population_count3A_1996 = tpu.all_reduce %and3A_1995 {dim = 0 : i64, kind = #tpu.reduction_kind<sum>} : vector<16xi1> -> vector<16xi32>
    %add3A_1997 = arith.addi %broadcast_in_dim3A_1983, %all_reduce_population_count3A_1996 : vector<16xi32>
    %eq3A_1998 = arith.constant 0 : i32
    %eq3A_1999 = vector.broadcast %eq3A_1998 : i32 to vector<16xi32>
    %eq3A_2000 = arith.cmpi eq, %add3A_1997, %eq3A_1999 : vector<16xi32>
    %jit3A_2001 = arith.constant 1.000000e+00 : f32
    %jit3A_2002 = arith.constant 0.000000e+00 : f32
    %broadcast_in_dim3A_2003 = vector.broadcast %jit3A_2001 : f32 to vector<16xf32>
    %broadcast_in_dim3A_2004 = vector.broadcast %jit3A_2002 : f32 to vector<16xf32>
    %select_n3A_2005 = arith.select %eq3A_2000, %broadcast_in_dim3A_2003, %broadcast_in_dim3A_2004 : vector<16xi1>, vector<16xf32>
    %eq3A_2006 = arith.constant 1 : i32
    %eq3A_2007 = vector.broadcast %eq3A_2006 : i32 to vector<16xi32>
    %eq3A_2008 = arith.cmpi eq, %iota3A, %eq3A_2007 : vector<16xi32>
    %select_n3A_2009 = arith.select %eq3A_2008, %select_n3A_2005, %select_n3A_1978 : vector<16xi1>, vector<16xf32>
    %broadcast_in_dim3A_2010 = arith.constant 18 : i32
    %broadcast_in_dim3A_2011 = vector.broadcast %broadcast_in_dim3A_2010 : i32 to vector<16xi32>
    %gather3A_2012 = tpu.vector_load_idx %arg7[%broadcast_in_dim3A_2011] : memref<48xi32, #tpu.memory_space<vmem>>[vector<16xi32>], vector<16xi32>,
    %broadcast_in_dim3A_2013 = arith.constant 0 : i32
    %broadcast_in_dim3A_2014 = vector.broadcast %broadcast_in_dim3A_2013 : i32 to vector<16xi32>
    %add3A_2015 = arith.constant 16 : i32
    %add3A_2016 = vector.broadcast %add3A_2015 : i32 to vector<16xi32>
    %add3A_2017 = arith.addi %iota3A, %add3A_2016 : vector<16xi32>
    %eq3A_2018 = arith.cmpi eq, %get3A_1235, %gather3A_2012 : vector<16xi32>
    %gt3A_2019 = arith.constant 18 : i32
    %gt3A_2020 = vector.broadcast %gt3A_2019 : i32 to vector<16xi32>
    %gt3A_2021 = arith.cmpi sgt, %add3A_2017, %gt3A_2020 : vector<16xi32>
    %and3A_2022 = arith.andi %eq3A_2018, %gt3A_2021 : vector<16xi1>
    %lt3A_2023 = arith.constant 20 : i32
    %lt3A_2024 = vector.broadcast %lt3A_2023 : i32 to vector<16xi32>
    %lt3A_2025 = arith.cmpi slt, %add3A_2017, %lt3A_2024 : vector<16xi32>
    %and3A_2026 = arith.andi %and3A_2022, %lt3A_2025 : vector<16xi1>
    %all_reduce_population_count3A_2027 = tpu.all_reduce %and3A_2026 {dim = 0 : i64, kind = #tpu.reduction_kind<sum>} : vector<16xi1> -> vector<16xi32>
    %add3A_2028 = arith.addi %broadcast_in_dim3A_2014, %all_reduce_population_count3A_2027 : vector<16xi32>
    %eq3A_2029 = arith.constant 0 : i32
    %eq3A_2030 = vector.broadcast %eq3A_2029 : i32 to vector<16xi32>
    %eq3A_2031 = arith.cmpi eq, %add3A_2028, %eq3A_2030 : vector<16xi32>
    %jit3A_2032 = arith.constant 1.000000e+00 : f32
    %jit3A_2033 = arith.constant 0.000000e+00 : f32
    %broadcast_in_dim3A_2034 = vector.broadcast %jit3A_2032 : f32 to vector<16xf32>
    %broadcast_in_dim3A_2035 = vector.broadcast %jit3A_2033 : f32 to vector<16xf32>
    %select_n3A_2036 = arith.select %eq3A_2031, %broadcast_in_dim3A_2034, %broadcast_in_dim3A_2035 : vector<16xi1>, vector<16xf32>
    %eq3A_2037 = arith.constant 2 : i32
    %eq3A_2038 = vector.broadcast %eq3A_2037 : i32 to vector<16xi32>
    %eq3A_2039 = arith.cmpi eq, %iota3A, %eq3A_2038 : vector<16xi32>
    %select_n3A_2040 = arith.select %eq3A_2039, %select_n3A_2036, %select_n3A_2009 : vector<16xi1>, vector<16xf32>
    %broadcast_in_dim3A_2041 = arith.constant 19 : i32
    %broadcast_in_dim3A_2042 = vector.broadcast %broadcast_in_dim3A_2041 : i32 to vector<16xi32>
    %gather3A_2043 = tpu.vector_load_idx %arg7[%broadcast_in_dim3A_2042] : memref<48xi32, #tpu.memory_space<vmem>>[vector<16xi32>], vector<16xi32>,
    %broadcast_in_dim3A_2044 = arith.constant 0 : i32
    %broadcast_in_dim3A_2045 = vector.broadcast %broadcast_in_dim3A_2044 : i32 to vector<16xi32>
    %add3A_2046 = arith.constant 16 : i32
    %add3A_2047 = vector.broadcast %add3A_2046 : i32 to vector<16xi32>
    %add3A_2048 = arith.addi %iota3A, %add3A_2047 : vector<16xi32>
    %eq3A_2049 = arith.cmpi eq, %get3A_1235, %gather3A_2043 : vector<16xi32>
    %gt3A_2050 = arith.constant 19 : i32
    %gt3A_2051 = vector.broadcast %gt3A_2050 : i32 to vector<16xi32>
    %gt3A_2052 = arith.cmpi sgt, %add3A_2048, %gt3A_2051 : vector<16xi32>
    %and3A_2053 = arith.andi %eq3A_2049, %gt3A_2052 : vector<16xi1>
    %lt3A_2054 = arith.constant 20 : i32
    %lt3A_2055 = vector.broadcast %lt3A_2054 : i32 to vector<16xi32>
    %lt3A_2056 = arith.cmpi slt, %add3A_2048, %lt3A_2055 : vector<16xi32>
    %and3A_2057 = arith.andi %and3A_2053, %lt3A_2056 : vector<16xi1>
    %all_reduce_population_count3A_2058 = tpu.all_reduce %and3A_2057 {dim = 0 : i64, kind = #tpu.reduction_kind<sum>} : vector<16xi1> -> vector<16xi32>
    %add3A_2059 = arith.addi %broadcast_in_dim3A_2045, %all_reduce_population_count3A_2058 : vector<16xi32>
    %eq3A_2060 = arith.constant 0 : i32
    %eq3A_2061 = vector.broadcast %eq3A_2060 : i32 to vector<16xi32>
    %eq3A_2062 = arith.cmpi eq, %add3A_2059, %eq3A_2061 : vector<16xi32>
    %jit3A_2063 = arith.constant 1.000000e+00 : f32
    %jit3A_2064 = arith.constant 0.000000e+00 : f32
    %broadcast_in_dim3A_2065 = vector.broadcast %jit3A_2063 : f32 to vector<16xf32>
    %broadcast_in_dim3A_2066 = vector.broadcast %jit3A_2064 : f32 to vector<16xf32>
    %select_n3A_2067 = arith.select %eq3A_2062, %broadcast_in_dim3A_2065, %broadcast_in_dim3A_2066 : vector<16xi1>, vector<16xf32>
    %eq3A_2068 = arith.constant 3 : i32
    %eq3A_2069 = vector.broadcast %eq3A_2068 : i32 to vector<16xi32>
    %eq3A_2070 = arith.cmpi eq, %iota3A, %eq3A_2069 : vector<16xi32>
    %select_n3A_2071 = arith.select %eq3A_2070, %select_n3A_2067, %select_n3A_2040 : vector<16xi1>, vector<16xf32>
    %broadcast_in_dim3A_2072 = arith.constant 20 : i32
    %broadcast_in_dim3A_2073 = vector.broadcast %broadcast_in_dim3A_2072 : i32 to vector<16xi32>
    %gather3A_2074 = tpu.vector_load_idx %arg7[%broadcast_in_dim3A_2073] : memref<48xi32, #tpu.memory_space<vmem>>[vector<16xi32>], vector<16xi32>,
    %broadcast_in_dim3A_2075 = arith.constant 0 : i32
    %broadcast_in_dim3A_2076 = vector.broadcast %broadcast_in_dim3A_2075 : i32 to vector<16xi32>
    %add3A_2077 = arith.constant 16 : i32
    %add3A_2078 = vector.broadcast %add3A_2077 : i32 to vector<16xi32>
    %add3A_2079 = arith.addi %iota3A, %add3A_2078 : vector<16xi32>
    %eq3A_2080 = arith.cmpi eq, %get3A_1235, %gather3A_2074 : vector<16xi32>
    %gt3A_2081 = arith.constant 20 : i32
    %gt3A_2082 = vector.broadcast %gt3A_2081 : i32 to vector<16xi32>
    %gt3A_2083 = arith.cmpi sgt, %add3A_2079, %gt3A_2082 : vector<16xi32>
    %and3A_2084 = arith.andi %eq3A_2080, %gt3A_2083 : vector<16xi1>
    %lt3A_2085 = arith.constant 40 : i32
    %lt3A_2086 = vector.broadcast %lt3A_2085 : i32 to vector<16xi32>
    %lt3A_2087 = arith.cmpi slt, %add3A_2079, %lt3A_2086 : vector<16xi32>
    %and3A_2088 = arith.andi %and3A_2084, %lt3A_2087 : vector<16xi1>
    %all_reduce_population_count3A_2089 = tpu.all_reduce %and3A_2088 {dim = 0 : i64, kind = #tpu.reduction_kind<sum>} : vector<16xi1> -> vector<16xi32>
    %add3A_2090 = arith.addi %broadcast_in_dim3A_2076, %all_reduce_population_count3A_2089 : vector<16xi32>
    %add3A_2091 = arith.constant 32 : i32
    %add3A_2092 = vector.broadcast %add3A_2091 : i32 to vector<16xi32>
    %add3A_2093 = arith.addi %iota3A, %add3A_2092 : vector<16xi32>
    %eq3A_2094 = arith.cmpi eq, %get3A_1237, %gather3A_2074 : vector<16xi32>
    %gt3A_2095 = arith.constant 20 : i32
    %gt3A_2096 = vector.broadcast %gt3A_2095 : i32 to vector<16xi32>
    %gt3A_2097 = arith.cmpi sgt, %add3A_2093, %gt3A_2096 : vector<16xi32>
    %and3A_2098 = arith.andi %eq3A_2094, %gt3A_2097 : vector<16xi1>
    %lt3A_2099 = arith.constant 40 : i32
    %lt3A_2100 = vector.broadcast %lt3A_2099 : i32 to vector<16xi32>
    %lt3A_2101 = arith.cmpi slt, %add3A_2093, %lt3A_2100 : vector<16xi32>
    %and3A_2102 = arith.andi %and3A_2098, %lt3A_2101 : vector<16xi1>
    %all_reduce_population_count3A_2103 = tpu.all_reduce %and3A_2102 {dim = 0 : i64, kind = #tpu.reduction_kind<sum>} : vector<16xi1> -> vector<16xi32>
    %add3A_2104 = arith.addi %add3A_2090, %all_reduce_population_count3A_2103 : vector<16xi32>
    %eq3A_2105 = arith.constant 0 : i32
    %eq3A_2106 = vector.broadcast %eq3A_2105 : i32 to vector<16xi32>
    %eq3A_2107 = arith.cmpi eq, %add3A_2104, %eq3A_2106 : vector<16xi32>
    %jit3A_2108 = arith.constant 1.000000e+00 : f32
    %jit3A_2109 = arith.constant 0.000000e+00 : f32
    %broadcast_in_dim3A_2110 = vector.broadcast %jit3A_2108 : f32 to vector<16xf32>
    %broadcast_in_dim3A_2111 = vector.broadcast %jit3A_2109 : f32 to vector<16xf32>
    %select_n3A_2112 = arith.select %eq3A_2107, %broadcast_in_dim3A_2110, %broadcast_in_dim3A_2111 : vector<16xi1>, vector<16xf32>
    %eq3A_2113 = arith.constant 4 : i32
    %eq3A_2114 = vector.broadcast %eq3A_2113 : i32 to vector<16xi32>
    %eq3A_2115 = arith.cmpi eq, %iota3A, %eq3A_2114 : vector<16xi32>
    %select_n3A_2116 = arith.select %eq3A_2115, %select_n3A_2112, %select_n3A_2071 : vector<16xi1>, vector<16xf32>
    %broadcast_in_dim3A_2117 = arith.constant 21 : i32
    %broadcast_in_dim3A_2118 = vector.broadcast %broadcast_in_dim3A_2117 : i32 to vector<16xi32>
    %gather3A_2119 = tpu.vector_load_idx %arg7[%broadcast_in_dim3A_2118] : memref<48xi32, #tpu.memory_space<vmem>>[vector<16xi32>], vector<16xi32>,
    %broadcast_in_dim3A_2120 = arith.constant 0 : i32
    %broadcast_in_dim3A_2121 = vector.broadcast %broadcast_in_dim3A_2120 : i32 to vector<16xi32>
    %add3A_2122 = arith.constant 16 : i32
    %add3A_2123 = vector.broadcast %add3A_2122 : i32 to vector<16xi32>
    %add3A_2124 = arith.addi %iota3A, %add3A_2123 : vector<16xi32>
    %eq3A_2125 = arith.cmpi eq, %get3A_1235, %gather3A_2119 : vector<16xi32>
    %gt3A_2126 = arith.constant 21 : i32
    %gt3A_2127 = vector.broadcast %gt3A_2126 : i32 to vector<16xi32>
    %gt3A_2128 = arith.cmpi sgt, %add3A_2124, %gt3A_2127 : vector<16xi32>
    %and3A_2129 = arith.andi %eq3A_2125, %gt3A_2128 : vector<16xi1>
    %lt3A_2130 = arith.constant 40 : i32
    %lt3A_2131 = vector.broadcast %lt3A_2130 : i32 to vector<16xi32>
    %lt3A_2132 = arith.cmpi slt, %add3A_2124, %lt3A_2131 : vector<16xi32>
    %and3A_2133 = arith.andi %and3A_2129, %lt3A_2132 : vector<16xi1>
    %all_reduce_population_count3A_2134 = tpu.all_reduce %and3A_2133 {dim = 0 : i64, kind = #tpu.reduction_kind<sum>} : vector<16xi1> -> vector<16xi32>
    %add3A_2135 = arith.addi %broadcast_in_dim3A_2121, %all_reduce_population_count3A_2134 : vector<16xi32>
    %add3A_2136 = arith.constant 32 : i32
    %add3A_2137 = vector.broadcast %add3A_2136 : i32 to vector<16xi32>
    %add3A_2138 = arith.addi %iota3A, %add3A_2137 : vector<16xi32>
    %eq3A_2139 = arith.cmpi eq, %get3A_1237, %gather3A_2119 : vector<16xi32>
    %gt3A_2140 = arith.constant 21 : i32
    %gt3A_2141 = vector.broadcast %gt3A_2140 : i32 to vector<16xi32>
    %gt3A_2142 = arith.cmpi sgt, %add3A_2138, %gt3A_2141 : vector<16xi32>
    %and3A_2143 = arith.andi %eq3A_2139, %gt3A_2142 : vector<16xi1>
    %lt3A_2144 = arith.constant 40 : i32
    %lt3A_2145 = vector.broadcast %lt3A_2144 : i32 to vector<16xi32>
    %lt3A_2146 = arith.cmpi slt, %add3A_2138, %lt3A_2145 : vector<16xi32>
    %and3A_2147 = arith.andi %and3A_2143, %lt3A_2146 : vector<16xi1>
    %all_reduce_population_count3A_2148 = tpu.all_reduce %and3A_2147 {dim = 0 : i64, kind = #tpu.reduction_kind<sum>} : vector<16xi1> -> vector<16xi32>
    %add3A_2149 = arith.addi %add3A_2135, %all_reduce_population_count3A_2148 : vector<16xi32>
    %eq3A_2150 = arith.constant 0 : i32
    %eq3A_2151 = vector.broadcast %eq3A_2150 : i32 to vector<16xi32>
    %eq3A_2152 = arith.cmpi eq, %add3A_2149, %eq3A_2151 : vector<16xi32>
    %jit3A_2153 = arith.constant 1.000000e+00 : f32
    %jit3A_2154 = arith.constant 0.000000e+00 : f32
    %broadcast_in_dim3A_2155 = vector.broadcast %jit3A_2153 : f32 to vector<16xf32>
    %broadcast_in_dim3A_2156 = vector.broadcast %jit3A_2154 : f32 to vector<16xf32>
    %select_n3A_2157 = arith.select %eq3A_2152, %broadcast_in_dim3A_2155, %broadcast_in_dim3A_2156 : vector<16xi1>, vector<16xf32>
    %eq3A_2158 = arith.constant 5 : i32
    %eq3A_2159 = vector.broadcast %eq3A_2158 : i32 to vector<16xi32>
    %eq3A_2160 = arith.cmpi eq, %iota3A, %eq3A_2159 : vector<16xi32>
    %select_n3A_2161 = arith.select %eq3A_2160, %select_n3A_2157, %select_n3A_2116 : vector<16xi1>, vector<16xf32>
    %broadcast_in_dim3A_2162 = arith.constant 22 : i32
    %broadcast_in_dim3A_2163 = vector.broadcast %broadcast_in_dim3A_2162 : i32 to vector<16xi32>
    %gather3A_2164 = tpu.vector_load_idx %arg7[%broadcast_in_dim3A_2163] : memref<48xi32, #tpu.memory_space<vmem>>[vector<16xi32>], vector<16xi32>,
    %broadcast_in_dim3A_2165 = arith.constant 0 : i32
    %broadcast_in_dim3A_2166 = vector.broadcast %broadcast_in_dim3A_2165 : i32 to vector<16xi32>
    %add3A_2167 = arith.constant 16 : i32
    %add3A_2168 = vector.broadcast %add3A_2167 : i32 to vector<16xi32>
    %add3A_2169 = arith.addi %iota3A, %add3A_2168 : vector<16xi32>
    %eq3A_2170 = arith.cmpi eq, %get3A_1235, %gather3A_2164 : vector<16xi32>
    %gt3A_2171 = arith.constant 22 : i32
    %gt3A_2172 = vector.broadcast %gt3A_2171 : i32 to vector<16xi32>
    %gt3A_2173 = arith.cmpi sgt, %add3A_2169, %gt3A_2172 : vector<16xi32>
    %and3A_2174 = arith.andi %eq3A_2170, %gt3A_2173 : vector<16xi1>
    %lt3A_2175 = arith.constant 40 : i32
    %lt3A_2176 = vector.broadcast %lt3A_2175 : i32 to vector<16xi32>
    %lt3A_2177 = arith.cmpi slt, %add3A_2169, %lt3A_2176 : vector<16xi32>
    %and3A_2178 = arith.andi %and3A_2174, %lt3A_2177 : vector<16xi1>
    %all_reduce_population_count3A_2179 = tpu.all_reduce %and3A_2178 {dim = 0 : i64, kind = #tpu.reduction_kind<sum>} : vector<16xi1> -> vector<16xi32>
    %add3A_2180 = arith.addi %broadcast_in_dim3A_2166, %all_reduce_population_count3A_2179 : vector<16xi32>
    %add3A_2181 = arith.constant 32 : i32
    %add3A_2182 = vector.broadcast %add3A_2181 : i32 to vector<16xi32>
    %add3A_2183 = arith.addi %iota3A, %add3A_2182 : vector<16xi32>
    %eq3A_2184 = arith.cmpi eq, %get3A_1237, %gather3A_2164 : vector<16xi32>
    %gt3A_2185 = arith.constant 22 : i32
    %gt3A_2186 = vector.broadcast %gt3A_2185 : i32 to vector<16xi32>
    %gt3A_2187 = arith.cmpi sgt, %add3A_2183, %gt3A_2186 : vector<16xi32>
    %and3A_2188 = arith.andi %eq3A_2184, %gt3A_2187 : vector<16xi1>
    %lt3A_2189 = arith.constant 40 : i32
    %lt3A_2190 = vector.broadcast %lt3A_2189 : i32 to vector<16xi32>
    %lt3A_2191 = arith.cmpi slt, %add3A_2183, %lt3A_2190 : vector<16xi32>
    %and3A_2192 = arith.andi %and3A_2188, %lt3A_2191 : vector<16xi1>
    %all_reduce_population_count3A_2193 = tpu.all_reduce %and3A_2192 {dim = 0 : i64, kind = #tpu.reduction_kind<sum>} : vector<16xi1> -> vector<16xi32>
    %add3A_2194 = arith.addi %add3A_2180, %all_reduce_population_count3A_2193 : vector<16xi32>
    %eq3A_2195 = arith.constant 0 : i32
    %eq3A_2196 = vector.broadcast %eq3A_2195 : i32 to vector<16xi32>
    %eq3A_2197 = arith.cmpi eq, %add3A_2194, %eq3A_2196 : vector<16xi32>
    %jit3A_2198 = arith.constant 1.000000e+00 : f32
    %jit3A_2199 = arith.constant 0.000000e+00 : f32
    %broadcast_in_dim3A_2200 = vector.broadcast %jit3A_2198 : f32 to vector<16xf32>
    %broadcast_in_dim3A_2201 = vector.broadcast %jit3A_2199 : f32 to vector<16xf32>
    %select_n3A_2202 = arith.select %eq3A_2197, %broadcast_in_dim3A_2200, %broadcast_in_dim3A_2201 : vector<16xi1>, vector<16xf32>
    %eq3A_2203 = arith.constant 6 : i32
    %eq3A_2204 = vector.broadcast %eq3A_2203 : i32 to vector<16xi32>
    %eq3A_2205 = arith.cmpi eq, %iota3A, %eq3A_2204 : vector<16xi32>
    %select_n3A_2206 = arith.select %eq3A_2205, %select_n3A_2202, %select_n3A_2161 : vector<16xi1>, vector<16xf32>
    %broadcast_in_dim3A_2207 = arith.constant 23 : i32
    %broadcast_in_dim3A_2208 = vector.broadcast %broadcast_in_dim3A_2207 : i32 to vector<16xi32>
    %gather3A_2209 = tpu.vector_load_idx %arg7[%broadcast_in_dim3A_2208] : memref<48xi32, #tpu.memory_space<vmem>>[vector<16xi32>], vector<16xi32>,
    %broadcast_in_dim3A_2210 = arith.constant 0 : i32
    %broadcast_in_dim3A_2211 = vector.broadcast %broadcast_in_dim3A_2210 : i32 to vector<16xi32>
    %add3A_2212 = arith.constant 16 : i32
    %add3A_2213 = vector.broadcast %add3A_2212 : i32 to vector<16xi32>
    %add3A_2214 = arith.addi %iota3A, %add3A_2213 : vector<16xi32>
    %eq3A_2215 = arith.cmpi eq, %get3A_1235, %gather3A_2209 : vector<16xi32>
    %gt3A_2216 = arith.constant 23 : i32
    %gt3A_2217 = vector.broadcast %gt3A_2216 : i32 to vector<16xi32>
    %gt3A_2218 = arith.cmpi sgt, %add3A_2214, %gt3A_2217 : vector<16xi32>
    %and3A_2219 = arith.andi %eq3A_2215, %gt3A_2218 : vector<16xi1>
    %lt3A_2220 = arith.constant 40 : i32
    %lt3A_2221 = vector.broadcast %lt3A_2220 : i32 to vector<16xi32>
    %lt3A_2222 = arith.cmpi slt, %add3A_2214, %lt3A_2221 : vector<16xi32>
    %and3A_2223 = arith.andi %and3A_2219, %lt3A_2222 : vector<16xi1>
    %all_reduce_population_count3A_2224 = tpu.all_reduce %and3A_2223 {dim = 0 : i64, kind = #tpu.reduction_kind<sum>} : vector<16xi1> -> vector<16xi32>
    %add3A_2225 = arith.addi %broadcast_in_dim3A_2211, %all_reduce_population_count3A_2224 : vector<16xi32>
    %add3A_2226 = arith.constant 32 : i32
    %add3A_2227 = vector.broadcast %add3A_2226 : i32 to vector<16xi32>
    %add3A_2228 = arith.addi %iota3A, %add3A_2227 : vector<16xi32>
    %eq3A_2229 = arith.cmpi eq, %get3A_1237, %gather3A_2209 : vector<16xi32>
    %gt3A_2230 = arith.constant 23 : i32
    %gt3A_2231 = vector.broadcast %gt3A_2230 : i32 to vector<16xi32>
    %gt3A_2232 = arith.cmpi sgt, %add3A_2228, %gt3A_2231 : vector<16xi32>
    %and3A_2233 = arith.andi %eq3A_2229, %gt3A_2232 : vector<16xi1>
    %lt3A_2234 = arith.constant 40 : i32
    %lt3A_2235 = vector.broadcast %lt3A_2234 : i32 to vector<16xi32>
    %lt3A_2236 = arith.cmpi slt, %add3A_2228, %lt3A_2235 : vector<16xi32>
    %and3A_2237 = arith.andi %and3A_2233, %lt3A_2236 : vector<16xi1>
    %all_reduce_population_count3A_2238 = tpu.all_reduce %and3A_2237 {dim = 0 : i64, kind = #tpu.reduction_kind<sum>} : vector<16xi1> -> vector<16xi32>
    %add3A_2239 = arith.addi %add3A_2225, %all_reduce_population_count3A_2238 : vector<16xi32>
    %eq3A_2240 = arith.constant 0 : i32
    %eq3A_2241 = vector.broadcast %eq3A_2240 : i32 to vector<16xi32>
    %eq3A_2242 = arith.cmpi eq, %add3A_2239, %eq3A_2241 : vector<16xi32>
    %jit3A_2243 = arith.constant 1.000000e+00 : f32
    %jit3A_2244 = arith.constant 0.000000e+00 : f32
    %broadcast_in_dim3A_2245 = vector.broadcast %jit3A_2243 : f32 to vector<16xf32>
    %broadcast_in_dim3A_2246 = vector.broadcast %jit3A_2244 : f32 to vector<16xf32>
    %select_n3A_2247 = arith.select %eq3A_2242, %broadcast_in_dim3A_2245, %broadcast_in_dim3A_2246 : vector<16xi1>, vector<16xf32>
    %eq3A_2248 = arith.constant 7 : i32
    %eq3A_2249 = vector.broadcast %eq3A_2248 : i32 to vector<16xi32>
    %eq3A_2250 = arith.cmpi eq, %iota3A, %eq3A_2249 : vector<16xi32>
    %select_n3A_2251 = arith.select %eq3A_2250, %select_n3A_2247, %select_n3A_2206 : vector<16xi1>, vector<16xf32>
    %broadcast_in_dim3A_2252 = arith.constant 24 : i32
    %broadcast_in_dim3A_2253 = vector.broadcast %broadcast_in_dim3A_2252 : i32 to vector<16xi32>
    %gather3A_2254 = tpu.vector_load_idx %arg7[%broadcast_in_dim3A_2253] : memref<48xi32, #tpu.memory_space<vmem>>[vector<16xi32>], vector<16xi32>,
    %broadcast_in_dim3A_2255 = arith.constant 0 : i32
    %broadcast_in_dim3A_2256 = vector.broadcast %broadcast_in_dim3A_2255 : i32 to vector<16xi32>
    %add3A_2257 = arith.constant 16 : i32
    %add3A_2258 = vector.broadcast %add3A_2257 : i32 to vector<16xi32>
    %add3A_2259 = arith.addi %iota3A, %add3A_2258 : vector<16xi32>
    %eq3A_2260 = arith.cmpi eq, %get3A_1235, %gather3A_2254 : vector<16xi32>
    %gt3A_2261 = arith.constant 24 : i32
    %gt3A_2262 = vector.broadcast %gt3A_2261 : i32 to vector<16xi32>
    %gt3A_2263 = arith.cmpi sgt, %add3A_2259, %gt3A_2262 : vector<16xi32>
    %and3A_2264 = arith.andi %eq3A_2260, %gt3A_2263 : vector<16xi1>
    %lt3A_2265 = arith.constant 40 : i32
    %lt3A_2266 = vector.broadcast %lt3A_2265 : i32 to vector<16xi32>
    %lt3A_2267 = arith.cmpi slt, %add3A_2259, %lt3A_2266 : vector<16xi32>
    %and3A_2268 = arith.andi %and3A_2264, %lt3A_2267 : vector<16xi1>
    %all_reduce_population_count3A_2269 = tpu.all_reduce %and3A_2268 {dim = 0 : i64, kind = #tpu.reduction_kind<sum>} : vector<16xi1> -> vector<16xi32>
    %add3A_2270 = arith.addi %broadcast_in_dim3A_2256, %all_reduce_population_count3A_2269 : vector<16xi32>
    %add3A_2271 = arith.constant 32 : i32
    %add3A_2272 = vector.broadcast %add3A_2271 : i32 to vector<16xi32>
    %add3A_2273 = arith.addi %iota3A, %add3A_2272 : vector<16xi32>
    %eq3A_2274 = arith.cmpi eq, %get3A_1237, %gather3A_2254 : vector<16xi32>
    %gt3A_2275 = arith.constant 24 : i32
    %gt3A_2276 = vector.broadcast %gt3A_2275 : i32 to vector<16xi32>
    %gt3A_2277 = arith.cmpi sgt, %add3A_2273, %gt3A_2276 : vector<16xi32>
    %and3A_2278 = arith.andi %eq3A_2274, %gt3A_2277 : vector<16xi1>
    %lt3A_2279 = arith.constant 40 : i32
    %lt3A_2280 = vector.broadcast %lt3A_2279 : i32 to vector<16xi32>
    %lt3A_2281 = arith.cmpi slt, %add3A_2273, %lt3A_2280 : vector<16xi32>
    %and3A_2282 = arith.andi %and3A_2278, %lt3A_2281 : vector<16xi1>
    %all_reduce_population_count3A_2283 = tpu.all_reduce %and3A_2282 {dim = 0 : i64, kind = #tpu.reduction_kind<sum>} : vector<16xi1> -> vector<16xi32>
    %add3A_2284 = arith.addi %add3A_2270, %all_reduce_population_count3A_2283 : vector<16xi32>
    %eq3A_2285 = arith.constant 0 : i32
    %eq3A_2286 = vector.broadcast %eq3A_2285 : i32 to vector<16xi32>
    %eq3A_2287 = arith.cmpi eq, %add3A_2284, %eq3A_2286 : vector<16xi32>
    %jit3A_2288 = arith.constant 1.000000e+00 : f32
    %jit3A_2289 = arith.constant 0.000000e+00 : f32
    %broadcast_in_dim3A_2290 = vector.broadcast %jit3A_2288 : f32 to vector<16xf32>
    %broadcast_in_dim3A_2291 = vector.broadcast %jit3A_2289 : f32 to vector<16xf32>
    %select_n3A_2292 = arith.select %eq3A_2287, %broadcast_in_dim3A_2290, %broadcast_in_dim3A_2291 : vector<16xi1>, vector<16xf32>
    %eq3A_2293 = arith.constant 8 : i32
    %eq3A_2294 = vector.broadcast %eq3A_2293 : i32 to vector<16xi32>
    %eq3A_2295 = arith.cmpi eq, %iota3A, %eq3A_2294 : vector<16xi32>
    %select_n3A_2296 = arith.select %eq3A_2295, %select_n3A_2292, %select_n3A_2251 : vector<16xi1>, vector<16xf32>
    %broadcast_in_dim3A_2297 = arith.constant 25 : i32
    %broadcast_in_dim3A_2298 = vector.broadcast %broadcast_in_dim3A_2297 : i32 to vector<16xi32>
    %gather3A_2299 = tpu.vector_load_idx %arg7[%broadcast_in_dim3A_2298] : memref<48xi32, #tpu.memory_space<vmem>>[vector<16xi32>], vector<16xi32>,
    %broadcast_in_dim3A_2300 = arith.constant 0 : i32
    %broadcast_in_dim3A_2301 = vector.broadcast %broadcast_in_dim3A_2300 : i32 to vector<16xi32>
    %add3A_2302 = arith.constant 16 : i32
    %add3A_2303 = vector.broadcast %add3A_2302 : i32 to vector<16xi32>
    %add3A_2304 = arith.addi %iota3A, %add3A_2303 : vector<16xi32>
    %eq3A_2305 = arith.cmpi eq, %get3A_1235, %gather3A_2299 : vector<16xi32>
    %gt3A_2306 = arith.constant 25 : i32
    %gt3A_2307 = vector.broadcast %gt3A_2306 : i32 to vector<16xi32>
    %gt3A_2308 = arith.cmpi sgt, %add3A_2304, %gt3A_2307 : vector<16xi32>
    %and3A_2309 = arith.andi %eq3A_2305, %gt3A_2308 : vector<16xi1>
    %lt3A_2310 = arith.constant 40 : i32
    %lt3A_2311 = vector.broadcast %lt3A_2310 : i32 to vector<16xi32>
    %lt3A_2312 = arith.cmpi slt, %add3A_2304, %lt3A_2311 : vector<16xi32>
    %and3A_2313 = arith.andi %and3A_2309, %lt3A_2312 : vector<16xi1>
    %all_reduce_population_count3A_2314 = tpu.all_reduce %and3A_2313 {dim = 0 : i64, kind = #tpu.reduction_kind<sum>} : vector<16xi1> -> vector<16xi32>
    %add3A_2315 = arith.addi %broadcast_in_dim3A_2301, %all_reduce_population_count3A_2314 : vector<16xi32>
    %add3A_2316 = arith.constant 32 : i32
    %add3A_2317 = vector.broadcast %add3A_2316 : i32 to vector<16xi32>
    %add3A_2318 = arith.addi %iota3A, %add3A_2317 : vector<16xi32>
    %eq3A_2319 = arith.cmpi eq, %get3A_1237, %gather3A_2299 : vector<16xi32>
    %gt3A_2320 = arith.constant 25 : i32
    %gt3A_2321 = vector.broadcast %gt3A_2320 : i32 to vector<16xi32>
    %gt3A_2322 = arith.cmpi sgt, %add3A_2318, %gt3A_2321 : vector<16xi32>
    %and3A_2323 = arith.andi %eq3A_2319, %gt3A_2322 : vector<16xi1>
    %lt3A_2324 = arith.constant 40 : i32
    %lt3A_2325 = vector.broadcast %lt3A_2324 : i32 to vector<16xi32>
    %lt3A_2326 = arith.cmpi slt, %add3A_2318, %lt3A_2325 : vector<16xi32>
    %and3A_2327 = arith.andi %and3A_2323, %lt3A_2326 : vector<16xi1>
    %all_reduce_population_count3A_2328 = tpu.all_reduce %and3A_2327 {dim = 0 : i64, kind = #tpu.reduction_kind<sum>} : vector<16xi1> -> vector<16xi32>
    %add3A_2329 = arith.addi %add3A_2315, %all_reduce_population_count3A_2328 : vector<16xi32>
    %eq3A_2330 = arith.constant 0 : i32
    %eq3A_2331 = vector.broadcast %eq3A_2330 : i32 to vector<16xi32>
    %eq3A_2332 = arith.cmpi eq, %add3A_2329, %eq3A_2331 : vector<16xi32>
    %jit3A_2333 = arith.constant 1.000000e+00 : f32
    %jit3A_2334 = arith.constant 0.000000e+00 : f32
    %broadcast_in_dim3A_2335 = vector.broadcast %jit3A_2333 : f32 to vector<16xf32>
    %broadcast_in_dim3A_2336 = vector.broadcast %jit3A_2334 : f32 to vector<16xf32>
    %select_n3A_2337 = arith.select %eq3A_2332, %broadcast_in_dim3A_2335, %broadcast_in_dim3A_2336 : vector<16xi1>, vector<16xf32>
    %eq3A_2338 = arith.constant 9 : i32
    %eq3A_2339 = vector.broadcast %eq3A_2338 : i32 to vector<16xi32>
    %eq3A_2340 = arith.cmpi eq, %iota3A, %eq3A_2339 : vector<16xi32>
    %select_n3A_2341 = arith.select %eq3A_2340, %select_n3A_2337, %select_n3A_2296 : vector<16xi1>, vector<16xf32>
    %broadcast_in_dim3A_2342 = arith.constant 26 : i32
    %broadcast_in_dim3A_2343 = vector.broadcast %broadcast_in_dim3A_2342 : i32 to vector<16xi32>
    %gather3A_2344 = tpu.vector_load_idx %arg7[%broadcast_in_dim3A_2343] : memref<48xi32, #tpu.memory_space<vmem>>[vector<16xi32>], vector<16xi32>,
    %broadcast_in_dim3A_2345 = arith.constant 0 : i32
    %broadcast_in_dim3A_2346 = vector.broadcast %broadcast_in_dim3A_2345 : i32 to vector<16xi32>
    %add3A_2347 = arith.constant 16 : i32
    %add3A_2348 = vector.broadcast %add3A_2347 : i32 to vector<16xi32>
    %add3A_2349 = arith.addi %iota3A, %add3A_2348 : vector<16xi32>
    %eq3A_2350 = arith.cmpi eq, %get3A_1235, %gather3A_2344 : vector<16xi32>
    %gt3A_2351 = arith.constant 26 : i32
    %gt3A_2352 = vector.broadcast %gt3A_2351 : i32 to vector<16xi32>
    %gt3A_2353 = arith.cmpi sgt, %add3A_2349, %gt3A_2352 : vector<16xi32>
    %and3A_2354 = arith.andi %eq3A_2350, %gt3A_2353 : vector<16xi1>
    %lt3A_2355 = arith.constant 40 : i32
    %lt3A_2356 = vector.broadcast %lt3A_2355 : i32 to vector<16xi32>
    %lt3A_2357 = arith.cmpi slt, %add3A_2349, %lt3A_2356 : vector<16xi32>
    %and3A_2358 = arith.andi %and3A_2354, %lt3A_2357 : vector<16xi1>
    %all_reduce_population_count3A_2359 = tpu.all_reduce %and3A_2358 {dim = 0 : i64, kind = #tpu.reduction_kind<sum>} : vector<16xi1> -> vector<16xi32>
    %add3A_2360 = arith.addi %broadcast_in_dim3A_2346, %all_reduce_population_count3A_2359 : vector<16xi32>
    %add3A_2361 = arith.constant 32 : i32
    %add3A_2362 = vector.broadcast %add3A_2361 : i32 to vector<16xi32>
    %add3A_2363 = arith.addi %iota3A, %add3A_2362 : vector<16xi32>
    %eq3A_2364 = arith.cmpi eq, %get3A_1237, %gather3A_2344 : vector<16xi32>
    %gt3A_2365 = arith.constant 26 : i32
    %gt3A_2366 = vector.broadcast %gt3A_2365 : i32 to vector<16xi32>
    %gt3A_2367 = arith.cmpi sgt, %add3A_2363, %gt3A_2366 : vector<16xi32>
    %and3A_2368 = arith.andi %eq3A_2364, %gt3A_2367 : vector<16xi1>
    %lt3A_2369 = arith.constant 40 : i32
    %lt3A_2370 = vector.broadcast %lt3A_2369 : i32 to vector<16xi32>
    %lt3A_2371 = arith.cmpi slt, %add3A_2363, %lt3A_2370 : vector<16xi32>
    %and3A_2372 = arith.andi %and3A_2368, %lt3A_2371 : vector<16xi1>
    %all_reduce_population_count3A_2373 = tpu.all_reduce %and3A_2372 {dim = 0 : i64, kind = #tpu.reduction_kind<sum>} : vector<16xi1> -> vector<16xi32>
    %add3A_2374 = arith.addi %add3A_2360, %all_reduce_population_count3A_2373 : vector<16xi32>
    %eq3A_2375 = arith.constant 0 : i32
    %eq3A_2376 = vector.broadcast %eq3A_2375 : i32 to vector<16xi32>
    %eq3A_2377 = arith.cmpi eq, %add3A_2374, %eq3A_2376 : vector<16xi32>
    %jit3A_2378 = arith.constant 1.000000e+00 : f32
    %jit3A_2379 = arith.constant 0.000000e+00 : f32
    %broadcast_in_dim3A_2380 = vector.broadcast %jit3A_2378 : f32 to vector<16xf32>
    %broadcast_in_dim3A_2381 = vector.broadcast %jit3A_2379 : f32 to vector<16xf32>
    %select_n3A_2382 = arith.select %eq3A_2377, %broadcast_in_dim3A_2380, %broadcast_in_dim3A_2381 : vector<16xi1>, vector<16xf32>
    %eq3A_2383 = arith.constant 10 : i32
    %eq3A_2384 = vector.broadcast %eq3A_2383 : i32 to vector<16xi32>
    %eq3A_2385 = arith.cmpi eq, %iota3A, %eq3A_2384 : vector<16xi32>
    %select_n3A_2386 = arith.select %eq3A_2385, %select_n3A_2382, %select_n3A_2341 : vector<16xi1>, vector<16xf32>
    %broadcast_in_dim3A_2387 = arith.constant 27 : i32
    %broadcast_in_dim3A_2388 = vector.broadcast %broadcast_in_dim3A_2387 : i32 to vector<16xi32>
    %gather3A_2389 = tpu.vector_load_idx %arg7[%broadcast_in_dim3A_2388] : memref<48xi32, #tpu.memory_space<vmem>>[vector<16xi32>], vector<16xi32>,
    %broadcast_in_dim3A_2390 = arith.constant 0 : i32
    %broadcast_in_dim3A_2391 = vector.broadcast %broadcast_in_dim3A_2390 : i32 to vector<16xi32>
    %add3A_2392 = arith.constant 16 : i32
    %add3A_2393 = vector.broadcast %add3A_2392 : i32 to vector<16xi32>
    %add3A_2394 = arith.addi %iota3A, %add3A_2393 : vector<16xi32>
    %eq3A_2395 = arith.cmpi eq, %get3A_1235, %gather3A_2389 : vector<16xi32>
    %gt3A_2396 = arith.constant 27 : i32
    %gt3A_2397 = vector.broadcast %gt3A_2396 : i32 to vector<16xi32>
    %gt3A_2398 = arith.cmpi sgt, %add3A_2394, %gt3A_2397 : vector<16xi32>
    %and3A_2399 = arith.andi %eq3A_2395, %gt3A_2398 : vector<16xi1>
    %lt3A_2400 = arith.constant 40 : i32
    %lt3A_2401 = vector.broadcast %lt3A_2400 : i32 to vector<16xi32>
    %lt3A_2402 = arith.cmpi slt, %add3A_2394, %lt3A_2401 : vector<16xi32>
    %and3A_2403 = arith.andi %and3A_2399, %lt3A_2402 : vector<16xi1>
    %all_reduce_population_count3A_2404 = tpu.all_reduce %and3A_2403 {dim = 0 : i64, kind = #tpu.reduction_kind<sum>} : vector<16xi1> -> vector<16xi32>
    %add3A_2405 = arith.addi %broadcast_in_dim3A_2391, %all_reduce_population_count3A_2404 : vector<16xi32>
    %add3A_2406 = arith.constant 32 : i32
    %add3A_2407 = vector.broadcast %add3A_2406 : i32 to vector<16xi32>
    %add3A_2408 = arith.addi %iota3A, %add3A_2407 : vector<16xi32>
    %eq3A_2409 = arith.cmpi eq, %get3A_1237, %gather3A_2389 : vector<16xi32>
    %gt3A_2410 = arith.constant 27 : i32
    %gt3A_2411 = vector.broadcast %gt3A_2410 : i32 to vector<16xi32>
    %gt3A_2412 = arith.cmpi sgt, %add3A_2408, %gt3A_2411 : vector<16xi32>
    %and3A_2413 = arith.andi %eq3A_2409, %gt3A_2412 : vector<16xi1>
    %lt3A_2414 = arith.constant 40 : i32
    %lt3A_2415 = vector.broadcast %lt3A_2414 : i32 to vector<16xi32>
    %lt3A_2416 = arith.cmpi slt, %add3A_2408, %lt3A_2415 : vector<16xi32>
    %and3A_2417 = arith.andi %and3A_2413, %lt3A_2416 : vector<16xi1>
    %all_reduce_population_count3A_2418 = tpu.all_reduce %and3A_2417 {dim = 0 : i64, kind = #tpu.reduction_kind<sum>} : vector<16xi1> -> vector<16xi32>
    %add3A_2419 = arith.addi %add3A_2405, %all_reduce_population_count3A_2418 : vector<16xi32>
    %eq3A_2420 = arith.constant 0 : i32
    %eq3A_2421 = vector.broadcast %eq3A_2420 : i32 to vector<16xi32>
    %eq3A_2422 = arith.cmpi eq, %add3A_2419, %eq3A_2421 : vector<16xi32>
    %jit3A_2423 = arith.constant 1.000000e+00 : f32
    %jit3A_2424 = arith.constant 0.000000e+00 : f32
    %broadcast_in_dim3A_2425 = vector.broadcast %jit3A_2423 : f32 to vector<16xf32>
    %broadcast_in_dim3A_2426 = vector.broadcast %jit3A_2424 : f32 to vector<16xf32>
    %select_n3A_2427 = arith.select %eq3A_2422, %broadcast_in_dim3A_2425, %broadcast_in_dim3A_2426 : vector<16xi1>, vector<16xf32>
    %eq3A_2428 = arith.constant 11 : i32
    %eq3A_2429 = vector.broadcast %eq3A_2428 : i32 to vector<16xi32>
    %eq3A_2430 = arith.cmpi eq, %iota3A, %eq3A_2429 : vector<16xi32>
    %select_n3A_2431 = arith.select %eq3A_2430, %select_n3A_2427, %select_n3A_2386 : vector<16xi1>, vector<16xf32>
    %broadcast_in_dim3A_2432 = arith.constant 28 : i32
    %broadcast_in_dim3A_2433 = vector.broadcast %broadcast_in_dim3A_2432 : i32 to vector<16xi32>
    %gather3A_2434 = tpu.vector_load_idx %arg7[%broadcast_in_dim3A_2433] : memref<48xi32, #tpu.memory_space<vmem>>[vector<16xi32>], vector<16xi32>,
    %broadcast_in_dim3A_2435 = arith.constant 0 : i32
    %broadcast_in_dim3A_2436 = vector.broadcast %broadcast_in_dim3A_2435 : i32 to vector<16xi32>
    %add3A_2437 = arith.constant 16 : i32
    %add3A_2438 = vector.broadcast %add3A_2437 : i32 to vector<16xi32>
    %add3A_2439 = arith.addi %iota3A, %add3A_2438 : vector<16xi32>
    %eq3A_2440 = arith.cmpi eq, %get3A_1235, %gather3A_2434 : vector<16xi32>
    %gt3A_2441 = arith.constant 28 : i32
    %gt3A_2442 = vector.broadcast %gt3A_2441 : i32 to vector<16xi32>
    %gt3A_2443 = arith.cmpi sgt, %add3A_2439, %gt3A_2442 : vector<16xi32>
    %and3A_2444 = arith.andi %eq3A_2440, %gt3A_2443 : vector<16xi1>
    %lt3A_2445 = arith.constant 40 : i32
    %lt3A_2446 = vector.broadcast %lt3A_2445 : i32 to vector<16xi32>
    %lt3A_2447 = arith.cmpi slt, %add3A_2439, %lt3A_2446 : vector<16xi32>
    %and3A_2448 = arith.andi %and3A_2444, %lt3A_2447 : vector<16xi1>
    %all_reduce_population_count3A_2449 = tpu.all_reduce %and3A_2448 {dim = 0 : i64, kind = #tpu.reduction_kind<sum>} : vector<16xi1> -> vector<16xi32>
    %add3A_2450 = arith.addi %broadcast_in_dim3A_2436, %all_reduce_population_count3A_2449 : vector<16xi32>
    %add3A_2451 = arith.constant 32 : i32
    %add3A_2452 = vector.broadcast %add3A_2451 : i32 to vector<16xi32>
    %add3A_2453 = arith.addi %iota3A, %add3A_2452 : vector<16xi32>
    %eq3A_2454 = arith.cmpi eq, %get3A_1237, %gather3A_2434 : vector<16xi32>
    %gt3A_2455 = arith.constant 28 : i32
    %gt3A_2456 = vector.broadcast %gt3A_2455 : i32 to vector<16xi32>
    %gt3A_2457 = arith.cmpi sgt, %add3A_2453, %gt3A_2456 : vector<16xi32>
    %and3A_2458 = arith.andi %eq3A_2454, %gt3A_2457 : vector<16xi1>
    %lt3A_2459 = arith.constant 40 : i32
    %lt3A_2460 = vector.broadcast %lt3A_2459 : i32 to vector<16xi32>
    %lt3A_2461 = arith.cmpi slt, %add3A_2453, %lt3A_2460 : vector<16xi32>
    %and3A_2462 = arith.andi %and3A_2458, %lt3A_2461 : vector<16xi1>
    %all_reduce_population_count3A_2463 = tpu.all_reduce %and3A_2462 {dim = 0 : i64, kind = #tpu.reduction_kind<sum>} : vector<16xi1> -> vector<16xi32>
    %add3A_2464 = arith.addi %add3A_2450, %all_reduce_population_count3A_2463 : vector<16xi32>
    %eq3A_2465 = arith.constant 0 : i32
    %eq3A_2466 = vector.broadcast %eq3A_2465 : i32 to vector<16xi32>
    %eq3A_2467 = arith.cmpi eq, %add3A_2464, %eq3A_2466 : vector<16xi32>
    %jit3A_2468 = arith.constant 1.000000e+00 : f32
    %jit3A_2469 = arith.constant 0.000000e+00 : f32
    %broadcast_in_dim3A_2470 = vector.broadcast %jit3A_2468 : f32 to vector<16xf32>
    %broadcast_in_dim3A_2471 = vector.broadcast %jit3A_2469 : f32 to vector<16xf32>
    %select_n3A_2472 = arith.select %eq3A_2467, %broadcast_in_dim3A_2470, %broadcast_in_dim3A_2471 : vector<16xi1>, vector<16xf32>
    %eq3A_2473 = arith.constant 12 : i32
    %eq3A_2474 = vector.broadcast %eq3A_2473 : i32 to vector<16xi32>
    %eq3A_2475 = arith.cmpi eq, %iota3A, %eq3A_2474 : vector<16xi32>
    %select_n3A_2476 = arith.select %eq3A_2475, %select_n3A_2472, %select_n3A_2431 : vector<16xi1>, vector<16xf32>
    %broadcast_in_dim3A_2477 = arith.constant 29 : i32
    %broadcast_in_dim3A_2478 = vector.broadcast %broadcast_in_dim3A_2477 : i32 to vector<16xi32>
    %gather3A_2479 = tpu.vector_load_idx %arg7[%broadcast_in_dim3A_2478] : memref<48xi32, #tpu.memory_space<vmem>>[vector<16xi32>], vector<16xi32>,
    %broadcast_in_dim3A_2480 = arith.constant 0 : i32
    %broadcast_in_dim3A_2481 = vector.broadcast %broadcast_in_dim3A_2480 : i32 to vector<16xi32>
    %add3A_2482 = arith.constant 16 : i32
    %add3A_2483 = vector.broadcast %add3A_2482 : i32 to vector<16xi32>
    %add3A_2484 = arith.addi %iota3A, %add3A_2483 : vector<16xi32>
    %eq3A_2485 = arith.cmpi eq, %get3A_1235, %gather3A_2479 : vector<16xi32>
    %gt3A_2486 = arith.constant 29 : i32
    %gt3A_2487 = vector.broadcast %gt3A_2486 : i32 to vector<16xi32>
    %gt3A_2488 = arith.cmpi sgt, %add3A_2484, %gt3A_2487 : vector<16xi32>
    %and3A_2489 = arith.andi %eq3A_2485, %gt3A_2488 : vector<16xi1>
    %lt3A_2490 = arith.constant 40 : i32
    %lt3A_2491 = vector.broadcast %lt3A_2490 : i32 to vector<16xi32>
    %lt3A_2492 = arith.cmpi slt, %add3A_2484, %lt3A_2491 : vector<16xi32>
    %and3A_2493 = arith.andi %and3A_2489, %lt3A_2492 : vector<16xi1>
    %all_reduce_population_count3A_2494 = tpu.all_reduce %and3A_2493 {dim = 0 : i64, kind = #tpu.reduction_kind<sum>} : vector<16xi1> -> vector<16xi32>
    %add3A_2495 = arith.addi %broadcast_in_dim3A_2481, %all_reduce_population_count3A_2494 : vector<16xi32>
    %add3A_2496 = arith.constant 32 : i32
    %add3A_2497 = vector.broadcast %add3A_2496 : i32 to vector<16xi32>
    %add3A_2498 = arith.addi %iota3A, %add3A_2497 : vector<16xi32>
    %eq3A_2499 = arith.cmpi eq, %get3A_1237, %gather3A_2479 : vector<16xi32>
    %gt3A_2500 = arith.constant 29 : i32
    %gt3A_2501 = vector.broadcast %gt3A_2500 : i32 to vector<16xi32>
    %gt3A_2502 = arith.cmpi sgt, %add3A_2498, %gt3A_2501 : vector<16xi32>
    %and3A_2503 = arith.andi %eq3A_2499, %gt3A_2502 : vector<16xi1>
    %lt3A_2504 = arith.constant 40 : i32
    %lt3A_2505 = vector.broadcast %lt3A_2504 : i32 to vector<16xi32>
    %lt3A_2506 = arith.cmpi slt, %add3A_2498, %lt3A_2505 : vector<16xi32>
    %and3A_2507 = arith.andi %and3A_2503, %lt3A_2506 : vector<16xi1>
    %all_reduce_population_count3A_2508 = tpu.all_reduce %and3A_2507 {dim = 0 : i64, kind = #tpu.reduction_kind<sum>} : vector<16xi1> -> vector<16xi32>
    %add3A_2509 = arith.addi %add3A_2495, %all_reduce_population_count3A_2508 : vector<16xi32>
    %eq3A_2510 = arith.constant 0 : i32
    %eq3A_2511 = vector.broadcast %eq3A_2510 : i32 to vector<16xi32>
    %eq3A_2512 = arith.cmpi eq, %add3A_2509, %eq3A_2511 : vector<16xi32>
    %jit3A_2513 = arith.constant 1.000000e+00 : f32
    %jit3A_2514 = arith.constant 0.000000e+00 : f32
    %broadcast_in_dim3A_2515 = vector.broadcast %jit3A_2513 : f32 to vector<16xf32>
    %broadcast_in_dim3A_2516 = vector.broadcast %jit3A_2514 : f32 to vector<16xf32>
    %select_n3A_2517 = arith.select %eq3A_2512, %broadcast_in_dim3A_2515, %broadcast_in_dim3A_2516 : vector<16xi1>, vector<16xf32>
    %eq3A_2518 = arith.constant 13 : i32
    %eq3A_2519 = vector.broadcast %eq3A_2518 : i32 to vector<16xi32>
    %eq3A_2520 = arith.cmpi eq, %iota3A, %eq3A_2519 : vector<16xi32>
    %select_n3A_2521 = arith.select %eq3A_2520, %select_n3A_2517, %select_n3A_2476 : vector<16xi1>, vector<16xf32>
    %broadcast_in_dim3A_2522 = arith.constant 30 : i32
    %broadcast_in_dim3A_2523 = vector.broadcast %broadcast_in_dim3A_2522 : i32 to vector<16xi32>
    %gather3A_2524 = tpu.vector_load_idx %arg7[%broadcast_in_dim3A_2523] : memref<48xi32, #tpu.memory_space<vmem>>[vector<16xi32>], vector<16xi32>,
    %broadcast_in_dim3A_2525 = arith.constant 0 : i32
    %broadcast_in_dim3A_2526 = vector.broadcast %broadcast_in_dim3A_2525 : i32 to vector<16xi32>
    %add3A_2527 = arith.constant 16 : i32
    %add3A_2528 = vector.broadcast %add3A_2527 : i32 to vector<16xi32>
    %add3A_2529 = arith.addi %iota3A, %add3A_2528 : vector<16xi32>
    %eq3A_2530 = arith.cmpi eq, %get3A_1235, %gather3A_2524 : vector<16xi32>
    %gt3A_2531 = arith.constant 30 : i32
    %gt3A_2532 = vector.broadcast %gt3A_2531 : i32 to vector<16xi32>
    %gt3A_2533 = arith.cmpi sgt, %add3A_2529, %gt3A_2532 : vector<16xi32>
    %and3A_2534 = arith.andi %eq3A_2530, %gt3A_2533 : vector<16xi1>
    %lt3A_2535 = arith.constant 40 : i32
    %lt3A_2536 = vector.broadcast %lt3A_2535 : i32 to vector<16xi32>
    %lt3A_2537 = arith.cmpi slt, %add3A_2529, %lt3A_2536 : vector<16xi32>
    %and3A_2538 = arith.andi %and3A_2534, %lt3A_2537 : vector<16xi1>
    %all_reduce_population_count3A_2539 = tpu.all_reduce %and3A_2538 {dim = 0 : i64, kind = #tpu.reduction_kind<sum>} : vector<16xi1> -> vector<16xi32>
    %add3A_2540 = arith.addi %broadcast_in_dim3A_2526, %all_reduce_population_count3A_2539 : vector<16xi32>
    %add3A_2541 = arith.constant 32 : i32
    %add3A_2542 = vector.broadcast %add3A_2541 : i32 to vector<16xi32>
    %add3A_2543 = arith.addi %iota3A, %add3A_2542 : vector<16xi32>
    %eq3A_2544 = arith.cmpi eq, %get3A_1237, %gather3A_2524 : vector<16xi32>
    %gt3A_2545 = arith.constant 30 : i32
    %gt3A_2546 = vector.broadcast %gt3A_2545 : i32 to vector<16xi32>
    %gt3A_2547 = arith.cmpi sgt, %add3A_2543, %gt3A_2546 : vector<16xi32>
    %and3A_2548 = arith.andi %eq3A_2544, %gt3A_2547 : vector<16xi1>
    %lt3A_2549 = arith.constant 40 : i32
    %lt3A_2550 = vector.broadcast %lt3A_2549 : i32 to vector<16xi32>
    %lt3A_2551 = arith.cmpi slt, %add3A_2543, %lt3A_2550 : vector<16xi32>
    %and3A_2552 = arith.andi %and3A_2548, %lt3A_2551 : vector<16xi1>
    %all_reduce_population_count3A_2553 = tpu.all_reduce %and3A_2552 {dim = 0 : i64, kind = #tpu.reduction_kind<sum>} : vector<16xi1> -> vector<16xi32>
    %add3A_2554 = arith.addi %add3A_2540, %all_reduce_population_count3A_2553 : vector<16xi32>
    %eq3A_2555 = arith.constant 0 : i32
    %eq3A_2556 = vector.broadcast %eq3A_2555 : i32 to vector<16xi32>
    %eq3A_2557 = arith.cmpi eq, %add3A_2554, %eq3A_2556 : vector<16xi32>
    %jit3A_2558 = arith.constant 1.000000e+00 : f32
    %jit3A_2559 = arith.constant 0.000000e+00 : f32
    %broadcast_in_dim3A_2560 = vector.broadcast %jit3A_2558 : f32 to vector<16xf32>
    %broadcast_in_dim3A_2561 = vector.broadcast %jit3A_2559 : f32 to vector<16xf32>
    %select_n3A_2562 = arith.select %eq3A_2557, %broadcast_in_dim3A_2560, %broadcast_in_dim3A_2561 : vector<16xi1>, vector<16xf32>
    %eq3A_2563 = arith.constant 14 : i32
    %eq3A_2564 = vector.broadcast %eq3A_2563 : i32 to vector<16xi32>
    %eq3A_2565 = arith.cmpi eq, %iota3A, %eq3A_2564 : vector<16xi32>
    %select_n3A_2566 = arith.select %eq3A_2565, %select_n3A_2562, %select_n3A_2521 : vector<16xi1>, vector<16xf32>
    %broadcast_in_dim3A_2567 = arith.constant 31 : i32
    %broadcast_in_dim3A_2568 = vector.broadcast %broadcast_in_dim3A_2567 : i32 to vector<16xi32>
    %gather3A_2569 = tpu.vector_load_idx %arg7[%broadcast_in_dim3A_2568] : memref<48xi32, #tpu.memory_space<vmem>>[vector<16xi32>], vector<16xi32>,
    %broadcast_in_dim3A_2570 = arith.constant 0 : i32
    %broadcast_in_dim3A_2571 = vector.broadcast %broadcast_in_dim3A_2570 : i32 to vector<16xi32>
    %add3A_2572 = arith.constant 32 : i32
    %add3A_2573 = vector.broadcast %add3A_2572 : i32 to vector<16xi32>
    %add3A_2574 = arith.addi %iota3A, %add3A_2573 : vector<16xi32>
    %eq3A_2575 = arith.cmpi eq, %get3A_1237, %gather3A_2569 : vector<16xi32>
    %gt3A_2576 = arith.constant 31 : i32
    %gt3A_2577 = vector.broadcast %gt3A_2576 : i32 to vector<16xi32>
    %gt3A_2578 = arith.cmpi sgt, %add3A_2574, %gt3A_2577 : vector<16xi32>
    %and3A_2579 = arith.andi %eq3A_2575, %gt3A_2578 : vector<16xi1>
    %lt3A_2580 = arith.constant 40 : i32
    %lt3A_2581 = vector.broadcast %lt3A_2580 : i32 to vector<16xi32>
    %lt3A_2582 = arith.cmpi slt, %add3A_2574, %lt3A_2581 : vector<16xi32>
    %and3A_2583 = arith.andi %and3A_2579, %lt3A_2582 : vector<16xi1>
    %all_reduce_population_count3A_2584 = tpu.all_reduce %and3A_2583 {dim = 0 : i64, kind = #tpu.reduction_kind<sum>} : vector<16xi1> -> vector<16xi32>
    %add3A_2585 = arith.addi %broadcast_in_dim3A_2571, %all_reduce_population_count3A_2584 : vector<16xi32>
    %eq3A_2586 = arith.constant 0 : i32
    %eq3A_2587 = vector.broadcast %eq3A_2586 : i32 to vector<16xi32>
    %eq3A_2588 = arith.cmpi eq, %add3A_2585, %eq3A_2587 : vector<16xi32>
    %jit3A_2589 = arith.constant 1.000000e+00 : f32
    %jit3A_2590 = arith.constant 0.000000e+00 : f32
    %broadcast_in_dim3A_2591 = vector.broadcast %jit3A_2589 : f32 to vector<16xf32>
    %broadcast_in_dim3A_2592 = vector.broadcast %jit3A_2590 : f32 to vector<16xf32>
    %select_n3A_2593 = arith.select %eq3A_2588, %broadcast_in_dim3A_2591, %broadcast_in_dim3A_2592 : vector<16xi1>, vector<16xf32>
    %eq3A_2594 = arith.constant 15 : i32
    %eq3A_2595 = vector.broadcast %eq3A_2594 : i32 to vector<16xi32>
    %eq3A_2596 = arith.cmpi eq, %iota3A, %eq3A_2595 : vector<16xi32>
    %select_n3A_2597 = arith.select %eq3A_2596, %select_n3A_2593, %select_n3A_2566 : vector<16xi1>, vector<16xf32>
    %swap3A_2598 = arith.constant 256 : index
    %swap3A_2599 = tpu.vector_load %arg8[%swap3A_2598] {strides = array<i32>} : memref<288xf32, #tpu.memory_space<vmem>>, vector<16xf32>,
    tpu.vector_store %arg8[%swap3A_2598], %select_n3A_2597 {strides = array<i32>} : memref<288xf32, #tpu.memory_space<vmem>>, vector<16xf32>,
    %broadcast_in_dim3A_2600 = arith.constant 0.000000e+00 : f32
    %broadcast_in_dim3A_2601 = vector.broadcast %broadcast_in_dim3A_2600 : f32 to vector<16xf32>
    %broadcast_in_dim3A_2602 = arith.constant 32 : i32
    %broadcast_in_dim3A_2603 = vector.broadcast %broadcast_in_dim3A_2602 : i32 to vector<16xi32>
    %gather3A_2604 = tpu.vector_load_idx %arg7[%broadcast_in_dim3A_2603] : memref<48xi32, #tpu.memory_space<vmem>>[vector<16xi32>], vector<16xi32>,
    %broadcast_in_dim3A_2605 = arith.constant 0 : i32
    %broadcast_in_dim3A_2606 = vector.broadcast %broadcast_in_dim3A_2605 : i32 to vector<16xi32>
    %add3A_2607 = arith.constant 32 : i32
    %add3A_2608 = vector.broadcast %add3A_2607 : i32 to vector<16xi32>
    %add3A_2609 = arith.addi %iota3A, %add3A_2608 : vector<16xi32>
    %eq3A_2610 = arith.cmpi eq, %get3A_1237, %gather3A_2604 : vector<16xi32>
    %gt3A_2611 = arith.constant 32 : i32
    %gt3A_2612 = vector.broadcast %gt3A_2611 : i32 to vector<16xi32>
    %gt3A_2613 = arith.cmpi sgt, %add3A_2609, %gt3A_2612 : vector<16xi32>
    %and3A_2614 = arith.andi %eq3A_2610, %gt3A_2613 : vector<16xi1>
    %lt3A_2615 = arith.constant 40 : i32
    %lt3A_2616 = vector.broadcast %lt3A_2615 : i32 to vector<16xi32>
    %lt3A_2617 = arith.cmpi slt, %add3A_2609, %lt3A_2616 : vector<16xi32>
    %and3A_2618 = arith.andi %and3A_2614, %lt3A_2617 : vector<16xi1>
    %all_reduce_population_count3A_2619 = tpu.all_reduce %and3A_2618 {dim = 0 : i64, kind = #tpu.reduction_kind<sum>} : vector<16xi1> -> vector<16xi32>
    %add3A_2620 = arith.addi %broadcast_in_dim3A_2606, %all_reduce_population_count3A_2619 : vector<16xi32>
    %eq3A_2621 = arith.constant 0 : i32
    %eq3A_2622 = vector.broadcast %eq3A_2621 : i32 to vector<16xi32>
    %eq3A_2623 = arith.cmpi eq, %add3A_2620, %eq3A_2622 : vector<16xi32>
    %jit3A_2624 = arith.constant 1.000000e+00 : f32
    %jit3A_2625 = arith.constant 0.000000e+00 : f32
    %broadcast_in_dim3A_2626 = vector.broadcast %jit3A_2624 : f32 to vector<16xf32>
    %broadcast_in_dim3A_2627 = vector.broadcast %jit3A_2625 : f32 to vector<16xf32>
    %select_n3A_2628 = arith.select %eq3A_2623, %broadcast_in_dim3A_2626, %broadcast_in_dim3A_2627 : vector<16xi1>, vector<16xf32>
    %eq3A_2629 = arith.constant 0 : i32
    %eq3A_2630 = vector.broadcast %eq3A_2629 : i32 to vector<16xi32>
    %eq3A_2631 = arith.cmpi eq, %iota3A, %eq3A_2630 : vector<16xi32>
    %select_n3A_2632 = arith.select %eq3A_2631, %select_n3A_2628, %broadcast_in_dim3A_2601 : vector<16xi1>, vector<16xf32>
    %broadcast_in_dim3A_2633 = arith.constant 33 : i32
    %broadcast_in_dim3A_2634 = vector.broadcast %broadcast_in_dim3A_2633 : i32 to vector<16xi32>
    %gather3A_2635 = tpu.vector_load_idx %arg7[%broadcast_in_dim3A_2634] : memref<48xi32, #tpu.memory_space<vmem>>[vector<16xi32>], vector<16xi32>,
    %broadcast_in_dim3A_2636 = arith.constant 0 : i32
    %broadcast_in_dim3A_2637 = vector.broadcast %broadcast_in_dim3A_2636 : i32 to vector<16xi32>
    %add3A_2638 = arith.constant 32 : i32
    %add3A_2639 = vector.broadcast %add3A_2638 : i32 to vector<16xi32>
    %add3A_2640 = arith.addi %iota3A, %add3A_2639 : vector<16xi32>
    %eq3A_2641 = arith.cmpi eq, %get3A_1237, %gather3A_2635 : vector<16xi32>
    %gt3A_2642 = arith.constant 33 : i32
    %gt3A_2643 = vector.broadcast %gt3A_2642 : i32 to vector<16xi32>
    %gt3A_2644 = arith.cmpi sgt, %add3A_2640, %gt3A_2643 : vector<16xi32>
    %and3A_2645 = arith.andi %eq3A_2641, %gt3A_2644 : vector<16xi1>
    %lt3A_2646 = arith.constant 40 : i32
    %lt3A_2647 = vector.broadcast %lt3A_2646 : i32 to vector<16xi32>
    %lt3A_2648 = arith.cmpi slt, %add3A_2640, %lt3A_2647 : vector<16xi32>
    %and3A_2649 = arith.andi %and3A_2645, %lt3A_2648 : vector<16xi1>
    %all_reduce_population_count3A_2650 = tpu.all_reduce %and3A_2649 {dim = 0 : i64, kind = #tpu.reduction_kind<sum>} : vector<16xi1> -> vector<16xi32>
    %add3A_2651 = arith.addi %broadcast_in_dim3A_2637, %all_reduce_population_count3A_2650 : vector<16xi32>
    %eq3A_2652 = arith.constant 0 : i32
    %eq3A_2653 = vector.broadcast %eq3A_2652 : i32 to vector<16xi32>
    %eq3A_2654 = arith.cmpi eq, %add3A_2651, %eq3A_2653 : vector<16xi32>
    %jit3A_2655 = arith.constant 1.000000e+00 : f32
    %jit3A_2656 = arith.constant 0.000000e+00 : f32
    %broadcast_in_dim3A_2657 = vector.broadcast %jit3A_2655 : f32 to vector<16xf32>
    %broadcast_in_dim3A_2658 = vector.broadcast %jit3A_2656 : f32 to vector<16xf32>
    %select_n3A_2659 = arith.select %eq3A_2654, %broadcast_in_dim3A_2657, %broadcast_in_dim3A_2658 : vector<16xi1>, vector<16xf32>
    %eq3A_2660 = arith.constant 1 : i32
    %eq3A_2661 = vector.broadcast %eq3A_2660 : i32 to vector<16xi32>
    %eq3A_2662 = arith.cmpi eq, %iota3A, %eq3A_2661 : vector<16xi32>
    %select_n3A_2663 = arith.select %eq3A_2662, %select_n3A_2659, %select_n3A_2632 : vector<16xi1>, vector<16xf32>
    %broadcast_in_dim3A_2664 = arith.constant 34 : i32
    %broadcast_in_dim3A_2665 = vector.broadcast %broadcast_in_dim3A_2664 : i32 to vector<16xi32>
    %gather3A_2666 = tpu.vector_load_idx %arg7[%broadcast_in_dim3A_2665] : memref<48xi32, #tpu.memory_space<vmem>>[vector<16xi32>], vector<16xi32>,
    %broadcast_in_dim3A_2667 = arith.constant 0 : i32
    %broadcast_in_dim3A_2668 = vector.broadcast %broadcast_in_dim3A_2667 : i32 to vector<16xi32>
    %add3A_2669 = arith.constant 32 : i32
    %add3A_2670 = vector.broadcast %add3A_2669 : i32 to vector<16xi32>
    %add3A_2671 = arith.addi %iota3A, %add3A_2670 : vector<16xi32>
    %eq3A_2672 = arith.cmpi eq, %get3A_1237, %gather3A_2666 : vector<16xi32>
    %gt3A_2673 = arith.constant 34 : i32
    %gt3A_2674 = vector.broadcast %gt3A_2673 : i32 to vector<16xi32>
    %gt3A_2675 = arith.cmpi sgt, %add3A_2671, %gt3A_2674 : vector<16xi32>
    %and3A_2676 = arith.andi %eq3A_2672, %gt3A_2675 : vector<16xi1>
    %lt3A_2677 = arith.constant 40 : i32
    %lt3A_2678 = vector.broadcast %lt3A_2677 : i32 to vector<16xi32>
    %lt3A_2679 = arith.cmpi slt, %add3A_2671, %lt3A_2678 : vector<16xi32>
    %and3A_2680 = arith.andi %and3A_2676, %lt3A_2679 : vector<16xi1>
    %all_reduce_population_count3A_2681 = tpu.all_reduce %and3A_2680 {dim = 0 : i64, kind = #tpu.reduction_kind<sum>} : vector<16xi1> -> vector<16xi32>
    %add3A_2682 = arith.addi %broadcast_in_dim3A_2668, %all_reduce_population_count3A_2681 : vector<16xi32>
    %eq3A_2683 = arith.constant 0 : i32
    %eq3A_2684 = vector.broadcast %eq3A_2683 : i32 to vector<16xi32>
    %eq3A_2685 = arith.cmpi eq, %add3A_2682, %eq3A_2684 : vector<16xi32>
    %jit3A_2686 = arith.constant 1.000000e+00 : f32
    %jit3A_2687 = arith.constant 0.000000e+00 : f32
    %broadcast_in_dim3A_2688 = vector.broadcast %jit3A_2686 : f32 to vector<16xf32>
    %broadcast_in_dim3A_2689 = vector.broadcast %jit3A_2687 : f32 to vector<16xf32>
    %select_n3A_2690 = arith.select %eq3A_2685, %broadcast_in_dim3A_2688, %broadcast_in_dim3A_2689 : vector<16xi1>, vector<16xf32>
    %eq3A_2691 = arith.constant 2 : i32
    %eq3A_2692 = vector.broadcast %eq3A_2691 : i32 to vector<16xi32>
    %eq3A_2693 = arith.cmpi eq, %iota3A, %eq3A_2692 : vector<16xi32>
    %select_n3A_2694 = arith.select %eq3A_2693, %select_n3A_2690, %select_n3A_2663 : vector<16xi1>, vector<16xf32>
    %broadcast_in_dim3A_2695 = arith.constant 35 : i32
    %broadcast_in_dim3A_2696 = vector.broadcast %broadcast_in_dim3A_2695 : i32 to vector<16xi32>
    %gather3A_2697 = tpu.vector_load_idx %arg7[%broadcast_in_dim3A_2696] : memref<48xi32, #tpu.memory_space<vmem>>[vector<16xi32>], vector<16xi32>,
    %broadcast_in_dim3A_2698 = arith.constant 0 : i32
    %broadcast_in_dim3A_2699 = vector.broadcast %broadcast_in_dim3A_2698 : i32 to vector<16xi32>
    %add3A_2700 = arith.constant 32 : i32
    %add3A_2701 = vector.broadcast %add3A_2700 : i32 to vector<16xi32>
    %add3A_2702 = arith.addi %iota3A, %add3A_2701 : vector<16xi32>
    %eq3A_2703 = arith.cmpi eq, %get3A_1237, %gather3A_2697 : vector<16xi32>
    %gt3A_2704 = arith.constant 35 : i32
    %gt3A_2705 = vector.broadcast %gt3A_2704 : i32 to vector<16xi32>
    %gt3A_2706 = arith.cmpi sgt, %add3A_2702, %gt3A_2705 : vector<16xi32>
    %and3A_2707 = arith.andi %eq3A_2703, %gt3A_2706 : vector<16xi1>
    %lt3A_2708 = arith.constant 40 : i32
    %lt3A_2709 = vector.broadcast %lt3A_2708 : i32 to vector<16xi32>
    %lt3A_2710 = arith.cmpi slt, %add3A_2702, %lt3A_2709 : vector<16xi32>
    %and3A_2711 = arith.andi %and3A_2707, %lt3A_2710 : vector<16xi1>
    %all_reduce_population_count3A_2712 = tpu.all_reduce %and3A_2711 {dim = 0 : i64, kind = #tpu.reduction_kind<sum>} : vector<16xi1> -> vector<16xi32>
    %add3A_2713 = arith.addi %broadcast_in_dim3A_2699, %all_reduce_population_count3A_2712 : vector<16xi32>
    %eq3A_2714 = arith.constant 0 : i32
    %eq3A_2715 = vector.broadcast %eq3A_2714 : i32 to vector<16xi32>
    %eq3A_2716 = arith.cmpi eq, %add3A_2713, %eq3A_2715 : vector<16xi32>
    %jit3A_2717 = arith.constant 1.000000e+00 : f32
    %jit3A_2718 = arith.constant 0.000000e+00 : f32
    %broadcast_in_dim3A_2719 = vector.broadcast %jit3A_2717 : f32 to vector<16xf32>
    %broadcast_in_dim3A_2720 = vector.broadcast %jit3A_2718 : f32 to vector<16xf32>
    %select_n3A_2721 = arith.select %eq3A_2716, %broadcast_in_dim3A_2719, %broadcast_in_dim3A_2720 : vector<16xi1>, vector<16xf32>
    %eq3A_2722 = arith.constant 3 : i32
    %eq3A_2723 = vector.broadcast %eq3A_2722 : i32 to vector<16xi32>
    %eq3A_2724 = arith.cmpi eq, %iota3A, %eq3A_2723 : vector<16xi32>
    %select_n3A_2725 = arith.select %eq3A_2724, %select_n3A_2721, %select_n3A_2694 : vector<16xi1>, vector<16xf32>
    %broadcast_in_dim3A_2726 = arith.constant 36 : i32
    %broadcast_in_dim3A_2727 = vector.broadcast %broadcast_in_dim3A_2726 : i32 to vector<16xi32>
    %gather3A_2728 = tpu.vector_load_idx %arg7[%broadcast_in_dim3A_2727] : memref<48xi32, #tpu.memory_space<vmem>>[vector<16xi32>], vector<16xi32>,
    %broadcast_in_dim3A_2729 = arith.constant 0 : i32
    %broadcast_in_dim3A_2730 = vector.broadcast %broadcast_in_dim3A_2729 : i32 to vector<16xi32>
    %add3A_2731 = arith.constant 32 : i32
    %add3A_2732 = vector.broadcast %add3A_2731 : i32 to vector<16xi32>
    %add3A_2733 = arith.addi %iota3A, %add3A_2732 : vector<16xi32>
    %eq3A_2734 = arith.cmpi eq, %get3A_1237, %gather3A_2728 : vector<16xi32>
    %gt3A_2735 = arith.constant 36 : i32
    %gt3A_2736 = vector.broadcast %gt3A_2735 : i32 to vector<16xi32>
    %gt3A_2737 = arith.cmpi sgt, %add3A_2733, %gt3A_2736 : vector<16xi32>
    %and3A_2738 = arith.andi %eq3A_2734, %gt3A_2737 : vector<16xi1>
    %lt3A_2739 = arith.constant 40 : i32
    %lt3A_2740 = vector.broadcast %lt3A_2739 : i32 to vector<16xi32>
    %lt3A_2741 = arith.cmpi slt, %add3A_2733, %lt3A_2740 : vector<16xi32>
    %and3A_2742 = arith.andi %and3A_2738, %lt3A_2741 : vector<16xi1>
    %all_reduce_population_count3A_2743 = tpu.all_reduce %and3A_2742 {dim = 0 : i64, kind = #tpu.reduction_kind<sum>} : vector<16xi1> -> vector<16xi32>
    %add3A_2744 = arith.addi %broadcast_in_dim3A_2730, %all_reduce_population_count3A_2743 : vector<16xi32>
    %eq3A_2745 = arith.constant 0 : i32
    %eq3A_2746 = vector.broadcast %eq3A_2745 : i32 to vector<16xi32>
    %eq3A_2747 = arith.cmpi eq, %add3A_2744, %eq3A_2746 : vector<16xi32>
    %jit3A_2748 = arith.constant 1.000000e+00 : f32
    %jit3A_2749 = arith.constant 0.000000e+00 : f32
    %broadcast_in_dim3A_2750 = vector.broadcast %jit3A_2748 : f32 to vector<16xf32>
    %broadcast_in_dim3A_2751 = vector.broadcast %jit3A_2749 : f32 to vector<16xf32>
    %select_n3A_2752 = arith.select %eq3A_2747, %broadcast_in_dim3A_2750, %broadcast_in_dim3A_2751 : vector<16xi1>, vector<16xf32>
    %eq3A_2753 = arith.constant 4 : i32
    %eq3A_2754 = vector.broadcast %eq3A_2753 : i32 to vector<16xi32>
    %eq3A_2755 = arith.cmpi eq, %iota3A, %eq3A_2754 : vector<16xi32>
    %select_n3A_2756 = arith.select %eq3A_2755, %select_n3A_2752, %select_n3A_2725 : vector<16xi1>, vector<16xf32>
    %broadcast_in_dim3A_2757 = arith.constant 37 : i32
    %broadcast_in_dim3A_2758 = vector.broadcast %broadcast_in_dim3A_2757 : i32 to vector<16xi32>
    %gather3A_2759 = tpu.vector_load_idx %arg7[%broadcast_in_dim3A_2758] : memref<48xi32, #tpu.memory_space<vmem>>[vector<16xi32>], vector<16xi32>,
    %broadcast_in_dim3A_2760 = arith.constant 0 : i32
    %broadcast_in_dim3A_2761 = vector.broadcast %broadcast_in_dim3A_2760 : i32 to vector<16xi32>
    %add3A_2762 = arith.constant 32 : i32
    %add3A_2763 = vector.broadcast %add3A_2762 : i32 to vector<16xi32>
    %add3A_2764 = arith.addi %iota3A, %add3A_2763 : vector<16xi32>
    %eq3A_2765 = arith.cmpi eq, %get3A_1237, %gather3A_2759 : vector<16xi32>
    %gt3A_2766 = arith.constant 37 : i32
    %gt3A_2767 = vector.broadcast %gt3A_2766 : i32 to vector<16xi32>
    %gt3A_2768 = arith.cmpi sgt, %add3A_2764, %gt3A_2767 : vector<16xi32>
    %and3A_2769 = arith.andi %eq3A_2765, %gt3A_2768 : vector<16xi1>
    %lt3A_2770 = arith.constant 40 : i32
    %lt3A_2771 = vector.broadcast %lt3A_2770 : i32 to vector<16xi32>
    %lt3A_2772 = arith.cmpi slt, %add3A_2764, %lt3A_2771 : vector<16xi32>
    %and3A_2773 = arith.andi %and3A_2769, %lt3A_2772 : vector<16xi1>
    %all_reduce_population_count3A_2774 = tpu.all_reduce %and3A_2773 {dim = 0 : i64, kind = #tpu.reduction_kind<sum>} : vector<16xi1> -> vector<16xi32>
    %add3A_2775 = arith.addi %broadcast_in_dim3A_2761, %all_reduce_population_count3A_2774 : vector<16xi32>
    %eq3A_2776 = arith.constant 0 : i32
    %eq3A_2777 = vector.broadcast %eq3A_2776 : i32 to vector<16xi32>
    %eq3A_2778 = arith.cmpi eq, %add3A_2775, %eq3A_2777 : vector<16xi32>
    %jit3A_2779 = arith.constant 1.000000e+00 : f32
    %jit3A_2780 = arith.constant 0.000000e+00 : f32
    %broadcast_in_dim3A_2781 = vector.broadcast %jit3A_2779 : f32 to vector<16xf32>
    %broadcast_in_dim3A_2782 = vector.broadcast %jit3A_2780 : f32 to vector<16xf32>
    %select_n3A_2783 = arith.select %eq3A_2778, %broadcast_in_dim3A_2781, %broadcast_in_dim3A_2782 : vector<16xi1>, vector<16xf32>
    %eq3A_2784 = arith.constant 5 : i32
    %eq3A_2785 = vector.broadcast %eq3A_2784 : i32 to vector<16xi32>
    %eq3A_2786 = arith.cmpi eq, %iota3A, %eq3A_2785 : vector<16xi32>
    %select_n3A_2787 = arith.select %eq3A_2786, %select_n3A_2783, %select_n3A_2756 : vector<16xi1>, vector<16xf32>
    %broadcast_in_dim3A_2788 = arith.constant 38 : i32
    %broadcast_in_dim3A_2789 = vector.broadcast %broadcast_in_dim3A_2788 : i32 to vector<16xi32>
    %gather3A_2790 = tpu.vector_load_idx %arg7[%broadcast_in_dim3A_2789] : memref<48xi32, #tpu.memory_space<vmem>>[vector<16xi32>], vector<16xi32>,
    %broadcast_in_dim3A_2791 = arith.constant 0 : i32
    %broadcast_in_dim3A_2792 = vector.broadcast %broadcast_in_dim3A_2791 : i32 to vector<16xi32>
    %add3A_2793 = arith.constant 32 : i32
    %add3A_2794 = vector.broadcast %add3A_2793 : i32 to vector<16xi32>
    %add3A_2795 = arith.addi %iota3A, %add3A_2794 : vector<16xi32>
    %eq3A_2796 = arith.cmpi eq, %get3A_1237, %gather3A_2790 : vector<16xi32>
    %gt3A_2797 = arith.constant 38 : i32
    %gt3A_2798 = vector.broadcast %gt3A_2797 : i32 to vector<16xi32>
    %gt3A_2799 = arith.cmpi sgt, %add3A_2795, %gt3A_2798 : vector<16xi32>
    %and3A_2800 = arith.andi %eq3A_2796, %gt3A_2799 : vector<16xi1>
    %lt3A_2801 = arith.constant 40 : i32
    %lt3A_2802 = vector.broadcast %lt3A_2801 : i32 to vector<16xi32>
    %lt3A_2803 = arith.cmpi slt, %add3A_2795, %lt3A_2802 : vector<16xi32>
    %and3A_2804 = arith.andi %and3A_2800, %lt3A_2803 : vector<16xi1>
    %all_reduce_population_count3A_2805 = tpu.all_reduce %and3A_2804 {dim = 0 : i64, kind = #tpu.reduction_kind<sum>} : vector<16xi1> -> vector<16xi32>
    %add3A_2806 = arith.addi %broadcast_in_dim3A_2792, %all_reduce_population_count3A_2805 : vector<16xi32>
    %eq3A_2807 = arith.constant 0 : i32
    %eq3A_2808 = vector.broadcast %eq3A_2807 : i32 to vector<16xi32>
    %eq3A_2809 = arith.cmpi eq, %add3A_2806, %eq3A_2808 : vector<16xi32>
    %jit3A_2810 = arith.constant 1.000000e+00 : f32
    %jit3A_2811 = arith.constant 0.000000e+00 : f32
    %broadcast_in_dim3A_2812 = vector.broadcast %jit3A_2810 : f32 to vector<16xf32>
    %broadcast_in_dim3A_2813 = vector.broadcast %jit3A_2811 : f32 to vector<16xf32>
    %select_n3A_2814 = arith.select %eq3A_2809, %broadcast_in_dim3A_2812, %broadcast_in_dim3A_2813 : vector<16xi1>, vector<16xf32>
    %eq3A_2815 = arith.constant 6 : i32
    %eq3A_2816 = vector.broadcast %eq3A_2815 : i32 to vector<16xi32>
    %eq3A_2817 = arith.cmpi eq, %iota3A, %eq3A_2816 : vector<16xi32>
    %select_n3A_2818 = arith.select %eq3A_2817, %select_n3A_2814, %select_n3A_2787 : vector<16xi1>, vector<16xf32>
    %broadcast_in_dim3A_2819 = arith.constant 39 : i32
    %broadcast_in_dim3A_2820 = vector.broadcast %broadcast_in_dim3A_2819 : i32 to vector<16xi32>
    %gather3A_2821 = tpu.vector_load_idx %arg7[%broadcast_in_dim3A_2820] : memref<48xi32, #tpu.memory_space<vmem>>[vector<16xi32>], vector<16xi32>,
    %broadcast_in_dim3A_2822 = arith.constant 0 : i32
    %broadcast_in_dim3A_2823 = vector.broadcast %broadcast_in_dim3A_2822 : i32 to vector<16xi32>
    %add3A_2824 = arith.constant 32 : i32
    %add3A_2825 = vector.broadcast %add3A_2824 : i32 to vector<16xi32>
    %add3A_2826 = arith.addi %iota3A, %add3A_2825 : vector<16xi32>
    %eq3A_2827 = arith.cmpi eq, %get3A_1237, %gather3A_2821 : vector<16xi32>
    %gt3A_2828 = arith.constant 39 : i32
    %gt3A_2829 = vector.broadcast %gt3A_2828 : i32 to vector<16xi32>
    %gt3A_2830 = arith.cmpi sgt, %add3A_2826, %gt3A_2829 : vector<16xi32>
    %and3A_2831 = arith.andi %eq3A_2827, %gt3A_2830 : vector<16xi1>
    %lt3A_2832 = arith.constant 40 : i32
    %lt3A_2833 = vector.broadcast %lt3A_2832 : i32 to vector<16xi32>
    %lt3A_2834 = arith.cmpi slt, %add3A_2826, %lt3A_2833 : vector<16xi32>
    %and3A_2835 = arith.andi %and3A_2831, %lt3A_2834 : vector<16xi1>
    %all_reduce_population_count3A_2836 = tpu.all_reduce %and3A_2835 {dim = 0 : i64, kind = #tpu.reduction_kind<sum>} : vector<16xi1> -> vector<16xi32>
    %add3A_2837 = arith.addi %broadcast_in_dim3A_2823, %all_reduce_population_count3A_2836 : vector<16xi32>
    %eq3A_2838 = arith.constant 0 : i32
    %eq3A_2839 = vector.broadcast %eq3A_2838 : i32 to vector<16xi32>
    %eq3A_2840 = arith.cmpi eq, %add3A_2837, %eq3A_2839 : vector<16xi32>
    %jit3A_2841 = arith.constant 1.000000e+00 : f32
    %jit3A_2842 = arith.constant 0.000000e+00 : f32
    %broadcast_in_dim3A_2843 = vector.broadcast %jit3A_2841 : f32 to vector<16xf32>
    %broadcast_in_dim3A_2844 = vector.broadcast %jit3A_2842 : f32 to vector<16xf32>
    %select_n3A_2845 = arith.select %eq3A_2840, %broadcast_in_dim3A_2843, %broadcast_in_dim3A_2844 : vector<16xi1>, vector<16xf32>
    %eq3A_2846 = arith.constant 7 : i32
    %eq3A_2847 = vector.broadcast %eq3A_2846 : i32 to vector<16xi32>
    %eq3A_2848 = arith.cmpi eq, %iota3A, %eq3A_2847 : vector<16xi32>
    %select_n3A_2849 = arith.select %eq3A_2848, %select_n3A_2845, %select_n3A_2818 : vector<16xi1>, vector<16xf32>
    %swap3A_2850 = arith.constant 272 : index
    %swap3A_2851 = tpu.vector_load %arg8[%swap3A_2850] {strides = array<i32>} : memref<288xf32, #tpu.memory_space<vmem>>, vector<16xf32>,
    tpu.vector_store %arg8[%swap3A_2850], %select_n3A_2849 {strides = array<i32>} : memref<288xf32, #tpu.memory_space<vmem>>, vector<16xf32>,
    %add3A_2852 = arith.constant 0 : i32
    %add3A_2853 = vector.broadcast %add3A_2852 : i32 to vector<16xi32>
    %add3A_2854 = arith.addi %iota3A, %add3A_2853 : vector<16xi32>
    %lt3A_2855 = arith.constant 40 : i32
    %lt3A_2856 = vector.broadcast %lt3A_2855 : i32 to vector<16xi32>
    %lt3A_2857 = arith.cmpi slt, %add3A_2854, %lt3A_2856 : vector<16xi32>
    %mul3A_2858 = arith.constant 96 : i32
    %mul3A_2859 = vector.broadcast %mul3A_2858 : i32 to vector<16xi32>
    %mul3A_2860 = arith.muli %add3A_2854, %mul3A_2859 : vector<16xi32>
    %get3A_2861 = arith.constant 0 : index
    %get3A_2862 = tpu.vector_load %arg8[%get3A_2861] {strides = array<i32>} : memref<288xf32, #tpu.memory_space<vmem>>, vector<16xf32>,
    %add3A_2863 = arith.constant 85 : i32
    %add3A_2864 = vector.broadcast %add3A_2863 : i32 to vector<16xi32>
    %add3A_2865 = arith.addi %mul3A_2860, %add3A_2864 : vector<16xi32>
    tpu.vector_store_idx %arg11[%add3A_2865], %get3A_2862 masked %lt3A_2857 : memref<3840xf32, #tpu.memory_space<vmem>>[vector<16xi32>], vector<16xf32>, vector<16xi1>
    %get3A_2866 = arith.constant 48 : index
    %get3A_2867 = tpu.vector_load %arg8[%get3A_2866] {strides = array<i32>} : memref<288xf32, #tpu.memory_space<vmem>>, vector<16xf32>,
    %add3A_2868 = arith.constant 86 : i32
    %add3A_2869 = vector.broadcast %add3A_2868 : i32 to vector<16xi32>
    %add3A_2870 = arith.addi %mul3A_2860, %add3A_2869 : vector<16xi32>
    tpu.vector_store_idx %arg11[%add3A_2870], %get3A_2867 masked %lt3A_2857 : memref<3840xf32, #tpu.memory_space<vmem>>[vector<16xi32>], vector<16xf32>, vector<16xi1>
    %get3A_2871 = arith.constant 96 : index
    %get3A_2872 = tpu.vector_load %arg8[%get3A_2871] {strides = array<i32>} : memref<288xf32, #tpu.memory_space<vmem>>, vector<16xf32>,
    %add3A_2873 = arith.constant 87 : i32
    %add3A_2874 = vector.broadcast %add3A_2873 : i32 to vector<16xi32>
    %add3A_2875 = arith.addi %mul3A_2860, %add3A_2874 : vector<16xi32>
    tpu.vector_store_idx %arg11[%add3A_2875], %get3A_2872 masked %lt3A_2857 : memref<3840xf32, #tpu.memory_space<vmem>>[vector<16xi32>], vector<16xf32>, vector<16xi1>
    %get3A_2876 = arith.constant 144 : index
    %get3A_2877 = tpu.vector_load %arg8[%get3A_2876] {strides = array<i32>} : memref<288xf32, #tpu.memory_space<vmem>>, vector<16xf32>,
    %add3A_2878 = arith.constant 88 : i32
    %add3A_2879 = vector.broadcast %add3A_2878 : i32 to vector<16xi32>
    %add3A_2880 = arith.addi %mul3A_2860, %add3A_2879 : vector<16xi32>
    tpu.vector_store_idx %arg11[%add3A_2880], %get3A_2877 masked %lt3A_2857 : memref<3840xf32, #tpu.memory_space<vmem>>[vector<16xi32>], vector<16xf32>, vector<16xi1>
    %get3A_2881 = arith.constant 192 : index
    %get3A_2882 = tpu.vector_load %arg8[%get3A_2881] {strides = array<i32>} : memref<288xf32, #tpu.memory_space<vmem>>, vector<16xf32>,
    %add3A_2883 = arith.constant 89 : i32
    %add3A_2884 = vector.broadcast %add3A_2883 : i32 to vector<16xi32>
    %add3A_2885 = arith.addi %mul3A_2860, %add3A_2884 : vector<16xi32>
    tpu.vector_store_idx %arg11[%add3A_2885], %get3A_2882 masked %lt3A_2857 : memref<3840xf32, #tpu.memory_space<vmem>>[vector<16xi32>], vector<16xf32>, vector<16xi1>
    %get3A_2886 = arith.constant 240 : index
    %get3A_2887 = tpu.vector_load %arg8[%get3A_2886] {strides = array<i32>} : memref<288xf32, #tpu.memory_space<vmem>>, vector<16xf32>,
    %add3A_2888 = arith.constant 90 : i32
    %add3A_2889 = vector.broadcast %add3A_2888 : i32 to vector<16xi32>
    %add3A_2890 = arith.addi %mul3A_2860, %add3A_2889 : vector<16xi32>
    tpu.vector_store_idx %arg11[%add3A_2890], %get3A_2887 masked %lt3A_2857 : memref<3840xf32, #tpu.memory_space<vmem>>[vector<16xi32>], vector<16xf32>, vector<16xi1>
    %add3A_2891 = arith.constant 16 : i32
    %add3A_2892 = vector.broadcast %add3A_2891 : i32 to vector<16xi32>
    %add3A_2893 = arith.addi %iota3A, %add3A_2892 : vector<16xi32>
    %lt3A_2894 = arith.constant 40 : i32
    %lt3A_2895 = vector.broadcast %lt3A_2894 : i32 to vector<16xi32>
    %lt3A_2896 = arith.cmpi slt, %add3A_2893, %lt3A_2895 : vector<16xi32>
    %mul3A_2897 = arith.constant 96 : i32
    %mul3A_2898 = vector.broadcast %mul3A_2897 : i32 to vector<16xi32>
    %mul3A_2899 = arith.muli %add3A_2893, %mul3A_2898 : vector<16xi32>
    %get3A_2900 = arith.constant 16 : index
    %get3A_2901 = tpu.vector_load %arg8[%get3A_2900] {strides = array<i32>} : memref<288xf32, #tpu.memory_space<vmem>>, vector<16xf32>,
    %add3A_2902 = arith.constant 85 : i32
    %add3A_2903 = vector.broadcast %add3A_2902 : i32 to vector<16xi32>
    %add3A_2904 = arith.addi %mul3A_2899, %add3A_2903 : vector<16xi32>
    tpu.vector_store_idx %arg11[%add3A_2904], %get3A_2901 masked %lt3A_2896 : memref<3840xf32, #tpu.memory_space<vmem>>[vector<16xi32>], vector<16xf32>, vector<16xi1>
    %get3A_2905 = arith.constant 64 : index
    %get3A_2906 = tpu.vector_load %arg8[%get3A_2905] {strides = array<i32>} : memref<288xf32, #tpu.memory_space<vmem>>, vector<16xf32>,
    %add3A_2907 = arith.constant 86 : i32
    %add3A_2908 = vector.broadcast %add3A_2907 : i32 to vector<16xi32>
    %add3A_2909 = arith.addi %mul3A_2899, %add3A_2908 : vector<16xi32>
    tpu.vector_store_idx %arg11[%add3A_2909], %get3A_2906 masked %lt3A_2896 : memref<3840xf32, #tpu.memory_space<vmem>>[vector<16xi32>], vector<16xf32>, vector<16xi1>
    %get3A_2910 = arith.constant 112 : index
    %get3A_2911 = tpu.vector_load %arg8[%get3A_2910] {strides = array<i32>} : memref<288xf32, #tpu.memory_space<vmem>>, vector<16xf32>,
    %add3A_2912 = arith.constant 87 : i32
    %add3A_2913 = vector.broadcast %add3A_2912 : i32 to vector<16xi32>
    %add3A_2914 = arith.addi %mul3A_2899, %add3A_2913 : vector<16xi32>
    tpu.vector_store_idx %arg11[%add3A_2914], %get3A_2911 masked %lt3A_2896 : memref<3840xf32, #tpu.memory_space<vmem>>[vector<16xi32>], vector<16xf32>, vector<16xi1>
    %get3A_2915 = arith.constant 160 : index
    %get3A_2916 = tpu.vector_load %arg8[%get3A_2915] {strides = array<i32>} : memref<288xf32, #tpu.memory_space<vmem>>, vector<16xf32>,
    %add3A_2917 = arith.constant 88 : i32
    %add3A_2918 = vector.broadcast %add3A_2917 : i32 to vector<16xi32>
    %add3A_2919 = arith.addi %mul3A_2899, %add3A_2918 : vector<16xi32>
    tpu.vector_store_idx %arg11[%add3A_2919], %get3A_2916 masked %lt3A_2896 : memref<3840xf32, #tpu.memory_space<vmem>>[vector<16xi32>], vector<16xf32>, vector<16xi1>
    %get3A_2920 = arith.constant 208 : index
    %get3A_2921 = tpu.vector_load %arg8[%get3A_2920] {strides = array<i32>} : memref<288xf32, #tpu.memory_space<vmem>>, vector<16xf32>,
    %add3A_2922 = arith.constant 89 : i32
    %add3A_2923 = vector.broadcast %add3A_2922 : i32 to vector<16xi32>
    %add3A_2924 = arith.addi %mul3A_2899, %add3A_2923 : vector<16xi32>
    tpu.vector_store_idx %arg11[%add3A_2924], %get3A_2921 masked %lt3A_2896 : memref<3840xf32, #tpu.memory_space<vmem>>[vector<16xi32>], vector<16xf32>, vector<16xi1>
    %get3A_2925 = arith.constant 256 : index
    %get3A_2926 = tpu.vector_load %arg8[%get3A_2925] {strides = array<i32>} : memref<288xf32, #tpu.memory_space<vmem>>, vector<16xf32>,
    %add3A_2927 = arith.constant 90 : i32
    %add3A_2928 = vector.broadcast %add3A_2927 : i32 to vector<16xi32>
    %add3A_2929 = arith.addi %mul3A_2899, %add3A_2928 : vector<16xi32>
    tpu.vector_store_idx %arg11[%add3A_2929], %get3A_2926 masked %lt3A_2896 : memref<3840xf32, #tpu.memory_space<vmem>>[vector<16xi32>], vector<16xf32>, vector<16xi1>
    %add3A_2930 = arith.constant 32 : i32
    %add3A_2931 = vector.broadcast %add3A_2930 : i32 to vector<16xi32>
    %add3A_2932 = arith.addi %iota3A, %add3A_2931 : vector<16xi32>
    %lt3A_2933 = arith.constant 40 : i32
    %lt3A_2934 = vector.broadcast %lt3A_2933 : i32 to vector<16xi32>
    %lt3A_2935 = arith.cmpi slt, %add3A_2932, %lt3A_2934 : vector<16xi32>
    %mul3A_2936 = arith.constant 96 : i32
    %mul3A_2937 = vector.broadcast %mul3A_2936 : i32 to vector<16xi32>
    %mul3A_2938 = arith.muli %add3A_2932, %mul3A_2937 : vector<16xi32>
    %get3A_2939 = arith.constant 32 : index
    %get3A_2940 = tpu.vector_load %arg8[%get3A_2939] {strides = array<i32>} : memref<288xf32, #tpu.memory_space<vmem>>, vector<16xf32>,
    %add3A_2941 = arith.constant 85 : i32
    %add3A_2942 = vector.broadcast %add3A_2941 : i32 to vector<16xi32>
    %add3A_2943 = arith.addi %mul3A_2938, %add3A_2942 : vector<16xi32>
    tpu.vector_store_idx %arg11[%add3A_2943], %get3A_2940 masked %lt3A_2935 : memref<3840xf32, #tpu.memory_space<vmem>>[vector<16xi32>], vector<16xf32>, vector<16xi1>
    %get3A_2944 = arith.constant 80 : index
    %get3A_2945 = tpu.vector_load %arg8[%get3A_2944] {strides = array<i32>} : memref<288xf32, #tpu.memory_space<vmem>>, vector<16xf32>,
    %add3A_2946 = arith.constant 86 : i32
    %add3A_2947 = vector.broadcast %add3A_2946 : i32 to vector<16xi32>
    %add3A_2948 = arith.addi %mul3A_2938, %add3A_2947 : vector<16xi32>
    tpu.vector_store_idx %arg11[%add3A_2948], %get3A_2945 masked %lt3A_2935 : memref<3840xf32, #tpu.memory_space<vmem>>[vector<16xi32>], vector<16xf32>, vector<16xi1>
    %get3A_2949 = arith.constant 128 : index
    %get3A_2950 = tpu.vector_load %arg8[%get3A_2949] {strides = array<i32>} : memref<288xf32, #tpu.memory_space<vmem>>, vector<16xf32>,
    %add3A_2951 = arith.constant 87 : i32
    %add3A_2952 = vector.broadcast %add3A_2951 : i32 to vector<16xi32>
    %add3A_2953 = arith.addi %mul3A_2938, %add3A_2952 : vector<16xi32>
    tpu.vector_store_idx %arg11[%add3A_2953], %get3A_2950 masked %lt3A_2935 : memref<3840xf32, #tpu.memory_space<vmem>>[vector<16xi32>], vector<16xf32>, vector<16xi1>
    %get3A_2954 = arith.constant 176 : index
    %get3A_2955 = tpu.vector_load %arg8[%get3A_2954] {strides = array<i32>} : memref<288xf32, #tpu.memory_space<vmem>>, vector<16xf32>,
    %add3A_2956 = arith.constant 88 : i32
    %add3A_2957 = vector.broadcast %add3A_2956 : i32 to vector<16xi32>
    %add3A_2958 = arith.addi %mul3A_2938, %add3A_2957 : vector<16xi32>
    tpu.vector_store_idx %arg11[%add3A_2958], %get3A_2955 masked %lt3A_2935 : memref<3840xf32, #tpu.memory_space<vmem>>[vector<16xi32>], vector<16xf32>, vector<16xi1>
    %get3A_2959 = arith.constant 224 : index
    %get3A_2960 = tpu.vector_load %arg8[%get3A_2959] {strides = array<i32>} : memref<288xf32, #tpu.memory_space<vmem>>, vector<16xf32>,
    %add3A_2961 = arith.constant 89 : i32
    %add3A_2962 = vector.broadcast %add3A_2961 : i32 to vector<16xi32>
    %add3A_2963 = arith.addi %mul3A_2938, %add3A_2962 : vector<16xi32>
    tpu.vector_store_idx %arg11[%add3A_2963], %get3A_2960 masked %lt3A_2935 : memref<3840xf32, #tpu.memory_space<vmem>>[vector<16xi32>], vector<16xf32>, vector<16xi1>
    %get3A_2964 = arith.constant 272 : index
    %get3A_2965 = tpu.vector_load %arg8[%get3A_2964] {strides = array<i32>} : memref<288xf32, #tpu.memory_space<vmem>>, vector<16xf32>,
    %add3A_2966 = arith.constant 90 : i32
    %add3A_2967 = vector.broadcast %add3A_2966 : i32 to vector<16xi32>
    %add3A_2968 = arith.addi %mul3A_2938, %add3A_2967 : vector<16xi32>
    tpu.vector_store_idx %arg11[%add3A_2968], %get3A_2965 masked %lt3A_2935 : memref<3840xf32, #tpu.memory_space<vmem>>[vector<16xi32>], vector<16xf32>, vector<16xi1>
    %mul3A_2969 = arith.constant 3840 : i32
    %mul3A_2970 = arith.muli %add3A, %mul3A_2969 : i32
    "tpu.region"() ({
      %run_scoped3A = tpu.sem_alloc : memref<!tpu.dma_semaphore, #tpu.memory_space<semaphore_mem>>
      %dma_start3A_2971 = tpu.memref_slice %arg4[%mul3A_2970] : memref<122880xf32, #tpu.memory_space<hbm>> -> memref<3840xf32, #tpu.memory_space<hbm>>
      %dma_start3A_2972 = tpu.memref_slice %arg4[%mul3A_2970] : memref<122880xf32, #tpu.memory_space<hbm>> -> memref<3840xf32, #tpu.memory_space<hbm>>
      tpu.enqueue_dma source(%arg11 : memref<3840xf32, #tpu.memory_space<vmem>>) target(%dma_start3A_2972 : memref<3840xf32, #tpu.memory_space<hbm>>) target_semaphore(%run_scoped3A : memref<!tpu.dma_semaphore, #tpu.memory_space<semaphore_mem>>)
      %dma_wait3A_2973 = tpu.memref_slice %arg4[%mul3A_2970] : memref<122880xf32, #tpu.memory_space<hbm>> -> memref<3840xf32, #tpu.memory_space<hbm>>
      %dma_wait3A_2974 = tpu.memref_slice %arg4[%mul3A_2970] : memref<122880xf32, #tpu.memory_space<hbm>> -> memref<3840xf32, #tpu.memory_space<hbm>>
      tpu.wait_dma2 semaphore(%run_scoped3A : memref<!tpu.dma_semaphore, #tpu.memory_space<semaphore_mem>>) src(%arg11 : memref<3840xf32, #tpu.memory_space<vmem>>) dst(%dma_wait3A_2974 : memref<3840xf32, #tpu.memory_space<hbm>>)
      tpu.yield
    }) : () -> ()
    return
  }
}

module attributes {stable_mosaic.version = 14 : i64} {
  func.func @_tc_body(%arg0: i32, %arg1: i32, %arg2: memref<8x1x52x52xf32, #tpu.memory_space<vmem>>, %arg3: memref<1280x96xf32, #tpu.memory_space<vmem>>, %arg4: memref<1x1xf32, #tpu.memory_space<smem>>) attributes {dimension_semantics = [#tpu.dimension_semantics<arbitrary>, #tpu.dimension_semantics<arbitrary>], iteration_bounds = array<i64: 8, 3>, scalar_prefetch = 0 : i64, scratch_operands = 0 : i64, tpu.core_type = #tpu.core_type<tc>, window_params = [{transform_indices = @transform_0, window_bounds = array<i64: 8, 1, 52, 52>}, {pipeline_mode = #tpu.pipeline_mode<synchronous>, transform_indices = @transform_1, window_bounds = array<i64: 1280, 96>}, {transform_indices = @transform_2, window_bounds = array<i64: 1, 1>}]} {
    %mul3A = arith.constant 3 : i32
    %mul3A_0 = arith.muli %arg0, %mul3A : i32
    %add3A = arith.addi %mul3A_0, %arg1 : i32
    %get3A = arith.constant 0 : index
    %get3A_1 = arith.constant 0 : index
    %get3A_2 = arith.constant 0 : index
    %get3A_3 = arith.constant 0 : index
    %get3A_4 = vector.load %arg2[%get3A, %get3A_1, %get3A_2, %get3A_3] : memref<8x1x52x52xf32, #tpu.memory_space<vmem>>, vector<8x1x52x52xf32>
    %custom_jvp_call3A = arith.constant 0.000000e+00 : f32
    %max3A = vector.broadcast %custom_jvp_call3A : f32 to vector<8x1x52x52xf32>
    %max3A_5 = arith.maximumf %get3A_4, %max3A : vector<8x1x52x52xf32>
    %sub3A = vector.broadcast %custom_jvp_call3A : f32 to vector<8x1x52x52xf32>
    %sub3A_6 = arith.subf %get3A_4, %sub3A : vector<8x1x52x52xf32>
    %ne3A = arith.cmpf one, %sub3A_6, %sub3A_6 : vector<8x1x52x52xf32>
    %add3A_7 = vector.broadcast %custom_jvp_call3A : f32 to vector<8x1x52x52xf32>
    %add3A_8 = arith.addf %get3A_4, %add3A_7 : vector<8x1x52x52xf32>
    %abs3A = math.absf %sub3A_6 : vector<8x1x52x52xf32>
    %neg3A = arith.constant 0.000000e+00 : f32
    %neg3A_9 = vector.broadcast %neg3A : f32 to vector<8x1x52x52xf32>
    %neg3A_10 = arith.subf %neg3A_9, %abs3A : vector<8x1x52x52xf32>
    %exp3A = math.exp %neg3A_10 : vector<8x1x52x52xf32>
    %log1p3A = math.log1p %exp3A : vector<8x1x52x52xf32>
    %add3A_11 = arith.addf %max3A_5, %log1p3A : vector<8x1x52x52xf32>
    %select_n3A = arith.select %ne3A, %add3A_8, %add3A_11 : vector<8x1x52x52xi1>, vector<8x1x52x52xf32>
    %reduce_sum3A = vector.shape_cast %select_n3A : vector<8x1x52x52xf32> to vector<1x8x1x52x52xf32>
    %reduce_sum3A_12 = arith.constant dense<0.000000e+00> : vector<1xf32>
    %reduce_sum3A_13 = vector.multi_reduction <add>, %reduce_sum3A, %reduce_sum3A_12 [1, 2, 3, 4] : vector<1x8x1x52x52xf32> to vector<1xf32>
    %reduce_sum3A_14 = vector.shape_cast %reduce_sum3A_13 : vector<1xf32> to vector<1x1x1x1x1xf32>
    %reduce_sum3A_15 = vector.extract %reduce_sum3A_14[0, 0, 0, 0, 0] : f32 from vector<1x1x1x1x1xf32>
    %eq3A = arith.constant 0 : i32
    %eq3A_16 = arith.cmpi eq, %add3A, %eq3A : i32
    %convert_element_type3A = arith.extui %eq3A_16 : i1 to i32
    %cond3A = arith.constant 0 : i32
    %cond3A_17 = arith.cmpi ne, %convert_element_type3A, %cond3A : i32
    scf.if %cond3A_17 {
      %swap3A_29 = arith.constant 0.000000e+00 : f32
      %swap3A_30 = arith.constant 0 : index
      %swap3A_31 = arith.constant 0 : index
      %swap3A_32 = memref.load %arg4[%swap3A_30, %swap3A_31] : memref<1x1xf32, #tpu.memory_space<smem>>
      memref.store %swap3A_29, %arg4[%swap3A_30, %swap3A_31] : memref<1x1xf32, #tpu.memory_space<smem>>
    } else {
    }
    %get3A_18 = arith.constant 0 : index
    %get3A_19 = arith.constant 0 : index
    %get3A_20 = memref.load %arg4[%get3A_18, %get3A_19] : memref<1x1xf32, #tpu.memory_space<smem>>
    %add3A_21 = arith.addf %get3A_20, %reduce_sum3A_15 : f32
    %swap3A = arith.constant 0 : index
    %swap3A_22 = arith.constant 0 : index
    %swap3A_23 = memref.load %arg4[%swap3A, %swap3A_22] : memref<1x1xf32, #tpu.memory_space<smem>>
    memref.store %add3A_21, %arg4[%swap3A, %swap3A_22] : memref<1x1xf32, #tpu.memory_space<smem>>
    %eq3A_24 = arith.constant 23 : i32
    %eq3A_25 = arith.cmpi eq, %add3A, %eq3A_24 : i32
    %convert_element_type3A_26 = arith.extui %eq3A_25 : i1 to i32
    %cond3A_27 = arith.constant 0 : i32
    %cond3A_28 = arith.cmpi ne, %convert_element_type3A_26, %cond3A_27 : i32
    scf.if %cond3A_28 {
      %get3A_29 = arith.constant 0 : index
      %get3A_30 = arith.constant 0 : index
      %get3A_31 = vector.load %arg3[%get3A_29, %get3A_30] : memref<1280x96xf32, #tpu.memory_space<vmem>>, vector<1280x96xf32>
      %slice3A = vector.extract_strided_slice %get3A_31 {offsets = [0, 0], sizes = [1280, 1], strides = [1, 1]} : vector<1280x96xf32> to vector<1280x1xf32>
      %slice3A_32 = vector.extract_strided_slice %get3A_31 {offsets = [0, 1], sizes = [1280, 1], strides = [1, 1]} : vector<1280x96xf32> to vector<1280x1xf32>
      %slice3A_33 = vector.extract_strided_slice %get3A_31 {offsets = [0, 2], sizes = [1280, 1], strides = [1, 1]} : vector<1280x96xf32> to vector<1280x1xf32>
      %slice3A_34 = vector.extract_strided_slice %get3A_31 {offsets = [0, 3], sizes = [1280, 1], strides = [1, 1]} : vector<1280x96xf32> to vector<1280x1xf32>
      %slice3A_35 = vector.extract_strided_slice %get3A_31 {offsets = [0, 4], sizes = [1280, 1], strides = [1, 1]} : vector<1280x96xf32> to vector<1280x1xf32>
      %slice3A_36 = vector.extract_strided_slice %get3A_31 {offsets = [0, 85], sizes = [1280, 1], strides = [1, 1]} : vector<1280x96xf32> to vector<1280x1xf32>
      %slice3A_37 = vector.extract_strided_slice %get3A_31 {offsets = [0, 86], sizes = [1280, 1], strides = [1, 1]} : vector<1280x96xf32> to vector<1280x1xf32>
      %slice3A_38 = vector.extract_strided_slice %get3A_31 {offsets = [0, 87], sizes = [1280, 1], strides = [1, 1]} : vector<1280x96xf32> to vector<1280x1xf32>
      %slice3A_39 = vector.extract_strided_slice %get3A_31 {offsets = [0, 88], sizes = [1280, 1], strides = [1, 1]} : vector<1280x96xf32> to vector<1280x1xf32>
      %slice3A_40 = vector.extract_strided_slice %get3A_31 {offsets = [0, 89], sizes = [1280, 1], strides = [1, 1]} : vector<1280x96xf32> to vector<1280x1xf32>
      %convert_element_type3A_41 = arith.fptosi %slice3A_40 : vector<1280x1xf32> to vector<1280x1xi32>
      %slice3A_42 = vector.extract_strided_slice %get3A_31 {offsets = [0, 90], sizes = [1280, 1], strides = [1, 1]} : vector<1280x96xf32> to vector<1280x1xf32>
      %iota3A = tpu.iota {dimensions = array<i32: 1>} : vector<1280x96xi32>
      %ge3A = arith.constant 5 : i32
      %ge3A_43 = vector.broadcast %ge3A : i32 to vector<1280x96xi32>
      %ge3A_44 = arith.cmpi sge, %iota3A, %ge3A_43 : vector<1280x96xi32>
      %lt3A = arith.constant 85 : i32
      %lt3A_45 = vector.broadcast %lt3A : i32 to vector<1280x96xi32>
      %lt3A_46 = arith.cmpi slt, %iota3A, %lt3A_45 : vector<1280x96xi32>
      %and3A = arith.andi %ge3A_44, %lt3A_46 : vector<1280x96xi1>
      %broadcast_in_dim3A = arith.constant 0xFF800000 : f32
      %broadcast_in_dim3A_47 = vector.broadcast %broadcast_in_dim3A : f32 to vector<1280x96xf32>
      %select_n3A_48 = arith.select %and3A, %get3A_31, %broadcast_in_dim3A_47 : vector<1280x96xi1>, vector<1280x96xf32>
      %reduce_max3A = arith.constant dense<0xFF800000> : vector<1280xf32>
      %reduce_max3A_49 = vector.multi_reduction <maximumf>, %select_n3A_48, %reduce_max3A [1] : vector<1280x96xf32> to vector<1280xf32>
      %broadcast_in_dim3A_50 = vector.shape_cast %reduce_max3A_49 : vector<1280xf32> to vector<1280x1xf32>
      %sub3A_51 = vector.broadcast %broadcast_in_dim3A_50 : vector<1280x1xf32> to vector<1280x96xf32>
      %sub3A_52 = arith.subf %get3A_31, %sub3A_51 : vector<1280x96xf32>
      %exp3A_53 = math.exp %sub3A_52 : vector<1280x96xf32>
      %jit3A = arith.constant 0.000000e+00 : f32
      %broadcast_in_dim3A_54 = vector.broadcast %jit3A : f32 to vector<1280x96xf32>
      %select_n3A_55 = arith.select %and3A, %exp3A_53, %broadcast_in_dim3A_54 : vector<1280x96xi1>, vector<1280x96xf32>
      %reduce_sum3A_56 = arith.constant dense<0.000000e+00> : vector<1280xf32>
      %reduce_sum3A_57 = vector.multi_reduction <add>, %select_n3A_55, %reduce_sum3A_56 [1] : vector<1280x96xf32> to vector<1280xf32>
      %broadcast_in_dim3A_58 = vector.shape_cast %reduce_sum3A_57 : vector<1280xf32> to vector<1280x1xf32>
      %log3A = math.log %broadcast_in_dim3A_58 : vector<1280x1xf32>
      %add3A_59 = arith.addf %log3A, %broadcast_in_dim3A_50 : vector<1280x1xf32>
      %add3A_60 = arith.constant 5 : i32
      %add3A_61 = vector.broadcast %add3A_60 : i32 to vector<1280x1xi32>
      %add3A_62 = arith.addi %convert_element_type3A_41, %add3A_61 : vector<1280x1xi32>
      %eq3A_63 = vector.broadcast %add3A_62 : vector<1280x1xi32> to vector<1280x96xi32>
      %eq3A_64 = arith.cmpi eq, %iota3A, %eq3A_63 : vector<1280x96xi32>
      %jit3A_65 = arith.constant 0.000000e+00 : f32
      %broadcast_in_dim3A_66 = vector.broadcast %jit3A_65 : f32 to vector<1280x96xf32>
      %select_n3A_67 = arith.select %eq3A_64, %get3A_31, %broadcast_in_dim3A_66 : vector<1280x96xi1>, vector<1280x96xf32>
      %reduce_sum3A_68 = arith.constant dense<0.000000e+00> : vector<1280xf32>
      %reduce_sum3A_69 = vector.multi_reduction <add>, %select_n3A_67, %reduce_sum3A_68 [1] : vector<1280x96xf32> to vector<1280xf32>
      %broadcast_in_dim3A_70 = vector.shape_cast %reduce_sum3A_69 : vector<1280xf32> to vector<1280x1xf32>
      %logistic3A = arith.negf %slice3A : vector<1280x1xf32>
      %logistic3A_71 = math.exp %logistic3A : vector<1280x1xf32>
      %logistic3A_72 = arith.constant 1.000000e+00 : f32
      %logistic3A_73 = vector.broadcast %logistic3A_72 : f32 to vector<1280x1xf32>
      %logistic3A_74 = arith.addf %logistic3A_73, %logistic3A_71 : vector<1280x1xf32>
      %logistic3A_75 = arith.divf %logistic3A_73, %logistic3A_74 : vector<1280x1xf32>
      %logistic3A_76 = arith.negf %slice3A_32 : vector<1280x1xf32>
      %logistic3A_77 = math.exp %logistic3A_76 : vector<1280x1xf32>
      %logistic3A_78 = arith.constant 1.000000e+00 : f32
      %logistic3A_79 = vector.broadcast %logistic3A_78 : f32 to vector<1280x1xf32>
      %logistic3A_80 = arith.addf %logistic3A_79, %logistic3A_77 : vector<1280x1xf32>
      %logistic3A_81 = arith.divf %logistic3A_79, %logistic3A_80 : vector<1280x1xf32>
      %add3A_82 = arith.constant 1.000000e-16 : f32
      %add3A_83 = vector.broadcast %add3A_82 : f32 to vector<1280x1xf32>
      %add3A_84 = arith.addf %slice3A_38, %add3A_83 : vector<1280x1xf32>
      %log3A_85 = math.log %add3A_84 : vector<1280x1xf32>
      %add3A_86 = arith.constant 1.000000e-16 : f32
      %add3A_87 = vector.broadcast %add3A_86 : f32 to vector<1280x1xf32>
      %add3A_88 = arith.addf %slice3A_39, %add3A_87 : vector<1280x1xf32>
      %log3A_89 = math.log %add3A_88 : vector<1280x1xf32>
      %neg3A_90 = arith.constant 0.000000e+00 : f32
      %neg3A_91 = vector.broadcast %neg3A_90 : f32 to vector<1280x1xf32>
      %neg3A_92 = arith.subf %neg3A_91, %slice3A_35 : vector<1280x1xf32>
      %sub3A_93 = arith.subf %logistic3A_75, %slice3A_36 : vector<1280x1xf32>
      %integer_pow3A = arith.mulf %sub3A_93, %sub3A_93 : vector<1280x1xf32>
      %add3A_94 = arith.addf %neg3A_92, %integer_pow3A : vector<1280x1xf32>
      %sub3A_95 = arith.subf %logistic3A_81, %slice3A_37 : vector<1280x1xf32>
      %integer_pow3A_96 = arith.mulf %sub3A_95, %sub3A_95 : vector<1280x1xf32>
      %add3A_97 = arith.addf %add3A_94, %integer_pow3A_96 : vector<1280x1xf32>
      %sub3A_98 = arith.subf %slice3A_33, %log3A_85 : vector<1280x1xf32>
      %integer_pow3A_99 = arith.mulf %sub3A_98, %sub3A_98 : vector<1280x1xf32>
      %add3A_100 = arith.addf %add3A_97, %integer_pow3A_99 : vector<1280x1xf32>
      %sub3A_101 = arith.subf %slice3A_34, %log3A_89 : vector<1280x1xf32>
      %integer_pow3A_102 = arith.mulf %sub3A_101, %sub3A_101 : vector<1280x1xf32>
      %add3A_103 = arith.addf %add3A_100, %integer_pow3A_102 : vector<1280x1xf32>
      %sub3A_104 = arith.subf %add3A_59, %broadcast_in_dim3A_70 : vector<1280x1xf32>
      %add3A_105 = arith.addf %add3A_103, %sub3A_104 : vector<1280x1xf32>
      %get3A_106 = arith.constant 0 : index
      %get3A_107 = arith.constant 0 : index
      %get3A_108 = memref.load %arg4[%get3A_106, %get3A_107] : memref<1x1xf32, #tpu.memory_space<smem>>
      %mul3A_109 = arith.mulf %slice3A_42, %add3A_105 : vector<1280x1xf32>
      %reduce_sum3A_110 = vector.shape_cast %mul3A_109 : vector<1280x1xf32> to vector<1x1280x1xf32>
      %reduce_sum3A_111 = arith.constant dense<0.000000e+00> : vector<1xf32>
      %reduce_sum3A_112 = vector.multi_reduction <add>, %reduce_sum3A_110, %reduce_sum3A_111 [1, 2] : vector<1x1280x1xf32> to vector<1xf32>
      %reduce_sum3A_113 = vector.shape_cast %reduce_sum3A_112 : vector<1xf32> to vector<1x1x1xf32>
      %reduce_sum3A_114 = vector.extract %reduce_sum3A_113[0, 0, 0] : f32 from vector<1x1x1xf32>
      %add3A_115 = arith.addf %get3A_108, %reduce_sum3A_114 : f32
      %mul3A_116 = arith.constant 1.562500e-02 : f32
      %mul3A_117 = arith.mulf %add3A_115, %mul3A_116 : f32
      %swap3A_118 = arith.constant 0 : index
      %swap3A_119 = arith.constant 0 : index
      %swap3A_120 = memref.load %arg4[%swap3A_118, %swap3A_119] : memref<1x1xf32, #tpu.memory_space<smem>>
      memref.store %mul3A_117, %arg4[%swap3A_118, %swap3A_119] : memref<1x1xf32, #tpu.memory_space<smem>>
    } else {
    }
    return
  }
  func.func @transform_0(%arg0: i32, %arg1: i32) -> (i32, i32, i32, i32) {
    %mul3A = arith.constant 85 : i32
    %mul3A_0 = arith.muli %mul3A, %arg1 : i32
    %add3A = arith.constant 4 : i32
    %add3A_1 = arith.addi %add3A, %mul3A_0 : i32
    %c0_i32 = arith.constant 0 : i32
    %c0_i32_2 = arith.constant 0 : i32
    %c0_i32_3 = arith.constant 0 : i32
    return %arg0, %add3A_1, %c0_i32, %c0_i32_2 : i32, i32, i32, i32
  }
  func.func @transform_1(%arg0: i32, %arg1: i32) -> (i32, i32) {
    %c0_i32 = arith.constant 0 : i32
    %c0_i32_0 = arith.constant 0 : i32
    %c0_i32_1 = arith.constant 0 : i32
    return %c0_i32, %c0_i32_0 : i32, i32
  }
  func.func @transform_2(%arg0: i32, %arg1: i32) -> (i32, i32) {
    %c0_i32 = arith.constant 0 : i32
    %c0_i32_0 = arith.constant 0 : i32
    %c0_i32_1 = arith.constant 0 : i32
    return %c0_i32, %c0_i32_0 : i32, i32
  }
}

</mosaic_0001>

<sc_bundles>
// kernel: kernel.4.cloned.1.call-start
scs
__scs_entry_jumppad:
0x0: {  	(pc) =	sbr.rel $0x88, $3  }
0x1: {  	(tag) =	ssettag $0x0;
	lr =	simm.s32 $0x1  }
0x2: {  	[smem:$0x3F9F] =	sst lr;
	_ =	strace $0xD0000000  }
0x3: {  	_ = 	snop  }
0x4: {  	_ = 	snop  }
0x5: {  	_ = 	snop  }
0x6: {  	_ = 	snop  }
0x7: {  	_ = 	snop  }
__scs_overlays_trampoline_lowered:
0x8: {  	[smem:$0x3FAE] =	sst s0  }
0x9: {  	[smem:$0x3FAF] =	sst s1  }
0xa: {  	[smem:$0x3FB0] =	sst s2  }
0xb: {  	[smem:$0x3FB1] =	sst s3  }
0xc: {  	[smem:$0x3FB2] =	sst s4  }
0xd: {  	[smem:$0x3FB3] =	sst s5  }
0xe: {  	[smem:$0x3FB4] =	sst s6  }
0xf: {  	[smem:$0x3FB5] =	sst s7  }
0x10: {  	[smem:$0x3FB6] =	sst s8  }
0x11: {  	[smem:$0x3FB7] =	sst s9;
	s0 =	simm.s32 @!p0 $0x0  }
0x12: {  	s1 =	sld [smem:$0x3F9D];
	s0 =	simm.s32 @p0 $0x1  }
0x13: {  	[smem:$0x3FB8] =	sst s0;
	s0 =	simm.s32 @!p1 $0x0  }
0x14: {  	s2 =	sld [smem:$0x3F9C];
	s0 =	simm.s32 @p1 $0x1  }
0x15: {  	[smem:$0x3FB9] =	sst s0;
	s0 =	simm.s32 @!p2 $0x0  }
0x16: {  	s3 =	sld [smem:$0x3FDB];
	s0 =	simm.s32 @p2 $0x1  }
0x17: {  	s4 =	simm.s32 $0x1BF5;
	[smem:$0x3FBB] =	sst s0  }
0x18: {  	s0 =	sld [smem:$0x3F9E];
	_ =	swait.ge [sflag:s4], $0x0  }
0x19: {  	s7 =	sld [smem:$0x3F9F]  }
0x1a: {  	s8 =	sadd.s32 $0xFFFFE003, lr  }
0x1b: {  	s9 =	sadd.s32 $0xFFFFFEF7, lr;
	s5 =	simm.s32 $0xFFFFFFFF;
	p2 =	slt.u32 s8, $0xFFFFF086  }
0x1c: {  	p1 =	slt.u32 s9, $0xF7A;
	s5 =	simm.s32 @!p2 $0x0  }
0x1d: {  	s5 =	simm.s32 @p1 $0x1;
	p0 =	seq.s32 s7, s2  }
0x1e: {  	s7 =	smul.u32 @!p0 $0xF7A, s2;
	p2 =	seq.s32 @!p0 s5, $0x0  }
0x1f: {  	s9 =	smul.u32 $0xF7A, s1;
	s8 =	simm.s32 @!p0 $0x1BF5;
	p2 =	por !p2, p0  }
0x20: {  	[sflag:s8] =	ssyncset.s32 @!p0 $0xFFFFF086;
	s6 =	sadd.s32 @!p0 s3, s7;
	s7 =	simm.s32 @!p0 $0x108  }
0x21: {  	s3 =	sadd.s32 s3, s9;
	s6 =	sadd.s32 @!p0 $0x88, s6;
	s7 =	simm.s32 @p2 $0x1082  }
0x22: {  	[simem:s7], [sflag:s8] =	dma.local @!p0 [hbm:s6], $0xF7A  }
0x23: {  	s9 =	sor.u32 $0xD0000000, s2;
	s6 =	simm.s32 $0x108;
	_ =	swait.ge @!p0 [sflag:s8], $0x0  }
0x24: {  	s3 =	sadd.s32 $0x88, s3;
	s6 =	simm.s32 @!p1 $0x1082;
	[sflag:s4] =	ssyncset.s32 $0xFFFFF086  }
0x25: {  	[simem:s6], [sflag:s4] =	dma.local [hbm:s3], $0xF7A  }
0x26: {  	[smem:$0x3F9F] =	sst s1;
	(tag) =	ssettag s2;
	_ =	strace s9  }
0x27: {  	s1 =	sld [smem:$0x3FAF]  }
0x28: {  	s2 =	sld [smem:$0x3FB0]  }
0x29: {  	s4 =	sld [smem:$0x3FB2]  }
0x2a: {  	p0 =	seq.s32 s5, $0x0;
	s5 =	sld [smem:$0x3FB3]  }
0x2b: {  	s6 =	sld [smem:$0x3FB4]  }
0x2c: {  	s7 =	sld [smem:$0x3FB5]  }
0x2d: {  	s3 =	simm.s32 $0x108;
	s8 =	sld [smem:$0x3FB6]  }
0x2e: {  	s3 =	simm.s32 @!p0 $0x1082;
	s9 =	sld [smem:$0x3FB7]  }
0x2f: {  	lr =	sadd.s32 s0, s3;
	s0 =	sld [smem:$0x3FAE]  }
0x30: {  	s3 =	sld [smem:$0x3FB1]  }
0x31: {  	[smem:$0x3FBA] =	sst s10  }
0x32: {  	s10 =	sld [smem:$0x3FB8];
	_ =	sdelay $0x3  }
0x33: {  	p0 =	seq.s32 s10, $0x1;
	s10 =	sld [smem:$0x3FBA];
	_ =	sdelay $0x3  }
0x34: {  	[smem:$0x3FBA] =	sst s10  }
0x35: {  	s10 =	sld [smem:$0x3FB9];
	_ =	sdelay $0x3  }
0x36: {  	p1 =	seq.s32 s10, $0x1;
	s10 =	sld [smem:$0x3FBA];
	_ =	sdelay $0x3  }
0x37: {  	[smem:$0x3FBA] =	sst s10  }
0x38: {  	s10 =	sld [smem:$0x3FBB]  }
0x39: {  	_ = 	snop;
	(pc) =	sbr.ind lr, $3  }
0x3a: {  	_ = 	snop  }
0x3b: {  	_ = 	snop  }
0x3c: {  	p2 =	seq.s32 s10, $0x1;
	s10 =	sld [smem:$0x3FBA]  }
0x3d: {  	_ =	shalt  }
0x3e: {  	_ =	shalt  }
0x3f: {  	_ =	shalt  }
0x40: {  	_ =	shalt  }
0x41: {  	_ =	shalt  }
0x42: {  	_ =	shalt  }
0x43: {  	_ =	shalt  }
0x44: {  	_ =	shalt  }
0x45: {  	_ =	shalt  }
0x46: {  	_ =	shalt  }
0x47: {  	_ =	shalt  }
0x48: {  	_ =	shalt  }
0x49: {  	_ =	shalt  }
0x4a: {  	_ =	shalt  }
0x4b: {  	_ =	shalt  }
0x4c: {  	_ =	shalt  }
0x4d: {  	_ =	shalt  }
0x4e: {  	_ =	shalt  }
0x4f: {  	_ =	shalt  }
0x50: {  	_ =	shalt  }
0x51: {  	_ =	shalt  }
0x52: {  	_ =	shalt  }
0x53: {  	_ =	shalt  }
0x54: {  	_ =	shalt  }
0x55: {  	_ =	shalt  }
0x56: {  	_ =	shalt  }
0x57: {  	_ =	shalt  }
0x58: {  	_ =	shalt  }
0x59: {  	_ =	shalt  }
0x5a: {  	_ =	shalt  }
0x5b: {  	_ =	shalt  }
0x5c: {  	_ =	shalt  }
0x5d: {  	_ =	shalt  }
0x5e: {  	_ =	shalt  }
0x5f: {  	_ =	shalt  }
0x60: {  	_ =	shalt  }
0x61: {  	_ =	shalt  }
0x62: {  	_ =	shalt  }
0x63: {  	_ =	shalt  }
0x64: {  	_ =	shalt  }
0x65: {  	_ =	shalt  }
0x66: {  	_ =	shalt  }
0x67: {  	_ =	shalt  }
0x68: {  	_ =	shalt  }
0x69: {  	_ =	shalt  }
0x6a: {  	_ =	shalt  }
0x6b: {  	_ =	shalt  }
0x6c: {  	_ =	shalt  }
0x6d: {  	_ =	shalt  }
0x6e: {  	_ =	shalt  }
0x6f: {  	_ =	shalt  }
0x70: {  	_ =	shalt  }
0x71: {  	_ =	shalt  }
0x72: {  	_ =	shalt  }
0x73: {  	_ =	shalt  }
0x74: {  	_ =	shalt  }
0x75: {  	_ =	shalt  }
0x76: {  	_ =	shalt  }
0x77: {  	_ =	shalt  }
0x78: {  	_ =	shalt  }
0x79: {  	_ =	shalt  }
0x7a: {  	_ =	shalt  }
0x7b: {  	_ =	shalt  }
0x7c: {  	_ =	shalt  }
0x7d: {  	_ =	shalt  }
0x7e: {  	_ =	shalt  }
0x7f: {  	_ =	shalt  }
0x80: {  	_ =	shalt  }
0x81: {  	_ =	shalt  }
0x82: {  	_ =	shalt  }
0x83: {  	_ =	shalt  }
0x84: {  	_ =	shalt  }
0x85: {  	_ =	shalt  }
0x86: {  	_ =	shalt  }
0x87: {  	_ =	shalt  }
.Lfunc_end0:
.L_simem_size_0:
called_computation_lowered:
.L_overlay_start_0:
0x88: {  	s2 =	sld [smem:$0x3FD9]  }
0x89: {  	s3 =	sld [smem:$0x3FFE];
	_ =	sdelay $0x1  }
0x8a: {  	s1 =	srdreg.scid  }
0x8b: {  	s0 =	sand.u32 $0x1, s1  }
0x8c: {  	s16 =	sshll.u32 s0, $0xA;
	s2 =	sadd.s32 s3, s2  }
0x8d: {  	s2 =	sadd.s32 s2, s16  }
0x8e: {  	[smem:$0x3FC6] =	sst s2  }
0x8f: {  	_ = 	snop  }
0x90: {  	(tm) =	ssettm $0x1  }
0x91: {  	s17 =	sld [smem:$0x3FFB];
	_ =	sdelay $0x3  }
0x92: {  	_ =	strace s17  }
0x93: {  	s2 =	sld [smem:$0x3FFC];
	_ =	sdelay $0x3  }
0x94: {  	_ =	strace s2  }
0x95: {  	s2 =	sld [smem:$0x3FFD];
	_ =	sdelay $0x3  }
0x96: {  	_ =	strace s2  }
0x97: {  	_ =	strace $0x8FFFFFFF  }
0x98: {  	s18 =	sld [smem:$0x3FDB];
	_ =	sdelay $0x1  }
0x99: {  	s19 =	simm.s32 $_scs_section_size  }
0x9a: {  	s4 =	simm.s32 $_size__tile_overlayer_lowered;
	s5 =	simm.s32 $_tile_overlayer_lowered  }
0x9b: {  	s22 =	simm.s32 $0x1BFF;
	s21 =	sshll.u32 s5, $0x1;
	s2 =	sadd.s32 s19, s18  }
0x9c: {  	s6 =	simm.s32 $0x0;
	s20 =	sshll.u32 s4, $0x1;
	s4 =	sadd.s32 s21, s2  }
0x9d: {  	[timem:s6], [sflag:s22] =	dma.local [hbm:s4], s20  }
0x9e: {  	_ =	swait.ge [sflag:s22], s20  }
0x9f: {  	s3 =	ssub.s32 $0x0, s20;
	[sflag:s22] =	ssyncset.done $0x0  }
0xa0: {  	[sflag:s22] =	ssyncadd.s32 s3;
	_ =	sdelay $0x1  }
0xa1: {  	s23 =	simm.s32 $0x1B8B  }
0xa2: {  	_ =	swait.ge [sflag:s23], $0x1  }
0xa3: {  	[sflag:s23] =	ssyncset.done $0x0  }
0xa4: {  	s25 =	simm.s32 $0x1B8E;
	s24 =	sld [smem:$0x3FFE];
	[sflag:s23] =	ssyncadd.s32 $0xFFFFFFFF  }
0xa5: {  	s26 =	simm.s32 $execute0_lowered;
	[smem:$0x3FD2] =	sst s25  }
0xa6: {  	s4 =	sshll.u32 s26, $0x1;
	_ =	strace $0x80000046;
	[dreg:$0x1] =	wrdreg $0xFFFFFFFF  }
0xa7: {  	s28 =	simm.s32 $_size_execute0_lowered;
	s2 =	sadd.s32 s2, s4;
	[dreg:$0x0] =	wrdreg $0x0  }
0xa8: {  	s4 =	sshll.u32 s28, $0x1;
	[dreg:$0x2] =	wrdreg s2  }
0xa9: {  	[dreg:$0x3] =	wrdreg s4  }
0xaa: {  	[dreg:$0x4] =	wrdreg $0xC0  }
0xab: {  	_ =	task [dreg:s6], $0x5FFFF  }
0xac: {  	[dreg:$0x1] =	wrdreg $0xFFFFFFFF  }
0xad: {  	[dreg:$0x0] =	wrdreg $0x60  }
0xae: {  	[dreg:$0x2] =	wrdreg s24  }
0xaf: {  	[dreg:$0x3] =	wrdreg $0x9  }
0xb0: {  	_ =	task.clear_ibuf [dreg:s6], $0x4FFFF;
	_ =	strace $0x90000046  }
0xb1: {  	s29 =	simm.s32 $0x9;
	_ =	strace $0x80000048  }
0xb2: {  	_ =	swait.ge [sflag:s29], $0x1  }
0xb3: {  	[sflag:s29] =	ssyncadd.s32 $0xFFFFFFFF  }
0xb4: {  	_ =	strace $0x90000048  }
0xb5: {  	_ =	sfence  }
0xb6: {  	s30 =	sld [smem:$0x0];
	_ =	sdelay $0x2  }
0xb7: {  	s31 =	sshll.u32 s1, $0xD;
	s1 =	sshrl.u32 s1, $0x2  }
0xb8: {  	s3 =	sand.u32 $0x4000, s31;
	s1 =	sadd.s32 s1, s30  }
0xb9: {  	s0 =	sor.u32 s3, s0;
	s1 =	sshll.u32 s1, $0x11  }
0xba: {  	s0 =	sor.u32 s1, s0  }
0xbb: {  	s0 =	sadd.s32 $0x8F2B, s0  }
0xbc: {  	[sflag:s0] =	ssyncadd.remote.s32 $0x1  }
0xbd: {  	_ =	sfence.sel $0xFFFF  }
0xbe: {  	[dreg:$0x0] =	wrdreg $0xFFFFFFFF;
	(pc) =	sbr.abs _section_cstart, $3  }
0xbf: {  	[dreg:$0x1] =	wrdreg $0xFFFFFFFF  }
0xc0: {  	_ =	task.clear_ibuf [dreg:s6], $0x2FFFF;
	_ =	strace $0x9FFFFFFF  }
0xc1: {  	(tm) =	ssettm $0x7FFFFFFF  }
tec
execute0_lowered:
.L_overlay_start_1:
0x0: {  	(tag) =	ssettag $0x1  }
0x1: {  	vm0 =	vcmask $0xF00;
	v2 =	vimm.s32 $0xFF  }
0x2: {  	v1 =	vlaneseq.u32;
	v9 =	vimm.s32 $0x0;
	v10 =	vimm.f32 $3.300000000e+01  }
0x3: {  	v11 =	vimm.f32 $2.300000000e+01;
	v16 =	vimm.s32 $0xAFAAA5A0;
	v17 =	vimm.s32 $0xB0ABA6A1  }
0x4: {  	v18 =	vimm.s32 $0xC3BEB9B4;
	v19 =	vimm.s32 $0xC4BFBAB5;
	vm1 =	vcmask $0x1F10  }
0x5: {  	v20 =	vimm.s32 $0xB1ACA7A2;
	v21 =	vimm.s32 $0xB2ADA8A3;
	v22 =	vimm.s32 $0xB3AEA9A4  }
0x6: {  	v23 =	vimm.s32 $0xC6C1BCB7;
	v24 =	vimm.s32 $0xC7C2BDB8;
	v25 =	vimm.s32 $0x37740  }
0x7: {  	v26 =	vimm.s32 $0x2A00;
	vm2 =	vcmask $0xB08;
	v34 =	vimm.s32 $0x0  }
0x8: {  	v35 =	vimm.s32 $0x0;
	v62 =	vimm.s32 $0x0;
	v63 =	vimm.s32 $0x0  }
0x9: {  	v54 =	vimm.s32 $0x15;
	v55 =	vimm.s32 $0x16;
	v56 =	vimm.s32 $0x17  }
0xa: {  	v57 =	vimm.s32 $0x18;
	v58 =	vimm.s32 $0x19;
	v59 =	vimm.s32 $0x1A  }
0xb: {  	v60 =	vimm.s32 $0x1B;
	v61 =	vimm.s32 $0x1C;
	v36 =	vimm.s32 $0x20  }
0xc: {  	v37 =	vimm.s32 $0x21;
	v38 =	vimm.s32 $0x22;
	v39 =	vimm.s32 $0x23  }
0xd: {  	v40 =	vimm.s32 $0x24;
	v41 =	vimm.s32 $0x25;
	v42 =	vimm.s32 $0x26  }
0xe: {  	vm14 =	vmmov $0x7f;
	vm11 =	vmmov $0xff;
	vm13 =	vmmov $0x3ff  }
0xf: {  	vm15 =	vmmov $0x7ff;
	vm12 =	vmmov $0xfff;
	v3 =	vsel vm0, $0x0, v2  }
0x10: {  	v2 =	vmul.u32 $0x5, v1;
	v16 =	vunpack.c.0.s8.s32 v16;
	v17 =	vunpack.c.0.s8.s32 v17  }
0x11: {  	v18 =	vunpack.c.0.s8.s32 v18;
	v19 =	vunpack.c.0.s8.s32 v19;
	v20 =	vunpack.c.0.s8.s32 v20  }
0x12: {  	v21 =	vunpack.c.0.s8.s32 v21;
	v22 =	vunpack.c.0.s8.s32 v22;
	v23 =	vunpack.c.0.s8.s32 v23  }
0x13: {  	s0 =	srdreg.scid;
	s1 =	stileid.u32;
	v24 =	vunpack.c.0.s8.s32 v24;
	v5 =	vadd.s32 $0x1, v2;
	v6 =	vadd.s32 $0x2, v2  }
0x14: {  	s3 =	sand.u32 $0x1, s0;
	s29 =	sshll.u32 s1, $0x1;
	v7 =	vadd.s32 $0x3, v2;
	v8 =	vadd.s32 $0x4, v2;
	v12 =	vadd.s32 $0x50, v2  }
0x15: {  	s4 =	sor.u32 s3, s29;
	v13 =	vadd.s32 $0x51, v2;
	v14 =	vadd.s32 $0x52, v2;
	v15 =	vadd.s32 $0x53, v2  }
0x16: {  	s0 =	sshll.u32 s4, $0x1;
	v16 =	vnsel vm0, $0x0, v16;
	v17 =	vnsel vm0, $0x1, v17;
	v21 =	vnsel vm0, $0x3, v21  }
0x17: {  	v22 =	vnsel vm0, $0x4, v22;
	v0 =	vmov s0;
	v18 =	vsel vm1, v18, v16  }
0x18: {  	v19 =	vsel vm1, v19, v17;
	v16 =	vadd.s32 $0x54, v2;
	v21 =	vsel vm1, v23, v21  }
0x19: {  	v22 =	vsel vm1, v24, v22;
	v0 =	vmul.u32 $0xFF, v0;
	v17 =	vand.u32 $0xFF, v18  }
0x1a: {  	v18 =	vand.u32 $0xFF, v19;
	v19 =	vnsel vm0, $0x2, v20;
	v20 =	vimm.s32 $0xC5C0BBB6  }
0x1b: {  	v21 =	vand.u32 $0xFF, v21;
	vm0 =	vcmask $0x300;
	v20 =	vunpack.c.0.s8.s32 v20  }
0x1c: {  	v22 =	vand.u32 $0xFF, v22;
	v25 =	vsel vm0, $0x34D00, v25;
	v0 =	vbroadcast v0, $0x0  }
0x1d: {  	s30 =	rddreg [dreg:$0x0];
	v26 =	vsel vm0, $0x2800, v26;
	vm0 =	vcmask $0xF0C;
	v20 =	vsel vm1, v20, v19  }
0x1e: {  	s2 =	simm.s32 $0x0;
	s7 =	simm.s32 $0x2;
	s8 =	simm.s32 $0x100;
	v19 =	vmul.u32 $0xA90, v1;
	vm1 =	vcmask $0x704;
	v3 =	vadd.s32 v3, v0  }
0x1f: {  	s9 =	simm.s32 $0x80;
	s10 =	simm.s32 $0x380;
	s11 =	simm.s32 $0x680;
	v4 =	vadd.s32 $0xFF, v0;
	v20 =	vand.u32 $0xFF, v20;
	v27 =	vsel vm1, $0x35790, v25  }
0x20: {  	s12 =	simm.s32 $0x400;
	s13 =	simm.s32 $0x4680;
	s14 =	simm.s32 $0x480;
	v26 =	vsel vm1, $0x2880, v26;
	v23 =	vadd.s32 $0xA900, v19;
	v24 =	vadd.s32 $0x15200, v19  }
0x21: {  	s15 =	simm.s32 $0x8680;
	s16 =	simm.s32 $0x500;
	s17 =	simm.s32 $0xC680;
	v25 =	vadd.s32 $0x1FB00, v19;
	v28 =	vsel vm2, $0x36220, v27;
	v29 =	vsel vm2, $0x2900, v26  }
0x22: {  	s18 =	simm.s32 $0x580;
	s19 =	simm.s32 $0x10680;
	s20 =	simm.s32 $0x600;
	v28 =	vsel vm0, $0x36CB0, v28;
	v29 =	vsel vm0, $0x2980, v29;
	vm0 =	vmmov $0xf  }
0x23: {  	s21 =	simm.s32 $0x14680;
	s22 =	simm.s32 $0x1;
	s31 =	smul.u32 $0x19, s4;
	v26 =	vmul.u32 $0x80, v1;
	v34 =	vsel vm0, $0xFFFFFFFF, v34;
	vm0 =	vmmov $0x1  }
0x24: {  	s23 =	simm.s32 $0x180;
	s24 =	simm.s32 $0x18680;
	s4 =	smul.u32 $0x1E0, s4;
	v27 =	vadd.s32 $0x2A400, v19;
	[tilespmem:$0x1FFC0] =	vst v34;
	v35 =	vsel vm0, $0xFFFFFFFF, v35;
	vm0 =	vmmov $0x3  }
0x25: {  	s25 =	simm.s32 $0x0;
	[smem:$0x7FF] =	sst s2;
	s5 =	ssub.s32 $0x2, s3;
	vm2 =	vmmov $0x1f;
	[tilespmem:$0x1FFD0] =	vst v35;
	v35 =	vsel vm0, $0xFFFFFFFF, v62;
	vm0 =	vmmov $0x7  }
0x26: {  	s3 =	sadd.s32 $0xDF2800, s30;
	s6 =	sshrl.u32 s5, $0x1;
	s0 =	sadd.s32 s4, s30;
	v30 =	vor.u32 $0x2000, v26;
	v31 =	vor.u32 $0x1800, v26;
	[tilespmem:$0x1FFE0] =	vst v35;
	v35 =	vsel vm0, $0xFFFFFFFF, v63  }
0x27: {  	s6 =	ssub.s32 s5, s6;
	s1 =	sadd.s32 s31, s30;
	s5 =	sadd.s32 $0x1335400, s0;
	v32 =	vor.u32 $0x1000, v26;
	v33 =	vor.u32 $0x800, v26;
	v34 =	vimm.f32 $0.0e+00;
	[tilespmem:$0x1FFF0] =	vst v35  }
0x28: {  	s6 =	smax.u32 s6, $0x1;
	s4 =	sadd.s32 $0x400, s1;
	v62 =	vimm.s32 $0x1D;
	v63 =	vimm.s32 $0x1E;
	v35 =	vimm.s32 $0x1F;
	_ =	strace $0x80000047  }
.LBB2_1:
0x29: {  	[tilespmem:s2], [sflag:$0x2] =	stream.linear.gather [hbm4b:s4+s2], $0xC8, $0x38;
	[tilespmem:$0x19580] =	vst v63  }
0x2a: {  	_ =	swait.ge [sflag:s7], $0xC8  }
0x2b: {  	[sflag:s7] =	ssyncset.done $0x0  }
0x2c: {  	[sflag:s7] =	ssyncadd.s32 $0xFFFFFF38  }
0x2d: {  	v43 =	vld.idx.msk [tilespmem:v6+s2+$0x0], $0xffff  }
0x2e: {  	v44 =	vld.idx.msk [tilespmem:v7+s2+$0x0], $0xffff;
	_ =	sdelay $0x4  }
0x2f: {  	v45 =	vmul.f32 v44, v43  }
0x30: {  	v46 =	vmin.f32 v43, $2.403846200e-02;
	v47 =	vmin.f32 v44, $3.125000000e-02  }
0x31: {  	v46 =	vmul.f32 v47, v46;
	v51 =	vadd.f32 $7.512019370e-04, v45  }
0x32: {  	v48 =	vmin.f32 v43, $3.846153990e-02;
	v49 =	vmin.f32 v44, $7.211538400e-02  }
0x33: {  	v48 =	vmul.f32 v49, v48;
	v49 =	vadd.f32 $2.773668620e-03, v45;
	v47 =	vsub.f32 v51, v46  }
0x34: {  	v50 =	vmin.f32 v43, $7.932692020e-02;
	v45 =	vadd.f32 $4.385863430e-03, v45;
	v51 =	vmin.f32 v44, $5.528846010e-02  }
0x35: {  	v49 =	vsub.f32 v49, v48;
	v50 =	vmul.f32 v51, v50;
	v47 =	vadd.f32 $1.000000020e-16, v47;
	_ =	sdelay $0x1  }
0x36: {  	v52 =	vadd.f32 $1.000000020e-16, v49;
	v45 =	vsub.f32 v45, v50;
	(erf) = vrcp.f32 v47;
	_ =	sdelay $0x1  }
0x37: {  	(erf) = vrcp.f32 v52;
	v45 =	vadd.f32 $1.000000020e-16, v45;
	_ =	sdelay $0x1  }
0x38: {  	(erf) = vrcp.f32 v45;
	_ =	sdelay $0x4  }
0x39: {  	v53 =	vpop (erf)  }
0x3a: {  	v45 =	vmul.f32 v53, v46  }
0x3b: {  	v49 =	vpop (erf)  }
0x3c: {  	v46 =	vmul.f32 v49, v48;
	vm1 =	vgt.f32 v45, $-1.000000000e+00  }
0x3d: {  	v51 =	vpop (erf);
	v45 =	vnsel vm1, $0xBF800000, v45  }
0x3e: {  	v47 =	vmul.f32 v51, v50;
	vm1 =	vgt.f32 v46, v45  }
0x3f: {  	v45 =	vsel vm1, v46, v45  }
0x40: {  	vm3 =	vgt.f32 v47, v45;
	v45 =	vld.idx.msk [tilespmem:v5+s2+$0x0], $0xffff  }
0x41: {  	v52 =	vsel vm1, $0x1, v9;
	vm3 =	vmneg vm3  }
0x42: {  	v47 =	vld.idx.msk [tilespmem:v2+s2+$0x0], $0xffff;
	v46 =	vnsel vm3, $0x2, v52;
	vm1 =	vmand vm1, vm3  }
0x43: {  	vm3 =	veq.s32 v46, $0x0;
	v53 =	vsel vm1, $0x41800000, v10  }
0x44: {  	v52 =	vsel vm1, $0x41F00000, v11;
	v48 =	vsel vm3, $0x41200000, v53  }
0x45: {  	v49 =	vsel vm3, $0x41500000, v52;
	(erf) = vrcp.f32 v48;
	v45 =	vmul.f32 $5.200000000e+01, v45  }
0x46: {  	(erf) = vrcp.f32 v49  }
0x47: {  	v47 =	vmul.f32 $5.200000000e+01, v47;
	v53 =	vtrunc.f32 v45  }
0x48: {  	v48 =	vcvt.f32.s32 v53  }
0x49: {  	v49 =	vmul.u32 $0x55, v46;
	v50 =	vtrunc.f32 v47  }
0x4a: {  	v50 =	vcvt.f32.s32 v50;
	v52 =	vmul.u32 $0x34, v48  }
0x4b: {  	v51 =	vld.idx.msk [tilespmem:v8+s2+$0x0], $0xffff;
	v49 =	vadd.s32 v0, v49  }
0x4c: {  	v49 =	vmul.u32 $0xA90, v49;
	v52 =	vadd.s32 v50, v52  }
0x4d: {  	v46 =	vmul.u32 $0xA90, v46;
	v48 =	vcvt.s32.f32 v48  }
0x4e: {  	v50 =	vcvt.s32.f32 v50;
	v49 =	vadd.s32 v52, v49;
	v53 =	vpop (erf)  }
0x4f: {  	v45 =	vsub.f32 v45, v48;
	v46 =	vadd.s32 v52, v46;
	[tilespmem:$0x100] =	vst v49;
	v43 =	vmul.f32 v53, v43;
	v52 =	vpop (erf)  }
0x50: {  	v47 =	vsub.f32 v47, v50;
	[tilespmem:$0x180] =	vst v46;
	v53 =	vtrunc.f32 v51;
	v44 =	vmul.f32 v52, v44  }
0x51: {  	[tilespmem:$0x230] =	vst v45;
	v46 =	vcvt.f32.s32 v53;
	v43 =	vmul.f32 $4.160000000e+02, v43  }
0x52: {  	[tilespmem:$0x200] =	vst v47;
	v44 =	vmul.f32 $4.160000000e+02, v44  }
0x53: {  	v48 =	vcvt.s32.f32 v46;
	[tilespmem:$0x260] =	vst v43  }
0x54: {  	[tilespmem:$0x290] =	vst v44  }
0x55: {  	[tilespmem:$0x2C0] =	vst v48  }
0x56: {  	v43 =	vld.idx.msk [tilespmem:v14+s2+$0x0], $0xffff  }
0x57: {  	v44 =	vld.idx.msk [tilespmem:v15+s2+$0x0], $0xffff;
	_ =	sdelay $0x4  }
0x58: {  	v45 =	vmul.f32 v44, v43  }
0x59: {  	v49 =	vmin.f32 v43, $2.403846200e-02;
	v50 =	vmin.f32 v44, $3.125000000e-02  }
0x5a: {  	v46 =	vmul.f32 v50, v49;
	v51 =	vadd.f32 $7.512019370e-04, v45  }
0x5b: {  	v52 =	vmin.f32 v43, $3.846153990e-02;
	v53 =	vmin.f32 v44, $7.211538400e-02  }
0x5c: {  	v48 =	vmul.f32 v53, v52;
	v49 =	vadd.f32 $2.773668620e-03, v45;
	v47 =	vsub.f32 v51, v46  }
0x5d: {  	v50 =	vmin.f32 v43, $7.932692020e-02;
	v45 =	vadd.f32 $4.385863430e-03, v45;
	v51 =	vmin.f32 v44, $5.528846010e-02  }
0x5e: {  	v49 =	vsub.f32 v49, v48;
	v50 =	vmul.f32 v51, v50;
	v47 =	vadd.f32 $1.000000020e-16, v47;
	_ =	sdelay $0x1  }
0x5f: {  	v52 =	vadd.f32 $1.000000020e-16, v49;
	v45 =	vsub.f32 v45, v50;
	(erf) = vrcp.f32 v47;
	_ =	sdelay $0x1  }
0x60: {  	(erf) = vrcp.f32 v52;
	v45 =	vadd.f32 $1.000000020e-16, v45;
	_ =	sdelay $0x1  }
0x61: {  	(erf) = vrcp.f32 v45;
	_ =	sdelay $0x4  }
0x62: {  	v53 =	vpop (erf)  }
0x63: {  	v45 =	vmul.f32 v53, v46  }
0x64: {  	v49 =	vpop (erf)  }
0x65: {  	v46 =	vmul.f32 v49, v48;
	vm1 =	vgt.f32 v45, $-1.000000000e+00  }
0x66: {  	v51 =	vpop (erf);
	v45 =	vnsel vm1, $0xBF800000, v45  }
0x67: {  	v47 =	vmul.f32 v51, v50;
	vm1 =	vgt.f32 v46, v45  }
0x68: {  	v45 =	vsel vm1, v46, v45  }
0x69: {  	vm3 =	vgt.f32 v47, v45;
	v45 =	vld.idx.msk [tilespmem:v13+s2+$0x0], $0xffff  }
0x6a: {  	v52 =	vsel vm1, $0x1, v9;
	vm3 =	vmneg vm3  }
0x6b: {  	v47 =	vld.idx.msk [tilespmem:v12+s2+$0x0], $0xffff;
	v46 =	vnsel vm3, $0x2, v52;
	vm1 =	vmand vm1, vm3  }
0x6c: {  	vm3 =	veq.s32 v46, $0x0;
	v53 =	vsel vm1, $0x41800000, v10  }
0x6d: {  	v52 =	vsel vm1, $0x41F00000, v11;
	v48 =	vsel vm3, $0x41200000, v53  }
0x6e: {  	v49 =	vsel vm3, $0x41500000, v52;
	(erf) = vrcp.f32 v48;
	v45 =	vmul.f32 $5.200000000e+01, v45  }
0x6f: {  	(erf) = vrcp.f32 v49  }
0x70: {  	v47 =	vmul.f32 $5.200000000e+01, v47;
	v53 =	vtrunc.f32 v45  }
0x71: {  	v48 =	vcvt.f32.s32 v53  }
0x72: {  	v49 =	vmul.u32 $0x55, v46;
	v50 =	vtrunc.f32 v47  }
0x73: {  	v50 =	vcvt.f32.s32 v50;
	v52 =	vmul.u32 $0x34, v48  }
0x74: {  	v51 =	vld.idx.msk [tilespmem:v16+s2+$0x0], $0xffff;
	v49 =	vadd.s32 v49, v3  }
0x75: {  	v49 =	vmul.u32 $0xA90, v49;
	v52 =	vadd.s32 v50, v52  }
0x76: {  	v46 =	vmul.u32 $0xA90, v46;
	v48 =	vcvt.s32.f32 v48  }
0x77: {  	v50 =	vcvt.s32.f32 v50;
	v49 =	vadd.s32 v52, v49;
	v53 =	vpop (erf)  }
0x78: {  	v45 =	vsub.f32 v45, v48;
	v46 =	vadd.s32 v52, v46;
	[tilespmem:$0x110] =	vst v49;
	v43 =	vmul.f32 v53, v43;
	v52 =	vpop (erf)  }
0x79: {  	v47 =	vsub.f32 v47, v50;
	[tilespmem:$0x190] =	vst v46;
	v53 =	vtrunc.f32 v51;
	v44 =	vmul.f32 v52, v44  }
0x7a: {  	[tilespmem:$0x240] =	vst v45;
	v46 =	vcvt.f32.s32 v53;
	v43 =	vmul.f32 $4.160000000e+02, v43  }
0x7b: {  	[tilespmem:$0x210] =	vst v47;
	v44 =	vmul.f32 $4.160000000e+02, v44  }
0x7c: {  	v48 =	vcvt.s32.f32 v46;
	[tilespmem:$0x270] =	vst v43  }
0x7d: {  	[tilespmem:$0x2A0] =	vst v44  }
0x7e: {  	[tilespmem:$0x2D0] =	vst v48  }
0x7f: {  	v43 =	vld.idx.msk [tilespmem:v20+s2+$0x0], $0xffff  }
0x80: {  	v44 =	vld.idx.msk [tilespmem:v21+s2+$0x0], $0xffff;
	_ =	sdelay $0x4  }
0x81: {  	v45 =	vmul.f32 v44, v43  }
0x82: {  	v49 =	vmin.f32 v43, $2.403846200e-02;
	v50 =	vmin.f32 v44, $3.125000000e-02  }
0x83: {  	v46 =	vmul.f32 v50, v49;
	v51 =	vadd.f32 $7.512019370e-04, v45  }
0x84: {  	v52 =	vmin.f32 v43, $3.846153990e-02;
	v53 =	vmin.f32 v44, $7.211538400e-02  }
0x85: {  	v48 =	vmul.f32 v53, v52;
	v49 =	vadd.f32 $2.773668620e-03, v45;
	v47 =	vsub.f32 v51, v46  }
0x86: {  	v50 =	vmin.f32 v43, $7.932692020e-02;
	v45 =	vadd.f32 $4.385863430e-03, v45;
	v51 =	vmin.f32 v44, $5.528846010e-02  }
0x87: {  	v49 =	vsub.f32 v49, v48;
	v50 =	vmul.f32 v51, v50;
	v47 =	vadd.f32 $1.000000020e-16, v47;
	_ =	sdelay $0x1  }
0x88: {  	v51 =	vadd.f32 $1.000000020e-16, v49;
	v45 =	vsub.f32 v45, v50;
	(erf) = vrcp.f32 v47;
	_ =	sdelay $0x1  }
0x89: {  	(erf) = vrcp.f32 v51;
	v45 =	vadd.f32 $1.000000020e-16, v45;
	_ =	sdelay $0x1  }
0x8a: {  	(erf) = vrcp.f32 v45;
	_ =	sdelay $0x4  }
0x8b: {  	v52 =	vpop (erf)  }
0x8c: {  	v45 =	vmul.f32 v52, v46  }
0x8d: {  	v53 =	vpop (erf)  }
0x8e: {  	v46 =	vmul.f32 v53, v48;
	vm1 =	vgt.f32 v45, $-1.000000000e+00  }
0x8f: {  	v49 =	vpop (erf);
	v45 =	vnsel vm1, $0xBF800000, v45  }
0x90: {  	v47 =	vmul.f32 v49, v50;
	vm1 =	vgt.f32 v46, v45  }
0x91: {  	v45 =	vsel vm1, v46, v45  }
0x92: {  	vm3 =	vgt.f32 v47, v45;
	v45 =	vld.idx.msk [tilespmem:v18+s2+$0x0], $0xffff  }
0x93: {  	v51 =	vsel vm1, $0x1, v9;
	vm3 =	vmneg vm3  }
0x94: {  	v47 =	vld.idx.msk [tilespmem:v17+s2+$0x0], $0xffff;
	v46 =	vnsel vm3, $0x2, v51;
	vm1 =	vmand vm1, vm3  }
0x95: {  	vm3 =	veq.s32 v46, $0x0;
	v52 =	vsel vm1, $0x41800000, v10  }
0x96: {  	v53 =	vsel vm1, $0x41F00000, v11;
	v48 =	vsel vm3, $0x41200000, v52  }
0x97: {  	v49 =	vsel vm3, $0x41500000, v53;
	(erf) = vrcp.f32 v48;
	v45 =	vmul.f32 $5.200000000e+01, v45  }
0x98: {  	(erf) = vrcp.f32 v49  }
0x99: {  	v47 =	vmul.f32 $5.200000000e+01, v47;
	v52 =	vtrunc.f32 v45  }
0x9a: {  	v51 =	vld.idx.msk [tilespmem:v22+s2+$0x0], $0xffff;
	v48 =	vcvt.f32.s32 v52  }
0x9b: {  	v49 =	vmul.u32 $0x55, v46;
	v50 =	vtrunc.f32 v47  }
0x9c: {  	v50 =	vcvt.f32.s32 v50;
	v52 =	vmul.u32 $0x34, v48  }
0x9d: {  	v46 =	vmul.u32 $0xA90, v46;
	v49 =	vadd.s32 v49, v4;
	v48 =	vcvt.s32.f32 v48  }
0x9e: {  	v49 =	vmul.u32 $0xA90, v49;
	v52 =	vadd.s32 v50, v52;
	v50 =	vcvt.s32.f32 v50  }
0x9f: {  	v45 =	vsub.f32 v45, v48;
	v48 =	vtrunc.f32 v51;
	v46 =	vadd.s32 v52, v46  }
0xa0: {  	v49 =	vadd.s32 v52, v49;
	v53 =	vpop (erf);
	[tilespmem:$0x1A0] =	vst v46;
	v46 =	vcvt.f32.s32 v48  }
0xa1: {  	[tilespmem:$0x120] =	vst v49;
	v47 =	vsub.f32 v47, v50;
	v43 =	vmul.f32 v53, v43;
	v53 =	vpop (erf)  }
0xa2: {  	v49 =	vmov s2;
	[tilespmem:$0x250] =	vst v45;
	v44 =	vmul.f32 v53, v44;
	v50 =	vcvt.s32.f32 v46  }
0xa3: {  	[tilespmem:$0x220] =	vst v47;
	v43 =	vmul.f32 $4.160000000e+02, v43  }
0xa4: {  	v44 =	vmul.f32 $4.160000000e+02, v44;
	[tilespmem:$0x2E0] =	vst v50  }
0xa5: {  	[tilespmem:$0x280] =	vst v43  }
0xa6: {  	[tilespmem:$0x2B0] =	vst v44  }
0xa7: {  	v45 =	vld.idx.msk [tilespmem:v49+s8+$0x0], $0xffff;
	_ =	sdelay $0x2  }
0xa8: {  	s0 =	simm.s32 $0x1  }
0xa9: {  	v43 =	vmov s0  }
0xaa: {  	v51 =	vadd.s32 v19, v45;
	v52 =	vadd.s32 v23, v45;
	v47 =	vadd.s32 v24, v45  }
0xab: {  	s1 =	simm.s32 $0x3B0;
	v53 =	vshra.s32 v51, $0x7;
	v46 =	vshra.s32 v52, $0x7;
	v44 =	vshra.s32 v47, $0x7  }
0xac: {  	v52 =	vadd.s32 v25, v45;
	[tilespmem:s1+$0xFFFFFFD0] =	vst v53;
	v53 =	vadd.s32 v27, v45;
	v45 =	vadd.s32 v28, v45  }
0xad: {  	s26 =	simm.s32 $0x2;
	[tilespmem:s1+$0xFFFFFFE0] =	vst v46;
	v47 =	vshra.s32 v52, $0x7;
	v46 =	vshra.s32 v53, $0x7;
	v45 =	vshra.s32 v45, $0x7  }
.LBB2_2:
0xae: {  	p0 =	sne.s32 s26, $0x7;
	[tilespmem:s1+$0xFFFFFFF0] =	vst v44  }
0xaf: {  	[tilespmem:s1+$0x0] =	vst v47  }
0xb0: {  	[tilespmem:s1+$0x10] =	vst v46  }
0xb1: {  	[tilespmem:s1+$0x20] =	vst v45  }
0xb2: {  	v45 =	vld.idx.msk [tilespmem:v43+s8+$0x0], $0xffff;
	_ =	sdelay $0x4  }
.Ltmp0:
0xb3: {  	v43 =	vmov s26;
	(pc) =	sbr.rel @p0 .LBB2_2-.Ltmp0, $4  }
0xb4: {  	v44 =	vadd.s32 v19, v45;
	v46 =	vadd.s32 v23, v45;
	v47 =	vadd.s32 v24, v45  }
0xb5: {  	s1 =	sadd.s32 $0x60, s1;
	v48 =	vshra.s32 v44, $0x7;
	v46 =	vshra.s32 v46, $0x7;
	v44 =	vshra.s32 v47, $0x7  }
0xb6: {  	v47 =	vadd.s32 v25, v45;
	[tilespmem:s1+$0xFFFFFFD0] =	vst v48;
	v48 =	vadd.s32 v27, v45;
	v45 =	vadd.s32 v28, v45  }
0xb7: {  	s26 =	sadd.s32 $0x1, s26;
	v47 =	vshra.s32 v47, $0x7;
	[tilespmem:s1+$0xFFFFFFE0] =	vst v46;
	v46 =	vshra.s32 v48, $0x7;
	v45 =	vshra.s32 v45, $0x7  }
0xb8: {  	[tilespmem:s1+$0xFFFFFFF0] =	vst v44  }
0xb9: {  	[tilespmem:s1+$0x0] =	vst v47  }
0xba: {  	[tilespmem:s1+$0x10] =	vst v46  }
0xbb: {  	[tilespmem:s1+$0x20] =	vst v45  }
0xbc: {  	v43 =	vld.idx.msk [tilespmem:v43+s8+$0x0], $0xffff;
	_ =	sdelay $0x4  }
0xbd: {  	v53 =	vadd.s32 v19, v43  }
0xbe: {  	s0 =	sadd.s32 $0x60, s1;
	v48 =	vadd.s32 v23, v43;
	v44 =	vshra.s32 v53, $0x7  }
0xbf: {  	v49 =	vadd.s32 v24, v43;
	v45 =	vshra.s32 v48, $0x7;
	[tilespmem:s0+$0xFFFFFFD0] =	vst v44  }
0xc0: {  	v51 =	vadd.s32 v25, v43;
	v50 =	vshra.s32 v49, $0x7;
	[tilespmem:s0+$0xFFFFFFE0] =	vst v45  }
0xc1: {  	v52 =	vadd.s32 v27, v43;
	v46 =	vshra.s32 v51, $0x7;
	[tilespmem:s0+$0xFFFFFFF0] =	vst v50  }
0xc2: {  	v43 =	vadd.s32 v28, v43;
	v53 =	vshra.s32 v52, $0x7;
	[tilespmem:s0+$0x0] =	vst v46  }
0xc3: {  	v43 =	vshra.s32 v43, $0x7;
	[tilespmem:s0+$0x10] =	vst v53  }
0xc4: {  	[tilespmem:s0+$0x20] =	vst v43  }
0xc5: {  	[tilespmem:s11], [sflag:$0x1] =	stream.indirect.gather [hbm4b:s3+s9], $0x80, s10, s9, $0xb8;
	[tilespmem:$0x19580] =	vst v63  }
0xc6: {  	_ = 	snop  }
0xc7: {  	[tilespmem:s13], [sflag:$0x1] =	stream.indirect.gather [hbm4b:s3+s9], $0x80, s12, s9, $0xb8;
	[tilespmem:$0x19580] =	vst v63  }
0xc8: {  	_ = 	snop  }
0xc9: {  	[tilespmem:s15], [sflag:$0x1] =	stream.indirect.gather [hbm4b:s3+s9], $0x80, s14, s9, $0xb8;
	[tilespmem:$0x19580] =	vst v63  }
0xca: {  	_ = 	snop  }
0xcb: {  	[tilespmem:s17], [sflag:$0x1] =	stream.indirect.gather [hbm4b:s3+s9], $0x80, s16, s9, $0xb8;
	[tilespmem:$0x19580] =	vst v63  }
0xcc: {  	_ = 	snop  }
0xcd: {  	[tilespmem:s19], [sflag:$0x1] =	stream.indirect.gather [hbm4b:s3+s9], $0x80, s18, s9, $0xb8;
	[tilespmem:$0x19580] =	vst v63  }
0xce: {  	_ = 	snop  }
0xcf: {  	[tilespmem:s21], [sflag:$0x1] =	stream.indirect.gather [hbm4b:s3+s9], $0x80, s20, s9, $0xb8;
	[tilespmem:$0x19580] =	vst v63  }
0xd0: {  	_ =	swait.ge [sflag:s22], $0x4000  }
0xd1: {  	[sflag:s22] =	ssyncset.done $0x0  }
0xd2: {  	[sflag:s22] =	ssyncadd.s32 $0xFFFFC000  }
0xd3: {  	_ =	swait.ge [sflag:s22], $0x4000  }
0xd4: {  	[sflag:s22] =	ssyncset.done $0x0  }
0xd5: {  	[sflag:s22] =	ssyncadd.s32 $0xFFFFC000  }
0xd6: {  	_ =	swait.ge [sflag:s22], $0x4000  }
0xd7: {  	[sflag:s22] =	ssyncset.done $0x0  }
0xd8: {  	[sflag:s22] =	ssyncadd.s32 $0xFFFFC000  }
0xd9: {  	_ =	swait.ge [sflag:s22], $0x4000  }
0xda: {  	[sflag:s22] =	ssyncset.done $0x0  }
0xdb: {  	[sflag:s22] =	ssyncadd.s32 $0xFFFFC000  }
0xdc: {  	_ =	swait.ge [sflag:s22], $0x4000  }
0xdd: {  	[sflag:s22] =	ssyncset.done $0x0  }
0xde: {  	[sflag:s22] =	ssyncadd.s32 $0xFFFFC000  }
0xdf: {  	_ =	swait.ge [sflag:s22], $0x4000  }
0xe0: {  	s1 =	simm.s32 $0x0;
	s26 =	simm.s32 $0x186B0;
	[sflag:s22] =	ssyncset.done $0x0  }
0xe1: {  	s28 =	simm.s32 $0x0;
	s29 =	simm.s32 $0x0;
	[sflag:s22] =	ssyncadd.s32 $0xFFFFC000  }
.LBB2_4:
0xe2: {  	v43 =	vmov s29;
	_ =	sdelay $0x4  }
0xe3: {  	v43 =	vld.idx.msk [tilespmem:v43+s8+$0x0], $0xffff;
	_ =	sdelay $0x3  }
0xe4: {  	v44 =	vmov s28  }
0xe5: {  	v44 =	vshll.u32 v44, $0x7;
	v45 =	vadd.s32 v19, v43  }
0xe6: {  	v46 =	vor.u32 v26, v44;
	v45 =	vand.u32 $0x7F, v45  }
0xe7: {  	v45 =	vor.u32 v46, v45;
	_ =	sdelay $0x3  }
0xe8: {  	v53 =	vadd.s32 v23, v43  }
0xe9: {  	v47 =	vor.u32 v33, v44;
	v46 =	vand.u32 $0x7F, v53;
	v45 =	vld.idx.msk [tilespmem:v45+s11+$0x0], $0xffff  }
0xea: {  	v46 =	vor.u32 v47, v46;
	_ =	sdelay $0x3  }
0xeb: {  	v48 =	vadd.s32 v24, v43;
	[tilespmem:s26+$0xFFFFFFD0] =	vst v45  }
0xec: {  	v49 =	vadd.s32 v32, v44;
	v45 =	vand.u32 $0x7F, v48;
	v46 =	vld.idx.msk [tilespmem:v46+s11+$0x0], $0xffff  }
0xed: {  	v45 =	vor.u32 v49, v45;
	_ =	sdelay $0x3  }
0xee: {  	v50 =	vadd.s32 v25, v43;
	[tilespmem:s26+$0xFFFFFFE0] =	vst v46  }
0xef: {  	v51 =	vadd.s32 v31, v44;
	v46 =	vand.u32 $0x7F, v50;
	v45 =	vld.idx.msk [tilespmem:v45+s11+$0x0], $0xffff  }
0xf0: {  	v46 =	vor.u32 v51, v46;
	_ =	sdelay $0x3  }
0xf1: {  	v52 =	vadd.s32 v27, v43;
	[tilespmem:s26+$0xFFFFFFF0] =	vst v45  }
0xf2: {  	v53 =	vadd.s32 v30, v44;
	v45 =	vand.u32 $0x7F, v52;
	v46 =	vld.idx.msk [tilespmem:v46+s11+$0x0], $0xffff  }
0xf3: {  	v45 =	vor.u32 v53, v45;
	_ =	sdelay $0x3  }
0xf4: {  	v43 =	vadd.s32 v28, v43;
	[tilespmem:s26+$0x0] =	vst v46  }
0xf5: {  	v43 =	vand.u32 $0x7F, v43;
	v44 =	vadd.s32 v29, v44;
	v45 =	vld.idx.msk [tilespmem:v45+s11+$0x0], $0xffff  }
0xf6: {  	v43 =	vor.u32 v44, v43;
	_ =	sdelay $0x3  }
0xf7: {  	[tilespmem:s26+$0x10] =	vst v45  }
0xf8: {  	v43 =	vld.idx.msk [tilespmem:v43+s11+$0x0], $0xffff  }
0xf9: {  	p0 =	sne.s32 s29, $0x7  }
.Ltmp1:
0xfa: {  	_ = 	snop;
	(pc) =	sbr.rel @p0 .LBB2_4-.Ltmp1, $3  }
0xfb: {  	_ =	sdelay $0x1  }
0xfc: {  	v43 =	vnsel vm2, $0x0, v43  }
0xfd: {  	s28 =	sadd.s32 $0x60, s28;
	s29 =	sadd.s32 $0x1, s29;
	[tilespmem:s26+$0x20] =	vst v43;
	s26 =	sadd.s32 $0x60, s26  }
0xfe: {  	v43 =	vmov s1  }
0xff: {  	v43 =	vadd.s32 $0x8, v43  }
0x100: {  	v43 =	vbroadcast v43, $0x0;
	_ =	sdelay $0x5  }
0x101: {  	v43 =	vld.idx.msk [tilespmem:v43+s8+$0x0], $0xffff;
	_ =	sdelay $0x3  }
0x102: {  	s0 =	simm.s32 $0x1  }
0x103: {  	v44 =	vmov s0;
	v45 =	vadd.s32 v19, v43  }
0x104: {  	s1 =	simm.s32 $0x3B0;
	v44 =	vadd.s32 $0x8, v44;
	v46 =	vadd.s32 v23, v43;
	v45 =	vshra.s32 v45, $0x7  }
0x105: {  	v44 =	vbroadcast v44, $0x0;
	v47 =	vadd.s32 v24, v43;
	v46 =	vshra.s32 v46, $0x7;
	[tilespmem:s1+$0xFFFFFFD0] =	vst v45  }
0x106: {  	v50 =	vadd.s32 v25, v43;
	v49 =	vshra.s32 v47, $0x7;
	[tilespmem:s1+$0xFFFFFFE0] =	vst v46  }
0x107: {  	v51 =	vadd.s32 v27, v43;
	v47 =	vshra.s32 v50, $0x7;
	[tilespmem:s1+$0xFFFFFFF0] =	vst v49  }
0x108: {  	v43 =	vadd.s32 v28, v43;
	v52 =	vshra.s32 v51, $0x7;
	[tilespmem:s1+$0x0] =	vst v47  }
0x109: {  	v43 =	vshra.s32 v43, $0x7;
	[tilespmem:s1+$0x10] =	vst v52  }
0x10a: {  	[tilespmem:s1+$0x20] =	vst v43  }
0x10b: {  	v44 =	vld.idx.msk [tilespmem:v44+s8+$0x0], $0xffff  }
0x10c: {  	s31 =	simm.s32 $0x2  }
0x10d: {  	v53 =	vmov s31  }
0x10e: {  	v43 =	vadd.s32 $0x8, v53  }
0x10f: {  	v43 =	vbroadcast v43, $0x0  }
0x110: {  	s26 =	simm.s32 $0x3;
	v47 =	vadd.s32 v19, v44;
	v46 =	vadd.s32 v23, v44;
	v45 =	vadd.s32 v24, v44  }
.LBB2_6:
0x111: {  	p0 =	sne.s32 s26, $0x7;
	v47 =	vshra.s32 v47, $0x7;
	v46 =	vshra.s32 v46, $0x7;
	v45 =	vshra.s32 v45, $0x7;
	s1 =	sadd.s32 $0x60, s1  }
0x112: {  	v48 =	vadd.s32 v27, v44;
	[tilespmem:s1+$0xFFFFFFD0] =	vst v47;
	v47 =	vadd.s32 v25, v44;
	v44 =	vadd.s32 v28, v44  }
0x113: {  	[tilespmem:s1+$0xFFFFFFE0] =	vst v46;
	v46 =	vshra.s32 v47, $0x7;
	v47 =	vshra.s32 v48, $0x7;
	v44 =	vshra.s32 v44, $0x7  }
0x114: {  	[tilespmem:s1+$0xFFFFFFF0] =	vst v45  }
0x115: {  	[tilespmem:s1+$0x0] =	vst v46  }
0x116: {  	[tilespmem:s1+$0x10] =	vst v47  }
0x117: {  	[tilespmem:s1+$0x20] =	vst v44  }
0x118: {  	v44 =	vld.idx.msk [tilespmem:v43+s8+$0x0], $0xffff;
	_ =	sdelay $0x1  }
.Ltmp2:
0x119: {  	(pc) =	sbr.rel @p0 .LBB2_6-.Ltmp2, $4  }
0x11a: {  	v43 =	vmov s26  }
0x11b: {  	v43 =	vadd.s32 $0x8, v43  }
0x11c: {  	v43 =	vbroadcast v43, $0x0  }
0x11d: {  	s26 =	sadd.s32 $0x1, s26;
	v47 =	vadd.s32 v19, v44;
	v46 =	vadd.s32 v23, v44;
	v45 =	vadd.s32 v24, v44  }
0x11e: {  	v47 =	vshra.s32 v47, $0x7;
	s0 =	sadd.s32 $0x60, s1  }
0x11f: {  	v46 =	vshra.s32 v46, $0x7;
	[tilespmem:s0+$0xFFFFFFD0] =	vst v47  }
0x120: {  	v45 =	vshra.s32 v45, $0x7;
	v50 =	vadd.s32 v25, v44;
	[tilespmem:s0+$0xFFFFFFE0] =	vst v46  }
0x121: {  	v51 =	vadd.s32 v27, v44;
	v47 =	vshra.s32 v50, $0x7;
	[tilespmem:s0+$0xFFFFFFF0] =	vst v45  }
0x122: {  	v52 =	vadd.s32 v28, v44;
	v53 =	vshra.s32 v51, $0x7;
	[tilespmem:s0+$0x0] =	vst v47  }
0x123: {  	v44 =	vshra.s32 v52, $0x7;
	[tilespmem:s0+$0x10] =	vst v53  }
0x124: {  	[tilespmem:s0+$0x20] =	vst v44  }
0x125: {  	v43 =	vld.idx.msk [tilespmem:v43+s8+$0x0], $0xffff;
	_ =	sdelay $0x4  }
0x126: {  	v48 =	vadd.s32 v19, v43  }
0x127: {  	s0 =	sadd.s32 $0x60, s0;
	v49 =	vadd.s32 v23, v43;
	v44 =	vshra.s32 v48, $0x7  }
0x128: {  	v50 =	vadd.s32 v24, v43;
	v45 =	vshra.s32 v49, $0x7;
	[tilespmem:s0+$0xFFFFFFD0] =	vst v44  }
0x129: {  	v52 =	vadd.s32 v25, v43;
	v51 =	vshra.s32 v50, $0x7;
	[tilespmem:s0+$0xFFFFFFE0] =	vst v45  }
0x12a: {  	v53 =	vadd.s32 v27, v43;
	v46 =	vshra.s32 v52, $0x7;
	[tilespmem:s0+$0xFFFFFFF0] =	vst v51  }
0x12b: {  	v43 =	vadd.s32 v28, v43;
	v48 =	vshra.s32 v53, $0x7;
	[tilespmem:s0+$0x0] =	vst v46  }
0x12c: {  	v43 =	vshra.s32 v43, $0x7;
	[tilespmem:s0+$0x10] =	vst v48  }
0x12d: {  	[tilespmem:s0+$0x20] =	vst v43  }
0x12e: {  	[tilespmem:s11], [sflag:$0x1] =	stream.indirect.gather [hbm4b:s3+s9], $0x80, s10, s9, $0xb8;
	[tilespmem:$0x19580] =	vst v63  }
0x12f: {  	_ = 	snop  }
0x130: {  	[tilespmem:s13], [sflag:$0x1] =	stream.indirect.gather [hbm4b:s3+s9], $0x80, s12, s9, $0xb8;
	[tilespmem:$0x19580] =	vst v63  }
0x131: {  	_ = 	snop  }
0x132: {  	[tilespmem:s15], [sflag:$0x1] =	stream.indirect.gather [hbm4b:s3+s9], $0x80, s14, s9, $0xb8;
	[tilespmem:$0x19580] =	vst v63  }
0x133: {  	_ = 	snop  }
0x134: {  	[tilespmem:s17], [sflag:$0x1] =	stream.indirect.gather [hbm4b:s3+s9], $0x80, s16, s9, $0xb8;
	[tilespmem:$0x19580] =	vst v63  }
0x135: {  	_ = 	snop  }
0x136: {  	[tilespmem:s19], [sflag:$0x1] =	stream.indirect.gather [hbm4b:s3+s9], $0x80, s18, s9, $0xb8;
	[tilespmem:$0x19580] =	vst v63  }
0x137: {  	_ = 	snop  }
0x138: {  	[tilespmem:s21], [sflag:$0x1] =	stream.indirect.gather [hbm4b:s3+s9], $0x80, s20, s9, $0xb8;
	[tilespmem:$0x19580] =	vst v63  }
0x139: {  	_ =	swait.ge [sflag:s22], $0x4000  }
0x13a: {  	[sflag:s22] =	ssyncset.done $0x0  }
0x13b: {  	[sflag:s22] =	ssyncadd.s32 $0xFFFFC000  }
0x13c: {  	_ =	swait.ge [sflag:s22], $0x4000  }
0x13d: {  	[sflag:s22] =	ssyncset.done $0x0  }
0x13e: {  	[sflag:s22] =	ssyncadd.s32 $0xFFFFC000  }
0x13f: {  	_ =	swait.ge [sflag:s22], $0x4000  }
0x140: {  	[sflag:s22] =	ssyncset.done $0x0  }
0x141: {  	[sflag:s22] =	ssyncadd.s32 $0xFFFFC000  }
0x142: {  	s26 =	simm.s32 $0x0;
	_ =	swait.ge [sflag:s22], $0x4000  }
0x143: {  	v49 =	vmov s26;
	[sflag:s22] =	ssyncset.done $0x0  }
0x144: {  	v43 =	vadd.s32 $0x8, v49;
	[sflag:s22] =	ssyncadd.s32 $0xFFFFC000  }
0x145: {  	v43 =	vbroadcast v43, $0x0;
	_ =	swait.ge [sflag:s22], $0x4000  }
0x146: {  	[sflag:s22] =	ssyncset.done $0x0  }
0x147: {  	[sflag:s22] =	ssyncadd.s32 $0xFFFFC000  }
0x148: {  	_ =	swait.ge [sflag:s22], $0x4000  }
0x149: {  	[sflag:s22] =	ssyncset.done $0x0  }
0x14a: {  	[sflag:s22] =	ssyncadd.s32 $0xFFFFC000  }
0x14b: {  	v44 =	vld.idx.msk [tilespmem:v43+s8+$0x0], $0xffff;
	_ =	sdelay $0x3  }
0x14c: {  	v43 =	vmov s26  }
0x14d: {  	v46 =	vshll.u32 v43, $0x7;
	v50 =	vadd.s32 v19, v44  }
0x14e: {  	v51 =	vor.u32 v26, v46;
	v45 =	vand.u32 $0x7F, v50  }
0x14f: {  	v45 =	vor.u32 v51, v45;
	_ =	sdelay $0x3  }
0x150: {  	v52 =	vadd.s32 v23, v44  }
0x151: {  	v48 =	vor.u32 v33, v46;
	v47 =	vand.u32 $0x7F, v52;
	v45 =	vld.idx.msk [tilespmem:v45+s11+$0x0], $0xffff  }
0x152: {  	v47 =	vor.u32 v48, v47;
	_ =	sdelay $0x2  }
0x153: {  	s1 =	sand.u32 $0x3E0, s26  }
0x154: {  	v53 =	vadd.s32 v24, v44;
	[tilespmem:s1+$0x18980] =	vst v45  }
0x155: {  	v52 =	vand.u32 $0x7F, v53;
	v53 =	vadd.s32 v32, v46;
	v47 =	vld.idx.msk [tilespmem:v47+s11+$0x0], $0xffff  }
0x156: {  	v45 =	vor.u32 v53, v52;
	_ =	sdelay $0x2  }
0x157: {  	s29 =	simm.s32 $0x189D0  }
0x158: {  	v52 =	vadd.s32 v25, v44;
	[tilespmem:s29+$0xFFFFFFC0] =	vst v47  }
0x159: {  	v53 =	vadd.s32 v31, v46;
	v48 =	vand.u32 $0x7F, v52;
	v45 =	vld.idx.msk [tilespmem:v45+s11+$0x0], $0xffff  }
0x15a: {  	v47 =	vor.u32 v53, v48;
	_ =	sdelay $0x3  }
0x15b: {  	v52 =	vadd.s32 v27, v44;
	[tilespmem:s29+$0xFFFFFFD0] =	vst v45  }
0x15c: {  	v53 =	vand.u32 $0x7F, v52;
	v52 =	vadd.s32 v30, v46;
	v47 =	vld.idx.msk [tilespmem:v47+s11+$0x0], $0xffff  }
0x15d: {  	v45 =	vor.u32 v52, v53;
	_ =	sdelay $0x3  }
0x15e: {  	v44 =	vadd.s32 v28, v44;
	[tilespmem:s29+$0xFFFFFFE0] =	vst v47  }
0x15f: {  	v44 =	vand.u32 $0x7F, v44;
	v46 =	vadd.s32 v29, v46;
	v45 =	vld.idx.msk [tilespmem:v45+s11+$0x0], $0xffff  }
0x160: {  	v44 =	vor.u32 v46, v44;
	_ =	sdelay $0x2  }
0x161: {  	s28 =	simm.s32 $0x1  }
0x162: {  	v53 =	vmov s28;
	[tilespmem:s29+$0xFFFFFFF0] =	vst v45  }
0x163: {  	v46 =	vadd.s32 $0x8, v53;
	v45 =	vld.idx.msk [tilespmem:v44+s11+$0x0], $0xffff  }
0x164: {  	s31 =	simm.s32 $0x2;
	s30 =	simm.s32 $0x189D0;
	v44 =	vbroadcast v46, $0x0  }
.LBB2_8:
0x165: {  	_ =	sdelay $0x1  }
0x166: {  	s26 =	sadd.s32 $0x60, s26  }
0x167: {  	s29 =	sadd.s32 $0x60, s29;
	s1 =	smov.u32 s31;
	s0 =	sadd.s32 $0x1, s31;
	v45 =	vnsel vm2, $0x0, v45  }
0x168: {  	p0 =	sne.s32 s31, $0x7;
	[tilespmem:s30+$0x0] =	vst v45;
	s30 =	smov.u32 s29  }
0x169: {  	v44 =	vld.idx.msk [tilespmem:v44+s8+$0x0], $0xffff;
	_ =	sdelay $0x3  }
0x16a: {  	v45 =	vmov s26;
	_ =	sdelay $0x1  }
0x16b: {  	v45 =	vshll.u32 v45, $0x7;
	v46 =	vadd.s32 v19, v44;
	v47 =	vadd.s32 v23, v44  }
0x16c: {  	v48 =	vor.u32 v26, v45;
	v46 =	vand.u32 $0x7F, v46;
	v47 =	vand.u32 $0x7F, v47  }
0x16d: {  	v49 =	vadd.s32 v24, v44;
	v46 =	vor.u32 v48, v46;
	v48 =	vor.u32 v33, v45  }
0x16e: {  	v47 =	vor.u32 v48, v47;
	v48 =	vand.u32 $0x7F, v49;
	v49 =	vadd.s32 v32, v45  }
0x16f: {  	v50 =	vadd.s32 v31, v45;
	v48 =	vor.u32 v49, v48;
	v49 =	vadd.s32 v25, v44  }
0x170: {  	v51 =	vadd.s32 v27, v44;
	v44 =	vadd.s32 v28, v44;
	v49 =	vand.u32 $0x7F, v49  }
0x171: {  	v44 =	vand.u32 $0x7F, v44;
	v49 =	vor.u32 v50, v49;
	v50 =	vand.u32 $0x7F, v51  }
0x172: {  	v46 =	vld.idx.msk [tilespmem:v46+s11+$0x0], $0xffff;
	_ =	sdelay $0x3  }
0x173: {  	s31 =	sand.u32 $0x3E0, s26;
	_ =	sdelay $0x1  }
0x174: {  	[tilespmem:s31+$0x18980] =	vst v46  }
0x175: {  	v46 =	vld.idx.msk [tilespmem:v47+s11+$0x0], $0xffff;
	_ =	sdelay $0x5  }
0x176: {  	[tilespmem:s29+$0xFFFFFFC0] =	vst v46  }
0x177: {  	v46 =	vld.idx.msk [tilespmem:v48+s11+$0x0], $0xffff;
	_ =	sdelay $0x5  }
0x178: {  	[tilespmem:s29+$0xFFFFFFD0] =	vst v46  }
0x179: {  	v47 =	vadd.s32 v30, v45;
	v46 =	vld.idx.msk [tilespmem:v49+s11+$0x0], $0xffff  }
0x17a: {  	v47 =	vor.u32 v47, v50;
	_ =	sdelay $0x4  }
0x17b: {  	[tilespmem:s29+$0xFFFFFFE0] =	vst v46  }
0x17c: {  	v45 =	vadd.s32 v29, v45;
	v46 =	vld.idx.msk [tilespmem:v47+s11+$0x0], $0xffff  }
0x17d: {  	v44 =	vor.u32 v45, v44;
	_ =	sdelay $0x2  }
.Ltmp3:
0x17e: {  	(pc) =	sbr.rel @p0 .LBB2_8-.Ltmp3, $4  }
0x17f: {  	_ = 	snop  }
0x180: {  	v45 =	vmov s1;
	[tilespmem:s29+$0xFFFFFFF0] =	vst v46  }
0x181: {  	v46 =	vadd.s32 $0x8, v45;
	v45 =	vld.idx.msk [tilespmem:v44+s11+$0x0], $0xffff  }
0x182: {  	s31 =	smov.u32 s0;
	v44 =	vbroadcast v46, $0x0  }
0x183: {  	_ =	sdelay $0x2  }
0x184: {  	v45 =	vnsel vm2, $0x0, v45  }
0x185: {  	[tilespmem:s30+$0x0] =	vst v45  }
0x186: {  	v44 =	vld.idx.msk [tilespmem:v44+s8+$0x0], $0xffff;
	_ =	sdelay $0x2  }
0x187: {  	s0 =	sadd.s32 $0x60, s26  }
0x188: {  	v50 =	vmov s0  }
0x189: {  	v45 =	vshll.u32 v50, $0x7;
	v46 =	vadd.s32 v19, v44  }
0x18a: {  	v47 =	vor.u32 v26, v45;
	v46 =	vand.u32 $0x7F, v46  }
0x18b: {  	v46 =	vor.u32 v47, v46;
	_ =	sdelay $0x3  }
0x18c: {  	v51 =	vadd.s32 v23, v44  }
0x18d: {  	v48 =	vor.u32 v33, v45;
	v47 =	vand.u32 $0x7F, v51;
	v46 =	vld.idx.msk [tilespmem:v46+s11+$0x0], $0xffff  }
0x18e: {  	v47 =	vor.u32 v48, v47;
	_ =	sdelay $0x2  }
0x18f: {  	s0 =	sand.u32 $0x3E0, s0  }
0x190: {  	v52 =	vadd.s32 v24, v44;
	[tilespmem:s0+$0x18980] =	vst v46  }
0x191: {  	v53 =	vand.u32 $0x7F, v52;
	v52 =	vadd.s32 v32, v45;
	v47 =	vld.idx.msk [tilespmem:v47+s11+$0x0], $0xffff  }
0x192: {  	v46 =	vor.u32 v52, v53;
	_ =	sdelay $0x2  }
0x193: {  	s30 =	sadd.s32 $0x60, s29  }
0x194: {  	v53 =	vadd.s32 v25, v44;
	[tilespmem:s30+$0xFFFFFFC0] =	vst v47  }
0x195: {  	v52 =	vadd.s32 v31, v45;
	v48 =	vand.u32 $0x7F, v53;
	v46 =	vld.idx.msk [tilespmem:v46+s11+$0x0], $0xffff  }
0x196: {  	v47 =	vor.u32 v52, v48;
	_ =	sdelay $0x3  }
0x197: {  	v53 =	vadd.s32 v27, v44;
	[tilespmem:s30+$0xFFFFFFD0] =	vst v46  }
0x198: {  	v52 =	vand.u32 $0x7F, v53;
	v53 =	vadd.s32 v30, v45;
	v47 =	vld.idx.msk [tilespmem:v47+s11+$0x0], $0xffff  }
0x199: {  	v46 =	vor.u32 v53, v52;
	_ =	sdelay $0x3  }
0x19a: {  	v44 =	vadd.s32 v28, v44;
	[tilespmem:s30+$0xFFFFFFE0] =	vst v47  }
0x19b: {  	v44 =	vand.u32 $0x7F, v44;
	v45 =	vadd.s32 v29, v45;
	v46 =	vld.idx.msk [tilespmem:v46+s11+$0x0], $0xffff  }
0x19c: {  	v44 =	vor.u32 v45, v44;
	_ =	sdelay $0x3  }
0x19d: {  	[tilespmem:s30+$0xFFFFFFF0] =	vst v46  }
0x19e: {  	v43 =	vadd.s32 $0x10, v43;
	v44 =	vld.idx.msk [tilespmem:v44+s11+$0x0], $0xffff  }
0x19f: {  	v43 =	vbroadcast v43, $0x0;
	_ =	sdelay $0x3  }
0x1a0: {  	v44 =	vnsel vm2, $0x0, v44  }
0x1a1: {  	[tilespmem:s30+$0x0] =	vst v44  }
0x1a2: {  	v43 =	vld.idx.msk [tilespmem:v43+s8+$0x0], $0xffff;
	_ =	sdelay $0x4  }
0x1a3: {  	v51 =	vmov s28;
	v52 =	vadd.s32 v19, v43  }
0x1a4: {  	s1 =	simm.s32 $0x3B0;
	v44 =	vadd.s32 $0x10, v51;
	v53 =	vadd.s32 v23, v43;
	v45 =	vshra.s32 v52, $0x7  }
0x1a5: {  	v44 =	vbroadcast v44, $0x0;
	v48 =	vadd.s32 v24, v43;
	v46 =	vshra.s32 v53, $0x7;
	[tilespmem:s1+$0xFFFFFFD0] =	vst v45  }
0x1a6: {  	v50 =	vadd.s32 v25, v43;
	v49 =	vshra.s32 v48, $0x7;
	[tilespmem:s1+$0xFFFFFFE0] =	vst v46  }
0x1a7: {  	v51 =	vadd.s32 v27, v43;
	v47 =	vshra.s32 v50, $0x7;
	[tilespmem:s1+$0xFFFFFFF0] =	vst v49  }
0x1a8: {  	v43 =	vadd.s32 v28, v43;
	v52 =	vshra.s32 v51, $0x7;
	[tilespmem:s1+$0x0] =	vst v47  }
0x1a9: {  	v43 =	vshra.s32 v43, $0x7;
	[tilespmem:s1+$0x10] =	vst v52  }
0x1aa: {  	[tilespmem:s1+$0x20] =	vst v43  }
0x1ab: {  	v44 =	vld.idx.msk [tilespmem:v44+s8+$0x0], $0xffff  }
0x1ac: {  	s31 =	simm.s32 $0x2  }
0x1ad: {  	v53 =	vmov s31  }
0x1ae: {  	v43 =	vadd.s32 $0x10, v53  }
0x1af: {  	v43 =	vbroadcast v43, $0x0  }
0x1b0: {  	s26 =	simm.s32 $0x3;
	v47 =	vadd.s32 v19, v44;
	v46 =	vadd.s32 v23, v44;
	v45 =	vadd.s32 v24, v44  }
.LBB2_10:
0x1b1: {  	p0 =	sne.s32 s26, $0x7;
	v47 =	vshra.s32 v47, $0x7;
	v46 =	vshra.s32 v46, $0x7;
	v45 =	vshra.s32 v45, $0x7;
	s1 =	sadd.s32 $0x60, s1  }
0x1b2: {  	v48 =	vadd.s32 v27, v44;
	[tilespmem:s1+$0xFFFFFFD0] =	vst v47;
	v47 =	vadd.s32 v25, v44;
	v44 =	vadd.s32 v28, v44  }
0x1b3: {  	[tilespmem:s1+$0xFFFFFFE0] =	vst v46;
	v46 =	vshra.s32 v47, $0x7;
	v47 =	vshra.s32 v48, $0x7;
	v44 =	vshra.s32 v44, $0x7  }
0x1b4: {  	[tilespmem:s1+$0xFFFFFFF0] =	vst v45  }
0x1b5: {  	[tilespmem:s1+$0x0] =	vst v46  }
0x1b6: {  	[tilespmem:s1+$0x10] =	vst v47  }
0x1b7: {  	[tilespmem:s1+$0x20] =	vst v44  }
0x1b8: {  	v44 =	vld.idx.msk [tilespmem:v43+s8+$0x0], $0xffff;
	_ =	sdelay $0x1  }
.Ltmp4:
0x1b9: {  	(pc) =	sbr.rel @p0 .LBB2_10-.Ltmp4, $4  }
0x1ba: {  	v43 =	vmov s26  }
0x1bb: {  	v43 =	vadd.s32 $0x10, v43  }
0x1bc: {  	v43 =	vbroadcast v43, $0x0  }
0x1bd: {  	s26 =	sadd.s32 $0x1, s26;
	v47 =	vadd.s32 v19, v44;
	v46 =	vadd.s32 v23, v44;
	v45 =	vadd.s32 v24, v44  }
0x1be: {  	v47 =	vshra.s32 v47, $0x7;
	s0 =	sadd.s32 $0x60, s1  }
0x1bf: {  	v46 =	vshra.s32 v46, $0x7;
	[tilespmem:s0+$0xFFFFFFD0] =	vst v47  }
0x1c0: {  	v45 =	vshra.s32 v45, $0x7;
	v50 =	vadd.s32 v25, v44;
	[tilespmem:s0+$0xFFFFFFE0] =	vst v46  }
0x1c1: {  	v51 =	vadd.s32 v27, v44;
	v47 =	vshra.s32 v50, $0x7;
	[tilespmem:s0+$0xFFFFFFF0] =	vst v45  }
0x1c2: {  	v52 =	vadd.s32 v28, v44;
	v53 =	vshra.s32 v51, $0x7;
	[tilespmem:s0+$0x0] =	vst v47  }
0x1c3: {  	v44 =	vshra.s32 v52, $0x7;
	[tilespmem:s0+$0x10] =	vst v53  }
0x1c4: {  	[tilespmem:s0+$0x20] =	vst v44  }
0x1c5: {  	v43 =	vld.idx.msk [tilespmem:v43+s8+$0x0], $0xffff;
	_ =	sdelay $0x4  }
0x1c6: {  	v48 =	vadd.s32 v19, v43  }
0x1c7: {  	s0 =	sadd.s32 $0x60, s0;
	v49 =	vadd.s32 v23, v43;
	v44 =	vshra.s32 v48, $0x7  }
0x1c8: {  	v50 =	vadd.s32 v24, v43;
	v45 =	vshra.s32 v49, $0x7;
	[tilespmem:s0+$0xFFFFFFD0] =	vst v44  }
0x1c9: {  	v52 =	vadd.s32 v25, v43;
	v51 =	vshra.s32 v50, $0x7;
	[tilespmem:s0+$0xFFFFFFE0] =	vst v45  }
0x1ca: {  	v53 =	vadd.s32 v27, v43;
	v46 =	vshra.s32 v52, $0x7;
	[tilespmem:s0+$0xFFFFFFF0] =	vst v51  }
0x1cb: {  	v43 =	vadd.s32 v28, v43;
	v48 =	vshra.s32 v53, $0x7;
	[tilespmem:s0+$0x0] =	vst v46  }
0x1cc: {  	v43 =	vshra.s32 v43, $0x7;
	[tilespmem:s0+$0x10] =	vst v48  }
0x1cd: {  	[tilespmem:s0+$0x20] =	vst v43  }
0x1ce: {  	[tilespmem:s11], [sflag:$0x1] =	stream.indirect.gather [hbm4b:s3+s9], $0x80, s10, s9, $0xb8;
	[tilespmem:$0x19580] =	vst v63  }
0x1cf: {  	_ = 	snop  }
0x1d0: {  	[tilespmem:s13], [sflag:$0x1] =	stream.indirect.gather [hbm4b:s3+s9], $0x80, s12, s9, $0xb8;
	[tilespmem:$0x19580] =	vst v63  }
0x1d1: {  	_ = 	snop  }
0x1d2: {  	[tilespmem:s15], [sflag:$0x1] =	stream.indirect.gather [hbm4b:s3+s9], $0x80, s14, s9, $0xb8;
	[tilespmem:$0x19580] =	vst v63  }
0x1d3: {  	_ = 	snop  }
0x1d4: {  	[tilespmem:s17], [sflag:$0x1] =	stream.indirect.gather [hbm4b:s3+s9], $0x80, s16, s9, $0xb8;
	[tilespmem:$0x19580] =	vst v63  }
0x1d5: {  	_ = 	snop  }
0x1d6: {  	[tilespmem:s19], [sflag:$0x1] =	stream.indirect.gather [hbm4b:s3+s9], $0x80, s18, s9, $0xb8;
	[tilespmem:$0x19580] =	vst v63  }
0x1d7: {  	_ = 	snop  }
0x1d8: {  	[tilespmem:s21], [sflag:$0x1] =	stream.indirect.gather [hbm4b:s3+s9], $0x80, s20, s9, $0xb8;
	[tilespmem:$0x19580] =	vst v63  }
0x1d9: {  	_ =	swait.ge [sflag:s22], $0x4000  }
0x1da: {  	[sflag:s22] =	ssyncset.done $0x0  }
0x1db: {  	[sflag:s22] =	ssyncadd.s32 $0xFFFFC000  }
0x1dc: {  	_ =	swait.ge [sflag:s22], $0x4000  }
0x1dd: {  	[sflag:s22] =	ssyncset.done $0x0  }
0x1de: {  	[sflag:s22] =	ssyncadd.s32 $0xFFFFC000  }
0x1df: {  	_ =	swait.ge [sflag:s22], $0x4000  }
0x1e0: {  	[sflag:s22] =	ssyncset.done $0x0  }
0x1e1: {  	[sflag:s22] =	ssyncadd.s32 $0xFFFFC000  }
0x1e2: {  	s26 =	simm.s32 $0x0;
	_ =	swait.ge [sflag:s22], $0x4000  }
0x1e3: {  	v49 =	vmov s26;
	[sflag:s22] =	ssyncset.done $0x0  }
0x1e4: {  	v43 =	vadd.s32 $0x10, v49;
	[sflag:s22] =	ssyncadd.s32 $0xFFFFC000  }
0x1e5: {  	v43 =	vbroadcast v43, $0x0;
	_ =	swait.ge [sflag:s22], $0x4000  }
0x1e6: {  	[sflag:s22] =	ssyncset.done $0x0  }
0x1e7: {  	[sflag:s22] =	ssyncadd.s32 $0xFFFFC000  }
0x1e8: {  	_ =	swait.ge [sflag:s22], $0x4000  }
0x1e9: {  	[sflag:s22] =	ssyncset.done $0x0  }
0x1ea: {  	[sflag:s22] =	ssyncadd.s32 $0xFFFFC000  }
0x1eb: {  	v44 =	vld.idx.msk [tilespmem:v43+s8+$0x0], $0xffff;
	_ =	sdelay $0x3  }
0x1ec: {  	v43 =	vmov s26  }
0x1ed: {  	v46 =	vshll.u32 v43, $0x7;
	v50 =	vadd.s32 v19, v44  }
0x1ee: {  	v51 =	vor.u32 v26, v46;
	v45 =	vand.u32 $0x7F, v50  }
0x1ef: {  	v45 =	vor.u32 v51, v45;
	_ =	sdelay $0x3  }
0x1f0: {  	v52 =	vadd.s32 v23, v44  }
0x1f1: {  	v48 =	vor.u32 v33, v46;
	v47 =	vand.u32 $0x7F, v52;
	v45 =	vld.idx.msk [tilespmem:v45+s11+$0x0], $0xffff  }
0x1f2: {  	v47 =	vor.u32 v48, v47;
	_ =	sdelay $0x2  }
0x1f3: {  	s31 =	sand.u32 $0x3E0, s26  }
0x1f4: {  	v53 =	vadd.s32 v24, v44;
	[tilespmem:s31+$0x18C80] =	vst v45  }
0x1f5: {  	v52 =	vand.u32 $0x7F, v53;
	v53 =	vadd.s32 v32, v46;
	v47 =	vld.idx.msk [tilespmem:v47+s11+$0x0], $0xffff  }
0x1f6: {  	v45 =	vor.u32 v53, v52;
	_ =	sdelay $0x2  }
0x1f7: {  	s29 =	simm.s32 $0x18CD0  }
0x1f8: {  	v52 =	vadd.s32 v25, v44;
	[tilespmem:s29+$0xFFFFFFC0] =	vst v47  }
0x1f9: {  	v53 =	vadd.s32 v31, v46;
	v48 =	vand.u32 $0x7F, v52;
	v45 =	vld.idx.msk [tilespmem:v45+s11+$0x0], $0xffff  }
0x1fa: {  	v47 =	vor.u32 v53, v48;
	_ =	sdelay $0x3  }
0x1fb: {  	v52 =	vadd.s32 v27, v44;
	[tilespmem:s29+$0xFFFFFFD0] =	vst v45  }
0x1fc: {  	v53 =	vand.u32 $0x7F, v52;
	v52 =	vadd.s32 v30, v46;
	v47 =	vld.idx.msk [tilespmem:v47+s11+$0x0], $0xffff  }
0x1fd: {  	v45 =	vor.u32 v52, v53;
	_ =	sdelay $0x3  }
0x1fe: {  	v44 =	vadd.s32 v28, v44;
	[tilespmem:s29+$0xFFFFFFE0] =	vst v47  }
0x1ff: {  	v44 =	vand.u32 $0x7F, v44;
	v46 =	vadd.s32 v29, v46;
	v45 =	vld.idx.msk [tilespmem:v45+s11+$0x0], $0xffff  }
0x200: {  	v44 =	vor.u32 v46, v44;
	_ =	sdelay $0x2  }
0x201: {  	s28 =	simm.s32 $0x1  }
0x202: {  	v53 =	vmov s28;
	[tilespmem:s29+$0xFFFFFFF0] =	vst v45  }
0x203: {  	v46 =	vadd.s32 $0x10, v53;
	v45 =	vld.idx.msk [tilespmem:v44+s11+$0x0], $0xffff  }
0x204: {  	s30 =	simm.s32 $0x18CD0;
	s0 =	simm.s32 $0x2;
	v44 =	vbroadcast v46, $0x0  }
.LBB2_12:
0x205: {  	_ =	sdelay $0x1  }
0x206: {  	s26 =	sadd.s32 $0x60, s26  }
0x207: {  	s29 =	sadd.s32 $0x60, s29;
	s1 =	smov.u32 s0;
	s31 =	sadd.s32 $0x1, s0;
	v45 =	vnsel vm2, $0x0, v45  }
0x208: {  	p0 =	sne.s32 s0, $0x7;
	[tilespmem:s30+$0x0] =	vst v45;
	s30 =	smov.u32 s29  }
0x209: {  	v44 =	vld.idx.msk [tilespmem:v44+s8+$0x0], $0xffff;
	_ =	sdelay $0x3  }
0x20a: {  	v45 =	vmov s26;
	_ =	sdelay $0x1  }
0x20b: {  	v45 =	vshll.u32 v45, $0x7;
	v46 =	vadd.s32 v19, v44;
	v47 =	vadd.s32 v23, v44  }
0x20c: {  	v48 =	vor.u32 v26, v45;
	v46 =	vand.u32 $0x7F, v46;
	v47 =	vand.u32 $0x7F, v47  }
0x20d: {  	v49 =	vadd.s32 v24, v44;
	v46 =	vor.u32 v48, v46;
	v48 =	vor.u32 v33, v45  }
0x20e: {  	v47 =	vor.u32 v48, v47;
	v48 =	vand.u32 $0x7F, v49;
	v49 =	vadd.s32 v32, v45  }
0x20f: {  	v50 =	vadd.s32 v31, v45;
	v48 =	vor.u32 v49, v48;
	v49 =	vadd.s32 v25, v44  }
0x210: {  	v51 =	vadd.s32 v27, v44;
	v44 =	vadd.s32 v28, v44;
	v49 =	vand.u32 $0x7F, v49  }
0x211: {  	v44 =	vand.u32 $0x7F, v44;
	v49 =	vor.u32 v50, v49;
	v50 =	vand.u32 $0x7F, v51  }
0x212: {  	v46 =	vld.idx.msk [tilespmem:v46+s11+$0x0], $0xffff;
	_ =	sdelay $0x3  }
0x213: {  	s0 =	sand.u32 $0x3E0, s26;
	_ =	sdelay $0x1  }
0x214: {  	[tilespmem:s0+$0x18C80] =	vst v46  }
0x215: {  	v46 =	vld.idx.msk [tilespmem:v47+s11+$0x0], $0xffff;
	_ =	sdelay $0x5  }
0x216: {  	[tilespmem:s29+$0xFFFFFFC0] =	vst v46  }
0x217: {  	v46 =	vld.idx.msk [tilespmem:v48+s11+$0x0], $0xffff;
	_ =	sdelay $0x5  }
0x218: {  	[tilespmem:s29+$0xFFFFFFD0] =	vst v46  }
0x219: {  	v47 =	vadd.s32 v30, v45;
	v46 =	vld.idx.msk [tilespmem:v49+s11+$0x0], $0xffff  }
0x21a: {  	v47 =	vor.u32 v47, v50;
	_ =	sdelay $0x4  }
0x21b: {  	[tilespmem:s29+$0xFFFFFFE0] =	vst v46  }
0x21c: {  	v45 =	vadd.s32 v29, v45;
	v46 =	vld.idx.msk [tilespmem:v47+s11+$0x0], $0xffff  }
0x21d: {  	v44 =	vor.u32 v45, v44;
	_ =	sdelay $0x2  }
.Ltmp5:
0x21e: {  	(pc) =	sbr.rel @p0 .LBB2_12-.Ltmp5, $4  }
0x21f: {  	_ = 	snop  }
0x220: {  	v45 =	vmov s1;
	[tilespmem:s29+$0xFFFFFFF0] =	vst v46  }
0x221: {  	v46 =	vadd.s32 $0x10, v45;
	v45 =	vld.idx.msk [tilespmem:v44+s11+$0x0], $0xffff  }
0x222: {  	s0 =	smov.u32 s31;
	v44 =	vbroadcast v46, $0x0  }
0x223: {  	_ =	sdelay $0x2  }
0x224: {  	v45 =	vnsel vm2, $0x0, v45  }
0x225: {  	[tilespmem:s30+$0x0] =	vst v45  }
0x226: {  	v44 =	vld.idx.msk [tilespmem:v44+s8+$0x0], $0xffff;
	_ =	sdelay $0x2  }
0x227: {  	s0 =	sadd.s32 $0x60, s26  }
0x228: {  	v50 =	vmov s0  }
0x229: {  	v45 =	vshll.u32 v50, $0x7;
	v46 =	vadd.s32 v19, v44  }
0x22a: {  	v47 =	vor.u32 v26, v45;
	v46 =	vand.u32 $0x7F, v46  }
0x22b: {  	v46 =	vor.u32 v47, v46;
	_ =	sdelay $0x3  }
0x22c: {  	v51 =	vadd.s32 v23, v44  }
0x22d: {  	v48 =	vor.u32 v33, v45;
	v47 =	vand.u32 $0x7F, v51;
	v46 =	vld.idx.msk [tilespmem:v46+s11+$0x0], $0xffff  }
0x22e: {  	v47 =	vor.u32 v48, v47;
	_ =	sdelay $0x2  }
0x22f: {  	s0 =	sand.u32 $0x3E0, s0  }
0x230: {  	v52 =	vadd.s32 v24, v44;
	[tilespmem:s0+$0x18C80] =	vst v46  }
0x231: {  	v53 =	vand.u32 $0x7F, v52;
	v52 =	vadd.s32 v32, v45;
	v47 =	vld.idx.msk [tilespmem:v47+s11+$0x0], $0xffff  }
0x232: {  	v46 =	vor.u32 v52, v53;
	_ =	sdelay $0x2  }
0x233: {  	s30 =	sadd.s32 $0x60, s29  }
0x234: {  	v53 =	vadd.s32 v25, v44;
	[tilespmem:s30+$0xFFFFFFC0] =	vst v47  }
0x235: {  	v52 =	vadd.s32 v31, v45;
	v48 =	vand.u32 $0x7F, v53;
	v46 =	vld.idx.msk [tilespmem:v46+s11+$0x0], $0xffff  }
0x236: {  	v47 =	vor.u32 v52, v48;
	_ =	sdelay $0x3  }
0x237: {  	v53 =	vadd.s32 v27, v44;
	[tilespmem:s30+$0xFFFFFFD0] =	vst v46  }
0x238: {  	v52 =	vand.u32 $0x7F, v53;
	v53 =	vadd.s32 v30, v45;
	v47 =	vld.idx.msk [tilespmem:v47+s11+$0x0], $0xffff  }
0x239: {  	v46 =	vor.u32 v53, v52;
	_ =	sdelay $0x3  }
0x23a: {  	v44 =	vadd.s32 v28, v44;
	[tilespmem:s30+$0xFFFFFFE0] =	vst v47  }
0x23b: {  	v44 =	vand.u32 $0x7F, v44;
	v45 =	vadd.s32 v29, v45;
	v46 =	vld.idx.msk [tilespmem:v46+s11+$0x0], $0xffff  }
0x23c: {  	v44 =	vor.u32 v45, v44;
	_ =	sdelay $0x3  }
0x23d: {  	[tilespmem:s30+$0xFFFFFFF0] =	vst v46  }
0x23e: {  	v43 =	vadd.s32 $0x18, v43;
	v44 =	vld.idx.msk [tilespmem:v44+s11+$0x0], $0xffff  }
0x23f: {  	v43 =	vbroadcast v43, $0x0;
	_ =	sdelay $0x3  }
0x240: {  	v44 =	vnsel vm2, $0x0, v44  }
0x241: {  	[tilespmem:s30+$0x0] =	vst v44  }
0x242: {  	v43 =	vld.idx.msk [tilespmem:v43+s8+$0x0], $0xffff;
	_ =	sdelay $0x4  }
0x243: {  	v51 =	vmov s28;
	v52 =	vadd.s32 v19, v43  }
0x244: {  	s1 =	simm.s32 $0x3B0;
	v44 =	vadd.s32 $0x18, v51;
	v53 =	vadd.s32 v23, v43;
	v45 =	vshra.s32 v52, $0x7  }
0x245: {  	v44 =	vbroadcast v44, $0x0;
	v48 =	vadd.s32 v24, v43;
	v46 =	vshra.s32 v53, $0x7;
	[tilespmem:s1+$0xFFFFFFD0] =	vst v45  }
0x246: {  	v50 =	vadd.s32 v25, v43;
	v49 =	vshra.s32 v48, $0x7;
	[tilespmem:s1+$0xFFFFFFE0] =	vst v46  }
0x247: {  	v51 =	vadd.s32 v27, v43;
	v47 =	vshra.s32 v50, $0x7;
	[tilespmem:s1+$0xFFFFFFF0] =	vst v49  }
0x248: {  	v43 =	vadd.s32 v28, v43;
	v52 =	vshra.s32 v51, $0x7;
	[tilespmem:s1+$0x0] =	vst v47  }
0x249: {  	v43 =	vshra.s32 v43, $0x7;
	[tilespmem:s1+$0x10] =	vst v52  }
0x24a: {  	[tilespmem:s1+$0x20] =	vst v43  }
0x24b: {  	v44 =	vld.idx.msk [tilespmem:v44+s8+$0x0], $0xffff  }
0x24c: {  	s31 =	simm.s32 $0x2  }
0x24d: {  	v53 =	vmov s31  }
0x24e: {  	v43 =	vadd.s32 $0x18, v53  }
0x24f: {  	v43 =	vbroadcast v43, $0x0  }
0x250: {  	s26 =	simm.s32 $0x3;
	v47 =	vadd.s32 v19, v44;
	v46 =	vadd.s32 v23, v44;
	v45 =	vadd.s32 v24, v44  }
.LBB2_14:
0x251: {  	p0 =	sne.s32 s26, $0x7;
	v47 =	vshra.s32 v47, $0x7;
	v46 =	vshra.s32 v46, $0x7;
	v45 =	vshra.s32 v45, $0x7;
	s1 =	sadd.s32 $0x60, s1  }
0x252: {  	v48 =	vadd.s32 v27, v44;
	[tilespmem:s1+$0xFFFFFFD0] =	vst v47;
	v47 =	vadd.s32 v25, v44;
	v44 =	vadd.s32 v28, v44  }
0x253: {  	[tilespmem:s1+$0xFFFFFFE0] =	vst v46;
	v46 =	vshra.s32 v47, $0x7;
	v47 =	vshra.s32 v48, $0x7;
	v44 =	vshra.s32 v44, $0x7  }
0x254: {  	[tilespmem:s1+$0xFFFFFFF0] =	vst v45  }
0x255: {  	[tilespmem:s1+$0x0] =	vst v46  }
0x256: {  	[tilespmem:s1+$0x10] =	vst v47  }
0x257: {  	[tilespmem:s1+$0x20] =	vst v44  }
0x258: {  	v44 =	vld.idx.msk [tilespmem:v43+s8+$0x0], $0xffff;
	_ =	sdelay $0x1  }
.Ltmp6:
0x259: {  	(pc) =	sbr.rel @p0 .LBB2_14-.Ltmp6, $4  }
0x25a: {  	v43 =	vmov s26  }
0x25b: {  	v43 =	vadd.s32 $0x18, v43  }
0x25c: {  	v43 =	vbroadcast v43, $0x0  }
0x25d: {  	s26 =	sadd.s32 $0x1, s26;
	v47 =	vadd.s32 v19, v44;
	v46 =	vadd.s32 v23, v44;
	v45 =	vadd.s32 v24, v44  }
0x25e: {  	v47 =	vshra.s32 v47, $0x7;
	s0 =	sadd.s32 $0x60, s1  }
0x25f: {  	v46 =	vshra.s32 v46, $0x7;
	[tilespmem:s0+$0xFFFFFFD0] =	vst v47  }
0x260: {  	v45 =	vshra.s32 v45, $0x7;
	v50 =	vadd.s32 v25, v44;
	[tilespmem:s0+$0xFFFFFFE0] =	vst v46  }
0x261: {  	v51 =	vadd.s32 v27, v44;
	v47 =	vshra.s32 v50, $0x7;
	[tilespmem:s0+$0xFFFFFFF0] =	vst v45  }
0x262: {  	v52 =	vadd.s32 v28, v44;
	v53 =	vshra.s32 v51, $0x7;
	[tilespmem:s0+$0x0] =	vst v47  }
0x263: {  	v44 =	vshra.s32 v52, $0x7;
	[tilespmem:s0+$0x10] =	vst v53  }
0x264: {  	[tilespmem:s0+$0x20] =	vst v44  }
0x265: {  	v43 =	vld.idx.msk [tilespmem:v43+s8+$0x0], $0xffff;
	_ =	sdelay $0x4  }
0x266: {  	v48 =	vadd.s32 v19, v43  }
0x267: {  	s0 =	sadd.s32 $0x60, s0;
	v49 =	vadd.s32 v23, v43;
	v44 =	vshra.s32 v48, $0x7  }
0x268: {  	v50 =	vadd.s32 v24, v43;
	v45 =	vshra.s32 v49, $0x7;
	[tilespmem:s0+$0xFFFFFFD0] =	vst v44  }
0x269: {  	v52 =	vadd.s32 v25, v43;
	v51 =	vshra.s32 v50, $0x7;
	[tilespmem:s0+$0xFFFFFFE0] =	vst v45  }
0x26a: {  	v53 =	vadd.s32 v27, v43;
	v46 =	vshra.s32 v52, $0x7;
	[tilespmem:s0+$0xFFFFFFF0] =	vst v51  }
0x26b: {  	v43 =	vadd.s32 v28, v43;
	v48 =	vshra.s32 v53, $0x7;
	[tilespmem:s0+$0x0] =	vst v46  }
0x26c: {  	v43 =	vshra.s32 v43, $0x7;
	[tilespmem:s0+$0x10] =	vst v48  }
0x26d: {  	[tilespmem:s0+$0x20] =	vst v43  }
0x26e: {  	[tilespmem:s11], [sflag:$0x1] =	stream.indirect.gather [hbm4b:s3+s9], $0x80, s10, s9, $0xb8;
	[tilespmem:$0x19580] =	vst v63  }
0x26f: {  	_ = 	snop  }
0x270: {  	[tilespmem:s13], [sflag:$0x1] =	stream.indirect.gather [hbm4b:s3+s9], $0x80, s12, s9, $0xb8;
	[tilespmem:$0x19580] =	vst v63  }
0x271: {  	_ = 	snop  }
0x272: {  	[tilespmem:s15], [sflag:$0x1] =	stream.indirect.gather [hbm4b:s3+s9], $0x80, s14, s9, $0xb8;
	[tilespmem:$0x19580] =	vst v63  }
0x273: {  	_ = 	snop  }
0x274: {  	[tilespmem:s17], [sflag:$0x1] =	stream.indirect.gather [hbm4b:s3+s9], $0x80, s16, s9, $0xb8;
	[tilespmem:$0x19580] =	vst v63  }
0x275: {  	_ = 	snop  }
0x276: {  	[tilespmem:s19], [sflag:$0x1] =	stream.indirect.gather [hbm4b:s3+s9], $0x80, s18, s9, $0xb8;
	[tilespmem:$0x19580] =	vst v63  }
0x277: {  	_ = 	snop  }
0x278: {  	[tilespmem:s21], [sflag:$0x1] =	stream.indirect.gather [hbm4b:s3+s9], $0x80, s20, s9, $0xb8;
	[tilespmem:$0x19580] =	vst v63  }
0x279: {  	_ =	swait.ge [sflag:s22], $0x4000  }
0x27a: {  	[sflag:s22] =	ssyncset.done $0x0  }
0x27b: {  	[sflag:s22] =	ssyncadd.s32 $0xFFFFC000  }
0x27c: {  	_ =	swait.ge [sflag:s22], $0x4000  }
0x27d: {  	[sflag:s22] =	ssyncset.done $0x0  }
0x27e: {  	[sflag:s22] =	ssyncadd.s32 $0xFFFFC000  }
0x27f: {  	_ =	swait.ge [sflag:s22], $0x4000  }
0x280: {  	[sflag:s22] =	ssyncset.done $0x0  }
0x281: {  	[sflag:s22] =	ssyncadd.s32 $0xFFFFC000  }
0x282: {  	s26 =	simm.s32 $0x0;
	_ =	swait.ge [sflag:s22], $0x4000  }
0x283: {  	v49 =	vmov s26;
	[sflag:s22] =	ssyncset.done $0x0  }
0x284: {  	v43 =	vadd.s32 $0x18, v49;
	[sflag:s22] =	ssyncadd.s32 $0xFFFFC000  }
0x285: {  	v43 =	vbroadcast v43, $0x0;
	_ =	swait.ge [sflag:s22], $0x4000  }
0x286: {  	[sflag:s22] =	ssyncset.done $0x0  }
0x287: {  	[sflag:s22] =	ssyncadd.s32 $0xFFFFC000  }
0x288: {  	_ =	swait.ge [sflag:s22], $0x4000  }
0x289: {  	[sflag:s22] =	ssyncset.done $0x0  }
0x28a: {  	[sflag:s22] =	ssyncadd.s32 $0xFFFFC000  }
0x28b: {  	v44 =	vld.idx.msk [tilespmem:v43+s8+$0x0], $0xffff;
	_ =	sdelay $0x3  }
0x28c: {  	v43 =	vmov s26  }
0x28d: {  	v46 =	vshll.u32 v43, $0x7;
	v50 =	vadd.s32 v19, v44  }
0x28e: {  	v51 =	vor.u32 v26, v46;
	v45 =	vand.u32 $0x7F, v50  }
0x28f: {  	v45 =	vor.u32 v51, v45;
	_ =	sdelay $0x3  }
0x290: {  	v52 =	vadd.s32 v23, v44  }
0x291: {  	v48 =	vor.u32 v33, v46;
	v47 =	vand.u32 $0x7F, v52;
	v45 =	vld.idx.msk [tilespmem:v45+s11+$0x0], $0xffff  }
0x292: {  	v47 =	vor.u32 v48, v47;
	_ =	sdelay $0x2  }
0x293: {  	s31 =	sand.u32 $0x3E0, s26  }
0x294: {  	v53 =	vadd.s32 v24, v44;
	[tilespmem:s31+$0x18F80] =	vst v45  }
0x295: {  	v52 =	vand.u32 $0x7F, v53;
	v53 =	vadd.s32 v32, v46;
	v47 =	vld.idx.msk [tilespmem:v47+s11+$0x0], $0xffff  }
0x296: {  	v45 =	vor.u32 v53, v52;
	_ =	sdelay $0x2  }
0x297: {  	s29 =	simm.s32 $0x18FD0  }
0x298: {  	v52 =	vadd.s32 v25, v44;
	[tilespmem:s29+$0xFFFFFFC0] =	vst v47  }
0x299: {  	v53 =	vadd.s32 v31, v46;
	v48 =	vand.u32 $0x7F, v52;
	v45 =	vld.idx.msk [tilespmem:v45+s11+$0x0], $0xffff  }
0x29a: {  	v47 =	vor.u32 v53, v48;
	_ =	sdelay $0x3  }
0x29b: {  	v52 =	vadd.s32 v27, v44;
	[tilespmem:s29+$0xFFFFFFD0] =	vst v45  }
0x29c: {  	v53 =	vand.u32 $0x7F, v52;
	v52 =	vadd.s32 v30, v46;
	v47 =	vld.idx.msk [tilespmem:v47+s11+$0x0], $0xffff  }
0x29d: {  	v45 =	vor.u32 v52, v53;
	_ =	sdelay $0x3  }
0x29e: {  	v44 =	vadd.s32 v28, v44;
	[tilespmem:s29+$0xFFFFFFE0] =	vst v47  }
0x29f: {  	v44 =	vand.u32 $0x7F, v44;
	v46 =	vadd.s32 v29, v46;
	v45 =	vld.idx.msk [tilespmem:v45+s11+$0x0], $0xffff  }
0x2a0: {  	v44 =	vor.u32 v46, v44;
	_ =	sdelay $0x2  }
0x2a1: {  	s28 =	simm.s32 $0x1  }
0x2a2: {  	v53 =	vmov s28;
	[tilespmem:s29+$0xFFFFFFF0] =	vst v45  }
0x2a3: {  	v46 =	vadd.s32 $0x18, v53;
	v45 =	vld.idx.msk [tilespmem:v44+s11+$0x0], $0xffff  }
0x2a4: {  	s30 =	simm.s32 $0x18FD0;
	s0 =	simm.s32 $0x2;
	v44 =	vbroadcast v46, $0x0  }
.LBB2_16:
0x2a5: {  	_ =	sdelay $0x1  }
0x2a6: {  	s26 =	sadd.s32 $0x60, s26  }
0x2a7: {  	s29 =	sadd.s32 $0x60, s29;
	s1 =	smov.u32 s0;
	s31 =	sadd.s32 $0x1, s0;
	v45 =	vnsel vm2, $0x0, v45  }
0x2a8: {  	p0 =	sne.s32 s0, $0x7;
	[tilespmem:s30+$0x0] =	vst v45;
	s30 =	smov.u32 s29  }
0x2a9: {  	v44 =	vld.idx.msk [tilespmem:v44+s8+$0x0], $0xffff;
	_ =	sdelay $0x3  }
0x2aa: {  	v45 =	vmov s26;
	_ =	sdelay $0x1  }
0x2ab: {  	v45 =	vshll.u32 v45, $0x7;
	v46 =	vadd.s32 v19, v44;
	v47 =	vadd.s32 v23, v44  }
0x2ac: {  	v48 =	vor.u32 v26, v45;
	v46 =	vand.u32 $0x7F, v46;
	v47 =	vand.u32 $0x7F, v47  }
0x2ad: {  	v49 =	vadd.s32 v24, v44;
	v46 =	vor.u32 v48, v46;
	v48 =	vor.u32 v33, v45  }
0x2ae: {  	v47 =	vor.u32 v48, v47;
	v48 =	vand.u32 $0x7F, v49;
	v49 =	vadd.s32 v32, v45  }
0x2af: {  	v50 =	vadd.s32 v31, v45;
	v48 =	vor.u32 v49, v48;
	v49 =	vadd.s32 v25, v44  }
0x2b0: {  	v51 =	vadd.s32 v27, v44;
	v44 =	vadd.s32 v28, v44;
	v49 =	vand.u32 $0x7F, v49  }
0x2b1: {  	v44 =	vand.u32 $0x7F, v44;
	v49 =	vor.u32 v50, v49;
	v50 =	vand.u32 $0x7F, v51  }
0x2b2: {  	v46 =	vld.idx.msk [tilespmem:v46+s11+$0x0], $0xffff;
	_ =	sdelay $0x3  }
0x2b3: {  	s0 =	sand.u32 $0x3E0, s26;
	_ =	sdelay $0x1  }
0x2b4: {  	[tilespmem:s0+$0x18F80] =	vst v46  }
0x2b5: {  	v46 =	vld.idx.msk [tilespmem:v47+s11+$0x0], $0xffff;
	_ =	sdelay $0x5  }
0x2b6: {  	[tilespmem:s29+$0xFFFFFFC0] =	vst v46  }
0x2b7: {  	v46 =	vld.idx.msk [tilespmem:v48+s11+$0x0], $0xffff;
	_ =	sdelay $0x5  }
0x2b8: {  	[tilespmem:s29+$0xFFFFFFD0] =	vst v46  }
0x2b9: {  	v47 =	vadd.s32 v30, v45;
	v46 =	vld.idx.msk [tilespmem:v49+s11+$0x0], $0xffff  }
0x2ba: {  	v47 =	vor.u32 v47, v50;
	_ =	sdelay $0x4  }
0x2bb: {  	[tilespmem:s29+$0xFFFFFFE0] =	vst v46  }
0x2bc: {  	v45 =	vadd.s32 v29, v45;
	v46 =	vld.idx.msk [tilespmem:v47+s11+$0x0], $0xffff  }
0x2bd: {  	v44 =	vor.u32 v45, v44;
	_ =	sdelay $0x2  }
.Ltmp7:
0x2be: {  	(pc) =	sbr.rel @p0 .LBB2_16-.Ltmp7, $4  }
0x2bf: {  	_ = 	snop  }
0x2c0: {  	v45 =	vmov s1;
	[tilespmem:s29+$0xFFFFFFF0] =	vst v46  }
0x2c1: {  	v46 =	vadd.s32 $0x18, v45;
	v45 =	vld.idx.msk [tilespmem:v44+s11+$0x0], $0xffff  }
0x2c2: {  	s0 =	smov.u32 s31;
	v44 =	vbroadcast v46, $0x0  }
0x2c3: {  	_ =	sdelay $0x2  }
0x2c4: {  	v45 =	vnsel vm2, $0x0, v45  }
0x2c5: {  	[tilespmem:s30+$0x0] =	vst v45  }
0x2c6: {  	v44 =	vld.idx.msk [tilespmem:v44+s8+$0x0], $0xffff;
	_ =	sdelay $0x2  }
0x2c7: {  	s0 =	sadd.s32 $0x60, s26  }
0x2c8: {  	v50 =	vmov s0  }
0x2c9: {  	v45 =	vshll.u32 v50, $0x7;
	v46 =	vadd.s32 v19, v44  }
0x2ca: {  	v47 =	vor.u32 v26, v45;
	v46 =	vand.u32 $0x7F, v46  }
0x2cb: {  	v46 =	vor.u32 v47, v46;
	_ =	sdelay $0x3  }
0x2cc: {  	v51 =	vadd.s32 v23, v44  }
0x2cd: {  	v48 =	vor.u32 v33, v45;
	v47 =	vand.u32 $0x7F, v51;
	v46 =	vld.idx.msk [tilespmem:v46+s11+$0x0], $0xffff  }
0x2ce: {  	v47 =	vor.u32 v48, v47;
	_ =	sdelay $0x2  }
0x2cf: {  	s0 =	sand.u32 $0x3E0, s0  }
0x2d0: {  	v52 =	vadd.s32 v24, v44;
	[tilespmem:s0+$0x18F80] =	vst v46  }
0x2d1: {  	v53 =	vand.u32 $0x7F, v52;
	v52 =	vadd.s32 v32, v45;
	v47 =	vld.idx.msk [tilespmem:v47+s11+$0x0], $0xffff  }
0x2d2: {  	v46 =	vor.u32 v52, v53;
	_ =	sdelay $0x2  }
0x2d3: {  	s30 =	sadd.s32 $0x60, s29  }
0x2d4: {  	v53 =	vadd.s32 v25, v44;
	[tilespmem:s30+$0xFFFFFFC0] =	vst v47  }
0x2d5: {  	v52 =	vadd.s32 v31, v45;
	v48 =	vand.u32 $0x7F, v53;
	v46 =	vld.idx.msk [tilespmem:v46+s11+$0x0], $0xffff  }
0x2d6: {  	v47 =	vor.u32 v52, v48;
	_ =	sdelay $0x3  }
0x2d7: {  	v53 =	vadd.s32 v27, v44;
	[tilespmem:s30+$0xFFFFFFD0] =	vst v46  }
0x2d8: {  	v52 =	vand.u32 $0x7F, v53;
	v53 =	vadd.s32 v30, v45;
	v47 =	vld.idx.msk [tilespmem:v47+s11+$0x0], $0xffff  }
0x2d9: {  	v46 =	vor.u32 v53, v52;
	_ =	sdelay $0x3  }
0x2da: {  	v44 =	vadd.s32 v28, v44;
	[tilespmem:s30+$0xFFFFFFE0] =	vst v47  }
0x2db: {  	v44 =	vand.u32 $0x7F, v44;
	v45 =	vadd.s32 v29, v45;
	v46 =	vld.idx.msk [tilespmem:v46+s11+$0x0], $0xffff  }
0x2dc: {  	v44 =	vor.u32 v45, v44;
	_ =	sdelay $0x3  }
0x2dd: {  	[tilespmem:s30+$0xFFFFFFF0] =	vst v46  }
0x2de: {  	v43 =	vadd.s32 $0x20, v43;
	v44 =	vld.idx.msk [tilespmem:v44+s11+$0x0], $0xffff  }
0x2df: {  	v43 =	vbroadcast v43, $0x0;
	_ =	sdelay $0x3  }
0x2e0: {  	v44 =	vnsel vm2, $0x0, v44  }
0x2e1: {  	[tilespmem:s30+$0x0] =	vst v44  }
0x2e2: {  	v43 =	vld.idx.msk [tilespmem:v43+s8+$0x0], $0xffff;
	_ =	sdelay $0x4  }
0x2e3: {  	v51 =	vmov s28;
	v52 =	vadd.s32 v19, v43  }
0x2e4: {  	s1 =	simm.s32 $0x3B0;
	v44 =	vadd.s32 $0x20, v51;
	v53 =	vadd.s32 v23, v43;
	v45 =	vshra.s32 v52, $0x7  }
0x2e5: {  	v44 =	vbroadcast v44, $0x0;
	v48 =	vadd.s32 v24, v43;
	v46 =	vshra.s32 v53, $0x7;
	[tilespmem:s1+$0xFFFFFFD0] =	vst v45  }
0x2e6: {  	v50 =	vadd.s32 v25, v43;
	v49 =	vshra.s32 v48, $0x7;
	[tilespmem:s1+$0xFFFFFFE0] =	vst v46  }
0x2e7: {  	v51 =	vadd.s32 v27, v43;
	v47 =	vshra.s32 v50, $0x7;
	[tilespmem:s1+$0xFFFFFFF0] =	vst v49  }
0x2e8: {  	v43 =	vadd.s32 v28, v43;
	v52 =	vshra.s32 v51, $0x7;
	[tilespmem:s1+$0x0] =	vst v47  }
0x2e9: {  	v43 =	vshra.s32 v43, $0x7;
	[tilespmem:s1+$0x10] =	vst v52  }
0x2ea: {  	[tilespmem:s1+$0x20] =	vst v43  }
0x2eb: {  	v44 =	vld.idx.msk [tilespmem:v44+s8+$0x0], $0xffff  }
0x2ec: {  	s31 =	simm.s32 $0x2  }
0x2ed: {  	v53 =	vmov s31  }
0x2ee: {  	v43 =	vadd.s32 $0x20, v53  }
0x2ef: {  	v43 =	vbroadcast v43, $0x0  }
0x2f0: {  	s26 =	simm.s32 $0x3;
	v47 =	vadd.s32 v19, v44;
	v46 =	vadd.s32 v23, v44;
	v45 =	vadd.s32 v24, v44  }
.LBB2_18:
0x2f1: {  	p0 =	sne.s32 s26, $0x7;
	v47 =	vshra.s32 v47, $0x7;
	v46 =	vshra.s32 v46, $0x7;
	v45 =	vshra.s32 v45, $0x7;
	s1 =	sadd.s32 $0x60, s1  }
0x2f2: {  	v48 =	vadd.s32 v27, v44;
	[tilespmem:s1+$0xFFFFFFD0] =	vst v47;
	v47 =	vadd.s32 v25, v44;
	v44 =	vadd.s32 v28, v44  }
0x2f3: {  	[tilespmem:s1+$0xFFFFFFE0] =	vst v46;
	v46 =	vshra.s32 v47, $0x7;
	v47 =	vshra.s32 v48, $0x7;
	v44 =	vshra.s32 v44, $0x7  }
0x2f4: {  	[tilespmem:s1+$0xFFFFFFF0] =	vst v45  }
0x2f5: {  	[tilespmem:s1+$0x0] =	vst v46  }
0x2f6: {  	[tilespmem:s1+$0x10] =	vst v47  }
0x2f7: {  	[tilespmem:s1+$0x20] =	vst v44  }
0x2f8: {  	v44 =	vld.idx.msk [tilespmem:v43+s8+$0x0], $0xffff;
	_ =	sdelay $0x1  }
.Ltmp8:
0x2f9: {  	(pc) =	sbr.rel @p0 .LBB2_18-.Ltmp8, $4  }
0x2fa: {  	v43 =	vmov s26  }
0x2fb: {  	v43 =	vadd.s32 $0x20, v43  }
0x2fc: {  	v43 =	vbroadcast v43, $0x0  }
0x2fd: {  	s26 =	sadd.s32 $0x1, s26;
	v47 =	vadd.s32 v19, v44;
	v46 =	vadd.s32 v23, v44;
	v45 =	vadd.s32 v24, v44  }
0x2fe: {  	v47 =	vshra.s32 v47, $0x7;
	s0 =	sadd.s32 $0x60, s1  }
0x2ff: {  	v46 =	vshra.s32 v46, $0x7;
	[tilespmem:s0+$0xFFFFFFD0] =	vst v47  }
0x300: {  	v45 =	vshra.s32 v45, $0x7;
	v51 =	vadd.s32 v25, v44;
	[tilespmem:s0+$0xFFFFFFE0] =	vst v46  }
0x301: {  	v52 =	vadd.s32 v27, v44;
	v47 =	vshra.s32 v51, $0x7;
	[tilespmem:s0+$0xFFFFFFF0] =	vst v45  }
0x302: {  	v53 =	vadd.s32 v28, v44;
	v48 =	vshra.s32 v52, $0x7;
	[tilespmem:s0+$0x0] =	vst v47  }
0x303: {  	v44 =	vshra.s32 v53, $0x7;
	[tilespmem:s0+$0x10] =	vst v48  }
0x304: {  	[tilespmem:s0+$0x20] =	vst v44  }
0x305: {  	v43 =	vld.idx.msk [tilespmem:v43+s8+$0x0], $0xffff;
	_ =	sdelay $0x4  }
0x306: {  	v49 =	vadd.s32 v19, v43  }
0x307: {  	s0 =	sadd.s32 $0x60, s0;
	v50 =	vadd.s32 v23, v43;
	v44 =	vshra.s32 v49, $0x7  }
0x308: {  	v51 =	vadd.s32 v24, v43;
	v45 =	vshra.s32 v50, $0x7;
	[tilespmem:s0+$0xFFFFFFD0] =	vst v44  }
0x309: {  	v53 =	vadd.s32 v25, v43;
	v52 =	vshra.s32 v51, $0x7;
	[tilespmem:s0+$0xFFFFFFE0] =	vst v45  }
0x30a: {  	v48 =	vadd.s32 v27, v43;
	v46 =	vshra.s32 v53, $0x7;
	[tilespmem:s0+$0xFFFFFFF0] =	vst v52  }
0x30b: {  	v43 =	vadd.s32 v28, v43;
	v49 =	vshra.s32 v48, $0x7;
	[tilespmem:s0+$0x0] =	vst v46  }
0x30c: {  	v43 =	vshra.s32 v43, $0x7;
	[tilespmem:s0+$0x10] =	vst v49  }
0x30d: {  	[tilespmem:s0+$0x20] =	vst v43  }
0x30e: {  	[tilespmem:s11], [sflag:$0x1] =	stream.indirect.gather [hbm4b:s3+s9], $0x80, s10, s9, $0xb8;
	[tilespmem:$0x19580] =	vst v63  }
0x30f: {  	_ = 	snop  }
0x310: {  	[tilespmem:s13], [sflag:$0x1] =	stream.indirect.gather [hbm4b:s3+s9], $0x80, s12, s9, $0xb8;
	[tilespmem:$0x19580] =	vst v63  }
0x311: {  	_ = 	snop  }
0x312: {  	[tilespmem:s15], [sflag:$0x1] =	stream.indirect.gather [hbm4b:s3+s9], $0x80, s14, s9, $0xb8;
	[tilespmem:$0x19580] =	vst v63  }
0x313: {  	_ = 	snop  }
0x314: {  	[tilespmem:s17], [sflag:$0x1] =	stream.indirect.gather [hbm4b:s3+s9], $0x80, s16, s9, $0xb8;
	[tilespmem:$0x19580] =	vst v63  }
0x315: {  	_ = 	snop  }
0x316: {  	[tilespmem:s19], [sflag:$0x1] =	stream.indirect.gather [hbm4b:s3+s9], $0x80, s18, s9, $0xb8;
	[tilespmem:$0x19580] =	vst v63  }
0x317: {  	_ = 	snop  }
0x318: {  	[tilespmem:s21], [sflag:$0x1] =	stream.indirect.gather [hbm4b:s3+s9], $0x80, s20, s9, $0xb8;
	[tilespmem:$0x19580] =	vst v63  }
0x319: {  	_ =	swait.ge [sflag:s22], $0x4000  }
0x31a: {  	[sflag:s22] =	ssyncset.done $0x0  }
0x31b: {  	[sflag:s22] =	ssyncadd.s32 $0xFFFFC000  }
0x31c: {  	_ =	swait.ge [sflag:s22], $0x4000  }
0x31d: {  	[sflag:s22] =	ssyncset.done $0x0  }
0x31e: {  	[sflag:s22] =	ssyncadd.s32 $0xFFFFC000  }
0x31f: {  	_ =	swait.ge [sflag:s22], $0x4000  }
0x320: {  	[sflag:s22] =	ssyncset.done $0x0  }
0x321: {  	[sflag:s22] =	ssyncadd.s32 $0xFFFFC000  }
0x322: {  	s26 =	simm.s32 $0x0;
	_ =	swait.ge [sflag:s22], $0x4000  }
0x323: {  	v50 =	vmov s26;
	[sflag:s22] =	ssyncset.done $0x0  }
0x324: {  	v43 =	vadd.s32 $0x20, v50;
	[sflag:s22] =	ssyncadd.s32 $0xFFFFC000  }
0x325: {  	v43 =	vbroadcast v43, $0x0;
	_ =	swait.ge [sflag:s22], $0x4000  }
0x326: {  	[sflag:s22] =	ssyncset.done $0x0  }
0x327: {  	[sflag:s22] =	ssyncadd.s32 $0xFFFFC000  }
0x328: {  	_ =	swait.ge [sflag:s22], $0x4000  }
0x329: {  	[sflag:s22] =	ssyncset.done $0x0  }
0x32a: {  	[sflag:s22] =	ssyncadd.s32 $0xFFFFC000  }
0x32b: {  	v43 =	vld.idx.msk [tilespmem:v43+s8+$0x0], $0xffff;
	_ =	sdelay $0x3  }
0x32c: {  	v51 =	vmov s26  }
0x32d: {  	v44 =	vshll.u32 v51, $0x7;
	v52 =	vadd.s32 v19, v43  }
0x32e: {  	v53 =	vor.u32 v26, v44;
	v45 =	vand.u32 $0x7F, v52  }
0x32f: {  	v45 =	vor.u32 v53, v45;
	_ =	sdelay $0x3  }
0x330: {  	v48 =	vadd.s32 v23, v43  }
0x331: {  	v49 =	vor.u32 v33, v44;
	v46 =	vand.u32 $0x7F, v48;
	v45 =	vld.idx.msk [tilespmem:v45+s11+$0x0], $0xffff  }
0x332: {  	v46 =	vor.u32 v49, v46;
	_ =	sdelay $0x2  }
0x333: {  	s1 =	sand.u32 $0x3E0, s26  }
0x334: {  	v50 =	vadd.s32 v24, v43;
	[tilespmem:s1+$0x19280] =	vst v45  }
0x335: {  	v51 =	vand.u32 $0x7F, v50;
	v52 =	vadd.s32 v32, v44;
	v46 =	vld.idx.msk [tilespmem:v46+s11+$0x0], $0xffff  }
0x336: {  	v45 =	vor.u32 v52, v51;
	_ =	sdelay $0x2  }
0x337: {  	s28 =	simm.s32 $0x192D0  }
0x338: {  	v53 =	vadd.s32 v25, v43;
	[tilespmem:s28+$0xFFFFFFC0] =	vst v46  }
0x339: {  	v48 =	vadd.s32 v31, v44;
	v47 =	vand.u32 $0x7F, v53;
	v45 =	vld.idx.msk [tilespmem:v45+s11+$0x0], $0xffff  }
0x33a: {  	v46 =	vor.u32 v48, v47;
	_ =	sdelay $0x3  }
0x33b: {  	v49 =	vadd.s32 v27, v43;
	[tilespmem:s28+$0xFFFFFFD0] =	vst v45  }
0x33c: {  	v50 =	vand.u32 $0x7F, v49;
	v51 =	vadd.s32 v30, v44;
	v46 =	vld.idx.msk [tilespmem:v46+s11+$0x0], $0xffff  }
0x33d: {  	v45 =	vor.u32 v51, v50;
	_ =	sdelay $0x3  }
0x33e: {  	v43 =	vadd.s32 v28, v43;
	[tilespmem:s28+$0xFFFFFFE0] =	vst v46  }
0x33f: {  	v43 =	vand.u32 $0x7F, v43;
	v44 =	vadd.s32 v29, v44;
	v45 =	vld.idx.msk [tilespmem:v45+s11+$0x0], $0xffff  }
0x340: {  	v43 =	vor.u32 v44, v43;
	_ =	sdelay $0x2  }
0x341: {  	s30 =	simm.s32 $0x1  }
0x342: {  	v52 =	vmov s30;
	[tilespmem:s28+$0xFFFFFFF0] =	vst v45  }
0x343: {  	v53 =	vadd.s32 $0x20, v52;
	v44 =	vld.idx.msk [tilespmem:v43+s11+$0x0], $0xffff  }
0x344: {  	s31 =	simm.s32 $0x2;
	s29 =	simm.s32 $0x192D0;
	v43 =	vbroadcast v53, $0x0  }
.LBB2_20:
0x345: {  	_ =	sdelay $0x1  }
0x346: {  	s26 =	sadd.s32 $0x60, s26  }
0x347: {  	s28 =	sadd.s32 $0x60, s28;
	s1 =	smov.u32 s31;
	s30 =	sadd.s32 $0x1, s31;
	v44 =	vnsel vm2, $0x0, v44  }
0x348: {  	p0 =	sne.s32 s31, $0x7;
	[tilespmem:s29+$0x0] =	vst v44;
	s29 =	smov.u32 s28  }
0x349: {  	v43 =	vld.idx.msk [tilespmem:v43+s8+$0x0], $0xffff;
	_ =	sdelay $0x3  }
0x34a: {  	v44 =	vmov s26;
	_ =	sdelay $0x1  }
0x34b: {  	v44 =	vshll.u32 v44, $0x7;
	v45 =	vadd.s32 v19, v43;
	v46 =	vadd.s32 v23, v43  }
0x34c: {  	v47 =	vor.u32 v26, v44;
	v45 =	vand.u32 $0x7F, v45;
	v46 =	vand.u32 $0x7F, v46  }
0x34d: {  	v48 =	vadd.s32 v24, v43;
	v45 =	vor.u32 v47, v45;
	v47 =	vor.u32 v33, v44  }
0x34e: {  	v46 =	vor.u32 v47, v46;
	v47 =	vand.u32 $0x7F, v48;
	v48 =	vadd.s32 v32, v44  }
0x34f: {  	v49 =	vadd.s32 v31, v44;
	v47 =	vor.u32 v48, v47;
	v48 =	vadd.s32 v25, v43  }
0x350: {  	v50 =	vadd.s32 v27, v43;
	v43 =	vadd.s32 v28, v43;
	v48 =	vand.u32 $0x7F, v48  }
0x351: {  	v43 =	vand.u32 $0x7F, v43;
	v48 =	vor.u32 v49, v48;
	v49 =	vand.u32 $0x7F, v50  }
0x352: {  	v45 =	vld.idx.msk [tilespmem:v45+s11+$0x0], $0xffff;
	_ =	sdelay $0x3  }
0x353: {  	s0 =	sand.u32 $0x3E0, s26;
	_ =	sdelay $0x1  }
0x354: {  	[tilespmem:s0+$0x19280] =	vst v45  }
0x355: {  	v45 =	vld.idx.msk [tilespmem:v46+s11+$0x0], $0xffff;
	_ =	sdelay $0x5  }
0x356: {  	[tilespmem:s28+$0xFFFFFFC0] =	vst v45  }
0x357: {  	v45 =	vld.idx.msk [tilespmem:v47+s11+$0x0], $0xffff;
	_ =	sdelay $0x5  }
0x358: {  	[tilespmem:s28+$0xFFFFFFD0] =	vst v45  }
0x359: {  	v46 =	vadd.s32 v30, v44;
	v45 =	vld.idx.msk [tilespmem:v48+s11+$0x0], $0xffff  }
0x35a: {  	v46 =	vor.u32 v46, v49;
	_ =	sdelay $0x4  }
0x35b: {  	[tilespmem:s28+$0xFFFFFFE0] =	vst v45  }
0x35c: {  	v44 =	vadd.s32 v29, v44;
	v45 =	vld.idx.msk [tilespmem:v46+s11+$0x0], $0xffff  }
0x35d: {  	v43 =	vor.u32 v44, v43;
	_ =	sdelay $0x2  }
.Ltmp9:
0x35e: {  	(pc) =	sbr.rel @p0 .LBB2_20-.Ltmp9, $4  }
0x35f: {  	_ = 	snop  }
0x360: {  	v44 =	vmov s1;
	[tilespmem:s28+$0xFFFFFFF0] =	vst v45  }
0x361: {  	v45 =	vadd.s32 $0x20, v44;
	v44 =	vld.idx.msk [tilespmem:v43+s11+$0x0], $0xffff  }
0x362: {  	s31 =	smov.u32 s30;
	v43 =	vbroadcast v45, $0x0  }
0x363: {  	_ =	sdelay $0x2  }
0x364: {  	v44 =	vnsel vm2, $0x0, v44  }
0x365: {  	[tilespmem:s29+$0x0] =	vst v44  }
0x366: {  	v43 =	vld.idx.msk [tilespmem:v43+s8+$0x0], $0xffff;
	_ =	sdelay $0x2  }
0x367: {  	s0 =	sadd.s32 $0x60, s26  }
0x368: {  	v52 =	vmov s0  }
0x369: {  	v44 =	vshll.u32 v52, $0x7;
	v45 =	vadd.s32 v19, v43  }
0x36a: {  	v46 =	vor.u32 v26, v44;
	v45 =	vand.u32 $0x7F, v45  }
0x36b: {  	v45 =	vor.u32 v46, v45;
	_ =	sdelay $0x3  }
0x36c: {  	v53 =	vadd.s32 v23, v43  }
0x36d: {  	v47 =	vor.u32 v33, v44;
	v46 =	vand.u32 $0x7F, v53;
	v45 =	vld.idx.msk [tilespmem:v45+s11+$0x0], $0xffff  }
0x36e: {  	v46 =	vor.u32 v47, v46;
	_ =	sdelay $0x2  }
0x36f: {  	s0 =	sand.u32 $0x3E0, s0  }
0x370: {  	v48 =	vadd.s32 v24, v43;
	[tilespmem:s0+$0x19280] =	vst v45  }
0x371: {  	v50 =	vadd.s32 v32, v44;
	v49 =	vand.u32 $0x7F, v48;
	v46 =	vld.idx.msk [tilespmem:v46+s11+$0x0], $0xffff  }
0x372: {  	v45 =	vor.u32 v50, v49;
	_ =	sdelay $0x2  }
0x373: {  	s31 =	sadd.s32 $0x60, s28  }
0x374: {  	v51 =	vadd.s32 v25, v43;
	[tilespmem:s31+$0xFFFFFFC0] =	vst v46  }
0x375: {  	v52 =	vadd.s32 v31, v44;
	v47 =	vand.u32 $0x7F, v51;
	v45 =	vld.idx.msk [tilespmem:v45+s11+$0x0], $0xffff  }
0x376: {  	v46 =	vor.u32 v52, v47;
	_ =	sdelay $0x3  }
0x377: {  	v53 =	vadd.s32 v27, v43;
	[tilespmem:s31+$0xFFFFFFD0] =	vst v45  }
0x378: {  	v48 =	vand.u32 $0x7F, v53;
	v49 =	vadd.s32 v30, v44;
	v46 =	vld.idx.msk [tilespmem:v46+s11+$0x0], $0xffff  }
0x379: {  	v45 =	vor.u32 v49, v48;
	_ =	sdelay $0x3  }
0x37a: {  	v43 =	vadd.s32 v28, v43;
	[tilespmem:s31+$0xFFFFFFE0] =	vst v46  }
0x37b: {  	v43 =	vand.u32 $0x7F, v43;
	v44 =	vadd.s32 v29, v44;
	v45 =	vld.idx.msk [tilespmem:v45+s11+$0x0], $0xffff  }
0x37c: {  	v43 =	vor.u32 v44, v43;
	_ =	sdelay $0x3  }
0x37d: {  	[tilespmem:s31+$0xFFFFFFF0] =	vst v45  }
0x37e: {  	v43 =	vld.idx.msk [tilespmem:v43+s11+$0x0], $0xffff;
	_ =	sdelay $0x4  }
0x37f: {  	v43 =	vnsel vm2, $0x0, v43  }
0x380: {  	v51 =	vld [tilespmem:$0x1FFC0];
	v50 =	vimm.s32 $0x1;
	[tilespmem:s31+$0x0] =	vst v43  }
0x381: {  	v43 =	vld [tilespmem:$0x190]  }
0x382: {  	v45 =	vld.msk [tilespmem:s23+$0x0], $0xffff  }
0x383: {  	v44 =	vld [tilespmem:$0x180]  }
0x384: {  	v52 =	vimm.s32 $0x2  }
0x385: {  	v46 =	vld.idx.msk [tilespmem:v50+s23+$0x0], $0xffff;
	_ =	sdelay $0x1  }
0x386: {  	vm4 =	vnez.u8 v51;
	v51 =	vimm.s32 $0x3  }
0x387: {  	vm0 =	vcmask $0x3F04;
	vm1 =	veq.s32 v43, v45;
	vm3 =	veq.s32 v44, v45  }
0x388: {  	v50 =	vimm.s32 $0x4;
	v45 =	vld.idx.msk [tilespmem:v52+s23+$0x0], $0xffff;
	vm1 =	vmand vm1, vm4;
	vm3 =	vmand vm3, vm0  }
0x389: {  	vm0 =	vcmask $0x3F08;
	v53 =	vmpcnt.ones.xlane vm1;
	vm1 =	veq.s32 v43, v46  }
0x38a: {  	v48 =	vmpcnt.ones.xlane vm3;
	vm3 =	veq.s32 v44, v46;
	vm1 =	vmand vm1, vm4  }
0x38b: {  	v46 =	vld.idx.msk [tilespmem:v51+s23+$0x0], $0xffff;
	v51 =	vimm.s32 $0x5;
	vm3 =	vmand vm3, vm0;
	v52 =	vmpcnt.ones.xlane vm1  }
0x38c: {  	vm0 =	vcmask $0x3F0C;
	v47 =	vsub.s32 $0x0, v53;
	v49 =	vmpcnt.ones.xlane vm3  }
0x38d: {  	vm5 =	veq.s32 v48, v47;
	vm1 =	veq.s32 v43, v45;
	v47 =	vsub.s32 $0x0, v52;
	v52 =	vld [tilespmem:$0x1FFD0]  }
0x38e: {  	vm3 =	veq.s32 v44, v45;
	v48 =	vsel vm5, $0x3F800000, v34;
	vm1 =	vmand vm1, vm4  }
0x38f: {  	vm3 =	vmand vm3, vm0;
	vm5 =	veq.s32 v49, v47;
	v53 =	vmpcnt.ones.xlane vm1;
	v47 =	vld.idx.msk [tilespmem:v50+s23+$0x0], $0xffff  }
0x390: {  	v50 =	vmpcnt.ones.xlane vm3;
	vm1 =	veq.s32 v43, v46;
	vm3 =	veq.s32 v44, v46;
	v46 =	vld.idx.msk [tilespmem:v51+s23+$0x0], $0xffff  }
0x391: {  	vm0 =	vcmask $0x3F10;
	v51 =	vld [tilespmem:$0x1FFE0]  }
0x392: {  	vm3 =	vmand vm3, vm0;
	vm0 =	vnez.u8 v52;
	v52 =	vimm.s32 $0x6  }
0x393: {  	vm1 =	vmand vm1, vm4;
	v45 =	vsub.s32 $0x0, v53  }
0x394: {  	v49 =	vsel vm5, $0x3F800000, v34;
	vm5 =	veq.s32 v50, v45;
	v45 =	vmpcnt.ones.xlane vm1  }
0x395: {  	v50 =	vmpcnt.ones.xlane vm3;
	v48 =	vsel vm0, v48, v49;
	vm1 =	veq.s32 v43, v47  }
0x396: {  	v49 =	vsel vm5, $0x3F800000, v34;
	vm0 =	vnez.u8 v51;
	vm1 =	vmand vm1, vm4  }
0x397: {  	v45 =	vsub.s32 $0x0, v45;
	vm5 =	veq.s32 v44, v47;
	v53 =	vmpcnt.ones.xlane vm1;
	v47 =	vld.idx.msk [tilespmem:v52+s23+$0x0], $0xffff  }
0x398: {  	v48 =	vsel vm0, v48, v49;
	vm3 =	veq.s32 v50, v45;
	v52 =	vld [tilespmem:$0x1FFF0]  }
0x399: {  	vm0 =	vcmask $0x3F14;
	v45 =	vsub.s32 $0x0, v53;
	v53 =	vimm.s32 $0x7  }
0x39a: {  	vm5 =	vmand vm5, vm0  }
0x39b: {  	vm1 =	veq.s32 v43, v46;
	v49 =	vmpcnt.ones.xlane vm5  }
0x39c: {  	v51 =	vsel vm3, $0x3F800000, v34;
	vm5 =	veq.s32 v44, v46;
	vm1 =	vmand vm1, vm4  }
0x39d: {  	v46 =	vmpcnt.ones.xlane vm1;
	vm1 =	veq.s32 v49, v45;
	vm6 =	vnez.u8 v52  }
0x39e: {  	vm0 =	vcmask $0x3F18;
	v50 =	vld.idx.msk [tilespmem:v53+s23+$0x0], $0xffff;
	v53 =	vsel vm1, $0x3F800000, v34;
	v48 =	vsel vm6, v48, v51  }
0x39f: {  	vm5 =	vmand vm5, vm0;
	v48 =	vsel vm4, v48, v53;
	v53 =	vimm.s32 $0x8  }
0x3a0: {  	v45 =	vmpcnt.ones.xlane vm5  }
0x3a1: {  	v46 =	vsub.s32 $0x0, v46  }
0x3a2: {  	vm1 =	veq.s32 v45, v46  }
0x3a3: {  	vm0 =	vcmask $0x3F1C;
	vm3 =	veq.s32 v43, v47;
	v45 =	vsel vm1, $0x3F800000, v34  }
0x3a4: {  	vm1 =	veq.s32 v44, v47;
	vm3 =	vmand vm3, vm4;
	v51 =	vimm.s32 $0x9;
	v49 =	vld.idx.msk [tilespmem:v53+s23+$0x0], $0xffff  }
0x3a5: {  	vm1 =	vmand vm1, vm0;
	v52 =	vmpcnt.ones.xlane vm3  }
0x3a6: {  	vm0 =	vcmask $0x3F20;
	v47 =	vmpcnt.ones.xlane vm1;
	vm3 =	veq.s32 v43, v50  }
0x3a7: {  	v46 =	vsub.s32 $0x0, v52;
	vm1 =	veq.s32 v44, v50;
	vm3 =	vmand vm3, vm4  }
0x3a8: {  	vm1 =	vmand vm1, vm0;
	v50 =	vmpcnt.ones.xlane vm3;
	vm3 =	veq.s32 v47, v46  }
0x3a9: {  	v51 =	vld.idx.msk [tilespmem:v51+s23+$0x0], $0xffff;
	v52 =	vmpcnt.ones.xlane vm1;
	v47 =	vsel vm3, $0x3F800000, v34;
	vm3 =	veq.s32 v43, v49  }
0x3aa: {  	v53 =	vsub.s32 $0x0, v50;
	vm3 =	vmand vm3, vm4  }
0x3ab: {  	vm1 =	veq.s32 v52, v53;
	v53 =	vimm.s32 $0xA;
	v52 =	vmpcnt.ones.xlane vm3  }
0x3ac: {  	vm7 =	vmmov $0x3f;
	v45 =	vsel vm2, v48, v45  }
0x3ad: {  	v45 =	vsel vm7, v45, v47;
	v47 =	vsub.s32 $0x0, v52;
	v52 =	vimm.s32 $0xB  }
0x3ae: {  	vm0 =	vcmask $0x3F24;
	vm5 =	veq.s32 v43, v51  }
0x3af: {  	v46 =	vsel vm1, $0x3F800000, v34;
	vm1 =	veq.s32 v44, v49;
	vm5 =	vmand vm5, vm4  }
0x3b0: {  	vm1 =	vmand vm1, vm0;
	vm0 =	vcmask $0x3F28;
	vm3 =	veq.s32 v44, v51;
	v48 =	vld.idx.msk [tilespmem:v53+s23+$0x0], $0xffff  }
0x3b1: {  	v50 =	vmpcnt.ones.xlane vm5;
	v49 =	vmpcnt.ones.xlane vm1;
	vm1 =	vmand vm3, vm0  }
0x3b2: {  	v51 =	vmpcnt.ones.xlane vm1;
	v52 =	vld.idx.msk [tilespmem:v52+s23+$0x0], $0xffff  }
0x3b3: {  	v50 =	vsub.s32 $0x0, v50;
	v53 =	vimm.s32 $0xC;
	vm1 =	veq.s32 v49, v47  }
0x3b4: {  	v45 =	vsel vm14, v45, v46;
	v47 =	vsel vm1, $0x3F800000, v34;
	vm1 =	veq.s32 v51, v50  }
0x3b5: {  	vm0 =	vcmask $0x3F2C;
	v46 =	vsel vm1, $0x3F800000, v34;
	vm1 =	veq.s32 v43, v48  }
0x3b6: {  	v51 =	vimm.s32 $0xD;
	v45 =	vsel vm11, v45, v47;
	vm1 =	vmand vm1, vm4  }
0x3b7: {  	vm5 =	veq.s32 v44, v48;
	v47 =	vmpcnt.ones.xlane vm1;
	vm1 =	veq.s32 v43, v52  }
0x3b8: {  	v48 =	vld.idx.msk [tilespmem:v53+s23+$0x0], $0xffff;
	vm5 =	vmand vm5, vm0;
	vm1 =	vmand vm1, vm4  }
0x3b9: {  	v53 =	vmpcnt.ones.xlane vm5;
	vm5 =	veq.s32 v44, v52;
	v52 =	vmpcnt.ones.xlane vm1  }
0x3ba: {  	vm3 =	vmmov $0x1ff;
	vm0 =	vcmask $0x3F30;
	v47 =	vsub.s32 $0x0, v47  }
0x3bb: {  	vm5 =	vmand vm5, vm0;
	v50 =	vsub.s32 $0x0, v52;
	v52 =	vimm.s32 $0xE  }
0x3bc: {  	v45 =	vsel vm3, v45, v46;
	vm1 =	veq.s32 v53, v47;
	v53 =	vmpcnt.ones.xlane vm5;
	v47 =	vld.idx.msk [tilespmem:v51+s23+$0x0], $0xffff  }
0x3bd: {  	vm0 =	vcmask $0x3F34;
	vm5 =	veq.s32 v43, v48;
	v51 =	vimm.s32 $0xF  }
0x3be: {  	v49 =	vsel vm1, $0x3F800000, v34;
	vm5 =	vmand vm5, vm4;
	vm1 =	veq.s32 v53, v50  }
0x3bf: {  	v45 =	vsel vm13, v45, v49;
	v46 =	vsel vm1, $0x3F800000, v34;
	vm1 =	veq.s32 v44, v48  }
0x3c0: {  	v48 =	vmpcnt.ones.xlane vm5;
	vm1 =	vmand vm1, vm0;
	v45 =	vsel vm15, v45, v46;
	v49 =	vld.idx.msk [tilespmem:v52+s23+$0x0], $0xffff  }
0x3c1: {  	vm5 =	veq.s32 v44, v47;
	v53 =	vmpcnt.ones.xlane vm1;
	vm1 =	veq.s32 v43, v47  }
0x3c2: {  	vm0 =	vcmask $0x3F38;
	v48 =	vsub.s32 $0x0, v48;
	v47 =	vld.idx.msk [tilespmem:v51+s23+$0x0], $0xffff;
	vm1 =	vmand vm1, vm4  }
0x3c3: {  	vm5 =	vmand vm5, vm0;
	vm9 =	veq.s32 v53, v48;
	v52 =	vmpcnt.ones.xlane vm1  }
0x3c4: {  	vm0 =	vcmask $0x3F3C;
	v53 =	vmpcnt.ones.xlane vm5;
	v48 =	vsel vm9, $0x3F800000, v34  }
0x3c5: {  	v45 =	vsel vm12, v45, v48;
	v46 =	vsub.s32 $0x0, v52;
	vm1 =	veq.s32 v43, v49  }
0x3c6: {  	vm5 =	veq.s32 v53, v46;
	vm9 =	veq.s32 v44, v49;
	vm1 =	vmand vm1, vm4  }
0x3c7: {  	vm9 =	vmand vm9, vm0;
	v52 =	vmpcnt.ones.xlane vm1;
	vm1 =	veq.s32 v43, v47  }
0x3c8: {  	v46 =	vsel vm5, $0x3F800000, v34;
	v53 =	vmpcnt.ones.xlane vm9;
	vm1 =	vmand vm1, vm4  }
0x3c9: {  	vm5 =	vmmov $0x1fff;
	v44 =	vsub.s32 $0x0, v52;
	v52 =	vmpcnt.ones.xlane vm1  }
0x3ca: {  	v48 =	vimm.s32 $0x10;
	v45 =	vsel vm5, v45, v46;
	vm1 =	veq.s32 v53, v44  }
0x3cb: {  	vm9 =	vmmov $0x3fff;
	v44 =	vsel vm1, $0x3F800000, v34;
	vm1 =	veq.s32 v52, $0x0  }
0x3cc: {  	v44 =	vsel vm9, v45, v44;
	v53 =	vsel vm1, $0x3F800000, v34;
	vm1 =	vmmov $0x7fff  }
0x3cd: {  	v44 =	vsel vm1, v44, v53  }
0x3ce: {  	[tilespmem:$0x2F0] =	vst v44  }
0x3cf: {  	v50 =	vimm.s32 $0x11;
	v49 =	vld.idx.msk [tilespmem:v48+s23+$0x0], $0xffff;
	_ =	sdelay $0x1  }
0x3d0: {  	v51 =	vimm.s32 $0x12  }
0x3d1: {  	v52 =	vimm.s32 $0x14;
	_ =	sdelay $0x1  }
0x3d2: {  	vm8 =	vcmask $0xF04;
	v46 =	vld.idx.msk [tilespmem:v50+s23+$0x0], $0xffff;
	vm0 =	veq.s32 v43, v49  }
0x3d3: {  	v44 =	vld [tilespmem:$0x1A0];
	vm0 =	vmand vm0, vm8  }
0x3d4: {  	v45 =	vld.idx.msk [tilespmem:v51+s23+$0x0], $0xffff;
	v53 =	vmpcnt.ones.xlane vm0  }
0x3d5: {  	v47 =	vld.idx.msk [tilespmem:v52+s23+$0x0], $0xffff  }
0x3d6: {  	vm0 =	veq.s32 v53, $0x0  }
0x3d7: {  	vm8 =	vcmask $0xF08;
	v48 =	vsel vm0, $0x3F800000, v34;
	vm0 =	veq.s32 v43, v46  }
0x3d8: {  	vm0 =	vmand vm0, vm8  }
0x3d9: {  	vm8 =	veq.s32 v43, v45;
	v52 =	vmpcnt.ones.xlane vm0;
	vm0 =	vcmask $0xF0C  }
0x3da: {  	vm10 =	veq.s32 v44, v47;
	vm0 =	vmand vm8, vm0  }
0x3db: {  	vm8 =	vmand vm10, vm11;
	vm10 =	vmxor vm10, vm10;
	v49 =	vmpcnt.ones.xlane vm0  }
0x3dc: {  	v46 =	vld.idx.msk [tilespmem:v54+s23+$0x0], $0xffff;
	vm0 =	veq.s32 v43, v47;
	v45 =	vmpcnt.ones.xlane vm10;
	vm10 =	vcmask $0x3F14  }
0x3dd: {  	v47 =	vmpcnt.ones.xlane vm8;
	vm8 =	veq.s32 v52, $0x0;
	vm0 =	vmand vm0, vm10  }
0x3de: {  	v51 =	vsel vm8, $0x3F800000, v34;
	vm8 =	veq.s32 v49, $0x0;
	v49 =	vmpcnt.ones.xlane vm0  }
0x3df: {  	v50 =	vld.idx.msk [tilespmem:v55+s23+$0x0], $0xffff;
	vm0 =	veq.s32 v45, $0x0;
	v47 =	vsub.s32 $0x0, v47  }
0x3e0: {  	v52 =	vsel vm8, $0x3F800000, v34;
	v45 =	vsel vm0, $0x3F800000, v34;
	vm0 =	veq.s32 v49, v47  }
0x3e1: {  	vm8 =	veq.s32 v43, v46;
	v47 =	vsel vm0, $0x3F800000, v34;
	vm0 =	vcmask $0x3F18  }
0x3e2: {  	vm0 =	vmand vm8, vm0;
	vm8 =	veq.s32 v44, v46  }
0x3e3: {  	v46 =	vmpcnt.ones.xlane vm0;
	vm0 =	vmand vm8, vm11  }
0x3e4: {  	vm8 =	veq.s32 v44, v50;
	v49 =	vmpcnt.ones.xlane vm0;
	vm0 =	veq.s32 v43, v50;
	v50 =	vld.idx.msk [tilespmem:v56+s23+$0x0], $0xffff;
	[tilespmem:$0x1FFB0] =	vst v0  }
0x3e5: {  	v0 =	vld [tilespmem:$0x1FFD0];
	_ =	sdelay $0x3  }
0x3e6: {  	vm8 =	vmand vm8, vm11  }
0x3e7: {  	v53 =	vmpcnt.ones.xlane vm8;
	vm8 =	vnez.u8 v0;
	v0 =	vld [tilespmem:$0x1FFB0]  }
0x3e8: {  	v48 =	vsel vm8, v48, v51;
	v51 =	vld [tilespmem:$0x1FFE0];
	_ =	sdelay $0x3  }
0x3e9: {  	vm10 =	vcmask $0x3F1C  }
0x3ea: {  	vm0 =	vmand vm0, vm10;
	v49 =	vsub.s32 $0x0, v49;
	vm10 =	vnez.u8 v51  }
0x3eb: {  	v51 =	vmpcnt.ones.xlane vm0;
	vm0 =	veq.s32 v46, v49;
	v48 =	vsel vm10, v48, v52  }
0x3ec: {  	v52 =	vld.idx.msk [tilespmem:v57+s23+$0x0], $0xffff;
	v46 =	vsel vm6, v48, v45;
	v48 =	vsub.s32 $0x0, v53;
	v53 =	vsel vm0, $0x3F800000, v34  }
0x3ed: {  	v46 =	vsel vm4, v46, v47;
	vm0 =	veq.s32 v51, v48;
	vm4 =	vcmask $0x3F20  }
0x3ee: {  	v46 =	vsel vm2, v46, v53;
	v51 =	vsel vm0, $0x3F800000, v34;
	vm0 =	veq.s32 v43, v50  }
0x3ef: {  	v48 =	vld.idx.msk [tilespmem:v58+s23+$0x0], $0xffff;
	v46 =	vsel vm7, v46, v51;
	vm0 =	vmand vm0, vm4;
	vm7 =	veq.s32 v44, v50  }
0x3f0: {  	v47 =	vmpcnt.ones.xlane vm0;
	vm0 =	vmand vm7, vm11  }
0x3f1: {  	vm7 =	veq.s32 v43, v52;
	v49 =	vmpcnt.ones.xlane vm0;
	vm0 =	vcmask $0x3F24  }
0x3f2: {  	vm0 =	vmand vm7, vm0  }
0x3f3: {  	vm4 =	vcmask $0x3F28;
	vm7 =	veq.s32 v44, v52;
	v50 =	vmpcnt.ones.xlane vm0  }
0x3f4: {  	vm0 =	vmand vm7, vm11;
	vm7 =	veq.s32 v44, v48;
	v49 =	vsub.s32 $0x0, v49  }
0x3f5: {  	v52 =	vld.idx.msk [tilespmem:v59+s23+$0x0], $0xffff;
	v51 =	vmpcnt.ones.xlane vm0;
	vm0 =	veq.s32 v43, v48;
	vm7 =	vmand vm7, vm11  }
0x3f6: {  	v48 =	vmpcnt.ones.xlane vm7;
	vm0 =	vmand vm0, vm4;
	vm4 =	vcmask $0x3F2C  }
0x3f7: {  	v53 =	vmpcnt.ones.xlane vm0;
	vm0 =	veq.s32 v47, v49;
	v47 =	vsub.s32 $0x0, v51;
	v49 =	vld.idx.msk [tilespmem:v60+s23+$0x0], $0xffff  }
0x3f8: {  	v51 =	vsel vm0, $0x3F800000, v34;
	vm0 =	veq.s32 v50, v47;
	v47 =	vsub.s32 $0x0, v48  }
0x3f9: {  	v46 =	vsel vm14, v46, v51;
	v48 =	vsel vm0, $0x3F800000, v34;
	vm0 =	veq.s32 v53, v47;
	v47 =	vld.idx.msk [tilespmem:v61+s23+$0x0], $0xffff  }
0x3fa: {  	v46 =	vsel vm11, v46, v48;
	v53 =	vsel vm0, $0x3F800000, v34;
	vm0 =	veq.s32 v43, v52  }
0x3fb: {  	v46 =	vsel vm3, v46, v53;
	vm3 =	veq.s32 v44, v52;
	vm0 =	vmand vm0, vm4  }
0x3fc: {  	vm4 =	vcmask $0x3F30;
	vm3 =	vmand vm3, vm11;
	vm7 =	veq.s32 v44, v49  }
0x3fd: {  	v48 =	vmpcnt.ones.xlane vm0;
	v53 =	vmpcnt.ones.xlane vm3;
	vm0 =	vmand vm7, vm11  }
0x3fe: {  	vm3 =	veq.s32 v43, v49;
	v49 =	vmpcnt.ones.xlane vm0;
	vm0 =	veq.s32 v44, v47  }
0x3ff: {  	vm3 =	vmand vm3, vm4;
	vm4 =	vcmask $0x3F34;
	v50 =	vsub.s32 $0x0, v53  }
0x400: {  	v51 =	vld.idx.msk [tilespmem:v62+s23+$0x0], $0xffff;
	vm0 =	vmand vm0, vm11;
	v52 =	vmpcnt.ones.xlane vm3;
	vm3 =	veq.s32 v43, v47  }
0x401: {  	v47 =	vmpcnt.ones.xlane vm0;
	vm0 =	veq.s32 v48, v50;
	vm3 =	vmand vm3, vm4  }
0x402: {  	v48 =	vsub.s32 $0x0, v49;
	v49 =	vld.idx.msk [tilespmem:v63+s23+$0x0], $0xffff;
	vm4 =	vcmask $0x3F3C;
	v53 =	vmpcnt.ones.xlane vm3  }
0x403: {  	v50 =	vsel vm0, $0x3F800000, v34;
	vm0 =	veq.s32 v52, v48;
	v47 =	vsub.s32 $0x0, v47  }
0x404: {  	v46 =	vsel vm13, v46, v50;
	v48 =	vsel vm0, $0x3F800000, v34;
	v50 =	vld.idx.msk [tilespmem:v35+s23+$0x0], $0xffff;
	vm0 =	veq.s32 v53, v47  }
0x405: {  	vm3 =	veq.s32 v43, v51;
	v47 =	vsel vm0, $0x3F800000, v34;
	vm0 =	vcmask $0x3F38  }
0x406: {  	v46 =	vsel vm15, v46, v48;
	vm0 =	vmand vm3, vm0;
	vm3 =	veq.s32 v44, v51  }
0x407: {  	v48 =	vmpcnt.ones.xlane vm0;
	vm0 =	vmand vm3, vm11;
	vm3 =	veq.s32 v44, v49  }
0x408: {  	v51 =	vmpcnt.ones.xlane vm0;
	vm0 =	veq.s32 v43, v49;
	vm3 =	vmand vm3, vm11  }
0x409: {  	vm0 =	vmand vm0, vm4;
	v43 =	vmpcnt.ones.xlane vm3;
	vm3 =	veq.s32 v44, v50  }
0x40a: {  	v49 =	vmpcnt.ones.xlane vm0;
	vm0 =	vmand vm3, vm11;
	v50 =	vsub.s32 $0x0, v51  }
0x40b: {  	v51 =	vmpcnt.ones.xlane vm0;
	vm0 =	veq.s32 v48, v50;
	v43 =	vsub.s32 $0x0, v43  }
0x40c: {  	v46 =	vsel vm12, v46, v47;
	v48 =	vsel vm0, $0x3F800000, v34;
	vm0 =	veq.s32 v49, v43  }
0x40d: {  	v49 =	vsel vm5, v46, v48;
	v50 =	vsel vm0, $0x3F800000, v34;
	vm0 =	veq.s32 v51, $0x0  }
0x40e: {  	v43 =	vsel vm9, v49, v50;
	v51 =	vsel vm0, $0x3F800000, v34  }
0x40f: {  	v43 =	vsel vm1, v43, v51  }
0x410: {  	[tilespmem:$0x300] =	vst v43  }
0x411: {  	v43 =	vld.idx.msk [tilespmem:v36+s23+$0x0], $0xffff;
	_ =	sdelay $0x4  }
0x412: {  	vm1 =	vcmask $0x1F04;
	vm0 =	veq.s32 v44, v43;
	v43 =	vld.idx.msk [tilespmem:v37+s23+$0x0], $0xffff  }
0x413: {  	vm0 =	vmand vm0, vm1  }
0x414: {  	v46 =	vld.idx.msk [tilespmem:v38+s23+$0x0], $0xffff;
	v52 =	vmpcnt.ones.xlane vm0;
	_ =	sdelay $0x1  }
0x415: {  	v53 =	vld.idx.msk [tilespmem:v39+s23+$0x0], $0xffff;
	vm0 =	veq.s32 v52, $0x0  }
0x416: {  	v49 =	vld.idx.msk [tilespmem:v40+s23+$0x0], $0xffff;
	vm1 =	vcmask $0x1F08;
	v47 =	vsel vm0, $0x3F800000, v34;
	vm0 =	veq.s32 v44, v43  }
0x417: {  	vm0 =	vmand vm0, vm1  }
0x418: {  	vm1 =	veq.s32 v44, v46;
	v52 =	vmpcnt.ones.xlane vm0;
	vm0 =	vcmask $0x1F0C  }
0x419: {  	v43 =	vnsel vm8, $0x0, v47;
	vm0 =	vmand vm1, vm0  }
0x41a: {  	v47 =	vld.idx.msk [tilespmem:v41+s23+$0x0], $0xffff;
	vm1 =	veq.s32 v44, v53;
	v53 =	vmpcnt.ones.xlane vm0;
	vm0 =	vcmask $0x1F10  }
0x41b: {  	vm3 =	vcmask $0x1F14;
	vm0 =	vmand vm1, vm0;
	vm1 =	veq.s32 v44, v49  }
0x41c: {  	v50 =	vmpcnt.ones.xlane vm0;
	vm0 =	veq.s32 v52, $0x0;
	vm1 =	vmand vm1, vm3  }
0x41d: {  	v49 =	vld.idx.msk [tilespmem:v42+s23+$0x0], $0xffff;
	v46 =	vsel vm0, $0x3F800000, v34;
	v52 =	vmpcnt.ones.xlane vm1;
	vm1 =	vcmask $0x320  }
0x41e: {  	vm3 =	vcmask $0x1F18;
	vm0 =	veq.s32 v53, $0x0;
	v43 =	vsel vm1, v43, v46  }
0x41f: {  	v53 =	vsel vm0, $0x3F800000, v34;
	vm0 =	veq.s32 v50, $0x0;
	vm1 =	veq.s32 v44, v47  }
0x420: {  	v50 =	vsel vm0, $0x3F800000, v34;
	vm0 =	veq.s32 v52, $0x0;
	vm1 =	vmand vm1, vm3  }
0x421: {  	v47 =	vsel vm0, $0x3F800000, v34;
	v52 =	vmpcnt.ones.xlane vm1;
	vm1 =	vcmask $0x720  }
0x422: {  	vm0 =	veq.s32 v44, v49;
	v43 =	vsel vm1, v43, v53;
	vm1 =	vcmask $0x1F1C  }
0x423: {  	vm0 =	vmand vm0, vm1;
	vm1 =	vcmask $0xB20  }
0x424: {  	v43 =	vsel vm1, v43, v50;
	v53 =	vmpcnt.ones.xlane vm0;
	vm0 =	vcmask $0xF20  }
0x425: {  	v48 =	vmul.u32 $0x60, v1;
	v43 =	vsel vm0, v43, v47;
	vm0 =	veq.s32 v52, $0x0  }
0x426: {  	v44 =	vsel vm0, $0x3F800000, v34;
	vm0 =	veq.s32 v53, $0x0  }
0x427: {  	v46 =	vld [tilespmem:$0x200];
	v52 =	vadd.s32 $0x55, v48;
	v53 =	vsel vm0, $0x3F800000, v34;
	vm0 =	vcmask $0x1320  }
0x428: {  	v43 =	vsel vm0, v43, v44;
	vm0 =	vcmask $0x1720  }
0x429: {  	v43 =	vsel vm0, v43, v53;
	vm0 =	vcmask $0x1B20  }
0x42a: {  	v43 =	vsel vm0, v43, v45  }
0x42b: {  	[tilespmem:$0x310] =	vst v43  }
0x42c: {  	[tilespmem:v52+s24+$0x0] =	vst.idx.msk $0xffff, v46  }
0x42d: {  	v52 =	vadd.s32 $0x56, v48;
	v51 =	vld [tilespmem:$0x230];
	_ =	sdelay $0x4  }
0x42e: {  	[tilespmem:v52+s24+$0x0] =	vst.idx.msk $0xffff, v51  }
0x42f: {  	v53 =	vadd.s32 $0x57, v48;
	v43 =	vld [tilespmem:$0x260];
	_ =	sdelay $0x4  }
0x430: {  	[tilespmem:v53+s24+$0x0] =	vst.idx.msk $0xffff, v43  }
0x431: {  	v49 =	vadd.s32 $0x58, v48;
	v43 =	vld [tilespmem:$0x290];
	_ =	sdelay $0x4  }
0x432: {  	[tilespmem:v49+s24+$0x0] =	vst.idx.msk $0xffff, v43  }
0x433: {  	v50 =	vadd.s32 $0x59, v48;
	v43 =	vld [tilespmem:$0x2C0];
	_ =	sdelay $0x4  }
0x434: {  	[tilespmem:v50+s24+$0x0] =	vst.idx.msk $0xffff, v43  }
0x435: {  	v51 =	vadd.s32 $0x5A, v48;
	v43 =	vld [tilespmem:$0x2F0];
	_ =	sdelay $0x4  }
0x436: {  	[tilespmem:v51+s24+$0x0] =	vst.idx.msk $0xffff, v43  }
0x437: {  	v52 =	vadd.s32 $0x655, v48;
	v43 =	vld [tilespmem:$0x210];
	_ =	sdelay $0x4  }
0x438: {  	[tilespmem:v52+s24+$0x0] =	vst.idx.msk $0xffff, v43  }
0x439: {  	v53 =	vadd.s32 $0x656, v48;
	v43 =	vld [tilespmem:$0x240];
	_ =	sdelay $0x4  }
0x43a: {  	[tilespmem:v53+s24+$0x0] =	vst.idx.msk $0xffff, v43  }
0x43b: {  	v49 =	vadd.s32 $0x657, v48;
	v43 =	vld [tilespmem:$0x270];
	_ =	sdelay $0x4  }
0x43c: {  	[tilespmem:v49+s24+$0x0] =	vst.idx.msk $0xffff, v43  }
0x43d: {  	v50 =	vadd.s32 $0x658, v48;
	v43 =	vld [tilespmem:$0x2A0];
	_ =	sdelay $0x4  }
0x43e: {  	[tilespmem:v50+s24+$0x0] =	vst.idx.msk $0xffff, v43  }
0x43f: {  	v51 =	vadd.s32 $0x659, v48;
	v43 =	vld [tilespmem:$0x2D0];
	_ =	sdelay $0x4  }
0x440: {  	[tilespmem:v51+s24+$0x0] =	vst.idx.msk $0xffff, v43  }
0x441: {  	v52 =	vadd.s32 $0x65A, v48;
	v43 =	vld [tilespmem:$0x300];
	_ =	sdelay $0x4  }
0x442: {  	[tilespmem:v52+s24+$0x0] =	vst.idx.msk $0xffff, v43  }
0x443: {  	v53 =	vadd.s32 $0xC55, v48;
	v43 =	vld [tilespmem:$0x220];
	_ =	sdelay $0x4  }
0x444: {  	[tilespmem:v53+s24+$0x0] =	vst.idx.msk $0xff, v43  }
0x445: {  	v49 =	vadd.s32 $0xC56, v48;
	v43 =	vld [tilespmem:$0x250];
	_ =	sdelay $0x4  }
0x446: {  	[tilespmem:v49+s24+$0x0] =	vst.idx.msk $0xff, v43  }
0x447: {  	v50 =	vadd.s32 $0xC57, v48;
	v43 =	vld [tilespmem:$0x280];
	_ =	sdelay $0x4  }
0x448: {  	[tilespmem:v50+s24+$0x0] =	vst.idx.msk $0xff, v43  }
0x449: {  	v51 =	vadd.s32 $0xC58, v48;
	v43 =	vld [tilespmem:$0x2B0];
	_ =	sdelay $0x4  }
0x44a: {  	[tilespmem:v51+s24+$0x0] =	vst.idx.msk $0xff, v43  }
0x44b: {  	v52 =	vadd.s32 $0xC59, v48;
	v43 =	vld [tilespmem:$0x2E0];
	_ =	sdelay $0x4  }
0x44c: {  	[tilespmem:v52+s24+$0x0] =	vst.idx.msk $0xff, v43  }
0x44d: {  	v53 =	vadd.s32 $0xC5A, v48;
	v43 =	vld [tilespmem:$0x310];
	_ =	sdelay $0x2  }
0x44e: {  	s25 =	sadd.s32 $0x1, s25  }
0x44f: {  	p0 =	sne.s32 s25, s6  }
.Ltmp10:
0x450: {  	[tilespmem:v53+s24+$0x0] =	vst.idx.msk $0xff, v43;
	(pc) =	sbr.rel @p0 .LBB2_1-.Ltmp10, $4  }
0x451: {  	[hbm4b:s5+s2] =	stream.linear.scatter [tilespmem:s24], [sflag:$0x2], $0xF00, $0x38;
	[tilespmem:$0x19580] =	vst v63  }
0x452: {  	_ =	swait.ge [sflag:s7], $0xF00  }
0x453: {  	[sflag:s7] =	ssyncset.done $0x0  }
0x454: {  	[sflag:s7] =	ssyncadd.s32 $0xFFFFF100  }
0x455: {  	_ =	sfence.sel $0x180000  }
0x456: {  	[bflag:$0x0] =	sbarrier.arrive $0xFFFF  }
0x457: {  	_ =	strace $0x90000047  }
0x458: {  	s0 =	stileid.u32;
	[bflag:$0x2] =	sbarrier.arrive $0xFFFF  }
0x459: {  	p0 =	sne.s32 s0, $0x0;
	s0 =	rddreg [dreg:$0x1]  }
0x45a: {  	s0 =	sadd.s32 @!p0 $0x100000, s0  }
0x45b: {  	[sflag:s0] =	ssyncadd.tile.s32 @!p0 $0x1;
	_ =	shalt  }
.Lfunc_end2:
_tile_overlayer_lowered:
.L_overlay_start_2:
0x45c: {  	(tag) =	ssettag $0x2  }
0x45d: {  	s0 =	rddreg [dreg:$0x0];
	s2 =	stileid.u32  }
0x45e: {  	s1 =	rddreg [dreg:$0x1];
	p0 =	sne.s32 s2, $0x0  }
0x45f: {  	s3 =	rddreg [dreg:$0x2];
	[bflag:$0x3] =	sbarrier.arrive $0xFFFF;
	s2 =	simm.s32 @!p0 $0x1C02  }
0x460: {  	[timem:s3], [sflag:s2] =	dma.local @!p0 [hbm:s0], s1  }
0x461: {  	s0 =	simm.s32 @!p0 $0x2  }
0x462: {  	_ =	swait.ge @!p0 [sflag:s0], s1  }
0x463: {  	s1 =	ssub.s32 @!p0 $0x0, s1;
	[sflag:s0] =	ssyncset.done @!p0 $0x0  }
0x464: {  	[sflag:s0] =	ssyncadd.s32 @!p0 s1  }
0x465: {  	[bflag:$0x3] =	sbarrier.arrive $0xFFFF  }
0x466: {  	_ =	shalt  }

</sc_bundles>
